<compile_context>
chip_gen: v7x
topology: tpu7x:2x2x1
jax: 0.10.2.dev20260603
libtpu: 0.0.44.dev20260713+nightly
codegen_flags: <defaults>
</compile_context>

<pallas_src>
import jax
import jax.numpy as jnp
from jax import lax
from jax.experimental import pallas as pl
from jax.experimental.pallas import tpu as pltpu
from jax.experimental.pallas import tpu_sc as plsc

RADIUS = 0.1
K = 64
C = 8
M = 32768
N = 16384
BASE = 512
G = 10
GZ = 30
NCELL = G * G * GZ
NSTART = 3072
SLOT_S0 = 3064
CAP = 1024
R2 = RADIUS * RADIUS
NW = 32
QPW = N // NW
INF = float("inf")

_i32 = jnp.int32
_f32 = jnp.float32


def _iota16():
    return lax.iota(_i32, 16)


def _cell1(v):
    return jnp.minimum((v * G).astype(_i32), G - 1)


def _cellz(v):
    return jnp.minimum((v * GZ).astype(_i32), GZ - 1)


def _splat(x):
    return jnp.full((16,), x, _i32)


def _sload(ref, idx):
    return plsc.load_gather(ref, [_splat(idx)])[0]


def _sstore(ref, idx, val):
    mask0 = _iota16() == 0
    plsc.store_scatter(ref, [_splat(idx)], jnp.full((16,), val), mask=mask0)



def _bin_body(ptsf_hbm, sx_hbm, sy_hbm, sz_hbm, spid_hbm, starts_hbm,
              ptsblkf, cidv, hist, histsh, allhist, startsv, basev,
              destbuf, pidbuf, xbuf, ybuf, zbuf):
    t = lax.axis_index("s")
    npts = M // 16
    p0 = t * npts
    iota = _iota16()

    pltpu.sync_copy(ptsf_hbm.at[pl.ds(3 * p0, 3 * npts)], ptsblkf)

    zeros16 = jnp.zeros((16,), _i32)
    for g in range(NSTART // 16):
        hist[pl.ds(16 * g, 16)] = zeros16

    def p1(g, _):
        i3 = (16 * g + iota) * 3
        px = plsc.load_gather(ptsblkf, [i3])
        py = plsc.load_gather(ptsblkf, [i3 + 1])
        pz = plsc.load_gather(ptsblkf, [i3 + 2])
        cid16 = (_cell1(px) * G + _cell1(py)) * GZ + _cellz(pz)
        cidv[pl.ds(16 * g, 16)] = cid16
        occ, last = plsc.scan_count(cid16)
        h = plsc.load_gather(hist, [cid16])
        plsc.store_scatter(hist, [cid16], h + occ, mask=last)
        return 0

    lax.fori_loop(0, npts // 16, p1, 0)

    pltpu.sync_copy(hist, histsh.at[t])
    plsc.subcore_barrier()
    pltpu.sync_copy(histsh, allhist)

    def p2(k, carry):
        tot = jnp.zeros((16,), _i32)
        prior = jnp.zeros((16,), _i32)
        for tt in range(16):
            v = allhist[tt, pl.ds(16 * k, 16)]
            prior = jnp.where(tt == t, tot, prior)
            tot = tot + v
        incl = plsc.cumsum(tot)
        excl = incl - tot
        startsv[pl.ds(16 * k, 16)] = excl + carry
        basev[pl.ds(16 * k, 16)] = excl + carry + prior
        return carry + jnp.max(incl)

    lax.fori_loop(0, NSTART // 16, p2, jnp.int32(0))

    @pl.when(t == 0)
    def _():
        cid0 = cidv[pl.ds(0, 16)][0]
        _sstore(startsv, SLOT_S0, _sload(startsv, cid0))
        pltpu.sync_copy(startsv, starts_hbm)

    def p3(ch, _):
        b = ch * 128

        def serial(g, _):
            i3 = (b + 16 * g + iota) * 3
            xbuf[pl.ds(16 * g, 16)] = plsc.load_gather(ptsblkf, [i3])
            ybuf[pl.ds(16 * g, 16)] = plsc.load_gather(ptsblkf, [i3 + 1])
            zbuf[pl.ds(16 * g, 16)] = plsc.load_gather(ptsblkf, [i3 + 2])
            pidbuf[pl.ds(16 * g, 16)] = p0 + b + 16 * g + iota
            cid16 = cidv[pl.ds(b + 16 * g, 16)]
            occ, last = plsc.scan_count(cid16)
            d = plsc.load_gather(basev, [cid16])
            destbuf[pl.ds(16 * g, 16)] = d + occ - 1
            plsc.store_scatter(basev, [cid16], d + occ, mask=last)
            return 0

        lax.fori_loop(0, 8, serial, 0)

        pltpu.sync_copy(xbuf, sx_hbm.at[destbuf])
        pltpu.sync_copy(ybuf, sy_hbm.at[destbuf])
        pltpu.sync_copy(zbuf, sz_hbm.at[destbuf])
        pltpu.sync_copy(pidbuf, spid_hbm.at[destbuf])
        return 0

    lax.fori_loop(0, 16, p3, 0)


def _run_bin(pts):
    mesh = plsc.VectorSubcoreMesh(core_axis_name="c", subcore_axis_name="s",
                                  num_cores=1, num_subcores=16)
    f = pl.kernel(
        _bin_body,
        mesh=mesh,
        compiler_params=pltpu.CompilerParams(needs_layout_passes=False, use_tc_tiling_on_sc=False),
        out_type=[
            jax.ShapeDtypeStruct((M,), _f32),
            jax.ShapeDtypeStruct((M,), _f32),
            jax.ShapeDtypeStruct((M,), _f32),
            jax.ShapeDtypeStruct((M,), _i32),
            jax.ShapeDtypeStruct((NSTART,), _i32),
        ],
        scratch_types=[
            pltpu.VMEM((3 * (M // 16),), _f32),
            pltpu.VMEM((M // 16,), _i32),
            pltpu.VMEM((NSTART,), _i32),
            pltpu.VMEM_SHARED((16, NSTART), _i32),
            pltpu.VMEM((16, NSTART), _i32),
            pltpu.VMEM((NSTART,), _i32),
            pltpu.VMEM((NSTART,), _i32),
            pltpu.VMEM((128,), _i32),
            pltpu.VMEM((128,), _i32),
            pltpu.VMEM((128,), _f32),
            pltpu.VMEM((128,), _f32),
            pltpu.VMEM((128,), _f32),
        ],
    )
    return f(pts.reshape(3 * M))



def _merge_once(R, kd, vd):
    (k0, v0, k1, v1, k2, v2, k3, v3) = R
    bk, bv = plsc.sort_key_val(kd, vd)
    out = []
    for step, (rk, rv) in enumerate(((k0, v0), (k1, v1), (k2, v2), (k3, v3))):
        rbk = lax.rev(bk, (0,))
        rbv = lax.rev(bv, (0,))
        take = rk <= rbk
        lk = jnp.where(take, rk, rbk)
        lv = jnp.where(take, rv, rbv)
        nk, nv = plsc.sort_key_val(lk, lv)
        if step < 3:
            hk = jnp.where(take, rbk, rk)
            hv = jnp.where(take, rbv, rv)
            bk, bv = plsc.sort_key_val(hk, hv)
        out.extend((nk, nv))
    return tuple(out)


def _select_body(sx_hbm, sy_hbm, sz_hbm, starts_hbm, qs_hbm, map_hbm,
                 sxv, syv, szv, startsv, qv, cd2, cidb, outst):
    wid = lax.axis_index("s") * 2 + lax.axis_index("c")
    iota = _iota16()
    r2 = jnp.float32(R2)

    pltpu.sync_copy(sx_hbm, sxv)
    pltpu.sync_copy(sy_hbm, syv)
    pltpu.sync_copy(sz_hbm, szv)
    pltpu.sync_copy(starts_hbm, startsv)
    pltpu.sync_copy(qs_hbm.at[pl.ds(wid * QPW * 3, QPW * 3)], qv)
    s0 = _sload(startsv, SLOT_S0)

    def per_query(q, _):
        cidx = jnp.where(iota < 3, iota,
                         jnp.where(iota < 5, 0,
                                   jnp.where(iota < 7, 1,
                                             jnp.where(iota < 9, 2, 0))))
        inwin = (iota >= 3) & (iota <= 8)
        sgn = jnp.where((iota & 1) == 1, -1.0, 1.0).astype(_f32)
        delta = jnp.where(inwin, sgn * (RADIUS + 1e-3), 0.0).astype(_f32)
        scale = jnp.where((iota == 2) | (iota == 7) | (iota == 8),
                          float(GZ), float(G)).astype(_f32)
        vq = plsc.load_gather(qv, [3 * q + cidx])
        qx = vq[0]
        qy = vq[1]
        qz = vq[2]
        bins = ((vq + delta) * scale).astype(_i32)
        xlo = jnp.maximum(bins[3], 0)
        xhi = jnp.minimum(bins[4], G - 1)
        ylo = jnp.maximum(bins[5], 0)
        yhi = jnp.minimum(bins[6], G - 1)
        zlo = jnp.maximum(bins[7], 0)
        zhi = jnp.minimum(bins[8], GZ - 1)

        def over_x(x, cnt):
            def over_y(y, cnt):
                rowc = (x * G + y) * GZ
                sseg = _sload(startsv, rowc + zlo)
                eseg = _sload(startsv, rowc + zhi + 1)
                nch = (eseg - sseg + 15) // 16

                def chunk2(k, cnt):
                    guard = cnt < CAP - 32
                    res = []
                    for u in range(2):
                        lane = sseg + (2 * k + u) * 16 + iota
                        lm = lane < eseg
                        li = jnp.minimum(lane, M - 1)
                        dx = qx - plsc.load_gather(sxv, [li])
                        dy = qy - plsc.load_gather(syv, [li])
                        dz = qz - plsc.load_gather(szv, [li])
                        d2 = (dx * dx + dy * dy) + dz * dz
                        w = lm & (d2 <= r2) & guard
                        wi = w.astype(_i32)
                        csum = plsc.cumsum(wi)
                        res.append((lane, d2, w, wi, csum))
                    lane0, d20, w0, wi0, csum0 = res[0]
                    lane1, d21, w1, wi1, csum1 = res[1]
                    dest0 = cnt + csum0 - wi0
                    plsc.store_scatter(cd2, [dest0], d20, mask=w0)
                    plsc.store_scatter(cidb, [dest0], lane0, mask=w0)
                    cnt1 = cnt + csum0[15]
                    dest1 = cnt1 + csum1 - wi1
                    plsc.store_scatter(cd2, [dest1], d21, mask=w1)
                    plsc.store_scatter(cidb, [dest1], lane1, mask=w1)
                    return cnt1 + csum1[15]

                return lax.fori_loop(0, (nch + 1) // 2, chunk2, cnt)

            return lax.fori_loop(ylo, yhi + 1, over_y, cnt)

        cnt = lax.fori_loop(xlo, xhi + 1, over_x, jnp.int32(0))

        inf16 = jnp.full((16,), INF, _f32)
        neg16 = jnp.full((16,), -1, _i32)
        R0 = (inf16, neg16, inf16, neg16, inf16, neg16, inf16, neg16)

        def sel(i, R):
            m = (16 * i + iota) < cnt
            kd = jnp.where(m, cd2[pl.ds(16 * i, 16)], INF)
            vd = jnp.where(m, cidb[pl.ds(16 * i, 16)], -1)
            pred = jnp.min(kd) < jnp.max(R[6])
            return lax.cond(pred, lambda: _merge_once(R, kd, vd), lambda: R)

        R = lax.fori_loop(0, (cnt + 15) // 16, sel, R0)

        base = (q & 31) * 64
        for j in range(4):
            sid = R[2 * j + 1]
            res = jnp.where((sid == s0) | (sid < 0), M, sid)
            outst[pl.ds(base + 16 * j, 16)] = res

        @pl.when((q & 31) == 31)
        def _():
            pltpu.sync_copy(
                outst, map_hbm.at[pl.ds(wid * (QPW * K) + (q - 31) * 64, 2048)])

        return 0

    lax.fori_loop(0, QPW, per_query, 0)


def _run_select(sx, sy, sz, starts, qs_flat):
    mesh = plsc.VectorSubcoreMesh(core_axis_name="c", subcore_axis_name="s",
                                  num_cores=2, num_subcores=16)
    f = pl.kernel(
        _select_body,
        mesh=mesh,
        compiler_params=pltpu.CompilerParams(needs_layout_passes=False, use_tc_tiling_on_sc=False),
        out_type=jax.ShapeDtypeStruct((N * K,), _i32),
        scratch_types=[
            pltpu.VMEM((M,), _f32),
            pltpu.VMEM((M,), _f32),
            pltpu.VMEM((M,), _f32),
            pltpu.VMEM((NSTART,), _i32),
            pltpu.VMEM((QPW * 3,), _f32),
            pltpu.VMEM((CAP,), _f32),
            pltpu.VMEM((CAP,), _i32),
            pltpu.VMEM((2048,), _i32),
        ],
    )
    return f(sx, sy, sz, starts, qs_flat)



def _gather_body(encT_hbm, spid_hbm, map_hbm, feat_hbm, spidv, idxv, idx2, rows, sem):
    wid = lax.axis_index("s") * 2 + lax.axis_index("c")
    base = wid * (QPW * K)
    iota = _iota16()

    pltpu.sync_copy(spid_hbm, spidv)

    def chunk(ch, _):
        off = base + ch * 2048
        pltpu.sync_copy(map_hbm.at[pl.ds(off, 2048)], idxv)

        def xlat(g, _):
            sid = idxv[pl.ds(16 * g, 16)]
            pid = plsc.load_gather(spidv, [jnp.minimum(sid, M - 1)])
            idx2[pl.ds(16 * g, 16)] = jnp.where(sid == M, M, pid)
            return 0

        lax.fori_loop(0, 128, xlat, 0)

        cps = []
        for j in range(16):
            cps.append(pltpu.async_copy(
                encT_hbm.at[idx2.at[pl.ds(j * 128, 128)]],
                rows.at[pl.ds(j * 128, 128)], sem))
        for cp in cps:
            cp.wait()
        pltpu.sync_copy(rows, feat_hbm.at[pl.ds(off, 2048)])
        return 0

    lax.fori_loop(0, (QPW * K) // 2048, chunk, 0)


def _run_gather(encT, spid, mapv):
    mesh = plsc.VectorSubcoreMesh(core_axis_name="c", subcore_axis_name="s",
                                  num_cores=2, num_subcores=16)
    f = pl.kernel(
        _gather_body,
        mesh=mesh,
        compiler_params=pltpu.CompilerParams(needs_layout_passes=False, use_tc_tiling_on_sc=False),
        out_type=jax.ShapeDtypeStruct((N * K, 8), _f32),
        scratch_types=[
            pltpu.VMEM((M,), _i32),
            pltpu.VMEM((2048,), _i32),
            pltpu.VMEM((2048,), _i32),
            pltpu.VMEM((2048, 8), _f32),
            pltpu.SemaphoreType.DMA,
        ],
    )
    return f(encT, spid, mapv)



BLK_N = 256


def _mlp_body(x_ref, w1_ref, b1_ref, w2_ref, b2_ref, o_ref):
    x = x_ref[...]
    h = jnp.dot(x, w1_ref[...], preferred_element_type=jnp.float32) + b1_ref[...]
    h = jnp.maximum(h, 0.0)
    o_ref[...] = jnp.dot(h, w2_ref[...], preferred_element_type=jnp.float32) + b2_ref[...]


def _mlp(feat, W1p, b1, W2, b2):
    n = feat.shape[0]
    return pl.pallas_call(
        _mlp_body,
        grid=(n // BLK_N,),
        in_specs=[
            pl.BlockSpec((BLK_N, C * K), lambda i: (i, 0)),
            pl.BlockSpec((C * K, BASE), lambda i: (0, 0)),
            pl.BlockSpec((BASE,), lambda i: (0,)),
            pl.BlockSpec((BASE, K), lambda i: (0, 0)),
            pl.BlockSpec((K,), lambda i: (0,)),
        ],
        out_specs=pl.BlockSpec((BLK_N, K), lambda i: (i, 0)),
        out_shape=jax.ShapeDtypeStruct((n, K), jnp.float32),
    )(feat, W1p, b1, W2, b2)


def kernel(encoding_g, volume_mesh_centers, p_grid, W1, b1, W2, b2):
    assert volume_mesh_centers.shape[0] == 1
    pts = p_grid.reshape(M, 3)
    qs_flat = volume_mesh_centers.reshape(N * 3)
    encT = jnp.concatenate(
        [encoding_g.reshape(C, M).T, jnp.zeros((8, C), _f32)], axis=0)
    W1p = W1.reshape(C, K, BASE).transpose(1, 0, 2).reshape(K * C, BASE)

    sx, sy, sz, spid, starts = _run_bin(pts)
    mapv = _run_select(sx, sy, sz, starts, qs_flat)
    feat = _run_gather(encT, spid, mapv)
    out = _mlp(feat.reshape(N, K * C), W1p, b1, W2, b2)
    return out[None]

# --- scband reference (transcript-rebuilt; emitter-appended) ---
"""Pipeline reference for scband-local-geometry-encoding-49435073577117 (READ-ONLY COPY).

The authoritative reference and input builder live on the scoring server;
editing this copy changes nothing except your own understanding.
"""

import jax, jax.numpy as jnp
import numpy as np

RADIUS = 0.1
K = 64
NX, NY, NZ = 32, 32, 32
C = 8
N_VOL = 16384
BASE = 512
CHUNK = 512


def ball_query(queries, points, radius, k):
    # queries: (N, 3), points: (M, 3) -> indices (N, k), 0 used as sentinel for 'no neighbor'
    def chunk_fn(qc):
        d2 = jnp.sum((qc[:, None, :] - points[None, :, :]) ** 2, axis=-1)
        within = d2 <= radius * radius
        score = jnp.where(within, -d2, -jnp.inf)
        vals, idx = jax.lax.top_k(score, k)
        idx = jnp.where(jnp.isfinite(vals), idx, 0)
        return idx

    n = queries.shape[0]
    qs = queries.reshape(n // CHUNK, CHUNK, 3)
    idxs = jax.lax.map(chunk_fn, qs)
    return idxs.reshape(n, k)


def setup_inputs(seed: int = 0):
    key = jax.random.key(seed)
    ks = jax.random.split(key, 8)
    encoding_g = jax.random.normal(ks[0], (1, C, NX, NY, NZ), dtype=jnp.float32)
    volume_mesh_centers = jax.random.uniform(ks[1], (1, N_VOL, 3), dtype=jnp.float32)
    p_grid = jax.random.uniform(ks[2], (1, NX, NY, NZ, 3), dtype=jnp.float32)
    W1 = jax.random.normal(ks[3], (C * K, BASE), dtype=jnp.float32) * 0.04
    b1 = jnp.zeros((BASE,), dtype=jnp.float32)
    W2 = jax.random.normal(ks[4], (BASE, K), dtype=jnp.float32) * 0.04
    b2 = jnp.zeros((K,), dtype=jnp.float32)
    return {"encoding_g": encoding_g, "volume_mesh_centers": volume_mesh_centers, "p_grid": p_grid,
            "W1": W1, "b1": b1, "W2": W2, "b2": b2}


def reference(encoding_g, volume_mesh_centers, p_grid, W1, b1, W2, b2):
    B = volume_mesh_centers.shape[0]
    M = NX * NY * NZ
    grid_flat = p_grid.reshape(B, M, 3)
    outs = []
    for b in range(B):
        mapping = ball_query(volume_mesh_centers[b], grid_flat[b], RADIUS, K)  # (N, K) int32
        mask = (mapping != 0).astype(encoding_g.dtype)  # (N, K) -- matches torch: mapping != 0
        enc = encoding_g[b].reshape(C, M)  # (C, M)
        sampled = jnp.take(enc, mapping, axis=1)  # (C, N, K) gather
        sampled = sampled * mask[None, :, :]
        # concat channels along last dim: (N, C*K), channel-major like torch.cat(dim=2)
        feat = jnp.transpose(sampled, (1, 0, 2)).reshape(mapping.shape[0], C * K)
        h = jax.nn.relu(feat @ W1 + b1)
        out = h @ W2 + b2
        outs.append(out)
    return jnp.stack(outs, axis=0)

if __name__ == "__main__":
    import jax
    _d = setup_inputs()
    print(jax.jit(kernel)(*tuple(_d.values())))

</pallas_src>

<mosaic_0001>
#map = affine_map<(d0, d1) -> (0)>
module attributes {stable_mosaic.version = 14 : i64} {
  func.func @_bin_body(%arg0: i32, %arg1: i32, %arg2: memref<98304xf32, #tpu.memory_space<hbm>>, %arg3: memref<32768xf32, #tpu.memory_space<hbm>>, %arg4: memref<32768xf32, #tpu.memory_space<hbm>>, %arg5: memref<32768xf32, #tpu.memory_space<hbm>>, %arg6: memref<32768xi32, #tpu.memory_space<hbm>>, %arg7: memref<3072xi32, #tpu.memory_space<hbm>>, %arg8: memref<6144xf32, #tpu.memory_space<vmem>>, %arg9: memref<2048xi32, #tpu.memory_space<vmem>>, %arg10: memref<3072xi32, #tpu.memory_space<vmem>>, %arg11: memref<16x3072xi32, #tpu.memory_space<vmem_shared>>, %arg12: memref<16x3072xi32, #tpu.memory_space<vmem>>, %arg13: memref<3072xi32, #tpu.memory_space<vmem>>, %arg14: memref<3072xi32, #tpu.memory_space<vmem>>, %arg15: memref<128xi32, #tpu.memory_space<vmem>>, %arg16: memref<128xi32, #tpu.memory_space<vmem>>, %arg17: memref<128xf32, #tpu.memory_space<vmem>>, %arg18: memref<128xf32, #tpu.memory_space<vmem>>, %arg19: memref<128xf32, #tpu.memory_space<vmem>>) attributes {dimension_semantics = [#tpu.dimension_semantics<core_parallel>, #tpu.dimension_semantics<subcore_parallel>], iteration_bounds = array<i64: 1, 16>, scalar_prefetch = 0 : i64, scratch_operands = 12 : i64, tpu.core_type = #tpu.core_type<sc_vector_subcore>, window_params = [{transform_indices = #map}, {transform_indices = #map}, {transform_indices = #map}, {transform_indices = #map}, {transform_indices = #map}, {transform_indices = #map}]} {
    %mul3A = arith.constant 2048 : i32
    %mul3A_0 = arith.muli %arg1, %mul3A : i32
    %iota3A = tpu.iota {dimensions = array<i32: 0>} : vector<16xi32>
    %mul3A_1 = arith.constant 3 : i32
    %mul3A_2 = arith.muli %mul3A_1, %mul3A_0 : i32
    "tpu.region"() ({
      %run_scoped3A = tpu.sem_alloc : memref<!tpu.dma_semaphore, #tpu.memory_space<semaphore_mem>>
      %dma_start3A = tpu.memref_slice %arg2[%mul3A_2] : memref<98304xf32, #tpu.memory_space<hbm>> -> memref<6144xf32, #tpu.memory_space<hbm>>
      %dma_start3A_409 = tpu.memref_slice %arg2[%mul3A_2] : memref<98304xf32, #tpu.memory_space<hbm>> -> memref<6144xf32, #tpu.memory_space<hbm>>
      tpu.enqueue_dma source(%dma_start3A_409 : memref<6144xf32, #tpu.memory_space<hbm>>) target(%arg8 : memref<6144xf32, #tpu.memory_space<vmem>>) target_semaphore(%run_scoped3A : memref<!tpu.dma_semaphore, #tpu.memory_space<semaphore_mem>>)
      %dma_wait3A = tpu.memref_slice %arg2[%mul3A_2] : memref<98304xf32, #tpu.memory_space<hbm>> -> memref<6144xf32, #tpu.memory_space<hbm>>
      %dma_wait3A_410 = tpu.memref_slice %arg2[%mul3A_2] : memref<98304xf32, #tpu.memory_space<hbm>> -> memref<6144xf32, #tpu.memory_space<hbm>>
      tpu.wait_dma2 semaphore(%run_scoped3A : memref<!tpu.dma_semaphore, #tpu.memory_space<semaphore_mem>>) src(%dma_wait3A_410 : memref<6144xf32, #tpu.memory_space<hbm>>) dst(%arg8 : memref<6144xf32, #tpu.memory_space<vmem>>)
      tpu.yield
    }) : () -> ()
    %broadcast_in_dim3A = arith.constant 0 : i32
    %broadcast_in_dim3A_3 = vector.broadcast %broadcast_in_dim3A : i32 to vector<16xi32>
    %swap3A = arith.constant 0 : index
    %swap3A_4 = tpu.vector_load %arg10[%swap3A] {strides = array<i32>} : memref<3072xi32, #tpu.memory_space<vmem>>, vector<16xi32>,
    tpu.vector_store %arg10[%swap3A], %broadcast_in_dim3A_3 {strides = array<i32>} : memref<3072xi32, #tpu.memory_space<vmem>>, vector<16xi32>,
    %swap3A_5 = arith.constant 16 : index
    %swap3A_6 = tpu.vector_load %arg10[%swap3A_5] {strides = array<i32>} : memref<3072xi32, #tpu.memory_space<vmem>>, vector<16xi32>,
    tpu.vector_store %arg10[%swap3A_5], %broadcast_in_dim3A_3 {strides = array<i32>} : memref<3072xi32, #tpu.memory_space<vmem>>, vector<16xi32>,
    %swap3A_7 = arith.constant 32 : index
    %swap3A_8 = tpu.vector_load %arg10[%swap3A_7] {strides = array<i32>} : memref<3072xi32, #tpu.memory_space<vmem>>, vector<16xi32>,
    tpu.vector_store %arg10[%swap3A_7], %broadcast_in_dim3A_3 {strides = array<i32>} : memref<3072xi32, #tpu.memory_space<vmem>>, vector<16xi32>,
    %swap3A_9 = arith.constant 48 : index
    %swap3A_10 = tpu.vector_load %arg10[%swap3A_9] {strides = array<i32>} : memref<3072xi32, #tpu.memory_space<vmem>>, vector<16xi32>,
    tpu.vector_store %arg10[%swap3A_9], %broadcast_in_dim3A_3 {strides = array<i32>} : memref<3072xi32, #tpu.memory_space<vmem>>, vector<16xi32>,
    %swap3A_11 = arith.constant 64 : index
    %swap3A_12 = tpu.vector_load %arg10[%swap3A_11] {strides = array<i32>} : memref<3072xi32, #tpu.memory_space<vmem>>, vector<16xi32>,
    tpu.vector_store %arg10[%swap3A_11], %broadcast_in_dim3A_3 {strides = array<i32>} : memref<3072xi32, #tpu.memory_space<vmem>>, vector<16xi32>,
    %swap3A_13 = arith.constant 80 : index
    %swap3A_14 = tpu.vector_load %arg10[%swap3A_13] {strides = array<i32>} : memref<3072xi32, #tpu.memory_space<vmem>>, vector<16xi32>,
    tpu.vector_store %arg10[%swap3A_13], %broadcast_in_dim3A_3 {strides = array<i32>} : memref<3072xi32, #tpu.memory_space<vmem>>, vector<16xi32>,
    %swap3A_15 = arith.constant 96 : index
    %swap3A_16 = tpu.vector_load %arg10[%swap3A_15] {strides = array<i32>} : memref<3072xi32, #tpu.memory_space<vmem>>, vector<16xi32>,
    tpu.vector_store %arg10[%swap3A_15], %broadcast_in_dim3A_3 {strides = array<i32>} : memref<3072xi32, #tpu.memory_space<vmem>>, vector<16xi32>,
    %swap3A_17 = arith.constant 112 : index
    %swap3A_18 = tpu.vector_load %arg10[%swap3A_17] {strides = array<i32>} : memref<3072xi32, #tpu.memory_space<vmem>>, vector<16xi32>,
    tpu.vector_store %arg10[%swap3A_17], %broadcast_in_dim3A_3 {strides = array<i32>} : memref<3072xi32, #tpu.memory_space<vmem>>, vector<16xi32>,
    %swap3A_19 = arith.constant 128 : index
    %swap3A_20 = tpu.vector_load %arg10[%swap3A_19] {strides = array<i32>} : memref<3072xi32, #tpu.memory_space<vmem>>, vector<16xi32>,
    tpu.vector_store %arg10[%swap3A_19], %broadcast_in_dim3A_3 {strides = array<i32>} : memref<3072xi32, #tpu.memory_space<vmem>>, vector<16xi32>,
    %swap3A_21 = arith.constant 144 : index
    %swap3A_22 = tpu.vector_load %arg10[%swap3A_21] {strides = array<i32>} : memref<3072xi32, #tpu.memory_space<vmem>>, vector<16xi32>,
    tpu.vector_store %arg10[%swap3A_21], %broadcast_in_dim3A_3 {strides = array<i32>} : memref<3072xi32, #tpu.memory_space<vmem>>, vector<16xi32>,
    %swap3A_23 = arith.constant 160 : index
    %swap3A_24 = tpu.vector_load %arg10[%swap3A_23] {strides = array<i32>} : memref<3072xi32, #tpu.memory_space<vmem>>, vector<16xi32>,
    tpu.vector_store %arg10[%swap3A_23], %broadcast_in_dim3A_3 {strides = array<i32>} : memref<3072xi32, #tpu.memory_space<vmem>>, vector<16xi32>,
    %swap3A_25 = arith.constant 176 : index
    %swap3A_26 = tpu.vector_load %arg10[%swap3A_25] {strides = array<i32>} : memref<3072xi32, #tpu.memory_space<vmem>>, vector<16xi32>,
    tpu.vector_store %arg10[%swap3A_25], %broadcast_in_dim3A_3 {strides = array<i32>} : memref<3072xi32, #tpu.memory_space<vmem>>, vector<16xi32>,
    %swap3A_27 = arith.constant 192 : index
    %swap3A_28 = tpu.vector_load %arg10[%swap3A_27] {strides = array<i32>} : memref<3072xi32, #tpu.memory_space<vmem>>, vector<16xi32>,
    tpu.vector_store %arg10[%swap3A_27], %broadcast_in_dim3A_3 {strides = array<i32>} : memref<3072xi32, #tpu.memory_space<vmem>>, vector<16xi32>,
    %swap3A_29 = arith.constant 208 : index
    %swap3A_30 = tpu.vector_load %arg10[%swap3A_29] {strides = array<i32>} : memref<3072xi32, #tpu.memory_space<vmem>>, vector<16xi32>,
    tpu.vector_store %arg10[%swap3A_29], %broadcast_in_dim3A_3 {strides = array<i32>} : memref<3072xi32, #tpu.memory_space<vmem>>, vector<16xi32>,
    %swap3A_31 = arith.constant 224 : index
    %swap3A_32 = tpu.vector_load %arg10[%swap3A_31] {strides = array<i32>} : memref<3072xi32, #tpu.memory_space<vmem>>, vector<16xi32>,
    tpu.vector_store %arg10[%swap3A_31], %broadcast_in_dim3A_3 {strides = array<i32>} : memref<3072xi32, #tpu.memory_space<vmem>>, vector<16xi32>,
    %swap3A_33 = arith.constant 240 : index
    %swap3A_34 = tpu.vector_load %arg10[%swap3A_33] {strides = array<i32>} : memref<3072xi32, #tpu.memory_space<vmem>>, vector<16xi32>,
    tpu.vector_store %arg10[%swap3A_33], %broadcast_in_dim3A_3 {strides = array<i32>} : memref<3072xi32, #tpu.memory_space<vmem>>, vector<16xi32>,
    %swap3A_35 = arith.constant 256 : index
    %swap3A_36 = tpu.vector_load %arg10[%swap3A_35] {strides = array<i32>} : memref<3072xi32, #tpu.memory_space<vmem>>, vector<16xi32>,
    tpu.vector_store %arg10[%swap3A_35], %broadcast_in_dim3A_3 {strides = array<i32>} : memref<3072xi32, #tpu.memory_space<vmem>>, vector<16xi32>,
    %swap3A_37 = arith.constant 272 : index
    %swap3A_38 = tpu.vector_load %arg10[%swap3A_37] {strides = array<i32>} : memref<3072xi32, #tpu.memory_space<vmem>>, vector<16xi32>,
    tpu.vector_store %arg10[%swap3A_37], %broadcast_in_dim3A_3 {strides = array<i32>} : memref<3072xi32, #tpu.memory_space<vmem>>, vector<16xi32>,
    %swap3A_39 = arith.constant 288 : index
    %swap3A_40 = tpu.vector_load %arg10[%swap3A_39] {strides = array<i32>} : memref<3072xi32, #tpu.memory_space<vmem>>, vector<16xi32>,
    tpu.vector_store %arg10[%swap3A_39], %broadcast_in_dim3A_3 {strides = array<i32>} : memref<3072xi32, #tpu.memory_space<vmem>>, vector<16xi32>,
    %swap3A_41 = arith.constant 304 : index
    %swap3A_42 = tpu.vector_load %arg10[%swap3A_41] {strides = array<i32>} : memref<3072xi32, #tpu.memory_space<vmem>>, vector<16xi32>,
    tpu.vector_store %arg10[%swap3A_41], %broadcast_in_dim3A_3 {strides = array<i32>} : memref<3072xi32, #tpu.memory_space<vmem>>, vector<16xi32>,
    %swap3A_43 = arith.constant 320 : index
    %swap3A_44 = tpu.vector_load %arg10[%swap3A_43] {strides = array<i32>} : memref<3072xi32, #tpu.memory_space<vmem>>, vector<16xi32>,
    tpu.vector_store %arg10[%swap3A_43], %broadcast_in_dim3A_3 {strides = array<i32>} : memref<3072xi32, #tpu.memory_space<vmem>>, vector<16xi32>,
    %swap3A_45 = arith.constant 336 : index
    %swap3A_46 = tpu.vector_load %arg10[%swap3A_45] {strides = array<i32>} : memref<3072xi32, #tpu.memory_space<vmem>>, vector<16xi32>,
    tpu.vector_store %arg10[%swap3A_45], %broadcast_in_dim3A_3 {strides = array<i32>} : memref<3072xi32, #tpu.memory_space<vmem>>, vector<16xi32>,
    %swap3A_47 = arith.constant 352 : index
    %swap3A_48 = tpu.vector_load %arg10[%swap3A_47] {strides = array<i32>} : memref<3072xi32, #tpu.memory_space<vmem>>, vector<16xi32>,
    tpu.vector_store %arg10[%swap3A_47], %broadcast_in_dim3A_3 {strides = array<i32>} : memref<3072xi32, #tpu.memory_space<vmem>>, vector<16xi32>,
    %swap3A_49 = arith.constant 368 : index
    %swap3A_50 = tpu.vector_load %arg10[%swap3A_49] {strides = array<i32>} : memref<3072xi32, #tpu.memory_space<vmem>>, vector<16xi32>,
    tpu.vector_store %arg10[%swap3A_49], %broadcast_in_dim3A_3 {strides = array<i32>} : memref<3072xi32, #tpu.memory_space<vmem>>, vector<16xi32>,
    %swap3A_51 = arith.constant 384 : index
    %swap3A_52 = tpu.vector_load %arg10[%swap3A_51] {strides = array<i32>} : memref<3072xi32, #tpu.memory_space<vmem>>, vector<16xi32>,
    tpu.vector_store %arg10[%swap3A_51], %broadcast_in_dim3A_3 {strides = array<i32>} : memref<3072xi32, #tpu.memory_space<vmem>>, vector<16xi32>,
    %swap3A_53 = arith.constant 400 : index
    %swap3A_54 = tpu.vector_load %arg10[%swap3A_53] {strides = array<i32>} : memref<3072xi32, #tpu.memory_space<vmem>>, vector<16xi32>,
    tpu.vector_store %arg10[%swap3A_53], %broadcast_in_dim3A_3 {strides = array<i32>} : memref<3072xi32, #tpu.memory_space<vmem>>, vector<16xi32>,
    %swap3A_55 = arith.constant 416 : index
    %swap3A_56 = tpu.vector_load %arg10[%swap3A_55] {strides = array<i32>} : memref<3072xi32, #tpu.memory_space<vmem>>, vector<16xi32>,
    tpu.vector_store %arg10[%swap3A_55], %broadcast_in_dim3A_3 {strides = array<i32>} : memref<3072xi32, #tpu.memory_space<vmem>>, vector<16xi32>,
    %swap3A_57 = arith.constant 432 : index
    %swap3A_58 = tpu.vector_load %arg10[%swap3A_57] {strides = array<i32>} : memref<3072xi32, #tpu.memory_space<vmem>>, vector<16xi32>,
    tpu.vector_store %arg10[%swap3A_57], %broadcast_in_dim3A_3 {strides = array<i32>} : memref<3072xi32, #tpu.memory_space<vmem>>, vector<16xi32>,
    %swap3A_59 = arith.constant 448 : index
    %swap3A_60 = tpu.vector_load %arg10[%swap3A_59] {strides = array<i32>} : memref<3072xi32, #tpu.memory_space<vmem>>, vector<16xi32>,
    tpu.vector_store %arg10[%swap3A_59], %broadcast_in_dim3A_3 {strides = array<i32>} : memref<3072xi32, #tpu.memory_space<vmem>>, vector<16xi32>,
    %swap3A_61 = arith.constant 464 : index
    %swap3A_62 = tpu.vector_load %arg10[%swap3A_61] {strides = array<i32>} : memref<3072xi32, #tpu.memory_space<vmem>>, vector<16xi32>,
    tpu.vector_store %arg10[%swap3A_61], %broadcast_in_dim3A_3 {strides = array<i32>} : memref<3072xi32, #tpu.memory_space<vmem>>, vector<16xi32>,
    %swap3A_63 = arith.constant 480 : index
    %swap3A_64 = tpu.vector_load %arg10[%swap3A_63] {strides = array<i32>} : memref<3072xi32, #tpu.memory_space<vmem>>, vector<16xi32>,
    tpu.vector_store %arg10[%swap3A_63], %broadcast_in_dim3A_3 {strides = array<i32>} : memref<3072xi32, #tpu.memory_space<vmem>>, vector<16xi32>,
    %swap3A_65 = arith.constant 496 : index
    %swap3A_66 = tpu.vector_load %arg10[%swap3A_65] {strides = array<i32>} : memref<3072xi32, #tpu.memory_space<vmem>>, vector<16xi32>,
    tpu.vector_store %arg10[%swap3A_65], %broadcast_in_dim3A_3 {strides = array<i32>} : memref<3072xi32, #tpu.memory_space<vmem>>, vector<16xi32>,
    %swap3A_67 = arith.constant 512 : index
    %swap3A_68 = tpu.vector_load %arg10[%swap3A_67] {strides = array<i32>} : memref<3072xi32, #tpu.memory_space<vmem>>, vector<16xi32>,
    tpu.vector_store %arg10[%swap3A_67], %broadcast_in_dim3A_3 {strides = array<i32>} : memref<3072xi32, #tpu.memory_space<vmem>>, vector<16xi32>,
    %swap3A_69 = arith.constant 528 : index
    %swap3A_70 = tpu.vector_load %arg10[%swap3A_69] {strides = array<i32>} : memref<3072xi32, #tpu.memory_space<vmem>>, vector<16xi32>,
    tpu.vector_store %arg10[%swap3A_69], %broadcast_in_dim3A_3 {strides = array<i32>} : memref<3072xi32, #tpu.memory_space<vmem>>, vector<16xi32>,
    %swap3A_71 = arith.constant 544 : index
    %swap3A_72 = tpu.vector_load %arg10[%swap3A_71] {strides = array<i32>} : memref<3072xi32, #tpu.memory_space<vmem>>, vector<16xi32>,
    tpu.vector_store %arg10[%swap3A_71], %broadcast_in_dim3A_3 {strides = array<i32>} : memref<3072xi32, #tpu.memory_space<vmem>>, vector<16xi32>,
    %swap3A_73 = arith.constant 560 : index
    %swap3A_74 = tpu.vector_load %arg10[%swap3A_73] {strides = array<i32>} : memref<3072xi32, #tpu.memory_space<vmem>>, vector<16xi32>,
    tpu.vector_store %arg10[%swap3A_73], %broadcast_in_dim3A_3 {strides = array<i32>} : memref<3072xi32, #tpu.memory_space<vmem>>, vector<16xi32>,
    %swap3A_75 = arith.constant 576 : index
    %swap3A_76 = tpu.vector_load %arg10[%swap3A_75] {strides = array<i32>} : memref<3072xi32, #tpu.memory_space<vmem>>, vector<16xi32>,
    tpu.vector_store %arg10[%swap3A_75], %broadcast_in_dim3A_3 {strides = array<i32>} : memref<3072xi32, #tpu.memory_space<vmem>>, vector<16xi32>,
    %swap3A_77 = arith.constant 592 : index
    %swap3A_78 = tpu.vector_load %arg10[%swap3A_77] {strides = array<i32>} : memref<3072xi32, #tpu.memory_space<vmem>>, vector<16xi32>,
    tpu.vector_store %arg10[%swap3A_77], %broadcast_in_dim3A_3 {strides = array<i32>} : memref<3072xi32, #tpu.memory_space<vmem>>, vector<16xi32>,
    %swap3A_79 = arith.constant 608 : index
    %swap3A_80 = tpu.vector_load %arg10[%swap3A_79] {strides = array<i32>} : memref<3072xi32, #tpu.memory_space<vmem>>, vector<16xi32>,
    tpu.vector_store %arg10[%swap3A_79], %broadcast_in_dim3A_3 {strides = array<i32>} : memref<3072xi32, #tpu.memory_space<vmem>>, vector<16xi32>,
    %swap3A_81 = arith.constant 624 : index
    %swap3A_82 = tpu.vector_load %arg10[%swap3A_81] {strides = array<i32>} : memref<3072xi32, #tpu.memory_space<vmem>>, vector<16xi32>,
    tpu.vector_store %arg10[%swap3A_81], %broadcast_in_dim3A_3 {strides = array<i32>} : memref<3072xi32, #tpu.memory_space<vmem>>, vector<16xi32>,
    %swap3A_83 = arith.constant 640 : index
    %swap3A_84 = tpu.vector_load %arg10[%swap3A_83] {strides = array<i32>} : memref<3072xi32, #tpu.memory_space<vmem>>, vector<16xi32>,
    tpu.vector_store %arg10[%swap3A_83], %broadcast_in_dim3A_3 {strides = array<i32>} : memref<3072xi32, #tpu.memory_space<vmem>>, vector<16xi32>,
    %swap3A_85 = arith.constant 656 : index
    %swap3A_86 = tpu.vector_load %arg10[%swap3A_85] {strides = array<i32>} : memref<3072xi32, #tpu.memory_space<vmem>>, vector<16xi32>,
    tpu.vector_store %arg10[%swap3A_85], %broadcast_in_dim3A_3 {strides = array<i32>} : memref<3072xi32, #tpu.memory_space<vmem>>, vector<16xi32>,
    %swap3A_87 = arith.constant 672 : index
    %swap3A_88 = tpu.vector_load %arg10[%swap3A_87] {strides = array<i32>} : memref<3072xi32, #tpu.memory_space<vmem>>, vector<16xi32>,
    tpu.vector_store %arg10[%swap3A_87], %broadcast_in_dim3A_3 {strides = array<i32>} : memref<3072xi32, #tpu.memory_space<vmem>>, vector<16xi32>,
    %swap3A_89 = arith.constant 688 : index
    %swap3A_90 = tpu.vector_load %arg10[%swap3A_89] {strides = array<i32>} : memref<3072xi32, #tpu.memory_space<vmem>>, vector<16xi32>,
    tpu.vector_store %arg10[%swap3A_89], %broadcast_in_dim3A_3 {strides = array<i32>} : memref<3072xi32, #tpu.memory_space<vmem>>, vector<16xi32>,
    %swap3A_91 = arith.constant 704 : index
    %swap3A_92 = tpu.vector_load %arg10[%swap3A_91] {strides = array<i32>} : memref<3072xi32, #tpu.memory_space<vmem>>, vector<16xi32>,
    tpu.vector_store %arg10[%swap3A_91], %broadcast_in_dim3A_3 {strides = array<i32>} : memref<3072xi32, #tpu.memory_space<vmem>>, vector<16xi32>,
    %swap3A_93 = arith.constant 720 : index
    %swap3A_94 = tpu.vector_load %arg10[%swap3A_93] {strides = array<i32>} : memref<3072xi32, #tpu.memory_space<vmem>>, vector<16xi32>,
    tpu.vector_store %arg10[%swap3A_93], %broadcast_in_dim3A_3 {strides = array<i32>} : memref<3072xi32, #tpu.memory_space<vmem>>, vector<16xi32>,
    %swap3A_95 = arith.constant 736 : index
    %swap3A_96 = tpu.vector_load %arg10[%swap3A_95] {strides = array<i32>} : memref<3072xi32, #tpu.memory_space<vmem>>, vector<16xi32>,
    tpu.vector_store %arg10[%swap3A_95], %broadcast_in_dim3A_3 {strides = array<i32>} : memref<3072xi32, #tpu.memory_space<vmem>>, vector<16xi32>,
    %swap3A_97 = arith.constant 752 : index
    %swap3A_98 = tpu.vector_load %arg10[%swap3A_97] {strides = array<i32>} : memref<3072xi32, #tpu.memory_space<vmem>>, vector<16xi32>,
    tpu.vector_store %arg10[%swap3A_97], %broadcast_in_dim3A_3 {strides = array<i32>} : memref<3072xi32, #tpu.memory_space<vmem>>, vector<16xi32>,
    %swap3A_99 = arith.constant 768 : index
    %swap3A_100 = tpu.vector_load %arg10[%swap3A_99] {strides = array<i32>} : memref<3072xi32, #tpu.memory_space<vmem>>, vector<16xi32>,
    tpu.vector_store %arg10[%swap3A_99], %broadcast_in_dim3A_3 {strides = array<i32>} : memref<3072xi32, #tpu.memory_space<vmem>>, vector<16xi32>,
    %swap3A_101 = arith.constant 784 : index
    %swap3A_102 = tpu.vector_load %arg10[%swap3A_101] {strides = array<i32>} : memref<3072xi32, #tpu.memory_space<vmem>>, vector<16xi32>,
    tpu.vector_store %arg10[%swap3A_101], %broadcast_in_dim3A_3 {strides = array<i32>} : memref<3072xi32, #tpu.memory_space<vmem>>, vector<16xi32>,
    %swap3A_103 = arith.constant 800 : index
    %swap3A_104 = tpu.vector_load %arg10[%swap3A_103] {strides = array<i32>} : memref<3072xi32, #tpu.memory_space<vmem>>, vector<16xi32>,
    tpu.vector_store %arg10[%swap3A_103], %broadcast_in_dim3A_3 {strides = array<i32>} : memref<3072xi32, #tpu.memory_space<vmem>>, vector<16xi32>,
    %swap3A_105 = arith.constant 816 : index
    %swap3A_106 = tpu.vector_load %arg10[%swap3A_105] {strides = array<i32>} : memref<3072xi32, #tpu.memory_space<vmem>>, vector<16xi32>,
    tpu.vector_store %arg10[%swap3A_105], %broadcast_in_dim3A_3 {strides = array<i32>} : memref<3072xi32, #tpu.memory_space<vmem>>, vector<16xi32>,
    %swap3A_107 = arith.constant 832 : index
    %swap3A_108 = tpu.vector_load %arg10[%swap3A_107] {strides = array<i32>} : memref<3072xi32, #tpu.memory_space<vmem>>, vector<16xi32>,
    tpu.vector_store %arg10[%swap3A_107], %broadcast_in_dim3A_3 {strides = array<i32>} : memref<3072xi32, #tpu.memory_space<vmem>>, vector<16xi32>,
    %swap3A_109 = arith.constant 848 : index
    %swap3A_110 = tpu.vector_load %arg10[%swap3A_109] {strides = array<i32>} : memref<3072xi32, #tpu.memory_space<vmem>>, vector<16xi32>,
    tpu.vector_store %arg10[%swap3A_109], %broadcast_in_dim3A_3 {strides = array<i32>} : memref<3072xi32, #tpu.memory_space<vmem>>, vector<16xi32>,
    %swap3A_111 = arith.constant 864 : index
    %swap3A_112 = tpu.vector_load %arg10[%swap3A_111] {strides = array<i32>} : memref<3072xi32, #tpu.memory_space<vmem>>, vector<16xi32>,
    tpu.vector_store %arg10[%swap3A_111], %broadcast_in_dim3A_3 {strides = array<i32>} : memref<3072xi32, #tpu.memory_space<vmem>>, vector<16xi32>,
    %swap3A_113 = arith.constant 880 : index
    %swap3A_114 = tpu.vector_load %arg10[%swap3A_113] {strides = array<i32>} : memref<3072xi32, #tpu.memory_space<vmem>>, vector<16xi32>,
    tpu.vector_store %arg10[%swap3A_113], %broadcast_in_dim3A_3 {strides = array<i32>} : memref<3072xi32, #tpu.memory_space<vmem>>, vector<16xi32>,
    %swap3A_115 = arith.constant 896 : index
    %swap3A_116 = tpu.vector_load %arg10[%swap3A_115] {strides = array<i32>} : memref<3072xi32, #tpu.memory_space<vmem>>, vector<16xi32>,
    tpu.vector_store %arg10[%swap3A_115], %broadcast_in_dim3A_3 {strides = array<i32>} : memref<3072xi32, #tpu.memory_space<vmem>>, vector<16xi32>,
    %swap3A_117 = arith.constant 912 : index
    %swap3A_118 = tpu.vector_load %arg10[%swap3A_117] {strides = array<i32>} : memref<3072xi32, #tpu.memory_space<vmem>>, vector<16xi32>,
    tpu.vector_store %arg10[%swap3A_117], %broadcast_in_dim3A_3 {strides = array<i32>} : memref<3072xi32, #tpu.memory_space<vmem>>, vector<16xi32>,
    %swap3A_119 = arith.constant 928 : index
    %swap3A_120 = tpu.vector_load %arg10[%swap3A_119] {strides = array<i32>} : memref<3072xi32, #tpu.memory_space<vmem>>, vector<16xi32>,
    tpu.vector_store %arg10[%swap3A_119], %broadcast_in_dim3A_3 {strides = array<i32>} : memref<3072xi32, #tpu.memory_space<vmem>>, vector<16xi32>,
    %swap3A_121 = arith.constant 944 : index
    %swap3A_122 = tpu.vector_load %arg10[%swap3A_121] {strides = array<i32>} : memref<3072xi32, #tpu.memory_space<vmem>>, vector<16xi32>,
    tpu.vector_store %arg10[%swap3A_121], %broadcast_in_dim3A_3 {strides = array<i32>} : memref<3072xi32, #tpu.memory_space<vmem>>, vector<16xi32>,
    %swap3A_123 = arith.constant 960 : index
    %swap3A_124 = tpu.vector_load %arg10[%swap3A_123] {strides = array<i32>} : memref<3072xi32, #tpu.memory_space<vmem>>, vector<16xi32>,
    tpu.vector_store %arg10[%swap3A_123], %broadcast_in_dim3A_3 {strides = array<i32>} : memref<3072xi32, #tpu.memory_space<vmem>>, vector<16xi32>,
    %swap3A_125 = arith.constant 976 : index
    %swap3A_126 = tpu.vector_load %arg10[%swap3A_125] {strides = array<i32>} : memref<3072xi32, #tpu.memory_space<vmem>>, vector<16xi32>,
    tpu.vector_store %arg10[%swap3A_125], %broadcast_in_dim3A_3 {strides = array<i32>} : memref<3072xi32, #tpu.memory_space<vmem>>, vector<16xi32>,
    %swap3A_127 = arith.constant 992 : index
    %swap3A_128 = tpu.vector_load %arg10[%swap3A_127] {strides = array<i32>} : memref<3072xi32, #tpu.memory_space<vmem>>, vector<16xi32>,
    tpu.vector_store %arg10[%swap3A_127], %broadcast_in_dim3A_3 {strides = array<i32>} : memref<3072xi32, #tpu.memory_space<vmem>>, vector<16xi32>,
    %swap3A_129 = arith.constant 1008 : index
    %swap3A_130 = tpu.vector_load %arg10[%swap3A_129] {strides = array<i32>} : memref<3072xi32, #tpu.memory_space<vmem>>, vector<16xi32>,
    tpu.vector_store %arg10[%swap3A_129], %broadcast_in_dim3A_3 {strides = array<i32>} : memref<3072xi32, #tpu.memory_space<vmem>>, vector<16xi32>,
    %swap3A_131 = arith.constant 1024 : index
    %swap3A_132 = tpu.vector_load %arg10[%swap3A_131] {strides = array<i32>} : memref<3072xi32, #tpu.memory_space<vmem>>, vector<16xi32>,
    tpu.vector_store %arg10[%swap3A_131], %broadcast_in_dim3A_3 {strides = array<i32>} : memref<3072xi32, #tpu.memory_space<vmem>>, vector<16xi32>,
    %swap3A_133 = arith.constant 1040 : index
    %swap3A_134 = tpu.vector_load %arg10[%swap3A_133] {strides = array<i32>} : memref<3072xi32, #tpu.memory_space<vmem>>, vector<16xi32>,
    tpu.vector_store %arg10[%swap3A_133], %broadcast_in_dim3A_3 {strides = array<i32>} : memref<3072xi32, #tpu.memory_space<vmem>>, vector<16xi32>,
    %swap3A_135 = arith.constant 1056 : index
    %swap3A_136 = tpu.vector_load %arg10[%swap3A_135] {strides = array<i32>} : memref<3072xi32, #tpu.memory_space<vmem>>, vector<16xi32>,
    tpu.vector_store %arg10[%swap3A_135], %broadcast_in_dim3A_3 {strides = array<i32>} : memref<3072xi32, #tpu.memory_space<vmem>>, vector<16xi32>,
    %swap3A_137 = arith.constant 1072 : index
    %swap3A_138 = tpu.vector_load %arg10[%swap3A_137] {strides = array<i32>} : memref<3072xi32, #tpu.memory_space<vmem>>, vector<16xi32>,
    tpu.vector_store %arg10[%swap3A_137], %broadcast_in_dim3A_3 {strides = array<i32>} : memref<3072xi32, #tpu.memory_space<vmem>>, vector<16xi32>,
    %swap3A_139 = arith.constant 1088 : index
    %swap3A_140 = tpu.vector_load %arg10[%swap3A_139] {strides = array<i32>} : memref<3072xi32, #tpu.memory_space<vmem>>, vector<16xi32>,
    tpu.vector_store %arg10[%swap3A_139], %broadcast_in_dim3A_3 {strides = array<i32>} : memref<3072xi32, #tpu.memory_space<vmem>>, vector<16xi32>,
    %swap3A_141 = arith.constant 1104 : index
    %swap3A_142 = tpu.vector_load %arg10[%swap3A_141] {strides = array<i32>} : memref<3072xi32, #tpu.memory_space<vmem>>, vector<16xi32>,
    tpu.vector_store %arg10[%swap3A_141], %broadcast_in_dim3A_3 {strides = array<i32>} : memref<3072xi32, #tpu.memory_space<vmem>>, vector<16xi32>,
    %swap3A_143 = arith.constant 1120 : index
    %swap3A_144 = tpu.vector_load %arg10[%swap3A_143] {strides = array<i32>} : memref<3072xi32, #tpu.memory_space<vmem>>, vector<16xi32>,
    tpu.vector_store %arg10[%swap3A_143], %broadcast_in_dim3A_3 {strides = array<i32>} : memref<3072xi32, #tpu.memory_space<vmem>>, vector<16xi32>,
    %swap3A_145 = arith.constant 1136 : index
    %swap3A_146 = tpu.vector_load %arg10[%swap3A_145] {strides = array<i32>} : memref<3072xi32, #tpu.memory_space<vmem>>, vector<16xi32>,
    tpu.vector_store %arg10[%swap3A_145], %broadcast_in_dim3A_3 {strides = array<i32>} : memref<3072xi32, #tpu.memory_space<vmem>>, vector<16xi32>,
    %swap3A_147 = arith.constant 1152 : index
    %swap3A_148 = tpu.vector_load %arg10[%swap3A_147] {strides = array<i32>} : memref<3072xi32, #tpu.memory_space<vmem>>, vector<16xi32>,
    tpu.vector_store %arg10[%swap3A_147], %broadcast_in_dim3A_3 {strides = array<i32>} : memref<3072xi32, #tpu.memory_space<vmem>>, vector<16xi32>,
    %swap3A_149 = arith.constant 1168 : index
    %swap3A_150 = tpu.vector_load %arg10[%swap3A_149] {strides = array<i32>} : memref<3072xi32, #tpu.memory_space<vmem>>, vector<16xi32>,
    tpu.vector_store %arg10[%swap3A_149], %broadcast_in_dim3A_3 {strides = array<i32>} : memref<3072xi32, #tpu.memory_space<vmem>>, vector<16xi32>,
    %swap3A_151 = arith.constant 1184 : index
    %swap3A_152 = tpu.vector_load %arg10[%swap3A_151] {strides = array<i32>} : memref<3072xi32, #tpu.memory_space<vmem>>, vector<16xi32>,
    tpu.vector_store %arg10[%swap3A_151], %broadcast_in_dim3A_3 {strides = array<i32>} : memref<3072xi32, #tpu.memory_space<vmem>>, vector<16xi32>,
    %swap3A_153 = arith.constant 1200 : index
    %swap3A_154 = tpu.vector_load %arg10[%swap3A_153] {strides = array<i32>} : memref<3072xi32, #tpu.memory_space<vmem>>, vector<16xi32>,
    tpu.vector_store %arg10[%swap3A_153], %broadcast_in_dim3A_3 {strides = array<i32>} : memref<3072xi32, #tpu.memory_space<vmem>>, vector<16xi32>,
    %swap3A_155 = arith.constant 1216 : index
    %swap3A_156 = tpu.vector_load %arg10[%swap3A_155] {strides = array<i32>} : memref<3072xi32, #tpu.memory_space<vmem>>, vector<16xi32>,
    tpu.vector_store %arg10[%swap3A_155], %broadcast_in_dim3A_3 {strides = array<i32>} : memref<3072xi32, #tpu.memory_space<vmem>>, vector<16xi32>,
    %swap3A_157 = arith.constant 1232 : index
    %swap3A_158 = tpu.vector_load %arg10[%swap3A_157] {strides = array<i32>} : memref<3072xi32, #tpu.memory_space<vmem>>, vector<16xi32>,
    tpu.vector_store %arg10[%swap3A_157], %broadcast_in_dim3A_3 {strides = array<i32>} : memref<3072xi32, #tpu.memory_space<vmem>>, vector<16xi32>,
    %swap3A_159 = arith.constant 1248 : index
    %swap3A_160 = tpu.vector_load %arg10[%swap3A_159] {strides = array<i32>} : memref<3072xi32, #tpu.memory_space<vmem>>, vector<16xi32>,
    tpu.vector_store %arg10[%swap3A_159], %broadcast_in_dim3A_3 {strides = array<i32>} : memref<3072xi32, #tpu.memory_space<vmem>>, vector<16xi32>,
    %swap3A_161 = arith.constant 1264 : index
    %swap3A_162 = tpu.vector_load %arg10[%swap3A_161] {strides = array<i32>} : memref<3072xi32, #tpu.memory_space<vmem>>, vector<16xi32>,
    tpu.vector_store %arg10[%swap3A_161], %broadcast_in_dim3A_3 {strides = array<i32>} : memref<3072xi32, #tpu.memory_space<vmem>>, vector<16xi32>,
    %swap3A_163 = arith.constant 1280 : index
    %swap3A_164 = tpu.vector_load %arg10[%swap3A_163] {strides = array<i32>} : memref<3072xi32, #tpu.memory_space<vmem>>, vector<16xi32>,
    tpu.vector_store %arg10[%swap3A_163], %broadcast_in_dim3A_3 {strides = array<i32>} : memref<3072xi32, #tpu.memory_space<vmem>>, vector<16xi32>,
    %swap3A_165 = arith.constant 1296 : index
    %swap3A_166 = tpu.vector_load %arg10[%swap3A_165] {strides = array<i32>} : memref<3072xi32, #tpu.memory_space<vmem>>, vector<16xi32>,
    tpu.vector_store %arg10[%swap3A_165], %broadcast_in_dim3A_3 {strides = array<i32>} : memref<3072xi32, #tpu.memory_space<vmem>>, vector<16xi32>,
    %swap3A_167 = arith.constant 1312 : index
    %swap3A_168 = tpu.vector_load %arg10[%swap3A_167] {strides = array<i32>} : memref<3072xi32, #tpu.memory_space<vmem>>, vector<16xi32>,
    tpu.vector_store %arg10[%swap3A_167], %broadcast_in_dim3A_3 {strides = array<i32>} : memref<3072xi32, #tpu.memory_space<vmem>>, vector<16xi32>,
    %swap3A_169 = arith.constant 1328 : index
    %swap3A_170 = tpu.vector_load %arg10[%swap3A_169] {strides = array<i32>} : memref<3072xi32, #tpu.memory_space<vmem>>, vector<16xi32>,
    tpu.vector_store %arg10[%swap3A_169], %broadcast_in_dim3A_3 {strides = array<i32>} : memref<3072xi32, #tpu.memory_space<vmem>>, vector<16xi32>,
    %swap3A_171 = arith.constant 1344 : index
    %swap3A_172 = tpu.vector_load %arg10[%swap3A_171] {strides = array<i32>} : memref<3072xi32, #tpu.memory_space<vmem>>, vector<16xi32>,
    tpu.vector_store %arg10[%swap3A_171], %broadcast_in_dim3A_3 {strides = array<i32>} : memref<3072xi32, #tpu.memory_space<vmem>>, vector<16xi32>,
    %swap3A_173 = arith.constant 1360 : index
    %swap3A_174 = tpu.vector_load %arg10[%swap3A_173] {strides = array<i32>} : memref<3072xi32, #tpu.memory_space<vmem>>, vector<16xi32>,
    tpu.vector_store %arg10[%swap3A_173], %broadcast_in_dim3A_3 {strides = array<i32>} : memref<3072xi32, #tpu.memory_space<vmem>>, vector<16xi32>,
    %swap3A_175 = arith.constant 1376 : index
    %swap3A_176 = tpu.vector_load %arg10[%swap3A_175] {strides = array<i32>} : memref<3072xi32, #tpu.memory_space<vmem>>, vector<16xi32>,
    tpu.vector_store %arg10[%swap3A_175], %broadcast_in_dim3A_3 {strides = array<i32>} : memref<3072xi32, #tpu.memory_space<vmem>>, vector<16xi32>,
    %swap3A_177 = arith.constant 1392 : index
    %swap3A_178 = tpu.vector_load %arg10[%swap3A_177] {strides = array<i32>} : memref<3072xi32, #tpu.memory_space<vmem>>, vector<16xi32>,
    tpu.vector_store %arg10[%swap3A_177], %broadcast_in_dim3A_3 {strides = array<i32>} : memref<3072xi32, #tpu.memory_space<vmem>>, vector<16xi32>,
    %swap3A_179 = arith.constant 1408 : index
    %swap3A_180 = tpu.vector_load %arg10[%swap3A_179] {strides = array<i32>} : memref<3072xi32, #tpu.memory_space<vmem>>, vector<16xi32>,
    tpu.vector_store %arg10[%swap3A_179], %broadcast_in_dim3A_3 {strides = array<i32>} : memref<3072xi32, #tpu.memory_space<vmem>>, vector<16xi32>,
    %swap3A_181 = arith.constant 1424 : index
    %swap3A_182 = tpu.vector_load %arg10[%swap3A_181] {strides = array<i32>} : memref<3072xi32, #tpu.memory_space<vmem>>, vector<16xi32>,
    tpu.vector_store %arg10[%swap3A_181], %broadcast_in_dim3A_3 {strides = array<i32>} : memref<3072xi32, #tpu.memory_space<vmem>>, vector<16xi32>,
    %swap3A_183 = arith.constant 1440 : index
    %swap3A_184 = tpu.vector_load %arg10[%swap3A_183] {strides = array<i32>} : memref<3072xi32, #tpu.memory_space<vmem>>, vector<16xi32>,
    tpu.vector_store %arg10[%swap3A_183], %broadcast_in_dim3A_3 {strides = array<i32>} : memref<3072xi32, #tpu.memory_space<vmem>>, vector<16xi32>,
    %swap3A_185 = arith.constant 1456 : index
    %swap3A_186 = tpu.vector_load %arg10[%swap3A_185] {strides = array<i32>} : memref<3072xi32, #tpu.memory_space<vmem>>, vector<16xi32>,
    tpu.vector_store %arg10[%swap3A_185], %broadcast_in_dim3A_3 {strides = array<i32>} : memref<3072xi32, #tpu.memory_space<vmem>>, vector<16xi32>,
    %swap3A_187 = arith.constant 1472 : index
    %swap3A_188 = tpu.vector_load %arg10[%swap3A_187] {strides = array<i32>} : memref<3072xi32, #tpu.memory_space<vmem>>, vector<16xi32>,
    tpu.vector_store %arg10[%swap3A_187], %broadcast_in_dim3A_3 {strides = array<i32>} : memref<3072xi32, #tpu.memory_space<vmem>>, vector<16xi32>,
    %swap3A_189 = arith.constant 1488 : index
    %swap3A_190 = tpu.vector_load %arg10[%swap3A_189] {strides = array<i32>} : memref<3072xi32, #tpu.memory_space<vmem>>, vector<16xi32>,
    tpu.vector_store %arg10[%swap3A_189], %broadcast_in_dim3A_3 {strides = array<i32>} : memref<3072xi32, #tpu.memory_space<vmem>>, vector<16xi32>,
    %swap3A_191 = arith.constant 1504 : index
    %swap3A_192 = tpu.vector_load %arg10[%swap3A_191] {strides = array<i32>} : memref<3072xi32, #tpu.memory_space<vmem>>, vector<16xi32>,
    tpu.vector_store %arg10[%swap3A_191], %broadcast_in_dim3A_3 {strides = array<i32>} : memref<3072xi32, #tpu.memory_space<vmem>>, vector<16xi32>,
    %swap3A_193 = arith.constant 1520 : index
    %swap3A_194 = tpu.vector_load %arg10[%swap3A_193] {strides = array<i32>} : memref<3072xi32, #tpu.memory_space<vmem>>, vector<16xi32>,
    tpu.vector_store %arg10[%swap3A_193], %broadcast_in_dim3A_3 {strides = array<i32>} : memref<3072xi32, #tpu.memory_space<vmem>>, vector<16xi32>,
    %swap3A_195 = arith.constant 1536 : index
    %swap3A_196 = tpu.vector_load %arg10[%swap3A_195] {strides = array<i32>} : memref<3072xi32, #tpu.memory_space<vmem>>, vector<16xi32>,
    tpu.vector_store %arg10[%swap3A_195], %broadcast_in_dim3A_3 {strides = array<i32>} : memref<3072xi32, #tpu.memory_space<vmem>>, vector<16xi32>,
    %swap3A_197 = arith.constant 1552 : index
    %swap3A_198 = tpu.vector_load %arg10[%swap3A_197] {strides = array<i32>} : memref<3072xi32, #tpu.memory_space<vmem>>, vector<16xi32>,
    tpu.vector_store %arg10[%swap3A_197], %broadcast_in_dim3A_3 {strides = array<i32>} : memref<3072xi32, #tpu.memory_space<vmem>>, vector<16xi32>,
    %swap3A_199 = arith.constant 1568 : index
    %swap3A_200 = tpu.vector_load %arg10[%swap3A_199] {strides = array<i32>} : memref<3072xi32, #tpu.memory_space<vmem>>, vector<16xi32>,
    tpu.vector_store %arg10[%swap3A_199], %broadcast_in_dim3A_3 {strides = array<i32>} : memref<3072xi32, #tpu.memory_space<vmem>>, vector<16xi32>,
    %swap3A_201 = arith.constant 1584 : index
    %swap3A_202 = tpu.vector_load %arg10[%swap3A_201] {strides = array<i32>} : memref<3072xi32, #tpu.memory_space<vmem>>, vector<16xi32>,
    tpu.vector_store %arg10[%swap3A_201], %broadcast_in_dim3A_3 {strides = array<i32>} : memref<3072xi32, #tpu.memory_space<vmem>>, vector<16xi32>,
    %swap3A_203 = arith.constant 1600 : index
    %swap3A_204 = tpu.vector_load %arg10[%swap3A_203] {strides = array<i32>} : memref<3072xi32, #tpu.memory_space<vmem>>, vector<16xi32>,
    tpu.vector_store %arg10[%swap3A_203], %broadcast_in_dim3A_3 {strides = array<i32>} : memref<3072xi32, #tpu.memory_space<vmem>>, vector<16xi32>,
    %swap3A_205 = arith.constant 1616 : index
    %swap3A_206 = tpu.vector_load %arg10[%swap3A_205] {strides = array<i32>} : memref<3072xi32, #tpu.memory_space<vmem>>, vector<16xi32>,
    tpu.vector_store %arg10[%swap3A_205], %broadcast_in_dim3A_3 {strides = array<i32>} : memref<3072xi32, #tpu.memory_space<vmem>>, vector<16xi32>,
    %swap3A_207 = arith.constant 1632 : index
    %swap3A_208 = tpu.vector_load %arg10[%swap3A_207] {strides = array<i32>} : memref<3072xi32, #tpu.memory_space<vmem>>, vector<16xi32>,
    tpu.vector_store %arg10[%swap3A_207], %broadcast_in_dim3A_3 {strides = array<i32>} : memref<3072xi32, #tpu.memory_space<vmem>>, vector<16xi32>,
    %swap3A_209 = arith.constant 1648 : index
    %swap3A_210 = tpu.vector_load %arg10[%swap3A_209] {strides = array<i32>} : memref<3072xi32, #tpu.memory_space<vmem>>, vector<16xi32>,
    tpu.vector_store %arg10[%swap3A_209], %broadcast_in_dim3A_3 {strides = array<i32>} : memref<3072xi32, #tpu.memory_space<vmem>>, vector<16xi32>,
    %swap3A_211 = arith.constant 1664 : index
    %swap3A_212 = tpu.vector_load %arg10[%swap3A_211] {strides = array<i32>} : memref<3072xi32, #tpu.memory_space<vmem>>, vector<16xi32>,
    tpu.vector_store %arg10[%swap3A_211], %broadcast_in_dim3A_3 {strides = array<i32>} : memref<3072xi32, #tpu.memory_space<vmem>>, vector<16xi32>,
    %swap3A_213 = arith.constant 1680 : index
    %swap3A_214 = tpu.vector_load %arg10[%swap3A_213] {strides = array<i32>} : memref<3072xi32, #tpu.memory_space<vmem>>, vector<16xi32>,
    tpu.vector_store %arg10[%swap3A_213], %broadcast_in_dim3A_3 {strides = array<i32>} : memref<3072xi32, #tpu.memory_space<vmem>>, vector<16xi32>,
    %swap3A_215 = arith.constant 1696 : index
    %swap3A_216 = tpu.vector_load %arg10[%swap3A_215] {strides = array<i32>} : memref<3072xi32, #tpu.memory_space<vmem>>, vector<16xi32>,
    tpu.vector_store %arg10[%swap3A_215], %broadcast_in_dim3A_3 {strides = array<i32>} : memref<3072xi32, #tpu.memory_space<vmem>>, vector<16xi32>,
    %swap3A_217 = arith.constant 1712 : index
    %swap3A_218 = tpu.vector_load %arg10[%swap3A_217] {strides = array<i32>} : memref<3072xi32, #tpu.memory_space<vmem>>, vector<16xi32>,
    tpu.vector_store %arg10[%swap3A_217], %broadcast_in_dim3A_3 {strides = array<i32>} : memref<3072xi32, #tpu.memory_space<vmem>>, vector<16xi32>,
    %swap3A_219 = arith.constant 1728 : index
    %swap3A_220 = tpu.vector_load %arg10[%swap3A_219] {strides = array<i32>} : memref<3072xi32, #tpu.memory_space<vmem>>, vector<16xi32>,
    tpu.vector_store %arg10[%swap3A_219], %broadcast_in_dim3A_3 {strides = array<i32>} : memref<3072xi32, #tpu.memory_space<vmem>>, vector<16xi32>,
    %swap3A_221 = arith.constant 1744 : index
    %swap3A_222 = tpu.vector_load %arg10[%swap3A_221] {strides = array<i32>} : memref<3072xi32, #tpu.memory_space<vmem>>, vector<16xi32>,
    tpu.vector_store %arg10[%swap3A_221], %broadcast_in_dim3A_3 {strides = array<i32>} : memref<3072xi32, #tpu.memory_space<vmem>>, vector<16xi32>,
    %swap3A_223 = arith.constant 1760 : index
    %swap3A_224 = tpu.vector_load %arg10[%swap3A_223] {strides = array<i32>} : memref<3072xi32, #tpu.memory_space<vmem>>, vector<16xi32>,
    tpu.vector_store %arg10[%swap3A_223], %broadcast_in_dim3A_3 {strides = array<i32>} : memref<3072xi32, #tpu.memory_space<vmem>>, vector<16xi32>,
    %swap3A_225 = arith.constant 1776 : index
    %swap3A_226 = tpu.vector_load %arg10[%swap3A_225] {strides = array<i32>} : memref<3072xi32, #tpu.memory_space<vmem>>, vector<16xi32>,
    tpu.vector_store %arg10[%swap3A_225], %broadcast_in_dim3A_3 {strides = array<i32>} : memref<3072xi32, #tpu.memory_space<vmem>>, vector<16xi32>,
    %swap3A_227 = arith.constant 1792 : index
    %swap3A_228 = tpu.vector_load %arg10[%swap3A_227] {strides = array<i32>} : memref<3072xi32, #tpu.memory_space<vmem>>, vector<16xi32>,
    tpu.vector_store %arg10[%swap3A_227], %broadcast_in_dim3A_3 {strides = array<i32>} : memref<3072xi32, #tpu.memory_space<vmem>>, vector<16xi32>,
    %swap3A_229 = arith.constant 1808 : index
    %swap3A_230 = tpu.vector_load %arg10[%swap3A_229] {strides = array<i32>} : memref<3072xi32, #tpu.memory_space<vmem>>, vector<16xi32>,
    tpu.vector_store %arg10[%swap3A_229], %broadcast_in_dim3A_3 {strides = array<i32>} : memref<3072xi32, #tpu.memory_space<vmem>>, vector<16xi32>,
    %swap3A_231 = arith.constant 1824 : index
    %swap3A_232 = tpu.vector_load %arg10[%swap3A_231] {strides = array<i32>} : memref<3072xi32, #tpu.memory_space<vmem>>, vector<16xi32>,
    tpu.vector_store %arg10[%swap3A_231], %broadcast_in_dim3A_3 {strides = array<i32>} : memref<3072xi32, #tpu.memory_space<vmem>>, vector<16xi32>,
    %swap3A_233 = arith.constant 1840 : index
    %swap3A_234 = tpu.vector_load %arg10[%swap3A_233] {strides = array<i32>} : memref<3072xi32, #tpu.memory_space<vmem>>, vector<16xi32>,
    tpu.vector_store %arg10[%swap3A_233], %broadcast_in_dim3A_3 {strides = array<i32>} : memref<3072xi32, #tpu.memory_space<vmem>>, vector<16xi32>,
    %swap3A_235 = arith.constant 1856 : index
    %swap3A_236 = tpu.vector_load %arg10[%swap3A_235] {strides = array<i32>} : memref<3072xi32, #tpu.memory_space<vmem>>, vector<16xi32>,
    tpu.vector_store %arg10[%swap3A_235], %broadcast_in_dim3A_3 {strides = array<i32>} : memref<3072xi32, #tpu.memory_space<vmem>>, vector<16xi32>,
    %swap3A_237 = arith.constant 1872 : index
    %swap3A_238 = tpu.vector_load %arg10[%swap3A_237] {strides = array<i32>} : memref<3072xi32, #tpu.memory_space<vmem>>, vector<16xi32>,
    tpu.vector_store %arg10[%swap3A_237], %broadcast_in_dim3A_3 {strides = array<i32>} : memref<3072xi32, #tpu.memory_space<vmem>>, vector<16xi32>,
    %swap3A_239 = arith.constant 1888 : index
    %swap3A_240 = tpu.vector_load %arg10[%swap3A_239] {strides = array<i32>} : memref<3072xi32, #tpu.memory_space<vmem>>, vector<16xi32>,
    tpu.vector_store %arg10[%swap3A_239], %broadcast_in_dim3A_3 {strides = array<i32>} : memref<3072xi32, #tpu.memory_space<vmem>>, vector<16xi32>,
    %swap3A_241 = arith.constant 1904 : index
    %swap3A_242 = tpu.vector_load %arg10[%swap3A_241] {strides = array<i32>} : memref<3072xi32, #tpu.memory_space<vmem>>, vector<16xi32>,
    tpu.vector_store %arg10[%swap3A_241], %broadcast_in_dim3A_3 {strides = array<i32>} : memref<3072xi32, #tpu.memory_space<vmem>>, vector<16xi32>,
    %swap3A_243 = arith.constant 1920 : index
    %swap3A_244 = tpu.vector_load %arg10[%swap3A_243] {strides = array<i32>} : memref<3072xi32, #tpu.memory_space<vmem>>, vector<16xi32>,
    tpu.vector_store %arg10[%swap3A_243], %broadcast_in_dim3A_3 {strides = array<i32>} : memref<3072xi32, #tpu.memory_space<vmem>>, vector<16xi32>,
    %swap3A_245 = arith.constant 1936 : index
    %swap3A_246 = tpu.vector_load %arg10[%swap3A_245] {strides = array<i32>} : memref<3072xi32, #tpu.memory_space<vmem>>, vector<16xi32>,
    tpu.vector_store %arg10[%swap3A_245], %broadcast_in_dim3A_3 {strides = array<i32>} : memref<3072xi32, #tpu.memory_space<vmem>>, vector<16xi32>,
    %swap3A_247 = arith.constant 1952 : index
    %swap3A_248 = tpu.vector_load %arg10[%swap3A_247] {strides = array<i32>} : memref<3072xi32, #tpu.memory_space<vmem>>, vector<16xi32>,
    tpu.vector_store %arg10[%swap3A_247], %broadcast_in_dim3A_3 {strides = array<i32>} : memref<3072xi32, #tpu.memory_space<vmem>>, vector<16xi32>,
    %swap3A_249 = arith.constant 1968 : index
    %swap3A_250 = tpu.vector_load %arg10[%swap3A_249] {strides = array<i32>} : memref<3072xi32, #tpu.memory_space<vmem>>, vector<16xi32>,
    tpu.vector_store %arg10[%swap3A_249], %broadcast_in_dim3A_3 {strides = array<i32>} : memref<3072xi32, #tpu.memory_space<vmem>>, vector<16xi32>,
    %swap3A_251 = arith.constant 1984 : index
    %swap3A_252 = tpu.vector_load %arg10[%swap3A_251] {strides = array<i32>} : memref<3072xi32, #tpu.memory_space<vmem>>, vector<16xi32>,
    tpu.vector_store %arg10[%swap3A_251], %broadcast_in_dim3A_3 {strides = array<i32>} : memref<3072xi32, #tpu.memory_space<vmem>>, vector<16xi32>,
    %swap3A_253 = arith.constant 2000 : index
    %swap3A_254 = tpu.vector_load %arg10[%swap3A_253] {strides = array<i32>} : memref<3072xi32, #tpu.memory_space<vmem>>, vector<16xi32>,
    tpu.vector_store %arg10[%swap3A_253], %broadcast_in_dim3A_3 {strides = array<i32>} : memref<3072xi32, #tpu.memory_space<vmem>>, vector<16xi32>,
    %swap3A_255 = arith.constant 2016 : index
    %swap3A_256 = tpu.vector_load %arg10[%swap3A_255] {strides = array<i32>} : memref<3072xi32, #tpu.memory_space<vmem>>, vector<16xi32>,
    tpu.vector_store %arg10[%swap3A_255], %broadcast_in_dim3A_3 {strides = array<i32>} : memref<3072xi32, #tpu.memory_space<vmem>>, vector<16xi32>,
    %swap3A_257 = arith.constant 2032 : index
    %swap3A_258 = tpu.vector_load %arg10[%swap3A_257] {strides = array<i32>} : memref<3072xi32, #tpu.memory_space<vmem>>, vector<16xi32>,
    tpu.vector_store %arg10[%swap3A_257], %broadcast_in_dim3A_3 {strides = array<i32>} : memref<3072xi32, #tpu.memory_space<vmem>>, vector<16xi32>,
    %swap3A_259 = arith.constant 2048 : index
    %swap3A_260 = tpu.vector_load %arg10[%swap3A_259] {strides = array<i32>} : memref<3072xi32, #tpu.memory_space<vmem>>, vector<16xi32>,
    tpu.vector_store %arg10[%swap3A_259], %broadcast_in_dim3A_3 {strides = array<i32>} : memref<3072xi32, #tpu.memory_space<vmem>>, vector<16xi32>,
    %swap3A_261 = arith.constant 2064 : index
    %swap3A_262 = tpu.vector_load %arg10[%swap3A_261] {strides = array<i32>} : memref<3072xi32, #tpu.memory_space<vmem>>, vector<16xi32>,
    tpu.vector_store %arg10[%swap3A_261], %broadcast_in_dim3A_3 {strides = array<i32>} : memref<3072xi32, #tpu.memory_space<vmem>>, vector<16xi32>,
    %swap3A_263 = arith.constant 2080 : index
    %swap3A_264 = tpu.vector_load %arg10[%swap3A_263] {strides = array<i32>} : memref<3072xi32, #tpu.memory_space<vmem>>, vector<16xi32>,
    tpu.vector_store %arg10[%swap3A_263], %broadcast_in_dim3A_3 {strides = array<i32>} : memref<3072xi32, #tpu.memory_space<vmem>>, vector<16xi32>,
    %swap3A_265 = arith.constant 2096 : index
    %swap3A_266 = tpu.vector_load %arg10[%swap3A_265] {strides = array<i32>} : memref<3072xi32, #tpu.memory_space<vmem>>, vector<16xi32>,
    tpu.vector_store %arg10[%swap3A_265], %broadcast_in_dim3A_3 {strides = array<i32>} : memref<3072xi32, #tpu.memory_space<vmem>>, vector<16xi32>,
    %swap3A_267 = arith.constant 2112 : index
    %swap3A_268 = tpu.vector_load %arg10[%swap3A_267] {strides = array<i32>} : memref<3072xi32, #tpu.memory_space<vmem>>, vector<16xi32>,
    tpu.vector_store %arg10[%swap3A_267], %broadcast_in_dim3A_3 {strides = array<i32>} : memref<3072xi32, #tpu.memory_space<vmem>>, vector<16xi32>,
    %swap3A_269 = arith.constant 2128 : index
    %swap3A_270 = tpu.vector_load %arg10[%swap3A_269] {strides = array<i32>} : memref<3072xi32, #tpu.memory_space<vmem>>, vector<16xi32>,
    tpu.vector_store %arg10[%swap3A_269], %broadcast_in_dim3A_3 {strides = array<i32>} : memref<3072xi32, #tpu.memory_space<vmem>>, vector<16xi32>,
    %swap3A_271 = arith.constant 2144 : index
    %swap3A_272 = tpu.vector_load %arg10[%swap3A_271] {strides = array<i32>} : memref<3072xi32, #tpu.memory_space<vmem>>, vector<16xi32>,
    tpu.vector_store %arg10[%swap3A_271], %broadcast_in_dim3A_3 {strides = array<i32>} : memref<3072xi32, #tpu.memory_space<vmem>>, vector<16xi32>,
    %swap3A_273 = arith.constant 2160 : index
    %swap3A_274 = tpu.vector_load %arg10[%swap3A_273] {strides = array<i32>} : memref<3072xi32, #tpu.memory_space<vmem>>, vector<16xi32>,
    tpu.vector_store %arg10[%swap3A_273], %broadcast_in_dim3A_3 {strides = array<i32>} : memref<3072xi32, #tpu.memory_space<vmem>>, vector<16xi32>,
    %swap3A_275 = arith.constant 2176 : index
    %swap3A_276 = tpu.vector_load %arg10[%swap3A_275] {strides = array<i32>} : memref<3072xi32, #tpu.memory_space<vmem>>, vector<16xi32>,
    tpu.vector_store %arg10[%swap3A_275], %broadcast_in_dim3A_3 {strides = array<i32>} : memref<3072xi32, #tpu.memory_space<vmem>>, vector<16xi32>,
    %swap3A_277 = arith.constant 2192 : index
    %swap3A_278 = tpu.vector_load %arg10[%swap3A_277] {strides = array<i32>} : memref<3072xi32, #tpu.memory_space<vmem>>, vector<16xi32>,
    tpu.vector_store %arg10[%swap3A_277], %broadcast_in_dim3A_3 {strides = array<i32>} : memref<3072xi32, #tpu.memory_space<vmem>>, vector<16xi32>,
    %swap3A_279 = arith.constant 2208 : index
    %swap3A_280 = tpu.vector_load %arg10[%swap3A_279] {strides = array<i32>} : memref<3072xi32, #tpu.memory_space<vmem>>, vector<16xi32>,
    tpu.vector_store %arg10[%swap3A_279], %broadcast_in_dim3A_3 {strides = array<i32>} : memref<3072xi32, #tpu.memory_space<vmem>>, vector<16xi32>,
    %swap3A_281 = arith.constant 2224 : index
    %swap3A_282 = tpu.vector_load %arg10[%swap3A_281] {strides = array<i32>} : memref<3072xi32, #tpu.memory_space<vmem>>, vector<16xi32>,
    tpu.vector_store %arg10[%swap3A_281], %broadcast_in_dim3A_3 {strides = array<i32>} : memref<3072xi32, #tpu.memory_space<vmem>>, vector<16xi32>,
    %swap3A_283 = arith.constant 2240 : index
    %swap3A_284 = tpu.vector_load %arg10[%swap3A_283] {strides = array<i32>} : memref<3072xi32, #tpu.memory_space<vmem>>, vector<16xi32>,
    tpu.vector_store %arg10[%swap3A_283], %broadcast_in_dim3A_3 {strides = array<i32>} : memref<3072xi32, #tpu.memory_space<vmem>>, vector<16xi32>,
    %swap3A_285 = arith.constant 2256 : index
    %swap3A_286 = tpu.vector_load %arg10[%swap3A_285] {strides = array<i32>} : memref<3072xi32, #tpu.memory_space<vmem>>, vector<16xi32>,
    tpu.vector_store %arg10[%swap3A_285], %broadcast_in_dim3A_3 {strides = array<i32>} : memref<3072xi32, #tpu.memory_space<vmem>>, vector<16xi32>,
    %swap3A_287 = arith.constant 2272 : index
    %swap3A_288 = tpu.vector_load %arg10[%swap3A_287] {strides = array<i32>} : memref<3072xi32, #tpu.memory_space<vmem>>, vector<16xi32>,
    tpu.vector_store %arg10[%swap3A_287], %broadcast_in_dim3A_3 {strides = array<i32>} : memref<3072xi32, #tpu.memory_space<vmem>>, vector<16xi32>,
    %swap3A_289 = arith.constant 2288 : index
    %swap3A_290 = tpu.vector_load %arg10[%swap3A_289] {strides = array<i32>} : memref<3072xi32, #tpu.memory_space<vmem>>, vector<16xi32>,
    tpu.vector_store %arg10[%swap3A_289], %broadcast_in_dim3A_3 {strides = array<i32>} : memref<3072xi32, #tpu.memory_space<vmem>>, vector<16xi32>,
    %swap3A_291 = arith.constant 2304 : index
    %swap3A_292 = tpu.vector_load %arg10[%swap3A_291] {strides = array<i32>} : memref<3072xi32, #tpu.memory_space<vmem>>, vector<16xi32>,
    tpu.vector_store %arg10[%swap3A_291], %broadcast_in_dim3A_3 {strides = array<i32>} : memref<3072xi32, #tpu.memory_space<vmem>>, vector<16xi32>,
    %swap3A_293 = arith.constant 2320 : index
    %swap3A_294 = tpu.vector_load %arg10[%swap3A_293] {strides = array<i32>} : memref<3072xi32, #tpu.memory_space<vmem>>, vector<16xi32>,
    tpu.vector_store %arg10[%swap3A_293], %broadcast_in_dim3A_3 {strides = array<i32>} : memref<3072xi32, #tpu.memory_space<vmem>>, vector<16xi32>,
    %swap3A_295 = arith.constant 2336 : index
    %swap3A_296 = tpu.vector_load %arg10[%swap3A_295] {strides = array<i32>} : memref<3072xi32, #tpu.memory_space<vmem>>, vector<16xi32>,
    tpu.vector_store %arg10[%swap3A_295], %broadcast_in_dim3A_3 {strides = array<i32>} : memref<3072xi32, #tpu.memory_space<vmem>>, vector<16xi32>,
    %swap3A_297 = arith.constant 2352 : index
    %swap3A_298 = tpu.vector_load %arg10[%swap3A_297] {strides = array<i32>} : memref<3072xi32, #tpu.memory_space<vmem>>, vector<16xi32>,
    tpu.vector_store %arg10[%swap3A_297], %broadcast_in_dim3A_3 {strides = array<i32>} : memref<3072xi32, #tpu.memory_space<vmem>>, vector<16xi32>,
    %swap3A_299 = arith.constant 2368 : index
    %swap3A_300 = tpu.vector_load %arg10[%swap3A_299] {strides = array<i32>} : memref<3072xi32, #tpu.memory_space<vmem>>, vector<16xi32>,
    tpu.vector_store %arg10[%swap3A_299], %broadcast_in_dim3A_3 {strides = array<i32>} : memref<3072xi32, #tpu.memory_space<vmem>>, vector<16xi32>,
    %swap3A_301 = arith.constant 2384 : index
    %swap3A_302 = tpu.vector_load %arg10[%swap3A_301] {strides = array<i32>} : memref<3072xi32, #tpu.memory_space<vmem>>, vector<16xi32>,
    tpu.vector_store %arg10[%swap3A_301], %broadcast_in_dim3A_3 {strides = array<i32>} : memref<3072xi32, #tpu.memory_space<vmem>>, vector<16xi32>,
    %swap3A_303 = arith.constant 2400 : index
    %swap3A_304 = tpu.vector_load %arg10[%swap3A_303] {strides = array<i32>} : memref<3072xi32, #tpu.memory_space<vmem>>, vector<16xi32>,
    tpu.vector_store %arg10[%swap3A_303], %broadcast_in_dim3A_3 {strides = array<i32>} : memref<3072xi32, #tpu.memory_space<vmem>>, vector<16xi32>,
    %swap3A_305 = arith.constant 2416 : index
    %swap3A_306 = tpu.vector_load %arg10[%swap3A_305] {strides = array<i32>} : memref<3072xi32, #tpu.memory_space<vmem>>, vector<16xi32>,
    tpu.vector_store %arg10[%swap3A_305], %broadcast_in_dim3A_3 {strides = array<i32>} : memref<3072xi32, #tpu.memory_space<vmem>>, vector<16xi32>,
    %swap3A_307 = arith.constant 2432 : index
    %swap3A_308 = tpu.vector_load %arg10[%swap3A_307] {strides = array<i32>} : memref<3072xi32, #tpu.memory_space<vmem>>, vector<16xi32>,
    tpu.vector_store %arg10[%swap3A_307], %broadcast_in_dim3A_3 {strides = array<i32>} : memref<3072xi32, #tpu.memory_space<vmem>>, vector<16xi32>,
    %swap3A_309 = arith.constant 2448 : index
    %swap3A_310 = tpu.vector_load %arg10[%swap3A_309] {strides = array<i32>} : memref<3072xi32, #tpu.memory_space<vmem>>, vector<16xi32>,
    tpu.vector_store %arg10[%swap3A_309], %broadcast_in_dim3A_3 {strides = array<i32>} : memref<3072xi32, #tpu.memory_space<vmem>>, vector<16xi32>,
    %swap3A_311 = arith.constant 2464 : index
    %swap3A_312 = tpu.vector_load %arg10[%swap3A_311] {strides = array<i32>} : memref<3072xi32, #tpu.memory_space<vmem>>, vector<16xi32>,
    tpu.vector_store %arg10[%swap3A_311], %broadcast_in_dim3A_3 {strides = array<i32>} : memref<3072xi32, #tpu.memory_space<vmem>>, vector<16xi32>,
    %swap3A_313 = arith.constant 2480 : index
    %swap3A_314 = tpu.vector_load %arg10[%swap3A_313] {strides = array<i32>} : memref<3072xi32, #tpu.memory_space<vmem>>, vector<16xi32>,
    tpu.vector_store %arg10[%swap3A_313], %broadcast_in_dim3A_3 {strides = array<i32>} : memref<3072xi32, #tpu.memory_space<vmem>>, vector<16xi32>,
    %swap3A_315 = arith.constant 2496 : index
    %swap3A_316 = tpu.vector_load %arg10[%swap3A_315] {strides = array<i32>} : memref<3072xi32, #tpu.memory_space<vmem>>, vector<16xi32>,
    tpu.vector_store %arg10[%swap3A_315], %broadcast_in_dim3A_3 {strides = array<i32>} : memref<3072xi32, #tpu.memory_space<vmem>>, vector<16xi32>,
    %swap3A_317 = arith.constant 2512 : index
    %swap3A_318 = tpu.vector_load %arg10[%swap3A_317] {strides = array<i32>} : memref<3072xi32, #tpu.memory_space<vmem>>, vector<16xi32>,
    tpu.vector_store %arg10[%swap3A_317], %broadcast_in_dim3A_3 {strides = array<i32>} : memref<3072xi32, #tpu.memory_space<vmem>>, vector<16xi32>,
    %swap3A_319 = arith.constant 2528 : index
    %swap3A_320 = tpu.vector_load %arg10[%swap3A_319] {strides = array<i32>} : memref<3072xi32, #tpu.memory_space<vmem>>, vector<16xi32>,
    tpu.vector_store %arg10[%swap3A_319], %broadcast_in_dim3A_3 {strides = array<i32>} : memref<3072xi32, #tpu.memory_space<vmem>>, vector<16xi32>,
    %swap3A_321 = arith.constant 2544 : index
    %swap3A_322 = tpu.vector_load %arg10[%swap3A_321] {strides = array<i32>} : memref<3072xi32, #tpu.memory_space<vmem>>, vector<16xi32>,
    tpu.vector_store %arg10[%swap3A_321], %broadcast_in_dim3A_3 {strides = array<i32>} : memref<3072xi32, #tpu.memory_space<vmem>>, vector<16xi32>,
    %swap3A_323 = arith.constant 2560 : index
    %swap3A_324 = tpu.vector_load %arg10[%swap3A_323] {strides = array<i32>} : memref<3072xi32, #tpu.memory_space<vmem>>, vector<16xi32>,
    tpu.vector_store %arg10[%swap3A_323], %broadcast_in_dim3A_3 {strides = array<i32>} : memref<3072xi32, #tpu.memory_space<vmem>>, vector<16xi32>,
    %swap3A_325 = arith.constant 2576 : index
    %swap3A_326 = tpu.vector_load %arg10[%swap3A_325] {strides = array<i32>} : memref<3072xi32, #tpu.memory_space<vmem>>, vector<16xi32>,
    tpu.vector_store %arg10[%swap3A_325], %broadcast_in_dim3A_3 {strides = array<i32>} : memref<3072xi32, #tpu.memory_space<vmem>>, vector<16xi32>,
    %swap3A_327 = arith.constant 2592 : index
    %swap3A_328 = tpu.vector_load %arg10[%swap3A_327] {strides = array<i32>} : memref<3072xi32, #tpu.memory_space<vmem>>, vector<16xi32>,
    tpu.vector_store %arg10[%swap3A_327], %broadcast_in_dim3A_3 {strides = array<i32>} : memref<3072xi32, #tpu.memory_space<vmem>>, vector<16xi32>,
    %swap3A_329 = arith.constant 2608 : index
    %swap3A_330 = tpu.vector_load %arg10[%swap3A_329] {strides = array<i32>} : memref<3072xi32, #tpu.memory_space<vmem>>, vector<16xi32>,
    tpu.vector_store %arg10[%swap3A_329], %broadcast_in_dim3A_3 {strides = array<i32>} : memref<3072xi32, #tpu.memory_space<vmem>>, vector<16xi32>,
    %swap3A_331 = arith.constant 2624 : index
    %swap3A_332 = tpu.vector_load %arg10[%swap3A_331] {strides = array<i32>} : memref<3072xi32, #tpu.memory_space<vmem>>, vector<16xi32>,
    tpu.vector_store %arg10[%swap3A_331], %broadcast_in_dim3A_3 {strides = array<i32>} : memref<3072xi32, #tpu.memory_space<vmem>>, vector<16xi32>,
    %swap3A_333 = arith.constant 2640 : index
    %swap3A_334 = tpu.vector_load %arg10[%swap3A_333] {strides = array<i32>} : memref<3072xi32, #tpu.memory_space<vmem>>, vector<16xi32>,
    tpu.vector_store %arg10[%swap3A_333], %broadcast_in_dim3A_3 {strides = array<i32>} : memref<3072xi32, #tpu.memory_space<vmem>>, vector<16xi32>,
    %swap3A_335 = arith.constant 2656 : index
    %swap3A_336 = tpu.vector_load %arg10[%swap3A_335] {strides = array<i32>} : memref<3072xi32, #tpu.memory_space<vmem>>, vector<16xi32>,
    tpu.vector_store %arg10[%swap3A_335], %broadcast_in_dim3A_3 {strides = array<i32>} : memref<3072xi32, #tpu.memory_space<vmem>>, vector<16xi32>,
    %swap3A_337 = arith.constant 2672 : index
    %swap3A_338 = tpu.vector_load %arg10[%swap3A_337] {strides = array<i32>} : memref<3072xi32, #tpu.memory_space<vmem>>, vector<16xi32>,
    tpu.vector_store %arg10[%swap3A_337], %broadcast_in_dim3A_3 {strides = array<i32>} : memref<3072xi32, #tpu.memory_space<vmem>>, vector<16xi32>,
    %swap3A_339 = arith.constant 2688 : index
    %swap3A_340 = tpu.vector_load %arg10[%swap3A_339] {strides = array<i32>} : memref<3072xi32, #tpu.memory_space<vmem>>, vector<16xi32>,
    tpu.vector_store %arg10[%swap3A_339], %broadcast_in_dim3A_3 {strides = array<i32>} : memref<3072xi32, #tpu.memory_space<vmem>>, vector<16xi32>,
    %swap3A_341 = arith.constant 2704 : index
    %swap3A_342 = tpu.vector_load %arg10[%swap3A_341] {strides = array<i32>} : memref<3072xi32, #tpu.memory_space<vmem>>, vector<16xi32>,
    tpu.vector_store %arg10[%swap3A_341], %broadcast_in_dim3A_3 {strides = array<i32>} : memref<3072xi32, #tpu.memory_space<vmem>>, vector<16xi32>,
    %swap3A_343 = arith.constant 2720 : index
    %swap3A_344 = tpu.vector_load %arg10[%swap3A_343] {strides = array<i32>} : memref<3072xi32, #tpu.memory_space<vmem>>, vector<16xi32>,
    tpu.vector_store %arg10[%swap3A_343], %broadcast_in_dim3A_3 {strides = array<i32>} : memref<3072xi32, #tpu.memory_space<vmem>>, vector<16xi32>,
    %swap3A_345 = arith.constant 2736 : index
    %swap3A_346 = tpu.vector_load %arg10[%swap3A_345] {strides = array<i32>} : memref<3072xi32, #tpu.memory_space<vmem>>, vector<16xi32>,
    tpu.vector_store %arg10[%swap3A_345], %broadcast_in_dim3A_3 {strides = array<i32>} : memref<3072xi32, #tpu.memory_space<vmem>>, vector<16xi32>,
    %swap3A_347 = arith.constant 2752 : index
    %swap3A_348 = tpu.vector_load %arg10[%swap3A_347] {strides = array<i32>} : memref<3072xi32, #tpu.memory_space<vmem>>, vector<16xi32>,
    tpu.vector_store %arg10[%swap3A_347], %broadcast_in_dim3A_3 {strides = array<i32>} : memref<3072xi32, #tpu.memory_space<vmem>>, vector<16xi32>,
    %swap3A_349 = arith.constant 2768 : index
    %swap3A_350 = tpu.vector_load %arg10[%swap3A_349] {strides = array<i32>} : memref<3072xi32, #tpu.memory_space<vmem>>, vector<16xi32>,
    tpu.vector_store %arg10[%swap3A_349], %broadcast_in_dim3A_3 {strides = array<i32>} : memref<3072xi32, #tpu.memory_space<vmem>>, vector<16xi32>,
    %swap3A_351 = arith.constant 2784 : index
    %swap3A_352 = tpu.vector_load %arg10[%swap3A_351] {strides = array<i32>} : memref<3072xi32, #tpu.memory_space<vmem>>, vector<16xi32>,
    tpu.vector_store %arg10[%swap3A_351], %broadcast_in_dim3A_3 {strides = array<i32>} : memref<3072xi32, #tpu.memory_space<vmem>>, vector<16xi32>,
    %swap3A_353 = arith.constant 2800 : index
    %swap3A_354 = tpu.vector_load %arg10[%swap3A_353] {strides = array<i32>} : memref<3072xi32, #tpu.memory_space<vmem>>, vector<16xi32>,
    tpu.vector_store %arg10[%swap3A_353], %broadcast_in_dim3A_3 {strides = array<i32>} : memref<3072xi32, #tpu.memory_space<vmem>>, vector<16xi32>,
    %swap3A_355 = arith.constant 2816 : index
    %swap3A_356 = tpu.vector_load %arg10[%swap3A_355] {strides = array<i32>} : memref<3072xi32, #tpu.memory_space<vmem>>, vector<16xi32>,
    tpu.vector_store %arg10[%swap3A_355], %broadcast_in_dim3A_3 {strides = array<i32>} : memref<3072xi32, #tpu.memory_space<vmem>>, vector<16xi32>,
    %swap3A_357 = arith.constant 2832 : index
    %swap3A_358 = tpu.vector_load %arg10[%swap3A_357] {strides = array<i32>} : memref<3072xi32, #tpu.memory_space<vmem>>, vector<16xi32>,
    tpu.vector_store %arg10[%swap3A_357], %broadcast_in_dim3A_3 {strides = array<i32>} : memref<3072xi32, #tpu.memory_space<vmem>>, vector<16xi32>,
    %swap3A_359 = arith.constant 2848 : index
    %swap3A_360 = tpu.vector_load %arg10[%swap3A_359] {strides = array<i32>} : memref<3072xi32, #tpu.memory_space<vmem>>, vector<16xi32>,
    tpu.vector_store %arg10[%swap3A_359], %broadcast_in_dim3A_3 {strides = array<i32>} : memref<3072xi32, #tpu.memory_space<vmem>>, vector<16xi32>,
    %swap3A_361 = arith.constant 2864 : index
    %swap3A_362 = tpu.vector_load %arg10[%swap3A_361] {strides = array<i32>} : memref<3072xi32, #tpu.memory_space<vmem>>, vector<16xi32>,
    tpu.vector_store %arg10[%swap3A_361], %broadcast_in_dim3A_3 {strides = array<i32>} : memref<3072xi32, #tpu.memory_space<vmem>>, vector<16xi32>,
    %swap3A_363 = arith.constant 2880 : index
    %swap3A_364 = tpu.vector_load %arg10[%swap3A_363] {strides = array<i32>} : memref<3072xi32, #tpu.memory_space<vmem>>, vector<16xi32>,
    tpu.vector_store %arg10[%swap3A_363], %broadcast_in_dim3A_3 {strides = array<i32>} : memref<3072xi32, #tpu.memory_space<vmem>>, vector<16xi32>,
    %swap3A_365 = arith.constant 2896 : index
    %swap3A_366 = tpu.vector_load %arg10[%swap3A_365] {strides = array<i32>} : memref<3072xi32, #tpu.memory_space<vmem>>, vector<16xi32>,
    tpu.vector_store %arg10[%swap3A_365], %broadcast_in_dim3A_3 {strides = array<i32>} : memref<3072xi32, #tpu.memory_space<vmem>>, vector<16xi32>,
    %swap3A_367 = arith.constant 2912 : index
    %swap3A_368 = tpu.vector_load %arg10[%swap3A_367] {strides = array<i32>} : memref<3072xi32, #tpu.memory_space<vmem>>, vector<16xi32>,
    tpu.vector_store %arg10[%swap3A_367], %broadcast_in_dim3A_3 {strides = array<i32>} : memref<3072xi32, #tpu.memory_space<vmem>>, vector<16xi32>,
    %swap3A_369 = arith.constant 2928 : index
    %swap3A_370 = tpu.vector_load %arg10[%swap3A_369] {strides = array<i32>} : memref<3072xi32, #tpu.memory_space<vmem>>, vector<16xi32>,
    tpu.vector_store %arg10[%swap3A_369], %broadcast_in_dim3A_3 {strides = array<i32>} : memref<3072xi32, #tpu.memory_space<vmem>>, vector<16xi32>,
    %swap3A_371 = arith.constant 2944 : index
    %swap3A_372 = tpu.vector_load %arg10[%swap3A_371] {strides = array<i32>} : memref<3072xi32, #tpu.memory_space<vmem>>, vector<16xi32>,
    tpu.vector_store %arg10[%swap3A_371], %broadcast_in_dim3A_3 {strides = array<i32>} : memref<3072xi32, #tpu.memory_space<vmem>>, vector<16xi32>,
    %swap3A_373 = arith.constant 2960 : index
    %swap3A_374 = tpu.vector_load %arg10[%swap3A_373] {strides = array<i32>} : memref<3072xi32, #tpu.memory_space<vmem>>, vector<16xi32>,
    tpu.vector_store %arg10[%swap3A_373], %broadcast_in_dim3A_3 {strides = array<i32>} : memref<3072xi32, #tpu.memory_space<vmem>>, vector<16xi32>,
    %swap3A_375 = arith.constant 2976 : index
    %swap3A_376 = tpu.vector_load %arg10[%swap3A_375] {strides = array<i32>} : memref<3072xi32, #tpu.memory_space<vmem>>, vector<16xi32>,
    tpu.vector_store %arg10[%swap3A_375], %broadcast_in_dim3A_3 {strides = array<i32>} : memref<3072xi32, #tpu.memory_space<vmem>>, vector<16xi32>,
    %swap3A_377 = arith.constant 2992 : index
    %swap3A_378 = tpu.vector_load %arg10[%swap3A_377] {strides = array<i32>} : memref<3072xi32, #tpu.memory_space<vmem>>, vector<16xi32>,
    tpu.vector_store %arg10[%swap3A_377], %broadcast_in_dim3A_3 {strides = array<i32>} : memref<3072xi32, #tpu.memory_space<vmem>>, vector<16xi32>,
    %swap3A_379 = arith.constant 3008 : index
    %swap3A_380 = tpu.vector_load %arg10[%swap3A_379] {strides = array<i32>} : memref<3072xi32, #tpu.memory_space<vmem>>, vector<16xi32>,
    tpu.vector_store %arg10[%swap3A_379], %broadcast_in_dim3A_3 {strides = array<i32>} : memref<3072xi32, #tpu.memory_space<vmem>>, vector<16xi32>,
    %swap3A_381 = arith.constant 3024 : index
    %swap3A_382 = tpu.vector_load %arg10[%swap3A_381] {strides = array<i32>} : memref<3072xi32, #tpu.memory_space<vmem>>, vector<16xi32>,
    tpu.vector_store %arg10[%swap3A_381], %broadcast_in_dim3A_3 {strides = array<i32>} : memref<3072xi32, #tpu.memory_space<vmem>>, vector<16xi32>,
    %swap3A_383 = arith.constant 3040 : index
    %swap3A_384 = tpu.vector_load %arg10[%swap3A_383] {strides = array<i32>} : memref<3072xi32, #tpu.memory_space<vmem>>, vector<16xi32>,
    tpu.vector_store %arg10[%swap3A_383], %broadcast_in_dim3A_3 {strides = array<i32>} : memref<3072xi32, #tpu.memory_space<vmem>>, vector<16xi32>,
    %swap3A_385 = arith.constant 3056 : index
    %swap3A_386 = tpu.vector_load %arg10[%swap3A_385] {strides = array<i32>} : memref<3072xi32, #tpu.memory_space<vmem>>, vector<16xi32>,
    tpu.vector_store %arg10[%swap3A_385], %broadcast_in_dim3A_3 {strides = array<i32>} : memref<3072xi32, #tpu.memory_space<vmem>>, vector<16xi32>,
    %scan3A = arith.constant 0 : i32
    %scan3A_387 = arith.constant 0 : i32
    %scan3A_388 = arith.constant 128 : i32
    %scan3A_389 = arith.addi %scan3A_387, %scan3A_388 : i32
    %scan3A_390 = arith.constant 1 : i32
    %scan3A_391 = scf.for %scan3A_409 = %scan3A_387 to %scan3A_389 step %scan3A_390 iter_args(%scan3A_410 = %scan3A) -> (i32)  : i32 {
      %mul3A_411 = arith.constant 16 : i32
      %mul3A_412 = arith.muli %mul3A_411, %scan3A_409 : i32
      %add3A = vector.broadcast %mul3A_412 : i32 to vector<16xi32>
      %add3A_413 = arith.addi %add3A, %iota3A : vector<16xi32>
      %mul3A_414 = arith.constant 3 : i32
      %mul3A_415 = vector.broadcast %mul3A_414 : i32 to vector<16xi32>
      %mul3A_416 = arith.muli %add3A_413, %mul3A_415 : vector<16xi32>
      %gather3A = tpu.vector_load_idx %arg8[%mul3A_416] : memref<6144xf32, #tpu.memory_space<vmem>>[vector<16xi32>], vector<16xf32>,
      %add3A_417 = arith.constant 1 : i32
      %add3A_418 = vector.broadcast %add3A_417 : i32 to vector<16xi32>
      %add3A_419 = arith.addi %mul3A_416, %add3A_418 : vector<16xi32>
      %gather3A_420 = tpu.vector_load_idx %arg8[%add3A_419] : memref<6144xf32, #tpu.memory_space<vmem>>[vector<16xi32>], vector<16xf32>,
      %add3A_421 = arith.constant 2 : i32
      %add3A_422 = vector.broadcast %add3A_421 : i32 to vector<16xi32>
      %add3A_423 = arith.addi %mul3A_416, %add3A_422 : vector<16xi32>
      %gather3A_424 = tpu.vector_load_idx %arg8[%add3A_423] : memref<6144xf32, #tpu.memory_space<vmem>>[vector<16xi32>], vector<16xf32>,
      %mul3A_425 = arith.constant 1.000000e+01 : f32
      %mul3A_426 = vector.broadcast %mul3A_425 : f32 to vector<16xf32>
      %mul3A_427 = arith.mulf %gather3A, %mul3A_426 : vector<16xf32>
      %convert_element_type3A_428 = arith.fptosi %mul3A_427 : vector<16xf32> to vector<16xi32>
      %min3A = arith.constant 9 : i32
      %min3A_429 = vector.broadcast %min3A : i32 to vector<16xi32>
      %min3A_430 = arith.minsi %convert_element_type3A_428, %min3A_429 : vector<16xi32>
      %mul3A_431 = arith.constant 10 : i32
      %mul3A_432 = vector.broadcast %mul3A_431 : i32 to vector<16xi32>
      %mul3A_433 = arith.muli %min3A_430, %mul3A_432 : vector<16xi32>
      %mul3A_434 = arith.constant 1.000000e+01 : f32
      %mul3A_435 = vector.broadcast %mul3A_434 : f32 to vector<16xf32>
      %mul3A_436 = arith.mulf %gather3A_420, %mul3A_435 : vector<16xf32>
      %convert_element_type3A_437 = arith.fptosi %mul3A_436 : vector<16xf32> to vector<16xi32>
      %min3A_438 = arith.constant 9 : i32
      %min3A_439 = vector.broadcast %min3A_438 : i32 to vector<16xi32>
      %min3A_440 = arith.minsi %convert_element_type3A_437, %min3A_439 : vector<16xi32>
      %add3A_441 = arith.addi %mul3A_433, %min3A_440 : vector<16xi32>
      %mul3A_442 = arith.constant 30 : i32
      %mul3A_443 = vector.broadcast %mul3A_442 : i32 to vector<16xi32>
      %mul3A_444 = arith.muli %add3A_441, %mul3A_443 : vector<16xi32>
      %mul3A_445 = arith.constant 3.000000e+01 : f32
      %mul3A_446 = vector.broadcast %mul3A_445 : f32 to vector<16xf32>
      %mul3A_447 = arith.mulf %gather3A_424, %mul3A_446 : vector<16xf32>
      %convert_element_type3A_448 = arith.fptosi %mul3A_447 : vector<16xf32> to vector<16xi32>
      %min3A_449 = arith.constant 29 : i32
      %min3A_450 = vector.broadcast %min3A_449 : i32 to vector<16xi32>
      %min3A_451 = arith.minsi %convert_element_type3A_448, %min3A_450 : vector<16xi32>
      %add3A_452 = arith.addi %mul3A_444, %min3A_451 : vector<16xi32>
      %mul3A_453 = arith.constant 16 : i32
      %mul3A_454 = arith.muli %mul3A_453, %scan3A_409 : i32
      %swap3A_455 = arith.index_cast %mul3A_454 : i32 to index
      %swap3A_456 = tpu.vector_load %arg9[%swap3A_455] {strides = array<i32>} : memref<2048xi32, #tpu.memory_space<vmem>>, vector<16xi32>,
      tpu.vector_store %arg9[%swap3A_455], %add3A_452 {strides = array<i32>} : memref<2048xi32, #tpu.memory_space<vmem>>, vector<16xi32>,
      %broadcast_in_dim3A_457 = arith.constant true
      %broadcast_in_dim3A_458 = vector.broadcast %broadcast_in_dim3A_457 : i1 to vector<16xi1>
      %unique3A, %unique3A_459 = tpu.scan_count mask(%broadcast_in_dim3A_458 : vector<16xi1>) value(%add3A_452 : vector<16xi32>) : vector<16xi1>, vector<16xi32>
      %gather3A_460 = tpu.vector_load_idx %arg10[%add3A_452] : memref<3072xi32, #tpu.memory_space<vmem>>[vector<16xi32>], vector<16xi32>,
      %add3A_461 = arith.addi %gather3A_460, %unique3A_459 : vector<16xi32>
      tpu.vector_store_idx %arg10[%add3A_452], %add3A_461 masked %unique3A : memref<3072xi32, #tpu.memory_space<vmem>>[vector<16xi32>], vector<16xi32>, vector<16xi1>
      %scan3A_462 = arith.constant 0 : i32
      scf.yield %scan3A_462 : i32
    }
    %scan3A_392 = arith.constant 128 : i32
    "tpu.region"() ({
      %run_scoped3A = tpu.sem_alloc : memref<!tpu.dma_semaphore, #tpu.memory_space<semaphore_mem>>
      %dma_start3A = arith.constant 0 : i32
      %dma_start3A_409 = tpu.memref_slice %arg11[%arg1, %dma_start3A] : memref<16x3072xi32, #tpu.memory_space<vmem_shared>> -> memref<1x3072xi32, #tpu.memory_space<vmem_shared>>
      %dma_start3A_410 = tpu.memref_squeeze %dma_start3A_409 : memref<1x3072xi32, #tpu.memory_space<vmem_shared>> -> memref<3072xi32, #tpu.memory_space<vmem_shared>>
      %dma_start3A_411 = arith.constant 0 : i32
      %dma_start3A_412 = tpu.memref_slice %arg11[%arg1, %dma_start3A_411] : memref<16x3072xi32, #tpu.memory_space<vmem_shared>> -> memref<1x3072xi32, #tpu.memory_space<vmem_shared>>
      %dma_start3A_413 = tpu.memref_squeeze %dma_start3A_412 : memref<1x3072xi32, #tpu.memory_space<vmem_shared>> -> memref<3072xi32, #tpu.memory_space<vmem_shared>>
      tpu.enqueue_dma source(%arg10 : memref<3072xi32, #tpu.memory_space<vmem>>) target(%dma_start3A_413 : memref<3072xi32, #tpu.memory_space<vmem_shared>>) target_semaphore(%run_scoped3A : memref<!tpu.dma_semaphore, #tpu.memory_space<semaphore_mem>>)
      %dma_wait3A = arith.constant 0 : i32
      %dma_wait3A_414 = tpu.memref_slice %arg11[%arg1, %dma_wait3A] : memref<16x3072xi32, #tpu.memory_space<vmem_shared>> -> memref<1x3072xi32, #tpu.memory_space<vmem_shared>>
      %dma_wait3A_415 = tpu.memref_squeeze %dma_wait3A_414 : memref<1x3072xi32, #tpu.memory_space<vmem_shared>> -> memref<3072xi32, #tpu.memory_space<vmem_shared>>
      %dma_wait3A_416 = arith.constant 0 : i32
      %dma_wait3A_417 = tpu.memref_slice %arg11[%arg1, %dma_wait3A_416] : memref<16x3072xi32, #tpu.memory_space<vmem_shared>> -> memref<1x3072xi32, #tpu.memory_space<vmem_shared>>
      %dma_wait3A_418 = tpu.memref_squeeze %dma_wait3A_417 : memref<1x3072xi32, #tpu.memory_space<vmem_shared>> -> memref<3072xi32, #tpu.memory_space<vmem_shared>>
      tpu.wait_dma2 semaphore(%run_scoped3A : memref<!tpu.dma_semaphore, #tpu.memory_space<semaphore_mem>>) src(%arg10 : memref<3072xi32, #tpu.memory_space<vmem>>) dst(%dma_wait3A_418 : memref<3072xi32, #tpu.memory_space<vmem_shared>>)
      tpu.yield
    }) : () -> ()
    %barrier3A = arith.constant 0 : index
    tpu.barrier barrier_id(%barrier3A)
    "tpu.region"() ({
      %run_scoped3A = tpu.sem_alloc : memref<!tpu.dma_semaphore, #tpu.memory_space<semaphore_mem>>
      tpu.enqueue_dma source(%arg11 : memref<16x3072xi32, #tpu.memory_space<vmem_shared>>) target(%arg12 : memref<16x3072xi32, #tpu.memory_space<vmem>>) target_semaphore(%run_scoped3A : memref<!tpu.dma_semaphore, #tpu.memory_space<semaphore_mem>>)
      tpu.wait_dma2 semaphore(%run_scoped3A : memref<!tpu.dma_semaphore, #tpu.memory_space<semaphore_mem>>) src(%arg11 : memref<16x3072xi32, #tpu.memory_space<vmem_shared>>) dst(%arg12 : memref<16x3072xi32, #tpu.memory_space<vmem>>)
      tpu.yield
    }) : () -> ()
    %scan3A_393 = arith.constant 0 : i32
    %scan3A_394 = arith.constant 0 : i32
    %scan3A_395 = arith.constant 192 : i32
    %scan3A_396 = arith.addi %scan3A_394, %scan3A_395 : i32
    %scan3A_397 = arith.constant 1 : i32
    %scan3A_398 = scf.for %scan3A_409 = %scan3A_394 to %scan3A_396 step %scan3A_397 iter_args(%scan3A_410 = %scan3A_393) -> (i32)  : i32 {
      %broadcast_in_dim3A_411 = arith.constant 0 : i32
      %broadcast_in_dim3A_412 = vector.broadcast %broadcast_in_dim3A_411 : i32 to vector<16xi32>
      %broadcast_in_dim3A_413 = arith.constant 0 : i32
      %broadcast_in_dim3A_414 = vector.broadcast %broadcast_in_dim3A_413 : i32 to vector<16xi32>
      %mul3A_415 = arith.constant 16 : i32
      %mul3A_416 = arith.muli %mul3A_415, %scan3A_409 : i32
      %get3A = arith.constant 0 : i32
      %get3A_417 = arith.index_cast %get3A : i32 to index
      %get3A_418 = arith.index_cast %mul3A_416 : i32 to index
      %get3A_419 = tpu.vector_load %arg12[%get3A_417, %get3A_418] {strides = array<i32>} : memref<16x3072xi32, #tpu.memory_space<vmem>>, vector<16xi32>,
      %eq3A_420 = arith.constant 0 : i32
      %eq3A_421 = arith.cmpi eq, %arg1, %eq3A_420 : i32
      %select_n3A = arith.select %eq3A_421, %broadcast_in_dim3A_412, %broadcast_in_dim3A_414 : vector<16xi32>
      %add3A = arith.addi %broadcast_in_dim3A_412, %get3A_419 : vector<16xi32>
      %mul3A_422 = arith.constant 16 : i32
      %mul3A_423 = arith.muli %mul3A_422, %scan3A_409 : i32
      %get3A_424 = arith.constant 1 : i32
      %get3A_425 = arith.index_cast %get3A_424 : i32 to index
      %get3A_426 = arith.index_cast %mul3A_423 : i32 to index
      %get3A_427 = tpu.vector_load %arg12[%get3A_425, %get3A_426] {strides = array<i32>} : memref<16x3072xi32, #tpu.memory_space<vmem>>, vector<16xi32>,
      %eq3A_428 = arith.constant 1 : i32
      %eq3A_429 = arith.cmpi eq, %arg1, %eq3A_428 : i32
      %select_n3A_430 = arith.select %eq3A_429, %add3A, %select_n3A : vector<16xi32>
      %add3A_431 = arith.addi %add3A, %get3A_427 : vector<16xi32>
      %mul3A_432 = arith.constant 16 : i32
      %mul3A_433 = arith.muli %mul3A_432, %scan3A_409 : i32
      %get3A_434 = arith.constant 2 : i32
      %get3A_435 = arith.index_cast %get3A_434 : i32 to index
      %get3A_436 = arith.index_cast %mul3A_433 : i32 to index
      %get3A_437 = tpu.vector_load %arg12[%get3A_435, %get3A_436] {strides = array<i32>} : memref<16x3072xi32, #tpu.memory_space<vmem>>, vector<16xi32>,
      %eq3A_438 = arith.constant 2 : i32
      %eq3A_439 = arith.cmpi eq, %arg1, %eq3A_438 : i32
      %select_n3A_440 = arith.select %eq3A_439, %add3A_431, %select_n3A_430 : vector<16xi32>
      %add3A_441 = arith.addi %add3A_431, %get3A_437 : vector<16xi32>
      %mul3A_442 = arith.constant 16 : i32
      %mul3A_443 = arith.muli %mul3A_442, %scan3A_409 : i32
      %get3A_444 = arith.constant 3 : i32
      %get3A_445 = arith.index_cast %get3A_444 : i32 to index
      %get3A_446 = arith.index_cast %mul3A_443 : i32 to index
      %get3A_447 = tpu.vector_load %arg12[%get3A_445, %get3A_446] {strides = array<i32>} : memref<16x3072xi32, #tpu.memory_space<vmem>>, vector<16xi32>,
      %eq3A_448 = arith.constant 3 : i32
      %eq3A_449 = arith.cmpi eq, %arg1, %eq3A_448 : i32
      %select_n3A_450 = arith.select %eq3A_449, %add3A_441, %select_n3A_440 : vector<16xi32>
      %add3A_451 = arith.addi %add3A_441, %get3A_447 : vector<16xi32>
      %mul3A_452 = arith.constant 16 : i32
      %mul3A_453 = arith.muli %mul3A_452, %scan3A_409 : i32
      %get3A_454 = arith.constant 4 : i32
      %get3A_455 = arith.index_cast %get3A_454 : i32 to index
      %get3A_456 = arith.index_cast %mul3A_453 : i32 to index
      %get3A_457 = tpu.vector_load %arg12[%get3A_455, %get3A_456] {strides = array<i32>} : memref<16x3072xi32, #tpu.memory_space<vmem>>, vector<16xi32>,
      %eq3A_458 = arith.constant 4 : i32
      %eq3A_459 = arith.cmpi eq, %arg1, %eq3A_458 : i32
      %select_n3A_460 = arith.select %eq3A_459, %add3A_451, %select_n3A_450 : vector<16xi32>
      %add3A_461 = arith.addi %add3A_451, %get3A_457 : vector<16xi32>
      %mul3A_462 = arith.constant 16 : i32
      %mul3A_463 = arith.muli %mul3A_462, %scan3A_409 : i32
      %get3A_464 = arith.constant 5 : i32
      %get3A_465 = arith.index_cast %get3A_464 : i32 to index
      %get3A_466 = arith.index_cast %mul3A_463 : i32 to index
      %get3A_467 = tpu.vector_load %arg12[%get3A_465, %get3A_466] {strides = array<i32>} : memref<16x3072xi32, #tpu.memory_space<vmem>>, vector<16xi32>,
      %eq3A_468 = arith.constant 5 : i32
      %eq3A_469 = arith.cmpi eq, %arg1, %eq3A_468 : i32
      %select_n3A_470 = arith.select %eq3A_469, %add3A_461, %select_n3A_460 : vector<16xi32>
      %add3A_471 = arith.addi %add3A_461, %get3A_467 : vector<16xi32>
      %mul3A_472 = arith.constant 16 : i32
      %mul3A_473 = arith.muli %mul3A_472, %scan3A_409 : i32
      %get3A_474 = arith.constant 6 : i32
      %get3A_475 = arith.index_cast %get3A_474 : i32 to index
      %get3A_476 = arith.index_cast %mul3A_473 : i32 to index
      %get3A_477 = tpu.vector_load %arg12[%get3A_475, %get3A_476] {strides = array<i32>} : memref<16x3072xi32, #tpu.memory_space<vmem>>, vector<16xi32>,
      %eq3A_478 = arith.constant 6 : i32
      %eq3A_479 = arith.cmpi eq, %arg1, %eq3A_478 : i32
      %select_n3A_480 = arith.select %eq3A_479, %add3A_471, %select_n3A_470 : vector<16xi32>
      %add3A_481 = arith.addi %add3A_471, %get3A_477 : vector<16xi32>
      %mul3A_482 = arith.constant 16 : i32
      %mul3A_483 = arith.muli %mul3A_482, %scan3A_409 : i32
      %get3A_484 = arith.constant 7 : i32
      %get3A_485 = arith.index_cast %get3A_484 : i32 to index
      %get3A_486 = arith.index_cast %mul3A_483 : i32 to index
      %get3A_487 = tpu.vector_load %arg12[%get3A_485, %get3A_486] {strides = array<i32>} : memref<16x3072xi32, #tpu.memory_space<vmem>>, vector<16xi32>,
      %eq3A_488 = arith.constant 7 : i32
      %eq3A_489 = arith.cmpi eq, %arg1, %eq3A_488 : i32
      %select_n3A_490 = arith.select %eq3A_489, %add3A_481, %select_n3A_480 : vector<16xi32>
      %add3A_491 = arith.addi %add3A_481, %get3A_487 : vector<16xi32>
      %mul3A_492 = arith.constant 16 : i32
      %mul3A_493 = arith.muli %mul3A_492, %scan3A_409 : i32
      %get3A_494 = arith.constant 8 : i32
      %get3A_495 = arith.index_cast %get3A_494 : i32 to index
      %get3A_496 = arith.index_cast %mul3A_493 : i32 to index
      %get3A_497 = tpu.vector_load %arg12[%get3A_495, %get3A_496] {strides = array<i32>} : memref<16x3072xi32, #tpu.memory_space<vmem>>, vector<16xi32>,
      %eq3A_498 = arith.constant 8 : i32
      %eq3A_499 = arith.cmpi eq, %arg1, %eq3A_498 : i32
      %select_n3A_500 = arith.select %eq3A_499, %add3A_491, %select_n3A_490 : vector<16xi32>
      %add3A_501 = arith.addi %add3A_491, %get3A_497 : vector<16xi32>
      %mul3A_502 = arith.constant 16 : i32
      %mul3A_503 = arith.muli %mul3A_502, %scan3A_409 : i32
      %get3A_504 = arith.constant 9 : i32
      %get3A_505 = arith.index_cast %get3A_504 : i32 to index
      %get3A_506 = arith.index_cast %mul3A_503 : i32 to index
      %get3A_507 = tpu.vector_load %arg12[%get3A_505, %get3A_506] {strides = array<i32>} : memref<16x3072xi32, #tpu.memory_space<vmem>>, vector<16xi32>,
      %eq3A_508 = arith.constant 9 : i32
      %eq3A_509 = arith.cmpi eq, %arg1, %eq3A_508 : i32
      %select_n3A_510 = arith.select %eq3A_509, %add3A_501, %select_n3A_500 : vector<16xi32>
      %add3A_511 = arith.addi %add3A_501, %get3A_507 : vector<16xi32>
      %mul3A_512 = arith.constant 16 : i32
      %mul3A_513 = arith.muli %mul3A_512, %scan3A_409 : i32
      %get3A_514 = arith.constant 10 : i32
      %get3A_515 = arith.index_cast %get3A_514 : i32 to index
      %get3A_516 = arith.index_cast %mul3A_513 : i32 to index
      %get3A_517 = tpu.vector_load %arg12[%get3A_515, %get3A_516] {strides = array<i32>} : memref<16x3072xi32, #tpu.memory_space<vmem>>, vector<16xi32>,
      %eq3A_518 = arith.constant 10 : i32
      %eq3A_519 = arith.cmpi eq, %arg1, %eq3A_518 : i32
      %select_n3A_520 = arith.select %eq3A_519, %add3A_511, %select_n3A_510 : vector<16xi32>
      %add3A_521 = arith.addi %add3A_511, %get3A_517 : vector<16xi32>
      %mul3A_522 = arith.constant 16 : i32
      %mul3A_523 = arith.muli %mul3A_522, %scan3A_409 : i32
      %get3A_524 = arith.constant 11 : i32
      %get3A_525 = arith.index_cast %get3A_524 : i32 to index
      %get3A_526 = arith.index_cast %mul3A_523 : i32 to index
      %get3A_527 = tpu.vector_load %arg12[%get3A_525, %get3A_526] {strides = array<i32>} : memref<16x3072xi32, #tpu.memory_space<vmem>>, vector<16xi32>,
      %eq3A_528 = arith.constant 11 : i32
      %eq3A_529 = arith.cmpi eq, %arg1, %eq3A_528 : i32
      %select_n3A_530 = arith.select %eq3A_529, %add3A_521, %select_n3A_520 : vector<16xi32>
      %add3A_531 = arith.addi %add3A_521, %get3A_527 : vector<16xi32>
      %mul3A_532 = arith.constant 16 : i32
      %mul3A_533 = arith.muli %mul3A_532, %scan3A_409 : i32
      %get3A_534 = arith.constant 12 : i32
      %get3A_535 = arith.index_cast %get3A_534 : i32 to index
      %get3A_536 = arith.index_cast %mul3A_533 : i32 to index
      %get3A_537 = tpu.vector_load %arg12[%get3A_535, %get3A_536] {strides = array<i32>} : memref<16x3072xi32, #tpu.memory_space<vmem>>, vector<16xi32>,
      %eq3A_538 = arith.constant 12 : i32
      %eq3A_539 = arith.cmpi eq, %arg1, %eq3A_538 : i32
      %select_n3A_540 = arith.select %eq3A_539, %add3A_531, %select_n3A_530 : vector<16xi32>
      %add3A_541 = arith.addi %add3A_531, %get3A_537 : vector<16xi32>
      %mul3A_542 = arith.constant 16 : i32
      %mul3A_543 = arith.muli %mul3A_542, %scan3A_409 : i32
      %get3A_544 = arith.constant 13 : i32
      %get3A_545 = arith.index_cast %get3A_544 : i32 to index
      %get3A_546 = arith.index_cast %mul3A_543 : i32 to index
      %get3A_547 = tpu.vector_load %arg12[%get3A_545, %get3A_546] {strides = array<i32>} : memref<16x3072xi32, #tpu.memory_space<vmem>>, vector<16xi32>,
      %eq3A_548 = arith.constant 13 : i32
      %eq3A_549 = arith.cmpi eq, %arg1, %eq3A_548 : i32
      %select_n3A_550 = arith.select %eq3A_549, %add3A_541, %select_n3A_540 : vector<16xi32>
      %add3A_551 = arith.addi %add3A_541, %get3A_547 : vector<16xi32>
      %mul3A_552 = arith.constant 16 : i32
      %mul3A_553 = arith.muli %mul3A_552, %scan3A_409 : i32
      %get3A_554 = arith.constant 14 : i32
      %get3A_555 = arith.index_cast %get3A_554 : i32 to index
      %get3A_556 = arith.index_cast %mul3A_553 : i32 to index
      %get3A_557 = tpu.vector_load %arg12[%get3A_555, %get3A_556] {strides = array<i32>} : memref<16x3072xi32, #tpu.memory_space<vmem>>, vector<16xi32>,
      %eq3A_558 = arith.constant 14 : i32
      %eq3A_559 = arith.cmpi eq, %arg1, %eq3A_558 : i32
      %select_n3A_560 = arith.select %eq3A_559, %add3A_551, %select_n3A_550 : vector<16xi32>
      %add3A_561 = arith.addi %add3A_551, %get3A_557 : vector<16xi32>
      %mul3A_562 = arith.constant 16 : i32
      %mul3A_563 = arith.muli %mul3A_562, %scan3A_409 : i32
      %get3A_564 = arith.constant 15 : i32
      %get3A_565 = arith.index_cast %get3A_564 : i32 to index
      %get3A_566 = arith.index_cast %mul3A_563 : i32 to index
      %get3A_567 = tpu.vector_load %arg12[%get3A_565, %get3A_566] {strides = array<i32>} : memref<16x3072xi32, #tpu.memory_space<vmem>>, vector<16xi32>,
      %eq3A_568 = arith.constant 15 : i32
      %eq3A_569 = arith.cmpi eq, %arg1, %eq3A_568 : i32
      %select_n3A_570 = arith.select %eq3A_569, %add3A_561, %select_n3A_560 : vector<16xi32>
      %add3A_571 = arith.addi %add3A_561, %get3A_567 : vector<16xi32>
      %broadcast_in_dim3A_572 = arith.constant true
      %broadcast_in_dim3A_573 = vector.broadcast %broadcast_in_dim3A_572 : i1 to vector<16xi1>
      %masked_cumsum3A = tpu.scan <sum>, %add3A_571 masked %broadcast_in_dim3A_573 : vector<16xi32>, vector<16xi1> -> vector<16xi32>
      %sub3A = arith.subi %masked_cumsum3A, %add3A_571 : vector<16xi32>
      %add3A_574 = vector.broadcast %scan3A_410 : i32 to vector<16xi32>
      %add3A_575 = arith.addi %sub3A, %add3A_574 : vector<16xi32>
      %mul3A_576 = arith.constant 16 : i32
      %mul3A_577 = arith.muli %mul3A_576, %scan3A_409 : i32
      %swap3A_578 = arith.index_cast %mul3A_577 : i32 to index
      %swap3A_579 = tpu.vector_load %arg13[%swap3A_578] {strides = array<i32>} : memref<3072xi32, #tpu.memory_space<vmem>>, vector<16xi32>,
      tpu.vector_store %arg13[%swap3A_578], %add3A_575 {strides = array<i32>} : memref<3072xi32, #tpu.memory_space<vmem>>, vector<16xi32>,
      %add3A_580 = vector.broadcast %scan3A_410 : i32 to vector<16xi32>
      %add3A_581 = arith.addi %sub3A, %add3A_580 : vector<16xi32>
      %add3A_582 = arith.addi %add3A_581, %select_n3A_570 : vector<16xi32>
      %mul3A_583 = arith.constant 16 : i32
      %mul3A_584 = arith.muli %mul3A_583, %scan3A_409 : i32
      %swap3A_585 = arith.index_cast %mul3A_584 : i32 to index
      %swap3A_586 = tpu.vector_load %arg14[%swap3A_585] {strides = array<i32>} : memref<3072xi32, #tpu.memory_space<vmem>>, vector<16xi32>,
      tpu.vector_store %arg14[%swap3A_585], %add3A_582 {strides = array<i32>} : memref<3072xi32, #tpu.memory_space<vmem>>, vector<16xi32>,
      %reduce_max3A = arith.constant true
      %reduce_max3A_587 = vector.broadcast %reduce_max3A : i1 to vector<16xi1>
      %reduce_max3A_588 = arith.constant -2147483648 : i32
      %reduce_max3A_589 = vector.broadcast %reduce_max3A_588 : i32 to vector<16xi32>
      %reduce_max3A_590 = arith.xori %masked_cumsum3A, %reduce_max3A_589 : vector<16xi32>
      %reduce_max3A_591 = tpu.scan <max>, %reduce_max3A_590 masked %reduce_max3A_587 : vector<16xi32>, vector<16xi1> -> vector<16xi32>
      %reduce_max3A_592 = arith.xori %reduce_max3A_591, %reduce_max3A_589 : vector<16xi32>
      %reduce_max3A_593 = vector.extract %reduce_max3A_592[15] : i32 from vector<16xi32>
      %add3A_594 = arith.addi %scan3A_410, %reduce_max3A_593 : i32
      scf.yield %add3A_594 : i32
    }
    %scan3A_399 = arith.constant 192 : i32
    %eq3A = arith.constant 0 : i32
    %eq3A_400 = arith.cmpi eq, %arg1, %eq3A : i32
    %convert_element_type3A = arith.extui %eq3A_400 : i1 to i32
    %cond3A = arith.constant 0 : i32
    %cond3A_401 = arith.cmpi ne, %convert_element_type3A, %cond3A : i32
    scf.if %cond3A_401 {
      %get3A = arith.constant 0 : index
      %get3A_409 = tpu.vector_load %arg9[%get3A] {strides = array<i32>} : memref<2048xi32, #tpu.memory_space<vmem>>, vector<16xi32>,
      %slice3A = vector.extract_strided_slice %get3A_409 {offsets = [0], sizes = [1], strides = [1]} : vector<16xi32> to vector<1xi32>
      %squeeze3A = vector.extract %slice3A[0] : i32 from vector<1xi32>
      %broadcast_in_dim3A_410 = vector.broadcast %squeeze3A : i32 to vector<16xi32>
      %gather3A = tpu.vector_load_idx %arg13[%broadcast_in_dim3A_410] : memref<3072xi32, #tpu.memory_space<vmem>>[vector<16xi32>], vector<16xi32>,
      %slice3A_411 = vector.extract_strided_slice %gather3A {offsets = [0], sizes = [1], strides = [1]} : vector<16xi32> to vector<1xi32>
      %squeeze3A_412 = vector.extract %slice3A_411[0] : i32 from vector<1xi32>
      %iota3A_413 = tpu.iota {dimensions = array<i32: 0>} : vector<16xi32>
      %eq3A_414 = arith.constant 0 : i32
      %eq3A_415 = vector.broadcast %eq3A_414 : i32 to vector<16xi32>
      %eq3A_416 = arith.cmpi eq, %iota3A_413, %eq3A_415 : vector<16xi32>
      %broadcast_in_dim3A_417 = arith.constant 3064 : i32
      %broadcast_in_dim3A_418 = vector.broadcast %broadcast_in_dim3A_417 : i32 to vector<16xi32>
      %broadcast_in_dim3A_419 = vector.broadcast %squeeze3A_412 : i32 to vector<16xi32>
      tpu.vector_store_idx %arg13[%broadcast_in_dim3A_418], %broadcast_in_dim3A_419 masked %eq3A_416 : memref<3072xi32, #tpu.memory_space<vmem>>[vector<16xi32>], vector<16xi32>, vector<16xi1>
      "tpu.region"() ({
        %run_scoped3A = tpu.sem_alloc : memref<!tpu.dma_semaphore, #tpu.memory_space<semaphore_mem>>
        tpu.enqueue_dma source(%arg13 : memref<3072xi32, #tpu.memory_space<vmem>>) target(%arg7 : memref<3072xi32, #tpu.memory_space<hbm>>) target_semaphore(%run_scoped3A : memref<!tpu.dma_semaphore, #tpu.memory_space<semaphore_mem>>)
        tpu.wait_dma2 semaphore(%run_scoped3A : memref<!tpu.dma_semaphore, #tpu.memory_space<semaphore_mem>>) src(%arg13 : memref<3072xi32, #tpu.memory_space<vmem>>) dst(%arg7 : memref<3072xi32, #tpu.memory_space<hbm>>)
        tpu.yield
      }) : () -> ()
    } else {
    }
    %scan3A_402 = arith.constant 0 : i32
    %scan3A_403 = arith.constant 0 : i32
    %scan3A_404 = arith.constant 16 : i32
    %scan3A_405 = arith.addi %scan3A_403, %scan3A_404 : i32
    %scan3A_406 = arith.constant 1 : i32
    %scan3A_407 = scf.for %scan3A_409 = %scan3A_403 to %scan3A_405 step %scan3A_406 iter_args(%scan3A_410 = %scan3A_402) -> (i32)  : i32 {
      %mul3A_411 = arith.constant 128 : i32
      %mul3A_412 = arith.muli %scan3A_409, %mul3A_411 : i32
      %scan3A_413 = arith.constant 0 : i32
      %scan3A_414 = arith.constant 0 : i32
      %scan3A_415 = arith.constant 8 : i32
      %scan3A_416 = arith.addi %scan3A_414, %scan3A_415 : i32
      %scan3A_417 = arith.constant 1 : i32
      %scan3A_418 = scf.for %scan3A_421 = %scan3A_414 to %scan3A_416 step %scan3A_417 iter_args(%scan3A_422 = %scan3A_413) -> (i32)  : i32 {
        %mul3A_423 = arith.constant 16 : i32
        %mul3A_424 = arith.muli %mul3A_423, %scan3A_421 : i32
        %add3A = arith.addi %mul3A_412, %mul3A_424 : i32
        %add3A_425 = vector.broadcast %add3A : i32 to vector<16xi32>
        %add3A_426 = arith.addi %add3A_425, %iota3A : vector<16xi32>
        %mul3A_427 = arith.constant 3 : i32
        %mul3A_428 = vector.broadcast %mul3A_427 : i32 to vector<16xi32>
        %mul3A_429 = arith.muli %add3A_426, %mul3A_428 : vector<16xi32>
        %gather3A = tpu.vector_load_idx %arg8[%mul3A_429] : memref<6144xf32, #tpu.memory_space<vmem>>[vector<16xi32>], vector<16xf32>,
        %mul3A_430 = arith.constant 16 : i32
        %mul3A_431 = arith.muli %mul3A_430, %scan3A_421 : i32
        %swap3A_432 = arith.index_cast %mul3A_431 : i32 to index
        %swap3A_433 = tpu.vector_load %arg17[%swap3A_432] {strides = array<i32>} : memref<128xf32, #tpu.memory_space<vmem>>, vector<16xf32>,
        tpu.vector_store %arg17[%swap3A_432], %gather3A {strides = array<i32>} : memref<128xf32, #tpu.memory_space<vmem>>, vector<16xf32>,
        %add3A_434 = arith.constant 1 : i32
        %add3A_435 = vector.broadcast %add3A_434 : i32 to vector<16xi32>
        %add3A_436 = arith.addi %mul3A_429, %add3A_435 : vector<16xi32>
        %gather3A_437 = tpu.vector_load_idx %arg8[%add3A_436] : memref<6144xf32, #tpu.memory_space<vmem>>[vector<16xi32>], vector<16xf32>,
        %mul3A_438 = arith.constant 16 : i32
        %mul3A_439 = arith.muli %mul3A_438, %scan3A_421 : i32
        %swap3A_440 = arith.index_cast %mul3A_439 : i32 to index
        %swap3A_441 = tpu.vector_load %arg18[%swap3A_440] {strides = array<i32>} : memref<128xf32, #tpu.memory_space<vmem>>, vector<16xf32>,
        tpu.vector_store %arg18[%swap3A_440], %gather3A_437 {strides = array<i32>} : memref<128xf32, #tpu.memory_space<vmem>>, vector<16xf32>,
        %add3A_442 = arith.constant 2 : i32
        %add3A_443 = vector.broadcast %add3A_442 : i32 to vector<16xi32>
        %add3A_444 = arith.addi %mul3A_429, %add3A_443 : vector<16xi32>
        %gather3A_445 = tpu.vector_load_idx %arg8[%add3A_444] : memref<6144xf32, #tpu.memory_space<vmem>>[vector<16xi32>], vector<16xf32>,
        %mul3A_446 = arith.constant 16 : i32
        %mul3A_447 = arith.muli %mul3A_446, %scan3A_421 : i32
        %swap3A_448 = arith.index_cast %mul3A_447 : i32 to index
        %swap3A_449 = tpu.vector_load %arg19[%swap3A_448] {strides = array<i32>} : memref<128xf32, #tpu.memory_space<vmem>>, vector<16xf32>,
        tpu.vector_store %arg19[%swap3A_448], %gather3A_445 {strides = array<i32>} : memref<128xf32, #tpu.memory_space<vmem>>, vector<16xf32>,
        %add3A_450 = arith.addi %mul3A_0, %mul3A_412 : i32
        %mul3A_451 = arith.constant 16 : i32
        %mul3A_452 = arith.muli %mul3A_451, %scan3A_421 : i32
        %add3A_453 = arith.addi %add3A_450, %mul3A_452 : i32
        %add3A_454 = vector.broadcast %add3A_453 : i32 to vector<16xi32>
        %add3A_455 = arith.addi %add3A_454, %iota3A : vector<16xi32>
        %mul3A_456 = arith.constant 16 : i32
        %mul3A_457 = arith.muli %mul3A_456, %scan3A_421 : i32
        %swap3A_458 = arith.index_cast %mul3A_457 : i32 to index
        %swap3A_459 = tpu.vector_load %arg16[%swap3A_458] {strides = array<i32>} : memref<128xi32, #tpu.memory_space<vmem>>, vector<16xi32>,
        tpu.vector_store %arg16[%swap3A_458], %add3A_455 {strides = array<i32>} : memref<128xi32, #tpu.memory_space<vmem>>, vector<16xi32>,
        %mul3A_460 = arith.constant 16 : i32
        %mul3A_461 = arith.muli %mul3A_460, %scan3A_421 : i32
        %add3A_462 = arith.addi %mul3A_412, %mul3A_461 : i32
        %get3A = arith.index_cast %add3A_462 : i32 to index
        %get3A_463 = tpu.vector_load %arg9[%get3A] {strides = array<i32>} : memref<2048xi32, #tpu.memory_space<vmem>>, vector<16xi32>,
        %broadcast_in_dim3A_464 = arith.constant true
        %broadcast_in_dim3A_465 = vector.broadcast %broadcast_in_dim3A_464 : i1 to vector<16xi1>
        %unique3A, %unique3A_466 = tpu.scan_count mask(%broadcast_in_dim3A_465 : vector<16xi1>) value(%get3A_463 : vector<16xi32>) : vector<16xi1>, vector<16xi32>
        %gather3A_467 = tpu.vector_load_idx %arg14[%get3A_463] : memref<3072xi32, #tpu.memory_space<vmem>>[vector<16xi32>], vector<16xi32>,
        %add3A_468 = arith.addi %gather3A_467, %unique3A_466 : vector<16xi32>
        %sub3A = arith.constant 1 : i32
        %sub3A_469 = vector.broadcast %sub3A : i32 to vector<16xi32>
        %sub3A_470 = arith.subi %add3A_468, %sub3A_469 : vector<16xi32>
        %mul3A_471 = arith.constant 16 : i32
        %mul3A_472 = arith.muli %mul3A_471, %scan3A_421 : i32
        %swap3A_473 = arith.index_cast %mul3A_472 : i32 to index
        %swap3A_474 = tpu.vector_load %arg15[%swap3A_473] {strides = array<i32>} : memref<128xi32, #tpu.memory_space<vmem>>, vector<16xi32>,
        tpu.vector_store %arg15[%swap3A_473], %sub3A_470 {strides = array<i32>} : memref<128xi32, #tpu.memory_space<vmem>>, vector<16xi32>,
        %add3A_475 = arith.addi %gather3A_467, %unique3A_466 : vector<16xi32>
        tpu.vector_store_idx %arg14[%get3A_463], %add3A_475 masked %unique3A : memref<3072xi32, #tpu.memory_space<vmem>>[vector<16xi32>], vector<16xi32>, vector<16xi1>
        %scan3A_476 = arith.constant 0 : i32
        scf.yield %scan3A_476 : i32
      }
      %scan3A_419 = arith.constant 8 : i32
      "tpu.region"() ({
        %run_scoped3A = tpu.sem_alloc : memref<!tpu.dma_semaphore, #tpu.memory_space<semaphore_mem>>
        %dma_start3A = arith.constant 0 : i32
        %dma_start3A_421 = tpu.memref_slice %arg3[%dma_start3A] : memref<32768xf32, #tpu.memory_space<hbm>> -> memref<32768xf32, #tpu.memory_space<hbm>>
        tpu.enqueue_indirect_dma source(%arg17 : memref<128xf32, #tpu.memory_space<vmem>>) target(%dma_start3A_421 : memref<32768xf32, #tpu.memory_space<hbm>>) offsets(%arg15 : memref<128xi32, #tpu.memory_space<vmem>>) semaphore(%run_scoped3A : memref<!tpu.dma_semaphore, #tpu.memory_space<semaphore_mem>>)
        %dma_wait3A = arith.constant 0 : i32
        %dma_wait3A_422 = tpu.memref_slice %arg3[%dma_wait3A] : memref<32768xf32, #tpu.memory_space<hbm>> -> memref<32768xf32, #tpu.memory_space<hbm>>
        tpu.wait_indirect_dma semaphore(%run_scoped3A : memref<!tpu.dma_semaphore, #tpu.memory_space<semaphore_mem>>) src(%arg17 : memref<128xf32, #tpu.memory_space<vmem>>) dst(%dma_wait3A_422 : memref<32768xf32, #tpu.memory_space<hbm>>)
        tpu.yield
      }) : () -> ()
      "tpu.region"() ({
        %run_scoped3A = tpu.sem_alloc : memref<!tpu.dma_semaphore, #tpu.memory_space<semaphore_mem>>
        %dma_start3A = arith.constant 0 : i32
        %dma_start3A_421 = tpu.memref_slice %arg4[%dma_start3A] : memref<32768xf32, #tpu.memory_space<hbm>> -> memref<32768xf32, #tpu.memory_space<hbm>>
        tpu.enqueue_indirect_dma source(%arg18 : memref<128xf32, #tpu.memory_space<vmem>>) target(%dma_start3A_421 : memref<32768xf32, #tpu.memory_space<hbm>>) offsets(%arg15 : memref<128xi32, #tpu.memory_space<vmem>>) semaphore(%run_scoped3A : memref<!tpu.dma_semaphore, #tpu.memory_space<semaphore_mem>>)
        %dma_wait3A = arith.constant 0 : i32
        %dma_wait3A_422 = tpu.memref_slice %arg4[%dma_wait3A] : memref<32768xf32, #tpu.memory_space<hbm>> -> memref<32768xf32, #tpu.memory_space<hbm>>
        tpu.wait_indirect_dma semaphore(%run_scoped3A : memref<!tpu.dma_semaphore, #tpu.memory_space<semaphore_mem>>) src(%arg18 : memref<128xf32, #tpu.memory_space<vmem>>) dst(%dma_wait3A_422 : memref<32768xf32, #tpu.memory_space<hbm>>)
        tpu.yield
      }) : () -> ()
      "tpu.region"() ({
        %run_scoped3A = tpu.sem_alloc : memref<!tpu.dma_semaphore, #tpu.memory_space<semaphore_mem>>
        %dma_start3A = arith.constant 0 : i32
        %dma_start3A_421 = tpu.memref_slice %arg5[%dma_start3A] : memref<32768xf32, #tpu.memory_space<hbm>> -> memref<32768xf32, #tpu.memory_space<hbm>>
        tpu.enqueue_indirect_dma source(%arg19 : memref<128xf32, #tpu.memory_space<vmem>>) target(%dma_start3A_421 : memref<32768xf32, #tpu.memory_space<hbm>>) offsets(%arg15 : memref<128xi32, #tpu.memory_space<vmem>>) semaphore(%run_scoped3A : memref<!tpu.dma_semaphore, #tpu.memory_space<semaphore_mem>>)
        %dma_wait3A = arith.constant 0 : i32
        %dma_wait3A_422 = tpu.memref_slice %arg5[%dma_wait3A] : memref<32768xf32, #tpu.memory_space<hbm>> -> memref<32768xf32, #tpu.memory_space<hbm>>
        tpu.wait_indirect_dma semaphore(%run_scoped3A : memref<!tpu.dma_semaphore, #tpu.memory_space<semaphore_mem>>) src(%arg19 : memref<128xf32, #tpu.memory_space<vmem>>) dst(%dma_wait3A_422 : memref<32768xf32, #tpu.memory_space<hbm>>)
        tpu.yield
      }) : () -> ()
      "tpu.region"() ({
        %run_scoped3A = tpu.sem_alloc : memref<!tpu.dma_semaphore, #tpu.memory_space<semaphore_mem>>
        %dma_start3A = arith.constant 0 : i32
        %dma_start3A_421 = tpu.memref_slice %arg6[%dma_start3A] : memref<32768xi32, #tpu.memory_space<hbm>> -> memref<32768xi32, #tpu.memory_space<hbm>>
        tpu.enqueue_indirect_dma source(%arg16 : memref<128xi32, #tpu.memory_space<vmem>>) target(%dma_start3A_421 : memref<32768xi32, #tpu.memory_space<hbm>>) offsets(%arg15 : memref<128xi32, #tpu.memory_space<vmem>>) semaphore(%run_scoped3A : memref<!tpu.dma_semaphore, #tpu.memory_space<semaphore_mem>>)
        %dma_wait3A = arith.constant 0 : i32
        %dma_wait3A_422 = tpu.memref_slice %arg6[%dma_wait3A] : memref<32768xi32, #tpu.memory_space<hbm>> -> memref<32768xi32, #tpu.memory_space<hbm>>
        tpu.wait_indirect_dma semaphore(%run_scoped3A : memref<!tpu.dma_semaphore, #tpu.memory_space<semaphore_mem>>) src(%arg16 : memref<128xi32, #tpu.memory_space<vmem>>) dst(%dma_wait3A_422 : memref<32768xi32, #tpu.memory_space<hbm>>)
        tpu.yield
      }) : () -> ()
      %scan3A_420 = arith.constant 0 : i32
      scf.yield %scan3A_420 : i32
    }
    %scan3A_408 = arith.constant 16 : i32
    return
  }
}

#map = affine_map<(d0, d1) -> (0)>
module attributes {stable_mosaic.version = 14 : i64} {
  func.func @_select_body(%arg0: i32, %arg1: i32, %arg2: memref<32768xf32, #tpu.memory_space<hbm>>, %arg3: memref<32768xf32, #tpu.memory_space<hbm>>, %arg4: memref<32768xf32, #tpu.memory_space<hbm>>, %arg5: memref<3072xi32, #tpu.memory_space<hbm>>, %arg6: memref<49152xf32, #tpu.memory_space<hbm>>, %arg7: memref<1048576xi32, #tpu.memory_space<hbm>>, %arg8: memref<32768xf32, #tpu.memory_space<vmem>>, %arg9: memref<32768xf32, #tpu.memory_space<vmem>>, %arg10: memref<32768xf32, #tpu.memory_space<vmem>>, %arg11: memref<3072xi32, #tpu.memory_space<vmem>>, %arg12: memref<1536xf32, #tpu.memory_space<vmem>>, %arg13: memref<1024xf32, #tpu.memory_space<vmem>>, %arg14: memref<1024xi32, #tpu.memory_space<vmem>>, %arg15: memref<2048xi32, #tpu.memory_space<vmem>>) attributes {dimension_semantics = [#tpu.dimension_semantics<core_parallel>, #tpu.dimension_semantics<subcore_parallel>], iteration_bounds = array<i64: 2, 16>, scalar_prefetch = 0 : i64, scratch_operands = 8 : i64, tpu.core_type = #tpu.core_type<sc_vector_subcore>, window_params = [{transform_indices = #map}, {transform_indices = #map}, {transform_indices = #map}, {transform_indices = #map}, {transform_indices = #map}, {transform_indices = #map}]} {
    %mul3A = arith.constant 2 : i32
    %mul3A_0 = arith.muli %arg1, %mul3A : i32
    %add3A = arith.addi %mul3A_0, %arg0 : i32
    %iota3A = tpu.iota {dimensions = array<i32: 0>} : vector<16xi32>
    "tpu.region"() ({
      %run_scoped3A = tpu.sem_alloc : memref<!tpu.dma_semaphore, #tpu.memory_space<semaphore_mem>>
      tpu.enqueue_dma source(%arg2 : memref<32768xf32, #tpu.memory_space<hbm>>) target(%arg8 : memref<32768xf32, #tpu.memory_space<vmem>>) target_semaphore(%run_scoped3A : memref<!tpu.dma_semaphore, #tpu.memory_space<semaphore_mem>>)
      tpu.wait_dma2 semaphore(%run_scoped3A : memref<!tpu.dma_semaphore, #tpu.memory_space<semaphore_mem>>) src(%arg2 : memref<32768xf32, #tpu.memory_space<hbm>>) dst(%arg8 : memref<32768xf32, #tpu.memory_space<vmem>>)
      tpu.yield
    }) : () -> ()
    "tpu.region"() ({
      %run_scoped3A = tpu.sem_alloc : memref<!tpu.dma_semaphore, #tpu.memory_space<semaphore_mem>>
      tpu.enqueue_dma source(%arg3 : memref<32768xf32, #tpu.memory_space<hbm>>) target(%arg9 : memref<32768xf32, #tpu.memory_space<vmem>>) target_semaphore(%run_scoped3A : memref<!tpu.dma_semaphore, #tpu.memory_space<semaphore_mem>>)
      tpu.wait_dma2 semaphore(%run_scoped3A : memref<!tpu.dma_semaphore, #tpu.memory_space<semaphore_mem>>) src(%arg3 : memref<32768xf32, #tpu.memory_space<hbm>>) dst(%arg9 : memref<32768xf32, #tpu.memory_space<vmem>>)
      tpu.yield
    }) : () -> ()
    "tpu.region"() ({
      %run_scoped3A = tpu.sem_alloc : memref<!tpu.dma_semaphore, #tpu.memory_space<semaphore_mem>>
      tpu.enqueue_dma source(%arg4 : memref<32768xf32, #tpu.memory_space<hbm>>) target(%arg10 : memref<32768xf32, #tpu.memory_space<vmem>>) target_semaphore(%run_scoped3A : memref<!tpu.dma_semaphore, #tpu.memory_space<semaphore_mem>>)
      tpu.wait_dma2 semaphore(%run_scoped3A : memref<!tpu.dma_semaphore, #tpu.memory_space<semaphore_mem>>) src(%arg4 : memref<32768xf32, #tpu.memory_space<hbm>>) dst(%arg10 : memref<32768xf32, #tpu.memory_space<vmem>>)
      tpu.yield
    }) : () -> ()
    "tpu.region"() ({
      %run_scoped3A = tpu.sem_alloc : memref<!tpu.dma_semaphore, #tpu.memory_space<semaphore_mem>>
      tpu.enqueue_dma source(%arg5 : memref<3072xi32, #tpu.memory_space<hbm>>) target(%arg11 : memref<3072xi32, #tpu.memory_space<vmem>>) target_semaphore(%run_scoped3A : memref<!tpu.dma_semaphore, #tpu.memory_space<semaphore_mem>>)
      tpu.wait_dma2 semaphore(%run_scoped3A : memref<!tpu.dma_semaphore, #tpu.memory_space<semaphore_mem>>) src(%arg5 : memref<3072xi32, #tpu.memory_space<hbm>>) dst(%arg11 : memref<3072xi32, #tpu.memory_space<vmem>>)
      tpu.yield
    }) : () -> ()
    %mul3A_1 = arith.constant 512 : i32
    %mul3A_2 = arith.muli %add3A, %mul3A_1 : i32
    %mul3A_3 = arith.constant 3 : i32
    %mul3A_4 = arith.muli %mul3A_2, %mul3A_3 : i32
    "tpu.region"() ({
      %run_scoped3A = tpu.sem_alloc : memref<!tpu.dma_semaphore, #tpu.memory_space<semaphore_mem>>
      %dma_start3A = tpu.memref_slice %arg6[%mul3A_4] : memref<49152xf32, #tpu.memory_space<hbm>> -> memref<1536xf32, #tpu.memory_space<hbm>>
      %dma_start3A_13 = tpu.memref_slice %arg6[%mul3A_4] : memref<49152xf32, #tpu.memory_space<hbm>> -> memref<1536xf32, #tpu.memory_space<hbm>>
      tpu.enqueue_dma source(%dma_start3A_13 : memref<1536xf32, #tpu.memory_space<hbm>>) target(%arg12 : memref<1536xf32, #tpu.memory_space<vmem>>) target_semaphore(%run_scoped3A : memref<!tpu.dma_semaphore, #tpu.memory_space<semaphore_mem>>)
      %dma_wait3A = tpu.memref_slice %arg6[%mul3A_4] : memref<49152xf32, #tpu.memory_space<hbm>> -> memref<1536xf32, #tpu.memory_space<hbm>>
      %dma_wait3A_14 = tpu.memref_slice %arg6[%mul3A_4] : memref<49152xf32, #tpu.memory_space<hbm>> -> memref<1536xf32, #tpu.memory_space<hbm>>
      tpu.wait_dma2 semaphore(%run_scoped3A : memref<!tpu.dma_semaphore, #tpu.memory_space<semaphore_mem>>) src(%dma_wait3A_14 : memref<1536xf32, #tpu.memory_space<hbm>>) dst(%arg12 : memref<1536xf32, #tpu.memory_space<vmem>>)
      tpu.yield
    }) : () -> ()
    %broadcast_in_dim3A = arith.constant 3064 : i32
    %broadcast_in_dim3A_5 = vector.broadcast %broadcast_in_dim3A : i32 to vector<16xi32>
    %gather3A = tpu.vector_load_idx %arg11[%broadcast_in_dim3A_5] : memref<3072xi32, #tpu.memory_space<vmem>>[vector<16xi32>], vector<16xi32>,
    %slice3A = vector.extract_strided_slice %gather3A {offsets = [0], sizes = [1], strides = [1]} : vector<16xi32> to vector<1xi32>
    %squeeze3A = vector.extract %slice3A[0] : i32 from vector<1xi32>
    %scan3A = arith.constant 0.00999999977 : f32
    %scan3A_6 = arith.constant 0 : i32
    %scan3A_7 = arith.constant 0 : i32
    %scan3A_8 = arith.constant 512 : i32
    %scan3A_9 = arith.addi %scan3A_7, %scan3A_8 : i32
    %scan3A_10 = arith.constant 1 : i32
    %scan3A_11 = scf.for %scan3A_13 = %scan3A_7 to %scan3A_9 step %scan3A_10 iter_args(%scan3A_14 = %scan3A_6) -> (i32)  : i32 {
      %lt3A = arith.constant 3 : i32
      %lt3A_15 = vector.broadcast %lt3A : i32 to vector<16xi32>
      %lt3A_16 = arith.cmpi slt, %iota3A, %lt3A_15 : vector<16xi32>
      %lt3A_17 = arith.constant 5 : i32
      %lt3A_18 = vector.broadcast %lt3A_17 : i32 to vector<16xi32>
      %lt3A_19 = arith.cmpi slt, %iota3A, %lt3A_18 : vector<16xi32>
      %lt3A_20 = arith.constant 7 : i32
      %lt3A_21 = vector.broadcast %lt3A_20 : i32 to vector<16xi32>
      %lt3A_22 = arith.cmpi slt, %iota3A, %lt3A_21 : vector<16xi32>
      %lt3A_23 = arith.constant 9 : i32
      %lt3A_24 = vector.broadcast %lt3A_23 : i32 to vector<16xi32>
      %lt3A_25 = arith.cmpi slt, %iota3A, %lt3A_24 : vector<16xi32>
      %jit3A = arith.constant 2 : i32
      %jit3A_26 = arith.constant 0 : i32
      %broadcast_in_dim3A_27 = vector.broadcast %jit3A : i32 to vector<16xi32>
      %broadcast_in_dim3A_28 = vector.broadcast %jit3A_26 : i32 to vector<16xi32>
      %select_n3A = arith.select %lt3A_25, %broadcast_in_dim3A_27, %broadcast_in_dim3A_28 : vector<16xi1>, vector<16xi32>
      %jit3A_29 = arith.constant 1 : i32
      %broadcast_in_dim3A_30 = vector.broadcast %jit3A_29 : i32 to vector<16xi32>
      %select_n3A_31 = arith.select %lt3A_22, %broadcast_in_dim3A_30, %select_n3A : vector<16xi1>, vector<16xi32>
      %jit3A_32 = arith.constant 0 : i32
      %broadcast_in_dim3A_33 = vector.broadcast %jit3A_32 : i32 to vector<16xi32>
      %select_n3A_34 = arith.select %lt3A_19, %broadcast_in_dim3A_33, %select_n3A_31 : vector<16xi1>, vector<16xi32>
      %select_n3A_35 = arith.select %lt3A_16, %iota3A, %select_n3A_34 : vector<16xi1>, vector<16xi32>
      %ge3A = arith.constant 3 : i32
      %ge3A_36 = vector.broadcast %ge3A : i32 to vector<16xi32>
      %ge3A_37 = arith.cmpi sge, %iota3A, %ge3A_36 : vector<16xi32>
      %le3A = arith.constant 8 : i32
      %le3A_38 = vector.broadcast %le3A : i32 to vector<16xi32>
      %le3A_39 = arith.cmpi sle, %iota3A, %le3A_38 : vector<16xi32>
      %and3A = arith.andi %ge3A_37, %le3A_39 : vector<16xi1>
      %and3A_40 = arith.constant 1 : i32
      %and3A_41 = vector.broadcast %and3A_40 : i32 to vector<16xi32>
      %and3A_42 = arith.andi %iota3A, %and3A_41 : vector<16xi32>
      %eq3A = arith.constant 1 : i32
      %eq3A_43 = vector.broadcast %eq3A : i32 to vector<16xi32>
      %eq3A_44 = arith.cmpi eq, %and3A_42, %eq3A_43 : vector<16xi32>
      %jit3A_45 = arith.constant -1.000000e+00 : f32
      %jit3A_46 = arith.constant 1.000000e+00 : f32
      %broadcast_in_dim3A_47 = vector.broadcast %jit3A_45 : f32 to vector<16xf32>
      %broadcast_in_dim3A_48 = vector.broadcast %jit3A_46 : f32 to vector<16xf32>
      %select_n3A_49 = arith.select %eq3A_44, %broadcast_in_dim3A_47, %broadcast_in_dim3A_48 : vector<16xi1>, vector<16xf32>
      %mul3A_50 = arith.constant 1.010000e-01 : f32
      %mul3A_51 = vector.broadcast %mul3A_50 : f32 to vector<16xf32>
      %mul3A_52 = arith.mulf %select_n3A_49, %mul3A_51 : vector<16xf32>
      %jit3A_53 = arith.constant 0.000000e+00 : f32
      %broadcast_in_dim3A_54 = vector.broadcast %jit3A_53 : f32 to vector<16xf32>
      %select_n3A_55 = arith.select %and3A, %mul3A_52, %broadcast_in_dim3A_54 : vector<16xi1>, vector<16xf32>
      %eq3A_56 = arith.constant 2 : i32
      %eq3A_57 = vector.broadcast %eq3A_56 : i32 to vector<16xi32>
      %eq3A_58 = arith.cmpi eq, %iota3A, %eq3A_57 : vector<16xi32>
      %eq3A_59 = arith.constant 7 : i32
      %eq3A_60 = vector.broadcast %eq3A_59 : i32 to vector<16xi32>
      %eq3A_61 = arith.cmpi eq, %iota3A, %eq3A_60 : vector<16xi32>
      %or3A = arith.ori %eq3A_58, %eq3A_61 : vector<16xi1>
      %eq3A_62 = arith.constant 8 : i32
      %eq3A_63 = vector.broadcast %eq3A_62 : i32 to vector<16xi32>
      %eq3A_64 = arith.cmpi eq, %iota3A, %eq3A_63 : vector<16xi32>
      %or3A_65 = arith.ori %or3A, %eq3A_64 : vector<16xi1>
      %jit3A_66 = arith.constant 3.000000e+01 : f32
      %jit3A_67 = arith.constant 1.000000e+01 : f32
      %broadcast_in_dim3A_68 = vector.broadcast %jit3A_66 : f32 to vector<16xf32>
      %broadcast_in_dim3A_69 = vector.broadcast %jit3A_67 : f32 to vector<16xf32>
      %select_n3A_70 = arith.select %or3A_65, %broadcast_in_dim3A_68, %broadcast_in_dim3A_69 : vector<16xi1>, vector<16xf32>
      %mul3A_71 = arith.constant 3 : i32
      %mul3A_72 = arith.muli %mul3A_71, %scan3A_13 : i32
      %add3A_73 = vector.broadcast %mul3A_72 : i32 to vector<16xi32>
      %add3A_74 = arith.addi %add3A_73, %select_n3A_35 : vector<16xi32>
      %gather3A_75 = tpu.vector_load_idx %arg12[%add3A_74] : memref<1536xf32, #tpu.memory_space<vmem>>[vector<16xi32>], vector<16xf32>,
      %slice3A_76 = vector.extract_strided_slice %gather3A_75 {offsets = [0], sizes = [1], strides = [1]} : vector<16xf32> to vector<1xf32>
      %squeeze3A_77 = vector.extract %slice3A_76[0] : f32 from vector<1xf32>
      %slice3A_78 = vector.extract_strided_slice %gather3A_75 {offsets = [1], sizes = [1], strides = [1]} : vector<16xf32> to vector<1xf32>
      %squeeze3A_79 = vector.extract %slice3A_78[0] : f32 from vector<1xf32>
      %slice3A_80 = vector.extract_strided_slice %gather3A_75 {offsets = [2], sizes = [1], strides = [1]} : vector<16xf32> to vector<1xf32>
      %squeeze3A_81 = vector.extract %slice3A_80[0] : f32 from vector<1xf32>
      %add3A_82 = arith.addf %gather3A_75, %select_n3A_55 : vector<16xf32>
      %mul3A_83 = arith.mulf %add3A_82, %select_n3A_70 : vector<16xf32>
      %convert_element_type3A = arith.fptosi %mul3A_83 : vector<16xf32> to vector<16xi32>
      %slice3A_84 = vector.extract_strided_slice %convert_element_type3A {offsets = [3], sizes = [1], strides = [1]} : vector<16xi32> to vector<1xi32>
      %squeeze3A_85 = vector.extract %slice3A_84[0] : i32 from vector<1xi32>
      %max3A = arith.constant 0 : i32
      %max3A_86 = arith.maxsi %squeeze3A_85, %max3A : i32
      %slice3A_87 = vector.extract_strided_slice %convert_element_type3A {offsets = [4], sizes = [1], strides = [1]} : vector<16xi32> to vector<1xi32>
      %squeeze3A_88 = vector.extract %slice3A_87[0] : i32 from vector<1xi32>
      %min3A = arith.constant 9 : i32
      %min3A_89 = arith.minsi %squeeze3A_88, %min3A : i32
      %slice3A_90 = vector.extract_strided_slice %convert_element_type3A {offsets = [5], sizes = [1], strides = [1]} : vector<16xi32> to vector<1xi32>
      %squeeze3A_91 = vector.extract %slice3A_90[0] : i32 from vector<1xi32>
      %max3A_92 = arith.constant 0 : i32
      %max3A_93 = arith.maxsi %squeeze3A_91, %max3A_92 : i32
      %slice3A_94 = vector.extract_strided_slice %convert_element_type3A {offsets = [6], sizes = [1], strides = [1]} : vector<16xi32> to vector<1xi32>
      %squeeze3A_95 = vector.extract %slice3A_94[0] : i32 from vector<1xi32>
      %min3A_96 = arith.constant 9 : i32
      %min3A_97 = arith.minsi %squeeze3A_95, %min3A_96 : i32
      %slice3A_98 = vector.extract_strided_slice %convert_element_type3A {offsets = [7], sizes = [1], strides = [1]} : vector<16xi32> to vector<1xi32>
      %squeeze3A_99 = vector.extract %slice3A_98[0] : i32 from vector<1xi32>
      %max3A_100 = arith.constant 0 : i32
      %max3A_101 = arith.maxsi %squeeze3A_99, %max3A_100 : i32
      %slice3A_102 = vector.extract_strided_slice %convert_element_type3A {offsets = [8], sizes = [1], strides = [1]} : vector<16xi32> to vector<1xi32>
      %squeeze3A_103 = vector.extract %slice3A_102[0] : i32 from vector<1xi32>
      %min3A_104 = arith.constant 29 : i32
      %min3A_105 = arith.minsi %squeeze3A_103, %min3A_104 : i32
      %add3A_106 = arith.constant 1 : i32
      %add3A_107 = arith.addi %min3A_89, %add3A_106 : i32
      %while3A = arith.constant 0 : i32
      %while3A_108 = arith.subi %add3A_107, %max3A_86 : i32
      %while3A_109 = arith.addi %max3A_86, %while3A_108 : i32
      %while3A_110 = arith.constant 1 : i32
      %while3A_111 = arith.divsi %while3A_108, %while3A_110 : i32
      %while3A_112 = arith.muli %while3A_111, %while3A_110 : i32
      %while3A_113 = arith.addi %max3A_86, %while3A_112 : i32
      %while3A_114 = arith.constant 1 : i32
      %while3A_115 = scf.for %while3A_216 = %max3A_86 to %while3A_113 step %while3A_114 iter_args(%while3A_217 = %while3A) -> (i32)  : i32 {
        %add3A_218 = arith.constant 1 : i32
        %add3A_219 = arith.addi %min3A_97, %add3A_218 : i32
        %while3A_220 = arith.subi %add3A_219, %max3A_93 : i32
        %while3A_221 = arith.addi %max3A_93, %while3A_220 : i32
        %while3A_222 = arith.constant 1 : i32
        %while3A_223 = arith.divsi %while3A_220, %while3A_222 : i32
        %while3A_224 = arith.muli %while3A_223, %while3A_222 : i32
        %while3A_225 = arith.addi %max3A_93, %while3A_224 : i32
        %while3A_226 = arith.constant 1 : i32
        %while3A_227 = scf.for %while3A_230 = %max3A_93 to %while3A_225 step %while3A_226 iter_args(%while3A_231 = %while3A_217) -> (i32)  : i32 {
          %mul3A_232 = arith.constant 10 : i32
          %mul3A_233 = arith.muli %while3A_216, %mul3A_232 : i32
          %add3A_234 = arith.addi %mul3A_233, %while3A_230 : i32
          %mul3A_235 = arith.constant 30 : i32
          %mul3A_236 = arith.muli %add3A_234, %mul3A_235 : i32
          %add3A_237 = arith.addi %mul3A_236, %max3A_101 : i32
          %broadcast_in_dim3A_238 = vector.broadcast %add3A_237 : i32 to vector<16xi32>
          %gather3A_239 = tpu.vector_load_idx %arg11[%broadcast_in_dim3A_238] : memref<3072xi32, #tpu.memory_space<vmem>>[vector<16xi32>], vector<16xi32>,
          %slice3A_240 = vector.extract_strided_slice %gather3A_239 {offsets = [0], sizes = [1], strides = [1]} : vector<16xi32> to vector<1xi32>
          %squeeze3A_241 = vector.extract %slice3A_240[0] : i32 from vector<1xi32>
          %add3A_242 = arith.addi %mul3A_236, %min3A_105 : i32
          %add3A_243 = arith.constant 1 : i32
          %add3A_244 = arith.addi %add3A_242, %add3A_243 : i32
          %broadcast_in_dim3A_245 = vector.broadcast %add3A_244 : i32 to vector<16xi32>
          %gather3A_246 = tpu.vector_load_idx %arg11[%broadcast_in_dim3A_245] : memref<3072xi32, #tpu.memory_space<vmem>>[vector<16xi32>], vector<16xi32>,
          %slice3A_247 = vector.extract_strided_slice %gather3A_246 {offsets = [0], sizes = [1], strides = [1]} : vector<16xi32> to vector<1xi32>
          %squeeze3A_248 = vector.extract %slice3A_247[0] : i32 from vector<1xi32>
          %sub3A_249 = arith.subi %squeeze3A_248, %squeeze3A_241 : i32
          %add3A_250 = arith.constant 15 : i32
          %add3A_251 = arith.addi %sub3A_249, %add3A_250 : i32
          %jit3A_252 = arith.constant 16 : i32
          %div3A_253 = arith.divsi %add3A_251, %jit3A_252 : i32
          %sign3A_254 = arith.constant 0 : i32
          %sign3A_255 = arith.cmpi sgt, %add3A_251, %sign3A_254 : i32
          %sign3A_256 = arith.extui %sign3A_255 : i1 to i32
          %sign3A_257 = arith.constant 0 : i32
          %sign3A_258 = arith.cmpi slt, %add3A_251, %sign3A_257 : i32
          %sign3A_259 = arith.extui %sign3A_258 : i1 to i32
          %sign3A_260 = arith.subi %sign3A_256, %sign3A_259 : i32
          %sign3A_261 = arith.constant 0 : i32
          %sign3A_262 = arith.cmpi sgt, %jit3A_252, %sign3A_261 : i32
          %sign3A_263 = arith.extui %sign3A_262 : i1 to i32
          %sign3A_264 = arith.constant 0 : i32
          %sign3A_265 = arith.cmpi slt, %jit3A_252, %sign3A_264 : i32
          %sign3A_266 = arith.extui %sign3A_265 : i1 to i32
          %sign3A_267 = arith.subi %sign3A_263, %sign3A_266 : i32
          %ne3A_268 = arith.cmpi ne, %sign3A_260, %sign3A_267 : i32
          %rem3A_269 = arith.remsi %add3A_251, %jit3A_252 : i32
          %ne3A_270 = arith.constant 0 : i32
          %ne3A_271 = arith.cmpi ne, %rem3A_269, %ne3A_270 : i32
          %and3A_272 = arith.andi %ne3A_268, %ne3A_271 : i1
          %sub3A_273 = arith.constant 1 : i32
          %sub3A_274 = arith.subi %div3A_253, %sub3A_273 : i32
          %select_n3A_275 = arith.select %and3A_272, %sub3A_274, %div3A_253 : i32
          %add3A_276 = arith.constant 1 : i32
          %add3A_277 = arith.addi %select_n3A_275, %add3A_276 : i32
          %jit3A_278 = arith.constant 2 : i32
          %div3A_279 = arith.divsi %add3A_277, %jit3A_278 : i32
          %sign3A_280 = arith.constant 0 : i32
          %sign3A_281 = arith.cmpi sgt, %add3A_277, %sign3A_280 : i32
          %sign3A_282 = arith.extui %sign3A_281 : i1 to i32
          %sign3A_283 = arith.constant 0 : i32
          %sign3A_284 = arith.cmpi slt, %add3A_277, %sign3A_283 : i32
          %sign3A_285 = arith.extui %sign3A_284 : i1 to i32
          %sign3A_286 = arith.subi %sign3A_282, %sign3A_285 : i32
          %sign3A_287 = arith.constant 0 : i32
          %sign3A_288 = arith.cmpi sgt, %jit3A_278, %sign3A_287 : i32
          %sign3A_289 = arith.extui %sign3A_288 : i1 to i32
          %sign3A_290 = arith.constant 0 : i32
          %sign3A_291 = arith.cmpi slt, %jit3A_278, %sign3A_290 : i32
          %sign3A_292 = arith.extui %sign3A_291 : i1 to i32
          %sign3A_293 = arith.subi %sign3A_289, %sign3A_292 : i32
          %ne3A_294 = arith.cmpi ne, %sign3A_286, %sign3A_293 : i32
          %rem3A_295 = arith.remsi %add3A_277, %jit3A_278 : i32
          %ne3A_296 = arith.constant 0 : i32
          %ne3A_297 = arith.cmpi ne, %rem3A_295, %ne3A_296 : i32
          %and3A_298 = arith.andi %ne3A_294, %ne3A_297 : i1
          %sub3A_299 = arith.constant 1 : i32
          %sub3A_300 = arith.subi %div3A_279, %sub3A_299 : i32
          %select_n3A_301 = arith.select %and3A_298, %sub3A_300, %div3A_279 : i32
          %while3A_302 = arith.constant 0 : i32
          %while3A_303 = arith.subi %select_n3A_301, %while3A_302 : i32
          %while3A_304 = arith.addi %while3A_302, %while3A_303 : i32
          %while3A_305 = arith.constant 1 : i32
          %while3A_306 = arith.divsi %while3A_303, %while3A_305 : i32
          %while3A_307 = arith.muli %while3A_306, %while3A_305 : i32
          %while3A_308 = arith.addi %while3A_302, %while3A_307 : i32
          %while3A_309 = arith.constant 1 : i32
          %while3A_310 = scf.for %while3A_313 = %while3A_302 to %while3A_308 step %while3A_309 iter_args(%while3A_314 = %while3A_231) -> (i32)  : i32 {
            %lt3A_315 = arith.constant 992 : i32
            %lt3A_316 = arith.cmpi slt, %while3A_314, %lt3A_315 : i32
            %mul3A_317 = arith.constant 2 : i32
            %mul3A_318 = arith.muli %mul3A_317, %while3A_313 : i32
            %add3A_319 = arith.constant 0 : i32
            %add3A_320 = arith.addi %mul3A_318, %add3A_319 : i32
            %mul3A_321 = arith.constant 16 : i32
            %mul3A_322 = arith.muli %add3A_320, %mul3A_321 : i32
            %add3A_323 = arith.addi %squeeze3A_241, %mul3A_322 : i32
            %add3A_324 = vector.broadcast %add3A_323 : i32 to vector<16xi32>
            %add3A_325 = arith.addi %add3A_324, %iota3A : vector<16xi32>
            %lt3A_326 = vector.broadcast %squeeze3A_248 : i32 to vector<16xi32>
            %lt3A_327 = arith.cmpi slt, %add3A_325, %lt3A_326 : vector<16xi32>
            %min3A_328 = arith.constant 32767 : i32
            %min3A_329 = vector.broadcast %min3A_328 : i32 to vector<16xi32>
            %min3A_330 = arith.minsi %add3A_325, %min3A_329 : vector<16xi32>
            %gather3A_331 = tpu.vector_load_idx %arg8[%min3A_330] : memref<32768xf32, #tpu.memory_space<vmem>>[vector<16xi32>], vector<16xf32>,
            %sub3A_332 = vector.broadcast %squeeze3A_77 : f32 to vector<16xf32>
            %sub3A_333 = arith.subf %sub3A_332, %gather3A_331 : vector<16xf32>
            %gather3A_334 = tpu.vector_load_idx %arg9[%min3A_330] : memref<32768xf32, #tpu.memory_space<vmem>>[vector<16xi32>], vector<16xf32>,
            %sub3A_335 = vector.broadcast %squeeze3A_79 : f32 to vector<16xf32>
            %sub3A_336 = arith.subf %sub3A_335, %gather3A_334 : vector<16xf32>
            %gather3A_337 = tpu.vector_load_idx %arg10[%min3A_330] : memref<32768xf32, #tpu.memory_space<vmem>>[vector<16xi32>], vector<16xf32>,
            %sub3A_338 = vector.broadcast %squeeze3A_81 : f32 to vector<16xf32>
            %sub3A_339 = arith.subf %sub3A_338, %gather3A_337 : vector<16xf32>
            %mul3A_340 = arith.mulf %sub3A_333, %sub3A_333 : vector<16xf32>
            %mul3A_341 = arith.mulf %sub3A_336, %sub3A_336 : vector<16xf32>
            %add3A_342 = arith.addf %mul3A_340, %mul3A_341 : vector<16xf32>
            %mul3A_343 = arith.mulf %sub3A_339, %sub3A_339 : vector<16xf32>
            %add3A_344 = arith.addf %add3A_342, %mul3A_343 : vector<16xf32>
            %le3A_345 = vector.broadcast %scan3A : f32 to vector<16xf32>
            %le3A_346 = arith.cmpf ole, %add3A_344, %le3A_345 : vector<16xf32>
            %and3A_347 = arith.andi %lt3A_327, %le3A_346 : vector<16xi1>
            %and3A_348 = vector.broadcast %lt3A_316 : i1 to vector<16xi1>
            %and3A_349 = arith.andi %and3A_347, %and3A_348 : vector<16xi1>
            %convert_element_type3A_350 = arith.extui %and3A_349 : vector<16xi1> to vector<16xi32>
            %broadcast_in_dim3A_351 = arith.constant true
            %broadcast_in_dim3A_352 = vector.broadcast %broadcast_in_dim3A_351 : i1 to vector<16xi1>
            %masked_cumsum3A = tpu.scan <sum>, %convert_element_type3A_350 masked %broadcast_in_dim3A_352 : vector<16xi32>, vector<16xi1> -> vector<16xi32>
            %mul3A_353 = arith.constant 2 : i32
            %mul3A_354 = arith.muli %mul3A_353, %while3A_313 : i32
            %add3A_355 = arith.constant 1 : i32
            %add3A_356 = arith.addi %mul3A_354, %add3A_355 : i32
            %mul3A_357 = arith.constant 16 : i32
            %mul3A_358 = arith.muli %add3A_356, %mul3A_357 : i32
            %add3A_359 = arith.addi %squeeze3A_241, %mul3A_358 : i32
            %add3A_360 = vector.broadcast %add3A_359 : i32 to vector<16xi32>
            %add3A_361 = arith.addi %add3A_360, %iota3A : vector<16xi32>
            %lt3A_362 = vector.broadcast %squeeze3A_248 : i32 to vector<16xi32>
            %lt3A_363 = arith.cmpi slt, %add3A_361, %lt3A_362 : vector<16xi32>
            %min3A_364 = arith.constant 32767 : i32
            %min3A_365 = vector.broadcast %min3A_364 : i32 to vector<16xi32>
            %min3A_366 = arith.minsi %add3A_361, %min3A_365 : vector<16xi32>
            %gather3A_367 = tpu.vector_load_idx %arg8[%min3A_366] : memref<32768xf32, #tpu.memory_space<vmem>>[vector<16xi32>], vector<16xf32>,
            %sub3A_368 = vector.broadcast %squeeze3A_77 : f32 to vector<16xf32>
            %sub3A_369 = arith.subf %sub3A_368, %gather3A_367 : vector<16xf32>
            %gather3A_370 = tpu.vector_load_idx %arg9[%min3A_366] : memref<32768xf32, #tpu.memory_space<vmem>>[vector<16xi32>], vector<16xf32>,
            %sub3A_371 = vector.broadcast %squeeze3A_79 : f32 to vector<16xf32>
            %sub3A_372 = arith.subf %sub3A_371, %gather3A_370 : vector<16xf32>
            %gather3A_373 = tpu.vector_load_idx %arg10[%min3A_366] : memref<32768xf32, #tpu.memory_space<vmem>>[vector<16xi32>], vector<16xf32>,
            %sub3A_374 = vector.broadcast %squeeze3A_81 : f32 to vector<16xf32>
            %sub3A_375 = arith.subf %sub3A_374, %gather3A_373 : vector<16xf32>
            %mul3A_376 = arith.mulf %sub3A_369, %sub3A_369 : vector<16xf32>
            %mul3A_377 = arith.mulf %sub3A_372, %sub3A_372 : vector<16xf32>
            %add3A_378 = arith.addf %mul3A_376, %mul3A_377 : vector<16xf32>
            %mul3A_379 = arith.mulf %sub3A_375, %sub3A_375 : vector<16xf32>
            %add3A_380 = arith.addf %add3A_378, %mul3A_379 : vector<16xf32>
            %le3A_381 = vector.broadcast %scan3A : f32 to vector<16xf32>
            %le3A_382 = arith.cmpf ole, %add3A_380, %le3A_381 : vector<16xf32>
            %and3A_383 = arith.andi %lt3A_363, %le3A_382 : vector<16xi1>
            %and3A_384 = vector.broadcast %lt3A_316 : i1 to vector<16xi1>
            %and3A_385 = arith.andi %and3A_383, %and3A_384 : vector<16xi1>
            %convert_element_type3A_386 = arith.extui %and3A_385 : vector<16xi1> to vector<16xi32>
            %broadcast_in_dim3A_387 = arith.constant true
            %broadcast_in_dim3A_388 = vector.broadcast %broadcast_in_dim3A_387 : i1 to vector<16xi1>
            %masked_cumsum3A_389 = tpu.scan <sum>, %convert_element_type3A_386 masked %broadcast_in_dim3A_388 : vector<16xi32>, vector<16xi1> -> vector<16xi32>
            %add3A_390 = vector.broadcast %while3A_314 : i32 to vector<16xi32>
            %add3A_391 = arith.addi %add3A_390, %masked_cumsum3A : vector<16xi32>
            %sub3A_392 = arith.subi %add3A_391, %convert_element_type3A_350 : vector<16xi32>
            tpu.vector_store_idx %arg13[%sub3A_392], %add3A_344 masked %and3A_349 : memref<1024xf32, #tpu.memory_space<vmem>>[vector<16xi32>], vector<16xf32>, vector<16xi1>
            tpu.vector_store_idx %arg14[%sub3A_392], %add3A_325 masked %and3A_349 : memref<1024xi32, #tpu.memory_space<vmem>>[vector<16xi32>], vector<16xi32>, vector<16xi1>
            %slice3A_393 = vector.extract_strided_slice %masked_cumsum3A {offsets = [15], sizes = [1], strides = [1]} : vector<16xi32> to vector<1xi32>
            %squeeze3A_394 = vector.extract %slice3A_393[0] : i32 from vector<1xi32>
            %add3A_395 = arith.addi %while3A_314, %squeeze3A_394 : i32
            %add3A_396 = vector.broadcast %add3A_395 : i32 to vector<16xi32>
            %add3A_397 = arith.addi %add3A_396, %masked_cumsum3A_389 : vector<16xi32>
            %sub3A_398 = arith.subi %add3A_397, %convert_element_type3A_386 : vector<16xi32>
            tpu.vector_store_idx %arg13[%sub3A_398], %add3A_380 masked %and3A_385 : memref<1024xf32, #tpu.memory_space<vmem>>[vector<16xi32>], vector<16xf32>, vector<16xi1>
            tpu.vector_store_idx %arg14[%sub3A_398], %add3A_361 masked %and3A_385 : memref<1024xi32, #tpu.memory_space<vmem>>[vector<16xi32>], vector<16xi32>, vector<16xi1>
            %slice3A_399 = vector.extract_strided_slice %masked_cumsum3A_389 {offsets = [15], sizes = [1], strides = [1]} : vector<16xi32> to vector<1xi32>
            %squeeze3A_400 = vector.extract %slice3A_399[0] : i32 from vector<1xi32>
            %add3A_401 = arith.addi %add3A_395, %squeeze3A_400 : i32
            scf.yield %add3A_401 : i32
          }
          %while3A_311 = arith.constant 1 : i32
          %while3A_312 = scf.for %while3A_313 = %while3A_308 to %while3A_304 step %while3A_311 iter_args(%while3A_314 = %while3A_310) -> (i32)  : i32 {
            %lt3A_315 = arith.constant 992 : i32
            %lt3A_316 = arith.cmpi slt, %while3A_314, %lt3A_315 : i32
            %mul3A_317 = arith.constant 2 : i32
            %mul3A_318 = arith.muli %mul3A_317, %while3A_313 : i32
            %add3A_319 = arith.constant 0 : i32
            %add3A_320 = arith.addi %mul3A_318, %add3A_319 : i32
            %mul3A_321 = arith.constant 16 : i32
            %mul3A_322 = arith.muli %add3A_320, %mul3A_321 : i32
            %add3A_323 = arith.addi %squeeze3A_241, %mul3A_322 : i32
            %add3A_324 = vector.broadcast %add3A_323 : i32 to vector<16xi32>
            %add3A_325 = arith.addi %add3A_324, %iota3A : vector<16xi32>
            %lt3A_326 = vector.broadcast %squeeze3A_248 : i32 to vector<16xi32>
            %lt3A_327 = arith.cmpi slt, %add3A_325, %lt3A_326 : vector<16xi32>
            %min3A_328 = arith.constant 32767 : i32
            %min3A_329 = vector.broadcast %min3A_328 : i32 to vector<16xi32>
            %min3A_330 = arith.minsi %add3A_325, %min3A_329 : vector<16xi32>
            %gather3A_331 = tpu.vector_load_idx %arg8[%min3A_330] : memref<32768xf32, #tpu.memory_space<vmem>>[vector<16xi32>], vector<16xf32>,
            %sub3A_332 = vector.broadcast %squeeze3A_77 : f32 to vector<16xf32>
            %sub3A_333 = arith.subf %sub3A_332, %gather3A_331 : vector<16xf32>
            %gather3A_334 = tpu.vector_load_idx %arg9[%min3A_330] : memref<32768xf32, #tpu.memory_space<vmem>>[vector<16xi32>], vector<16xf32>,
            %sub3A_335 = vector.broadcast %squeeze3A_79 : f32 to vector<16xf32>
            %sub3A_336 = arith.subf %sub3A_335, %gather3A_334 : vector<16xf32>
            %gather3A_337 = tpu.vector_load_idx %arg10[%min3A_330] : memref<32768xf32, #tpu.memory_space<vmem>>[vector<16xi32>], vector<16xf32>,
            %sub3A_338 = vector.broadcast %squeeze3A_81 : f32 to vector<16xf32>
            %sub3A_339 = arith.subf %sub3A_338, %gather3A_337 : vector<16xf32>
            %mul3A_340 = arith.mulf %sub3A_333, %sub3A_333 : vector<16xf32>
            %mul3A_341 = arith.mulf %sub3A_336, %sub3A_336 : vector<16xf32>
            %add3A_342 = arith.addf %mul3A_340, %mul3A_341 : vector<16xf32>
            %mul3A_343 = arith.mulf %sub3A_339, %sub3A_339 : vector<16xf32>
            %add3A_344 = arith.addf %add3A_342, %mul3A_343 : vector<16xf32>
            %le3A_345 = vector.broadcast %scan3A : f32 to vector<16xf32>
            %le3A_346 = arith.cmpf ole, %add3A_344, %le3A_345 : vector<16xf32>
            %and3A_347 = arith.andi %lt3A_327, %le3A_346 : vector<16xi1>
            %and3A_348 = vector.broadcast %lt3A_316 : i1 to vector<16xi1>
            %and3A_349 = arith.andi %and3A_347, %and3A_348 : vector<16xi1>
            %convert_element_type3A_350 = arith.extui %and3A_349 : vector<16xi1> to vector<16xi32>
            %broadcast_in_dim3A_351 = arith.constant true
            %broadcast_in_dim3A_352 = vector.broadcast %broadcast_in_dim3A_351 : i1 to vector<16xi1>
            %masked_cumsum3A = tpu.scan <sum>, %convert_element_type3A_350 masked %broadcast_in_dim3A_352 : vector<16xi32>, vector<16xi1> -> vector<16xi32>
            %mul3A_353 = arith.constant 2 : i32
            %mul3A_354 = arith.muli %mul3A_353, %while3A_313 : i32
            %add3A_355 = arith.constant 1 : i32
            %add3A_356 = arith.addi %mul3A_354, %add3A_355 : i32
            %mul3A_357 = arith.constant 16 : i32
            %mul3A_358 = arith.muli %add3A_356, %mul3A_357 : i32
            %add3A_359 = arith.addi %squeeze3A_241, %mul3A_358 : i32
            %add3A_360 = vector.broadcast %add3A_359 : i32 to vector<16xi32>
            %add3A_361 = arith.addi %add3A_360, %iota3A : vector<16xi32>
            %lt3A_362 = vector.broadcast %squeeze3A_248 : i32 to vector<16xi32>
            %lt3A_363 = arith.cmpi slt, %add3A_361, %lt3A_362 : vector<16xi32>
            %min3A_364 = arith.constant 32767 : i32
            %min3A_365 = vector.broadcast %min3A_364 : i32 to vector<16xi32>
            %min3A_366 = arith.minsi %add3A_361, %min3A_365 : vector<16xi32>
            %gather3A_367 = tpu.vector_load_idx %arg8[%min3A_366] : memref<32768xf32, #tpu.memory_space<vmem>>[vector<16xi32>], vector<16xf32>,
            %sub3A_368 = vector.broadcast %squeeze3A_77 : f32 to vector<16xf32>
            %sub3A_369 = arith.subf %sub3A_368, %gather3A_367 : vector<16xf32>
            %gather3A_370 = tpu.vector_load_idx %arg9[%min3A_366] : memref<32768xf32, #tpu.memory_space<vmem>>[vector<16xi32>], vector<16xf32>,
            %sub3A_371 = vector.broadcast %squeeze3A_79 : f32 to vector<16xf32>
            %sub3A_372 = arith.subf %sub3A_371, %gather3A_370 : vector<16xf32>
            %gather3A_373 = tpu.vector_load_idx %arg10[%min3A_366] : memref<32768xf32, #tpu.memory_space<vmem>>[vector<16xi32>], vector<16xf32>,
            %sub3A_374 = vector.broadcast %squeeze3A_81 : f32 to vector<16xf32>
            %sub3A_375 = arith.subf %sub3A_374, %gather3A_373 : vector<16xf32>
            %mul3A_376 = arith.mulf %sub3A_369, %sub3A_369 : vector<16xf32>
            %mul3A_377 = arith.mulf %sub3A_372, %sub3A_372 : vector<16xf32>
            %add3A_378 = arith.addf %mul3A_376, %mul3A_377 : vector<16xf32>
            %mul3A_379 = arith.mulf %sub3A_375, %sub3A_375 : vector<16xf32>
            %add3A_380 = arith.addf %add3A_378, %mul3A_379 : vector<16xf32>
            %le3A_381 = vector.broadcast %scan3A : f32 to vector<16xf32>
            %le3A_382 = arith.cmpf ole, %add3A_380, %le3A_381 : vector<16xf32>
            %and3A_383 = arith.andi %lt3A_363, %le3A_382 : vector<16xi1>
            %and3A_384 = vector.broadcast %lt3A_316 : i1 to vector<16xi1>
            %and3A_385 = arith.andi %and3A_383, %and3A_384 : vector<16xi1>
            %convert_element_type3A_386 = arith.extui %and3A_385 : vector<16xi1> to vector<16xi32>
            %broadcast_in_dim3A_387 = arith.constant true
            %broadcast_in_dim3A_388 = vector.broadcast %broadcast_in_dim3A_387 : i1 to vector<16xi1>
            %masked_cumsum3A_389 = tpu.scan <sum>, %convert_element_type3A_386 masked %broadcast_in_dim3A_388 : vector<16xi32>, vector<16xi1> -> vector<16xi32>
            %add3A_390 = vector.broadcast %while3A_314 : i32 to vector<16xi32>
            %add3A_391 = arith.addi %add3A_390, %masked_cumsum3A : vector<16xi32>
            %sub3A_392 = arith.subi %add3A_391, %convert_element_type3A_350 : vector<16xi32>
            tpu.vector_store_idx %arg13[%sub3A_392], %add3A_344 masked %and3A_349 : memref<1024xf32, #tpu.memory_space<vmem>>[vector<16xi32>], vector<16xf32>, vector<16xi1>
            tpu.vector_store_idx %arg14[%sub3A_392], %add3A_325 masked %and3A_349 : memref<1024xi32, #tpu.memory_space<vmem>>[vector<16xi32>], vector<16xi32>, vector<16xi1>
            %slice3A_393 = vector.extract_strided_slice %masked_cumsum3A {offsets = [15], sizes = [1], strides = [1]} : vector<16xi32> to vector<1xi32>
            %squeeze3A_394 = vector.extract %slice3A_393[0] : i32 from vector<1xi32>
            %add3A_395 = arith.addi %while3A_314, %squeeze3A_394 : i32
            %add3A_396 = vector.broadcast %add3A_395 : i32 to vector<16xi32>
            %add3A_397 = arith.addi %add3A_396, %masked_cumsum3A_389 : vector<16xi32>
            %sub3A_398 = arith.subi %add3A_397, %convert_element_type3A_386 : vector<16xi32>
            tpu.vector_store_idx %arg13[%sub3A_398], %add3A_380 masked %and3A_385 : memref<1024xf32, #tpu.memory_space<vmem>>[vector<16xi32>], vector<16xf32>, vector<16xi1>
            tpu.vector_store_idx %arg14[%sub3A_398], %add3A_361 masked %and3A_385 : memref<1024xi32, #tpu.memory_space<vmem>>[vector<16xi32>], vector<16xi32>, vector<16xi1>
            %slice3A_399 = vector.extract_strided_slice %masked_cumsum3A_389 {offsets = [15], sizes = [1], strides = [1]} : vector<16xi32> to vector<1xi32>
            %squeeze3A_400 = vector.extract %slice3A_399[0] : i32 from vector<1xi32>
            %add3A_401 = arith.addi %add3A_395, %squeeze3A_400 : i32
            scf.yield %add3A_401 : i32
          }
          scf.yield %while3A_312 : i32
        }
        %while3A_228 = arith.constant 1 : i32
        %while3A_229 = scf.for %while3A_230 = %while3A_225 to %while3A_221 step %while3A_228 iter_args(%while3A_231 = %while3A_227) -> (i32)  : i32 {
          %mul3A_232 = arith.constant 10 : i32
          %mul3A_233 = arith.muli %while3A_216, %mul3A_232 : i32
          %add3A_234 = arith.addi %mul3A_233, %while3A_230 : i32
          %mul3A_235 = arith.constant 30 : i32
          %mul3A_236 = arith.muli %add3A_234, %mul3A_235 : i32
          %add3A_237 = arith.addi %mul3A_236, %max3A_101 : i32
          %broadcast_in_dim3A_238 = vector.broadcast %add3A_237 : i32 to vector<16xi32>
          %gather3A_239 = tpu.vector_load_idx %arg11[%broadcast_in_dim3A_238] : memref<3072xi32, #tpu.memory_space<vmem>>[vector<16xi32>], vector<16xi32>,
          %slice3A_240 = vector.extract_strided_slice %gather3A_239 {offsets = [0], sizes = [1], strides = [1]} : vector<16xi32> to vector<1xi32>
          %squeeze3A_241 = vector.extract %slice3A_240[0] : i32 from vector<1xi32>
          %add3A_242 = arith.addi %mul3A_236, %min3A_105 : i32
          %add3A_243 = arith.constant 1 : i32
          %add3A_244 = arith.addi %add3A_242, %add3A_243 : i32
          %broadcast_in_dim3A_245 = vector.broadcast %add3A_244 : i32 to vector<16xi32>
          %gather3A_246 = tpu.vector_load_idx %arg11[%broadcast_in_dim3A_245] : memref<3072xi32, #tpu.memory_space<vmem>>[vector<16xi32>], vector<16xi32>,
          %slice3A_247 = vector.extract_strided_slice %gather3A_246 {offsets = [0], sizes = [1], strides = [1]} : vector<16xi32> to vector<1xi32>
          %squeeze3A_248 = vector.extract %slice3A_247[0] : i32 from vector<1xi32>
          %sub3A_249 = arith.subi %squeeze3A_248, %squeeze3A_241 : i32
          %add3A_250 = arith.constant 15 : i32
          %add3A_251 = arith.addi %sub3A_249, %add3A_250 : i32
          %jit3A_252 = arith.constant 16 : i32
          %div3A_253 = arith.divsi %add3A_251, %jit3A_252 : i32
          %sign3A_254 = arith.constant 0 : i32
          %sign3A_255 = arith.cmpi sgt, %add3A_251, %sign3A_254 : i32
          %sign3A_256 = arith.extui %sign3A_255 : i1 to i32
          %sign3A_257 = arith.constant 0 : i32
          %sign3A_258 = arith.cmpi slt, %add3A_251, %sign3A_257 : i32
          %sign3A_259 = arith.extui %sign3A_258 : i1 to i32
          %sign3A_260 = arith.subi %sign3A_256, %sign3A_259 : i32
          %sign3A_261 = arith.constant 0 : i32
          %sign3A_262 = arith.cmpi sgt, %jit3A_252, %sign3A_261 : i32
          %sign3A_263 = arith.extui %sign3A_262 : i1 to i32
          %sign3A_264 = arith.constant 0 : i32
          %sign3A_265 = arith.cmpi slt, %jit3A_252, %sign3A_264 : i32
          %sign3A_266 = arith.extui %sign3A_265 : i1 to i32
          %sign3A_267 = arith.subi %sign3A_263, %sign3A_266 : i32
          %ne3A_268 = arith.cmpi ne, %sign3A_260, %sign3A_267 : i32
          %rem3A_269 = arith.remsi %add3A_251, %jit3A_252 : i32
          %ne3A_270 = arith.constant 0 : i32
          %ne3A_271 = arith.cmpi ne, %rem3A_269, %ne3A_270 : i32
          %and3A_272 = arith.andi %ne3A_268, %ne3A_271 : i1
          %sub3A_273 = arith.constant 1 : i32
          %sub3A_274 = arith.subi %div3A_253, %sub3A_273 : i32
          %select_n3A_275 = arith.select %and3A_272, %sub3A_274, %div3A_253 : i32
          %add3A_276 = arith.constant 1 : i32
          %add3A_277 = arith.addi %select_n3A_275, %add3A_276 : i32
          %jit3A_278 = arith.constant 2 : i32
          %div3A_279 = arith.divsi %add3A_277, %jit3A_278 : i32
          %sign3A_280 = arith.constant 0 : i32
          %sign3A_281 = arith.cmpi sgt, %add3A_277, %sign3A_280 : i32
          %sign3A_282 = arith.extui %sign3A_281 : i1 to i32
          %sign3A_283 = arith.constant 0 : i32
          %sign3A_284 = arith.cmpi slt, %add3A_277, %sign3A_283 : i32
          %sign3A_285 = arith.extui %sign3A_284 : i1 to i32
          %sign3A_286 = arith.subi %sign3A_282, %sign3A_285 : i32
          %sign3A_287 = arith.constant 0 : i32
          %sign3A_288 = arith.cmpi sgt, %jit3A_278, %sign3A_287 : i32
          %sign3A_289 = arith.extui %sign3A_288 : i1 to i32
          %sign3A_290 = arith.constant 0 : i32
          %sign3A_291 = arith.cmpi slt, %jit3A_278, %sign3A_290 : i32
          %sign3A_292 = arith.extui %sign3A_291 : i1 to i32
          %sign3A_293 = arith.subi %sign3A_289, %sign3A_292 : i32
          %ne3A_294 = arith.cmpi ne, %sign3A_286, %sign3A_293 : i32
          %rem3A_295 = arith.remsi %add3A_277, %jit3A_278 : i32
          %ne3A_296 = arith.constant 0 : i32
          %ne3A_297 = arith.cmpi ne, %rem3A_295, %ne3A_296 : i32
          %and3A_298 = arith.andi %ne3A_294, %ne3A_297 : i1
          %sub3A_299 = arith.constant 1 : i32
          %sub3A_300 = arith.subi %div3A_279, %sub3A_299 : i32
          %select_n3A_301 = arith.select %and3A_298, %sub3A_300, %div3A_279 : i32
          %while3A_302 = arith.constant 0 : i32
          %while3A_303 = arith.subi %select_n3A_301, %while3A_302 : i32
          %while3A_304 = arith.addi %while3A_302, %while3A_303 : i32
          %while3A_305 = arith.constant 1 : i32
          %while3A_306 = arith.divsi %while3A_303, %while3A_305 : i32
          %while3A_307 = arith.muli %while3A_306, %while3A_305 : i32
          %while3A_308 = arith.addi %while3A_302, %while3A_307 : i32
          %while3A_309 = arith.constant 1 : i32
          %while3A_310 = scf.for %while3A_313 = %while3A_302 to %while3A_308 step %while3A_309 iter_args(%while3A_314 = %while3A_231) -> (i32)  : i32 {
            %lt3A_315 = arith.constant 992 : i32
            %lt3A_316 = arith.cmpi slt, %while3A_314, %lt3A_315 : i32
            %mul3A_317 = arith.constant 2 : i32
            %mul3A_318 = arith.muli %mul3A_317, %while3A_313 : i32
            %add3A_319 = arith.constant 0 : i32
            %add3A_320 = arith.addi %mul3A_318, %add3A_319 : i32
            %mul3A_321 = arith.constant 16 : i32
            %mul3A_322 = arith.muli %add3A_320, %mul3A_321 : i32
            %add3A_323 = arith.addi %squeeze3A_241, %mul3A_322 : i32
            %add3A_324 = vector.broadcast %add3A_323 : i32 to vector<16xi32>
            %add3A_325 = arith.addi %add3A_324, %iota3A : vector<16xi32>
            %lt3A_326 = vector.broadcast %squeeze3A_248 : i32 to vector<16xi32>
            %lt3A_327 = arith.cmpi slt, %add3A_325, %lt3A_326 : vector<16xi32>
            %min3A_328 = arith.constant 32767 : i32
            %min3A_329 = vector.broadcast %min3A_328 : i32 to vector<16xi32>
            %min3A_330 = arith.minsi %add3A_325, %min3A_329 : vector<16xi32>
            %gather3A_331 = tpu.vector_load_idx %arg8[%min3A_330] : memref<32768xf32, #tpu.memory_space<vmem>>[vector<16xi32>], vector<16xf32>,
            %sub3A_332 = vector.broadcast %squeeze3A_77 : f32 to vector<16xf32>
            %sub3A_333 = arith.subf %sub3A_332, %gather3A_331 : vector<16xf32>
            %gather3A_334 = tpu.vector_load_idx %arg9[%min3A_330] : memref<32768xf32, #tpu.memory_space<vmem>>[vector<16xi32>], vector<16xf32>,
            %sub3A_335 = vector.broadcast %squeeze3A_79 : f32 to vector<16xf32>
            %sub3A_336 = arith.subf %sub3A_335, %gather3A_334 : vector<16xf32>
            %gather3A_337 = tpu.vector_load_idx %arg10[%min3A_330] : memref<32768xf32, #tpu.memory_space<vmem>>[vector<16xi32>], vector<16xf32>,
            %sub3A_338 = vector.broadcast %squeeze3A_81 : f32 to vector<16xf32>
            %sub3A_339 = arith.subf %sub3A_338, %gather3A_337 : vector<16xf32>
            %mul3A_340 = arith.mulf %sub3A_333, %sub3A_333 : vector<16xf32>
            %mul3A_341 = arith.mulf %sub3A_336, %sub3A_336 : vector<16xf32>
            %add3A_342 = arith.addf %mul3A_340, %mul3A_341 : vector<16xf32>
            %mul3A_343 = arith.mulf %sub3A_339, %sub3A_339 : vector<16xf32>
            %add3A_344 = arith.addf %add3A_342, %mul3A_343 : vector<16xf32>
            %le3A_345 = vector.broadcast %scan3A : f32 to vector<16xf32>
            %le3A_346 = arith.cmpf ole, %add3A_344, %le3A_345 : vector<16xf32>
            %and3A_347 = arith.andi %lt3A_327, %le3A_346 : vector<16xi1>
            %and3A_348 = vector.broadcast %lt3A_316 : i1 to vector<16xi1>
            %and3A_349 = arith.andi %and3A_347, %and3A_348 : vector<16xi1>
            %convert_element_type3A_350 = arith.extui %and3A_349 : vector<16xi1> to vector<16xi32>
            %broadcast_in_dim3A_351 = arith.constant true
            %broadcast_in_dim3A_352 = vector.broadcast %broadcast_in_dim3A_351 : i1 to vector<16xi1>
            %masked_cumsum3A = tpu.scan <sum>, %convert_element_type3A_350 masked %broadcast_in_dim3A_352 : vector<16xi32>, vector<16xi1> -> vector<16xi32>
            %mul3A_353 = arith.constant 2 : i32
            %mul3A_354 = arith.muli %mul3A_353, %while3A_313 : i32
            %add3A_355 = arith.constant 1 : i32
            %add3A_356 = arith.addi %mul3A_354, %add3A_355 : i32
            %mul3A_357 = arith.constant 16 : i32
            %mul3A_358 = arith.muli %add3A_356, %mul3A_357 : i32
            %add3A_359 = arith.addi %squeeze3A_241, %mul3A_358 : i32
            %add3A_360 = vector.broadcast %add3A_359 : i32 to vector<16xi32>
            %add3A_361 = arith.addi %add3A_360, %iota3A : vector<16xi32>
            %lt3A_362 = vector.broadcast %squeeze3A_248 : i32 to vector<16xi32>
            %lt3A_363 = arith.cmpi slt, %add3A_361, %lt3A_362 : vector<16xi32>
            %min3A_364 = arith.constant 32767 : i32
            %min3A_365 = vector.broadcast %min3A_364 : i32 to vector<16xi32>
            %min3A_366 = arith.minsi %add3A_361, %min3A_365 : vector<16xi32>
            %gather3A_367 = tpu.vector_load_idx %arg8[%min3A_366] : memref<32768xf32, #tpu.memory_space<vmem>>[vector<16xi32>], vector<16xf32>,
            %sub3A_368 = vector.broadcast %squeeze3A_77 : f32 to vector<16xf32>
            %sub3A_369 = arith.subf %sub3A_368, %gather3A_367 : vector<16xf32>
            %gather3A_370 = tpu.vector_load_idx %arg9[%min3A_366] : memref<32768xf32, #tpu.memory_space<vmem>>[vector<16xi32>], vector<16xf32>,
            %sub3A_371 = vector.broadcast %squeeze3A_79 : f32 to vector<16xf32>
            %sub3A_372 = arith.subf %sub3A_371, %gather3A_370 : vector<16xf32>
            %gather3A_373 = tpu.vector_load_idx %arg10[%min3A_366] : memref<32768xf32, #tpu.memory_space<vmem>>[vector<16xi32>], vector<16xf32>,
            %sub3A_374 = vector.broadcast %squeeze3A_81 : f32 to vector<16xf32>
            %sub3A_375 = arith.subf %sub3A_374, %gather3A_373 : vector<16xf32>
            %mul3A_376 = arith.mulf %sub3A_369, %sub3A_369 : vector<16xf32>
            %mul3A_377 = arith.mulf %sub3A_372, %sub3A_372 : vector<16xf32>
            %add3A_378 = arith.addf %mul3A_376, %mul3A_377 : vector<16xf32>
            %mul3A_379 = arith.mulf %sub3A_375, %sub3A_375 : vector<16xf32>
            %add3A_380 = arith.addf %add3A_378, %mul3A_379 : vector<16xf32>
            %le3A_381 = vector.broadcast %scan3A : f32 to vector<16xf32>
            %le3A_382 = arith.cmpf ole, %add3A_380, %le3A_381 : vector<16xf32>
            %and3A_383 = arith.andi %lt3A_363, %le3A_382 : vector<16xi1>
            %and3A_384 = vector.broadcast %lt3A_316 : i1 to vector<16xi1>
            %and3A_385 = arith.andi %and3A_383, %and3A_384 : vector<16xi1>
            %convert_element_type3A_386 = arith.extui %and3A_385 : vector<16xi1> to vector<16xi32>
            %broadcast_in_dim3A_387 = arith.constant true
            %broadcast_in_dim3A_388 = vector.broadcast %broadcast_in_dim3A_387 : i1 to vector<16xi1>
            %masked_cumsum3A_389 = tpu.scan <sum>, %convert_element_type3A_386 masked %broadcast_in_dim3A_388 : vector<16xi32>, vector<16xi1> -> vector<16xi32>
            %add3A_390 = vector.broadcast %while3A_314 : i32 to vector<16xi32>
            %add3A_391 = arith.addi %add3A_390, %masked_cumsum3A : vector<16xi32>
            %sub3A_392 = arith.subi %add3A_391, %convert_element_type3A_350 : vector<16xi32>
            tpu.vector_store_idx %arg13[%sub3A_392], %add3A_344 masked %and3A_349 : memref<1024xf32, #tpu.memory_space<vmem>>[vector<16xi32>], vector<16xf32>, vector<16xi1>
            tpu.vector_store_idx %arg14[%sub3A_392], %add3A_325 masked %and3A_349 : memref<1024xi32, #tpu.memory_space<vmem>>[vector<16xi32>], vector<16xi32>, vector<16xi1>
            %slice3A_393 = vector.extract_strided_slice %masked_cumsum3A {offsets = [15], sizes = [1], strides = [1]} : vector<16xi32> to vector<1xi32>
            %squeeze3A_394 = vector.extract %slice3A_393[0] : i32 from vector<1xi32>
            %add3A_395 = arith.addi %while3A_314, %squeeze3A_394 : i32
            %add3A_396 = vector.broadcast %add3A_395 : i32 to vector<16xi32>
            %add3A_397 = arith.addi %add3A_396, %masked_cumsum3A_389 : vector<16xi32>
            %sub3A_398 = arith.subi %add3A_397, %convert_element_type3A_386 : vector<16xi32>
            tpu.vector_store_idx %arg13[%sub3A_398], %add3A_380 masked %and3A_385 : memref<1024xf32, #tpu.memory_space<vmem>>[vector<16xi32>], vector<16xf32>, vector<16xi1>
            tpu.vector_store_idx %arg14[%sub3A_398], %add3A_361 masked %and3A_385 : memref<1024xi32, #tpu.memory_space<vmem>>[vector<16xi32>], vector<16xi32>, vector<16xi1>
            %slice3A_399 = vector.extract_strided_slice %masked_cumsum3A_389 {offsets = [15], sizes = [1], strides = [1]} : vector<16xi32> to vector<1xi32>
            %squeeze3A_400 = vector.extract %slice3A_399[0] : i32 from vector<1xi32>
            %add3A_401 = arith.addi %add3A_395, %squeeze3A_400 : i32
            scf.yield %add3A_401 : i32
          }
          %while3A_311 = arith.constant 1 : i32
          %while3A_312 = scf.for %while3A_313 = %while3A_308 to %while3A_304 step %while3A_311 iter_args(%while3A_314 = %while3A_310) -> (i32)  : i32 {
            %lt3A_315 = arith.constant 992 : i32
            %lt3A_316 = arith.cmpi slt, %while3A_314, %lt3A_315 : i32
            %mul3A_317 = arith.constant 2 : i32
            %mul3A_318 = arith.muli %mul3A_317, %while3A_313 : i32
            %add3A_319 = arith.constant 0 : i32
            %add3A_320 = arith.addi %mul3A_318, %add3A_319 : i32
            %mul3A_321 = arith.constant 16 : i32
            %mul3A_322 = arith.muli %add3A_320, %mul3A_321 : i32
            %add3A_323 = arith.addi %squeeze3A_241, %mul3A_322 : i32
            %add3A_324 = vector.broadcast %add3A_323 : i32 to vector<16xi32>
            %add3A_325 = arith.addi %add3A_324, %iota3A : vector<16xi32>
            %lt3A_326 = vector.broadcast %squeeze3A_248 : i32 to vector<16xi32>
            %lt3A_327 = arith.cmpi slt, %add3A_325, %lt3A_326 : vector<16xi32>
            %min3A_328 = arith.constant 32767 : i32
            %min3A_329 = vector.broadcast %min3A_328 : i32 to vector<16xi32>
            %min3A_330 = arith.minsi %add3A_325, %min3A_329 : vector<16xi32>
            %gather3A_331 = tpu.vector_load_idx %arg8[%min3A_330] : memref<32768xf32, #tpu.memory_space<vmem>>[vector<16xi32>], vector<16xf32>,
            %sub3A_332 = vector.broadcast %squeeze3A_77 : f32 to vector<16xf32>
            %sub3A_333 = arith.subf %sub3A_332, %gather3A_331 : vector<16xf32>
            %gather3A_334 = tpu.vector_load_idx %arg9[%min3A_330] : memref<32768xf32, #tpu.memory_space<vmem>>[vector<16xi32>], vector<16xf32>,
            %sub3A_335 = vector.broadcast %squeeze3A_79 : f32 to vector<16xf32>
            %sub3A_336 = arith.subf %sub3A_335, %gather3A_334 : vector<16xf32>
            %gather3A_337 = tpu.vector_load_idx %arg10[%min3A_330] : memref<32768xf32, #tpu.memory_space<vmem>>[vector<16xi32>], vector<16xf32>,
            %sub3A_338 = vector.broadcast %squeeze3A_81 : f32 to vector<16xf32>
            %sub3A_339 = arith.subf %sub3A_338, %gather3A_337 : vector<16xf32>
            %mul3A_340 = arith.mulf %sub3A_333, %sub3A_333 : vector<16xf32>
            %mul3A_341 = arith.mulf %sub3A_336, %sub3A_336 : vector<16xf32>
            %add3A_342 = arith.addf %mul3A_340, %mul3A_341 : vector<16xf32>
            %mul3A_343 = arith.mulf %sub3A_339, %sub3A_339 : vector<16xf32>
            %add3A_344 = arith.addf %add3A_342, %mul3A_343 : vector<16xf32>
            %le3A_345 = vector.broadcast %scan3A : f32 to vector<16xf32>
            %le3A_346 = arith.cmpf ole, %add3A_344, %le3A_345 : vector<16xf32>
            %and3A_347 = arith.andi %lt3A_327, %le3A_346 : vector<16xi1>
            %and3A_348 = vector.broadcast %lt3A_316 : i1 to vector<16xi1>
            %and3A_349 = arith.andi %and3A_347, %and3A_348 : vector<16xi1>
            %convert_element_type3A_350 = arith.extui %and3A_349 : vector<16xi1> to vector<16xi32>
            %broadcast_in_dim3A_351 = arith.constant true
            %broadcast_in_dim3A_352 = vector.broadcast %broadcast_in_dim3A_351 : i1 to vector<16xi1>
            %masked_cumsum3A = tpu.scan <sum>, %convert_element_type3A_350 masked %broadcast_in_dim3A_352 : vector<16xi32>, vector<16xi1> -> vector<16xi32>
            %mul3A_353 = arith.constant 2 : i32
            %mul3A_354 = arith.muli %mul3A_353, %while3A_313 : i32
            %add3A_355 = arith.constant 1 : i32
            %add3A_356 = arith.addi %mul3A_354, %add3A_355 : i32
            %mul3A_357 = arith.constant 16 : i32
            %mul3A_358 = arith.muli %add3A_356, %mul3A_357 : i32
            %add3A_359 = arith.addi %squeeze3A_241, %mul3A_358 : i32
            %add3A_360 = vector.broadcast %add3A_359 : i32 to vector<16xi32>
            %add3A_361 = arith.addi %add3A_360, %iota3A : vector<16xi32>
            %lt3A_362 = vector.broadcast %squeeze3A_248 : i32 to vector<16xi32>
            %lt3A_363 = arith.cmpi slt, %add3A_361, %lt3A_362 : vector<16xi32>
            %min3A_364 = arith.constant 32767 : i32
            %min3A_365 = vector.broadcast %min3A_364 : i32 to vector<16xi32>
            %min3A_366 = arith.minsi %add3A_361, %min3A_365 : vector<16xi32>
            %gather3A_367 = tpu.vector_load_idx %arg8[%min3A_366] : memref<32768xf32, #tpu.memory_space<vmem>>[vector<16xi32>], vector<16xf32>,
            %sub3A_368 = vector.broadcast %squeeze3A_77 : f32 to vector<16xf32>
            %sub3A_369 = arith.subf %sub3A_368, %gather3A_367 : vector<16xf32>
            %gather3A_370 = tpu.vector_load_idx %arg9[%min3A_366] : memref<32768xf32, #tpu.memory_space<vmem>>[vector<16xi32>], vector<16xf32>,
            %sub3A_371 = vector.broadcast %squeeze3A_79 : f32 to vector<16xf32>
            %sub3A_372 = arith.subf %sub3A_371, %gather3A_370 : vector<16xf32>
            %gather3A_373 = tpu.vector_load_idx %arg10[%min3A_366] : memref<32768xf32, #tpu.memory_space<vmem>>[vector<16xi32>], vector<16xf32>,
            %sub3A_374 = vector.broadcast %squeeze3A_81 : f32 to vector<16xf32>
            %sub3A_375 = arith.subf %sub3A_374, %gather3A_373 : vector<16xf32>
            %mul3A_376 = arith.mulf %sub3A_369, %sub3A_369 : vector<16xf32>
            %mul3A_377 = arith.mulf %sub3A_372, %sub3A_372 : vector<16xf32>
            %add3A_378 = arith.addf %mul3A_376, %mul3A_377 : vector<16xf32>
            %mul3A_379 = arith.mulf %sub3A_375, %sub3A_375 : vector<16xf32>
            %add3A_380 = arith.addf %add3A_378, %mul3A_379 : vector<16xf32>
            %le3A_381 = vector.broadcast %scan3A : f32 to vector<16xf32>
            %le3A_382 = arith.cmpf ole, %add3A_380, %le3A_381 : vector<16xf32>
            %and3A_383 = arith.andi %lt3A_363, %le3A_382 : vector<16xi1>
            %and3A_384 = vector.broadcast %lt3A_316 : i1 to vector<16xi1>
            %and3A_385 = arith.andi %and3A_383, %and3A_384 : vector<16xi1>
            %convert_element_type3A_386 = arith.extui %and3A_385 : vector<16xi1> to vector<16xi32>
            %broadcast_in_dim3A_387 = arith.constant true
            %broadcast_in_dim3A_388 = vector.broadcast %broadcast_in_dim3A_387 : i1 to vector<16xi1>
            %masked_cumsum3A_389 = tpu.scan <sum>, %convert_element_type3A_386 masked %broadcast_in_dim3A_388 : vector<16xi32>, vector<16xi1> -> vector<16xi32>
            %add3A_390 = vector.broadcast %while3A_314 : i32 to vector<16xi32>
            %add3A_391 = arith.addi %add3A_390, %masked_cumsum3A : vector<16xi32>
            %sub3A_392 = arith.subi %add3A_391, %convert_element_type3A_350 : vector<16xi32>
            tpu.vector_store_idx %arg13[%sub3A_392], %add3A_344 masked %and3A_349 : memref<1024xf32, #tpu.memory_space<vmem>>[vector<16xi32>], vector<16xf32>, vector<16xi1>
            tpu.vector_store_idx %arg14[%sub3A_392], %add3A_325 masked %and3A_349 : memref<1024xi32, #tpu.memory_space<vmem>>[vector<16xi32>], vector<16xi32>, vector<16xi1>
            %slice3A_393 = vector.extract_strided_slice %masked_cumsum3A {offsets = [15], sizes = [1], strides = [1]} : vector<16xi32> to vector<1xi32>
            %squeeze3A_394 = vector.extract %slice3A_393[0] : i32 from vector<1xi32>
            %add3A_395 = arith.addi %while3A_314, %squeeze3A_394 : i32
            %add3A_396 = vector.broadcast %add3A_395 : i32 to vector<16xi32>
            %add3A_397 = arith.addi %add3A_396, %masked_cumsum3A_389 : vector<16xi32>
            %sub3A_398 = arith.subi %add3A_397, %convert_element_type3A_386 : vector<16xi32>
            tpu.vector_store_idx %arg13[%sub3A_398], %add3A_380 masked %and3A_385 : memref<1024xf32, #tpu.memory_space<vmem>>[vector<16xi32>], vector<16xf32>, vector<16xi1>
            tpu.vector_store_idx %arg14[%sub3A_398], %add3A_361 masked %and3A_385 : memref<1024xi32, #tpu.memory_space<vmem>>[vector<16xi32>], vector<16xi32>, vector<16xi1>
            %slice3A_399 = vector.extract_strided_slice %masked_cumsum3A_389 {offsets = [15], sizes = [1], strides = [1]} : vector<16xi32> to vector<1xi32>
            %squeeze3A_400 = vector.extract %slice3A_399[0] : i32 from vector<1xi32>
            %add3A_401 = arith.addi %add3A_395, %squeeze3A_400 : i32
            scf.yield %add3A_401 : i32
          }
          scf.yield %while3A_312 : i32
        }
        scf.yield %while3A_229 : i32
      }
      %while3A_116 = arith.constant 1 : i32
      %while3A_117 = scf.for %while3A_216 = %while3A_113 to %while3A_109 step %while3A_116 iter_args(%while3A_217 = %while3A_115) -> (i32)  : i32 {
        %add3A_218 = arith.constant 1 : i32
        %add3A_219 = arith.addi %min3A_97, %add3A_218 : i32
        %while3A_220 = arith.subi %add3A_219, %max3A_93 : i32
        %while3A_221 = arith.addi %max3A_93, %while3A_220 : i32
        %while3A_222 = arith.constant 1 : i32
        %while3A_223 = arith.divsi %while3A_220, %while3A_222 : i32
        %while3A_224 = arith.muli %while3A_223, %while3A_222 : i32
        %while3A_225 = arith.addi %max3A_93, %while3A_224 : i32
        %while3A_226 = arith.constant 1 : i32
        %while3A_227 = scf.for %while3A_230 = %max3A_93 to %while3A_225 step %while3A_226 iter_args(%while3A_231 = %while3A_217) -> (i32)  : i32 {
          %mul3A_232 = arith.constant 10 : i32
          %mul3A_233 = arith.muli %while3A_216, %mul3A_232 : i32
          %add3A_234 = arith.addi %mul3A_233, %while3A_230 : i32
          %mul3A_235 = arith.constant 30 : i32
          %mul3A_236 = arith.muli %add3A_234, %mul3A_235 : i32
          %add3A_237 = arith.addi %mul3A_236, %max3A_101 : i32
          %broadcast_in_dim3A_238 = vector.broadcast %add3A_237 : i32 to vector<16xi32>
          %gather3A_239 = tpu.vector_load_idx %arg11[%broadcast_in_dim3A_238] : memref<3072xi32, #tpu.memory_space<vmem>>[vector<16xi32>], vector<16xi32>,
          %slice3A_240 = vector.extract_strided_slice %gather3A_239 {offsets = [0], sizes = [1], strides = [1]} : vector<16xi32> to vector<1xi32>
          %squeeze3A_241 = vector.extract %slice3A_240[0] : i32 from vector<1xi32>
          %add3A_242 = arith.addi %mul3A_236, %min3A_105 : i32
          %add3A_243 = arith.constant 1 : i32
          %add3A_244 = arith.addi %add3A_242, %add3A_243 : i32
          %broadcast_in_dim3A_245 = vector.broadcast %add3A_244 : i32 to vector<16xi32>
          %gather3A_246 = tpu.vector_load_idx %arg11[%broadcast_in_dim3A_245] : memref<3072xi32, #tpu.memory_space<vmem>>[vector<16xi32>], vector<16xi32>,
          %slice3A_247 = vector.extract_strided_slice %gather3A_246 {offsets = [0], sizes = [1], strides = [1]} : vector<16xi32> to vector<1xi32>
          %squeeze3A_248 = vector.extract %slice3A_247[0] : i32 from vector<1xi32>
          %sub3A_249 = arith.subi %squeeze3A_248, %squeeze3A_241 : i32
          %add3A_250 = arith.constant 15 : i32
          %add3A_251 = arith.addi %sub3A_249, %add3A_250 : i32
          %jit3A_252 = arith.constant 16 : i32
          %div3A_253 = arith.divsi %add3A_251, %jit3A_252 : i32
          %sign3A_254 = arith.constant 0 : i32
          %sign3A_255 = arith.cmpi sgt, %add3A_251, %sign3A_254 : i32
          %sign3A_256 = arith.extui %sign3A_255 : i1 to i32
          %sign3A_257 = arith.constant 0 : i32
          %sign3A_258 = arith.cmpi slt, %add3A_251, %sign3A_257 : i32
          %sign3A_259 = arith.extui %sign3A_258 : i1 to i32
          %sign3A_260 = arith.subi %sign3A_256, %sign3A_259 : i32
          %sign3A_261 = arith.constant 0 : i32
          %sign3A_262 = arith.cmpi sgt, %jit3A_252, %sign3A_261 : i32
          %sign3A_263 = arith.extui %sign3A_262 : i1 to i32
          %sign3A_264 = arith.constant 0 : i32
          %sign3A_265 = arith.cmpi slt, %jit3A_252, %sign3A_264 : i32
          %sign3A_266 = arith.extui %sign3A_265 : i1 to i32
          %sign3A_267 = arith.subi %sign3A_263, %sign3A_266 : i32
          %ne3A_268 = arith.cmpi ne, %sign3A_260, %sign3A_267 : i32
          %rem3A_269 = arith.remsi %add3A_251, %jit3A_252 : i32
          %ne3A_270 = arith.constant 0 : i32
          %ne3A_271 = arith.cmpi ne, %rem3A_269, %ne3A_270 : i32
          %and3A_272 = arith.andi %ne3A_268, %ne3A_271 : i1
          %sub3A_273 = arith.constant 1 : i32
          %sub3A_274 = arith.subi %div3A_253, %sub3A_273 : i32
          %select_n3A_275 = arith.select %and3A_272, %sub3A_274, %div3A_253 : i32
          %add3A_276 = arith.constant 1 : i32
          %add3A_277 = arith.addi %select_n3A_275, %add3A_276 : i32
          %jit3A_278 = arith.constant 2 : i32
          %div3A_279 = arith.divsi %add3A_277, %jit3A_278 : i32
          %sign3A_280 = arith.constant 0 : i32
          %sign3A_281 = arith.cmpi sgt, %add3A_277, %sign3A_280 : i32
          %sign3A_282 = arith.extui %sign3A_281 : i1 to i32
          %sign3A_283 = arith.constant 0 : i32
          %sign3A_284 = arith.cmpi slt, %add3A_277, %sign3A_283 : i32
          %sign3A_285 = arith.extui %sign3A_284 : i1 to i32
          %sign3A_286 = arith.subi %sign3A_282, %sign3A_285 : i32
          %sign3A_287 = arith.constant 0 : i32
          %sign3A_288 = arith.cmpi sgt, %jit3A_278, %sign3A_287 : i32
          %sign3A_289 = arith.extui %sign3A_288 : i1 to i32
          %sign3A_290 = arith.constant 0 : i32
          %sign3A_291 = arith.cmpi slt, %jit3A_278, %sign3A_290 : i32
          %sign3A_292 = arith.extui %sign3A_291 : i1 to i32
          %sign3A_293 = arith.subi %sign3A_289, %sign3A_292 : i32
          %ne3A_294 = arith.cmpi ne, %sign3A_286, %sign3A_293 : i32
          %rem3A_295 = arith.remsi %add3A_277, %jit3A_278 : i32
          %ne3A_296 = arith.constant 0 : i32
          %ne3A_297 = arith.cmpi ne, %rem3A_295, %ne3A_296 : i32
          %and3A_298 = arith.andi %ne3A_294, %ne3A_297 : i1
          %sub3A_299 = arith.constant 1 : i32
          %sub3A_300 = arith.subi %div3A_279, %sub3A_299 : i32
          %select_n3A_301 = arith.select %and3A_298, %sub3A_300, %div3A_279 : i32
          %while3A_302 = arith.constant 0 : i32
          %while3A_303 = arith.subi %select_n3A_301, %while3A_302 : i32
          %while3A_304 = arith.addi %while3A_302, %while3A_303 : i32
          %while3A_305 = arith.constant 1 : i32
          %while3A_306 = arith.divsi %while3A_303, %while3A_305 : i32
          %while3A_307 = arith.muli %while3A_306, %while3A_305 : i32
          %while3A_308 = arith.addi %while3A_302, %while3A_307 : i32
          %while3A_309 = arith.constant 1 : i32
          %while3A_310 = scf.for %while3A_313 = %while3A_302 to %while3A_308 step %while3A_309 iter_args(%while3A_314 = %while3A_231) -> (i32)  : i32 {
            %lt3A_315 = arith.constant 992 : i32
            %lt3A_316 = arith.cmpi slt, %while3A_314, %lt3A_315 : i32
            %mul3A_317 = arith.constant 2 : i32
            %mul3A_318 = arith.muli %mul3A_317, %while3A_313 : i32
            %add3A_319 = arith.constant 0 : i32
            %add3A_320 = arith.addi %mul3A_318, %add3A_319 : i32
            %mul3A_321 = arith.constant 16 : i32
            %mul3A_322 = arith.muli %add3A_320, %mul3A_321 : i32
            %add3A_323 = arith.addi %squeeze3A_241, %mul3A_322 : i32
            %add3A_324 = vector.broadcast %add3A_323 : i32 to vector<16xi32>
            %add3A_325 = arith.addi %add3A_324, %iota3A : vector<16xi32>
            %lt3A_326 = vector.broadcast %squeeze3A_248 : i32 to vector<16xi32>
            %lt3A_327 = arith.cmpi slt, %add3A_325, %lt3A_326 : vector<16xi32>
            %min3A_328 = arith.constant 32767 : i32
            %min3A_329 = vector.broadcast %min3A_328 : i32 to vector<16xi32>
            %min3A_330 = arith.minsi %add3A_325, %min3A_329 : vector<16xi32>
            %gather3A_331 = tpu.vector_load_idx %arg8[%min3A_330] : memref<32768xf32, #tpu.memory_space<vmem>>[vector<16xi32>], vector<16xf32>,
            %sub3A_332 = vector.broadcast %squeeze3A_77 : f32 to vector<16xf32>
            %sub3A_333 = arith.subf %sub3A_332, %gather3A_331 : vector<16xf32>
            %gather3A_334 = tpu.vector_load_idx %arg9[%min3A_330] : memref<32768xf32, #tpu.memory_space<vmem>>[vector<16xi32>], vector<16xf32>,
            %sub3A_335 = vector.broadcast %squeeze3A_79 : f32 to vector<16xf32>
            %sub3A_336 = arith.subf %sub3A_335, %gather3A_334 : vector<16xf32>
            %gather3A_337 = tpu.vector_load_idx %arg10[%min3A_330] : memref<32768xf32, #tpu.memory_space<vmem>>[vector<16xi32>], vector<16xf32>,
            %sub3A_338 = vector.broadcast %squeeze3A_81 : f32 to vector<16xf32>
            %sub3A_339 = arith.subf %sub3A_338, %gather3A_337 : vector<16xf32>
            %mul3A_340 = arith.mulf %sub3A_333, %sub3A_333 : vector<16xf32>
            %mul3A_341 = arith.mulf %sub3A_336, %sub3A_336 : vector<16xf32>
            %add3A_342 = arith.addf %mul3A_340, %mul3A_341 : vector<16xf32>
            %mul3A_343 = arith.mulf %sub3A_339, %sub3A_339 : vector<16xf32>
            %add3A_344 = arith.addf %add3A_342, %mul3A_343 : vector<16xf32>
            %le3A_345 = vector.broadcast %scan3A : f32 to vector<16xf32>
            %le3A_346 = arith.cmpf ole, %add3A_344, %le3A_345 : vector<16xf32>
            %and3A_347 = arith.andi %lt3A_327, %le3A_346 : vector<16xi1>
            %and3A_348 = vector.broadcast %lt3A_316 : i1 to vector<16xi1>
            %and3A_349 = arith.andi %and3A_347, %and3A_348 : vector<16xi1>
            %convert_element_type3A_350 = arith.extui %and3A_349 : vector<16xi1> to vector<16xi32>
            %broadcast_in_dim3A_351 = arith.constant true
            %broadcast_in_dim3A_352 = vector.broadcast %broadcast_in_dim3A_351 : i1 to vector<16xi1>
            %masked_cumsum3A = tpu.scan <sum>, %convert_element_type3A_350 masked %broadcast_in_dim3A_352 : vector<16xi32>, vector<16xi1> -> vector<16xi32>
            %mul3A_353 = arith.constant 2 : i32
            %mul3A_354 = arith.muli %mul3A_353, %while3A_313 : i32
            %add3A_355 = arith.constant 1 : i32
            %add3A_356 = arith.addi %mul3A_354, %add3A_355 : i32
            %mul3A_357 = arith.constant 16 : i32
            %mul3A_358 = arith.muli %add3A_356, %mul3A_357 : i32
            %add3A_359 = arith.addi %squeeze3A_241, %mul3A_358 : i32
            %add3A_360 = vector.broadcast %add3A_359 : i32 to vector<16xi32>
            %add3A_361 = arith.addi %add3A_360, %iota3A : vector<16xi32>
            %lt3A_362 = vector.broadcast %squeeze3A_248 : i32 to vector<16xi32>
            %lt3A_363 = arith.cmpi slt, %add3A_361, %lt3A_362 : vector<16xi32>
            %min3A_364 = arith.constant 32767 : i32
            %min3A_365 = vector.broadcast %min3A_364 : i32 to vector<16xi32>
            %min3A_366 = arith.minsi %add3A_361, %min3A_365 : vector<16xi32>
            %gather3A_367 = tpu.vector_load_idx %arg8[%min3A_366] : memref<32768xf32, #tpu.memory_space<vmem>>[vector<16xi32>], vector<16xf32>,
            %sub3A_368 = vector.broadcast %squeeze3A_77 : f32 to vector<16xf32>
            %sub3A_369 = arith.subf %sub3A_368, %gather3A_367 : vector<16xf32>
            %gather3A_370 = tpu.vector_load_idx %arg9[%min3A_366] : memref<32768xf32, #tpu.memory_space<vmem>>[vector<16xi32>], vector<16xf32>,
            %sub3A_371 = vector.broadcast %squeeze3A_79 : f32 to vector<16xf32>
            %sub3A_372 = arith.subf %sub3A_371, %gather3A_370 : vector<16xf32>
            %gather3A_373 = tpu.vector_load_idx %arg10[%min3A_366] : memref<32768xf32, #tpu.memory_space<vmem>>[vector<16xi32>], vector<16xf32>,
            %sub3A_374 = vector.broadcast %squeeze3A_81 : f32 to vector<16xf32>
            %sub3A_375 = arith.subf %sub3A_374, %gather3A_373 : vector<16xf32>
            %mul3A_376 = arith.mulf %sub3A_369, %sub3A_369 : vector<16xf32>
            %mul3A_377 = arith.mulf %sub3A_372, %sub3A_372 : vector<16xf32>
            %add3A_378 = arith.addf %mul3A_376, %mul3A_377 : vector<16xf32>
            %mul3A_379 = arith.mulf %sub3A_375, %sub3A_375 : vector<16xf32>
            %add3A_380 = arith.addf %add3A_378, %mul3A_379 : vector<16xf32>
            %le3A_381 = vector.broadcast %scan3A : f32 to vector<16xf32>
            %le3A_382 = arith.cmpf ole, %add3A_380, %le3A_381 : vector<16xf32>
            %and3A_383 = arith.andi %lt3A_363, %le3A_382 : vector<16xi1>
            %and3A_384 = vector.broadcast %lt3A_316 : i1 to vector<16xi1>
            %and3A_385 = arith.andi %and3A_383, %and3A_384 : vector<16xi1>
            %convert_element_type3A_386 = arith.extui %and3A_385 : vector<16xi1> to vector<16xi32>
            %broadcast_in_dim3A_387 = arith.constant true
            %broadcast_in_dim3A_388 = vector.broadcast %broadcast_in_dim3A_387 : i1 to vector<16xi1>
            %masked_cumsum3A_389 = tpu.scan <sum>, %convert_element_type3A_386 masked %broadcast_in_dim3A_388 : vector<16xi32>, vector<16xi1> -> vector<16xi32>
            %add3A_390 = vector.broadcast %while3A_314 : i32 to vector<16xi32>
            %add3A_391 = arith.addi %add3A_390, %masked_cumsum3A : vector<16xi32>
            %sub3A_392 = arith.subi %add3A_391, %convert_element_type3A_350 : vector<16xi32>
            tpu.vector_store_idx %arg13[%sub3A_392], %add3A_344 masked %and3A_349 : memref<1024xf32, #tpu.memory_space<vmem>>[vector<16xi32>], vector<16xf32>, vector<16xi1>
            tpu.vector_store_idx %arg14[%sub3A_392], %add3A_325 masked %and3A_349 : memref<1024xi32, #tpu.memory_space<vmem>>[vector<16xi32>], vector<16xi32>, vector<16xi1>
            %slice3A_393 = vector.extract_strided_slice %masked_cumsum3A {offsets = [15], sizes = [1], strides = [1]} : vector<16xi32> to vector<1xi32>
            %squeeze3A_394 = vector.extract %slice3A_393[0] : i32 from vector<1xi32>
            %add3A_395 = arith.addi %while3A_314, %squeeze3A_394 : i32
            %add3A_396 = vector.broadcast %add3A_395 : i32 to vector<16xi32>
            %add3A_397 = arith.addi %add3A_396, %masked_cumsum3A_389 : vector<16xi32>
            %sub3A_398 = arith.subi %add3A_397, %convert_element_type3A_386 : vector<16xi32>
            tpu.vector_store_idx %arg13[%sub3A_398], %add3A_380 masked %and3A_385 : memref<1024xf32, #tpu.memory_space<vmem>>[vector<16xi32>], vector<16xf32>, vector<16xi1>
            tpu.vector_store_idx %arg14[%sub3A_398], %add3A_361 masked %and3A_385 : memref<1024xi32, #tpu.memory_space<vmem>>[vector<16xi32>], vector<16xi32>, vector<16xi1>
            %slice3A_399 = vector.extract_strided_slice %masked_cumsum3A_389 {offsets = [15], sizes = [1], strides = [1]} : vector<16xi32> to vector<1xi32>
            %squeeze3A_400 = vector.extract %slice3A_399[0] : i32 from vector<1xi32>
            %add3A_401 = arith.addi %add3A_395, %squeeze3A_400 : i32
            scf.yield %add3A_401 : i32
          }
          %while3A_311 = arith.constant 1 : i32
          %while3A_312 = scf.for %while3A_313 = %while3A_308 to %while3A_304 step %while3A_311 iter_args(%while3A_314 = %while3A_310) -> (i32)  : i32 {
            %lt3A_315 = arith.constant 992 : i32
            %lt3A_316 = arith.cmpi slt, %while3A_314, %lt3A_315 : i32
            %mul3A_317 = arith.constant 2 : i32
            %mul3A_318 = arith.muli %mul3A_317, %while3A_313 : i32
            %add3A_319 = arith.constant 0 : i32
            %add3A_320 = arith.addi %mul3A_318, %add3A_319 : i32
            %mul3A_321 = arith.constant 16 : i32
            %mul3A_322 = arith.muli %add3A_320, %mul3A_321 : i32
            %add3A_323 = arith.addi %squeeze3A_241, %mul3A_322 : i32
            %add3A_324 = vector.broadcast %add3A_323 : i32 to vector<16xi32>
            %add3A_325 = arith.addi %add3A_324, %iota3A : vector<16xi32>
            %lt3A_326 = vector.broadcast %squeeze3A_248 : i32 to vector<16xi32>
            %lt3A_327 = arith.cmpi slt, %add3A_325, %lt3A_326 : vector<16xi32>
            %min3A_328 = arith.constant 32767 : i32
            %min3A_329 = vector.broadcast %min3A_328 : i32 to vector<16xi32>
            %min3A_330 = arith.minsi %add3A_325, %min3A_329 : vector<16xi32>
            %gather3A_331 = tpu.vector_load_idx %arg8[%min3A_330] : memref<32768xf32, #tpu.memory_space<vmem>>[vector<16xi32>], vector<16xf32>,
            %sub3A_332 = vector.broadcast %squeeze3A_77 : f32 to vector<16xf32>
            %sub3A_333 = arith.subf %sub3A_332, %gather3A_331 : vector<16xf32>
            %gather3A_334 = tpu.vector_load_idx %arg9[%min3A_330] : memref<32768xf32, #tpu.memory_space<vmem>>[vector<16xi32>], vector<16xf32>,
            %sub3A_335 = vector.broadcast %squeeze3A_79 : f32 to vector<16xf32>
            %sub3A_336 = arith.subf %sub3A_335, %gather3A_334 : vector<16xf32>
            %gather3A_337 = tpu.vector_load_idx %arg10[%min3A_330] : memref<32768xf32, #tpu.memory_space<vmem>>[vector<16xi32>], vector<16xf32>,
            %sub3A_338 = vector.broadcast %squeeze3A_81 : f32 to vector<16xf32>
            %sub3A_339 = arith.subf %sub3A_338, %gather3A_337 : vector<16xf32>
            %mul3A_340 = arith.mulf %sub3A_333, %sub3A_333 : vector<16xf32>
            %mul3A_341 = arith.mulf %sub3A_336, %sub3A_336 : vector<16xf32>
            %add3A_342 = arith.addf %mul3A_340, %mul3A_341 : vector<16xf32>
            %mul3A_343 = arith.mulf %sub3A_339, %sub3A_339 : vector<16xf32>
            %add3A_344 = arith.addf %add3A_342, %mul3A_343 : vector<16xf32>
            %le3A_345 = vector.broadcast %scan3A : f32 to vector<16xf32>
            %le3A_346 = arith.cmpf ole, %add3A_344, %le3A_345 : vector<16xf32>
            %and3A_347 = arith.andi %lt3A_327, %le3A_346 : vector<16xi1>
            %and3A_348 = vector.broadcast %lt3A_316 : i1 to vector<16xi1>
            %and3A_349 = arith.andi %and3A_347, %and3A_348 : vector<16xi1>
            %convert_element_type3A_350 = arith.extui %and3A_349 : vector<16xi1> to vector<16xi32>
            %broadcast_in_dim3A_351 = arith.constant true
            %broadcast_in_dim3A_352 = vector.broadcast %broadcast_in_dim3A_351 : i1 to vector<16xi1>
            %masked_cumsum3A = tpu.scan <sum>, %convert_element_type3A_350 masked %broadcast_in_dim3A_352 : vector<16xi32>, vector<16xi1> -> vector<16xi32>
            %mul3A_353 = arith.constant 2 : i32
            %mul3A_354 = arith.muli %mul3A_353, %while3A_313 : i32
            %add3A_355 = arith.constant 1 : i32
            %add3A_356 = arith.addi %mul3A_354, %add3A_355 : i32
            %mul3A_357 = arith.constant 16 : i32
            %mul3A_358 = arith.muli %add3A_356, %mul3A_357 : i32
            %add3A_359 = arith.addi %squeeze3A_241, %mul3A_358 : i32
            %add3A_360 = vector.broadcast %add3A_359 : i32 to vector<16xi32>
            %add3A_361 = arith.addi %add3A_360, %iota3A : vector<16xi32>
            %lt3A_362 = vector.broadcast %squeeze3A_248 : i32 to vector<16xi32>
            %lt3A_363 = arith.cmpi slt, %add3A_361, %lt3A_362 : vector<16xi32>
            %min3A_364 = arith.constant 32767 : i32
            %min3A_365 = vector.broadcast %min3A_364 : i32 to vector<16xi32>
            %min3A_366 = arith.minsi %add3A_361, %min3A_365 : vector<16xi32>
            %gather3A_367 = tpu.vector_load_idx %arg8[%min3A_366] : memref<32768xf32, #tpu.memory_space<vmem>>[vector<16xi32>], vector<16xf32>,
            %sub3A_368 = vector.broadcast %squeeze3A_77 : f32 to vector<16xf32>
            %sub3A_369 = arith.subf %sub3A_368, %gather3A_367 : vector<16xf32>
            %gather3A_370 = tpu.vector_load_idx %arg9[%min3A_366] : memref<32768xf32, #tpu.memory_space<vmem>>[vector<16xi32>], vector<16xf32>,
            %sub3A_371 = vector.broadcast %squeeze3A_79 : f32 to vector<16xf32>
            %sub3A_372 = arith.subf %sub3A_371, %gather3A_370 : vector<16xf32>
            %gather3A_373 = tpu.vector_load_idx %arg10[%min3A_366] : memref<32768xf32, #tpu.memory_space<vmem>>[vector<16xi32>], vector<16xf32>,
            %sub3A_374 = vector.broadcast %squeeze3A_81 : f32 to vector<16xf32>
            %sub3A_375 = arith.subf %sub3A_374, %gather3A_373 : vector<16xf32>
            %mul3A_376 = arith.mulf %sub3A_369, %sub3A_369 : vector<16xf32>
            %mul3A_377 = arith.mulf %sub3A_372, %sub3A_372 : vector<16xf32>
            %add3A_378 = arith.addf %mul3A_376, %mul3A_377 : vector<16xf32>
            %mul3A_379 = arith.mulf %sub3A_375, %sub3A_375 : vector<16xf32>
            %add3A_380 = arith.addf %add3A_378, %mul3A_379 : vector<16xf32>
            %le3A_381 = vector.broadcast %scan3A : f32 to vector<16xf32>
            %le3A_382 = arith.cmpf ole, %add3A_380, %le3A_381 : vector<16xf32>
            %and3A_383 = arith.andi %lt3A_363, %le3A_382 : vector<16xi1>
            %and3A_384 = vector.broadcast %lt3A_316 : i1 to vector<16xi1>
            %and3A_385 = arith.andi %and3A_383, %and3A_384 : vector<16xi1>
            %convert_element_type3A_386 = arith.extui %and3A_385 : vector<16xi1> to vector<16xi32>
            %broadcast_in_dim3A_387 = arith.constant true
            %broadcast_in_dim3A_388 = vector.broadcast %broadcast_in_dim3A_387 : i1 to vector<16xi1>
            %masked_cumsum3A_389 = tpu.scan <sum>, %convert_element_type3A_386 masked %broadcast_in_dim3A_388 : vector<16xi32>, vector<16xi1> -> vector<16xi32>
            %add3A_390 = vector.broadcast %while3A_314 : i32 to vector<16xi32>
            %add3A_391 = arith.addi %add3A_390, %masked_cumsum3A : vector<16xi32>
            %sub3A_392 = arith.subi %add3A_391, %convert_element_type3A_350 : vector<16xi32>
            tpu.vector_store_idx %arg13[%sub3A_392], %add3A_344 masked %and3A_349 : memref<1024xf32, #tpu.memory_space<vmem>>[vector<16xi32>], vector<16xf32>, vector<16xi1>
            tpu.vector_store_idx %arg14[%sub3A_392], %add3A_325 masked %and3A_349 : memref<1024xi32, #tpu.memory_space<vmem>>[vector<16xi32>], vector<16xi32>, vector<16xi1>
            %slice3A_393 = vector.extract_strided_slice %masked_cumsum3A {offsets = [15], sizes = [1], strides = [1]} : vector<16xi32> to vector<1xi32>
            %squeeze3A_394 = vector.extract %slice3A_393[0] : i32 from vector<1xi32>
            %add3A_395 = arith.addi %while3A_314, %squeeze3A_394 : i32
            %add3A_396 = vector.broadcast %add3A_395 : i32 to vector<16xi32>
            %add3A_397 = arith.addi %add3A_396, %masked_cumsum3A_389 : vector<16xi32>
            %sub3A_398 = arith.subi %add3A_397, %convert_element_type3A_386 : vector<16xi32>
            tpu.vector_store_idx %arg13[%sub3A_398], %add3A_380 masked %and3A_385 : memref<1024xf32, #tpu.memory_space<vmem>>[vector<16xi32>], vector<16xf32>, vector<16xi1>
            tpu.vector_store_idx %arg14[%sub3A_398], %add3A_361 masked %and3A_385 : memref<1024xi32, #tpu.memory_space<vmem>>[vector<16xi32>], vector<16xi32>, vector<16xi1>
            %slice3A_399 = vector.extract_strided_slice %masked_cumsum3A_389 {offsets = [15], sizes = [1], strides = [1]} : vector<16xi32> to vector<1xi32>
            %squeeze3A_400 = vector.extract %slice3A_399[0] : i32 from vector<1xi32>
            %add3A_401 = arith.addi %add3A_395, %squeeze3A_400 : i32
            scf.yield %add3A_401 : i32
          }
          scf.yield %while3A_312 : i32
        }
        %while3A_228 = arith.constant 1 : i32
        %while3A_229 = scf.for %while3A_230 = %while3A_225 to %while3A_221 step %while3A_228 iter_args(%while3A_231 = %while3A_227) -> (i32)  : i32 {
          %mul3A_232 = arith.constant 10 : i32
          %mul3A_233 = arith.muli %while3A_216, %mul3A_232 : i32
          %add3A_234 = arith.addi %mul3A_233, %while3A_230 : i32
          %mul3A_235 = arith.constant 30 : i32
          %mul3A_236 = arith.muli %add3A_234, %mul3A_235 : i32
          %add3A_237 = arith.addi %mul3A_236, %max3A_101 : i32
          %broadcast_in_dim3A_238 = vector.broadcast %add3A_237 : i32 to vector<16xi32>
          %gather3A_239 = tpu.vector_load_idx %arg11[%broadcast_in_dim3A_238] : memref<3072xi32, #tpu.memory_space<vmem>>[vector<16xi32>], vector<16xi32>,
          %slice3A_240 = vector.extract_strided_slice %gather3A_239 {offsets = [0], sizes = [1], strides = [1]} : vector<16xi32> to vector<1xi32>
          %squeeze3A_241 = vector.extract %slice3A_240[0] : i32 from vector<1xi32>
          %add3A_242 = arith.addi %mul3A_236, %min3A_105 : i32
          %add3A_243 = arith.constant 1 : i32
          %add3A_244 = arith.addi %add3A_242, %add3A_243 : i32
          %broadcast_in_dim3A_245 = vector.broadcast %add3A_244 : i32 to vector<16xi32>
          %gather3A_246 = tpu.vector_load_idx %arg11[%broadcast_in_dim3A_245] : memref<3072xi32, #tpu.memory_space<vmem>>[vector<16xi32>], vector<16xi32>,
          %slice3A_247 = vector.extract_strided_slice %gather3A_246 {offsets = [0], sizes = [1], strides = [1]} : vector<16xi32> to vector<1xi32>
          %squeeze3A_248 = vector.extract %slice3A_247[0] : i32 from vector<1xi32>
          %sub3A_249 = arith.subi %squeeze3A_248, %squeeze3A_241 : i32
          %add3A_250 = arith.constant 15 : i32
          %add3A_251 = arith.addi %sub3A_249, %add3A_250 : i32
          %jit3A_252 = arith.constant 16 : i32
          %div3A_253 = arith.divsi %add3A_251, %jit3A_252 : i32
          %sign3A_254 = arith.constant 0 : i32
          %sign3A_255 = arith.cmpi sgt, %add3A_251, %sign3A_254 : i32
          %sign3A_256 = arith.extui %sign3A_255 : i1 to i32
          %sign3A_257 = arith.constant 0 : i32
          %sign3A_258 = arith.cmpi slt, %add3A_251, %sign3A_257 : i32
          %sign3A_259 = arith.extui %sign3A_258 : i1 to i32
          %sign3A_260 = arith.subi %sign3A_256, %sign3A_259 : i32
          %sign3A_261 = arith.constant 0 : i32
          %sign3A_262 = arith.cmpi sgt, %jit3A_252, %sign3A_261 : i32
          %sign3A_263 = arith.extui %sign3A_262 : i1 to i32
          %sign3A_264 = arith.constant 0 : i32
          %sign3A_265 = arith.cmpi slt, %jit3A_252, %sign3A_264 : i32
          %sign3A_266 = arith.extui %sign3A_265 : i1 to i32
          %sign3A_267 = arith.subi %sign3A_263, %sign3A_266 : i32
          %ne3A_268 = arith.cmpi ne, %sign3A_260, %sign3A_267 : i32
          %rem3A_269 = arith.remsi %add3A_251, %jit3A_252 : i32
          %ne3A_270 = arith.constant 0 : i32
          %ne3A_271 = arith.cmpi ne, %rem3A_269, %ne3A_270 : i32
          %and3A_272 = arith.andi %ne3A_268, %ne3A_271 : i1
          %sub3A_273 = arith.constant 1 : i32
          %sub3A_274 = arith.subi %div3A_253, %sub3A_273 : i32
          %select_n3A_275 = arith.select %and3A_272, %sub3A_274, %div3A_253 : i32
          %add3A_276 = arith.constant 1 : i32
          %add3A_277 = arith.addi %select_n3A_275, %add3A_276 : i32
          %jit3A_278 = arith.constant 2 : i32
          %div3A_279 = arith.divsi %add3A_277, %jit3A_278 : i32
          %sign3A_280 = arith.constant 0 : i32
          %sign3A_281 = arith.cmpi sgt, %add3A_277, %sign3A_280 : i32
          %sign3A_282 = arith.extui %sign3A_281 : i1 to i32
          %sign3A_283 = arith.constant 0 : i32
          %sign3A_284 = arith.cmpi slt, %add3A_277, %sign3A_283 : i32
          %sign3A_285 = arith.extui %sign3A_284 : i1 to i32
          %sign3A_286 = arith.subi %sign3A_282, %sign3A_285 : i32
          %sign3A_287 = arith.constant 0 : i32
          %sign3A_288 = arith.cmpi sgt, %jit3A_278, %sign3A_287 : i32
          %sign3A_289 = arith.extui %sign3A_288 : i1 to i32
          %sign3A_290 = arith.constant 0 : i32
          %sign3A_291 = arith.cmpi slt, %jit3A_278, %sign3A_290 : i32
          %sign3A_292 = arith.extui %sign3A_291 : i1 to i32
          %sign3A_293 = arith.subi %sign3A_289, %sign3A_292 : i32
          %ne3A_294 = arith.cmpi ne, %sign3A_286, %sign3A_293 : i32
          %rem3A_295 = arith.remsi %add3A_277, %jit3A_278 : i32
          %ne3A_296 = arith.constant 0 : i32
          %ne3A_297 = arith.cmpi ne, %rem3A_295, %ne3A_296 : i32
          %and3A_298 = arith.andi %ne3A_294, %ne3A_297 : i1
          %sub3A_299 = arith.constant 1 : i32
          %sub3A_300 = arith.subi %div3A_279, %sub3A_299 : i32
          %select_n3A_301 = arith.select %and3A_298, %sub3A_300, %div3A_279 : i32
          %while3A_302 = arith.constant 0 : i32
          %while3A_303 = arith.subi %select_n3A_301, %while3A_302 : i32
          %while3A_304 = arith.addi %while3A_302, %while3A_303 : i32
          %while3A_305 = arith.constant 1 : i32
          %while3A_306 = arith.divsi %while3A_303, %while3A_305 : i32
          %while3A_307 = arith.muli %while3A_306, %while3A_305 : i32
          %while3A_308 = arith.addi %while3A_302, %while3A_307 : i32
          %while3A_309 = arith.constant 1 : i32
          %while3A_310 = scf.for %while3A_313 = %while3A_302 to %while3A_308 step %while3A_309 iter_args(%while3A_314 = %while3A_231) -> (i32)  : i32 {
            %lt3A_315 = arith.constant 992 : i32
            %lt3A_316 = arith.cmpi slt, %while3A_314, %lt3A_315 : i32
            %mul3A_317 = arith.constant 2 : i32
            %mul3A_318 = arith.muli %mul3A_317, %while3A_313 : i32
            %add3A_319 = arith.constant 0 : i32
            %add3A_320 = arith.addi %mul3A_318, %add3A_319 : i32
            %mul3A_321 = arith.constant 16 : i32
            %mul3A_322 = arith.muli %add3A_320, %mul3A_321 : i32
            %add3A_323 = arith.addi %squeeze3A_241, %mul3A_322 : i32
            %add3A_324 = vector.broadcast %add3A_323 : i32 to vector<16xi32>
            %add3A_325 = arith.addi %add3A_324, %iota3A : vector<16xi32>
            %lt3A_326 = vector.broadcast %squeeze3A_248 : i32 to vector<16xi32>
            %lt3A_327 = arith.cmpi slt, %add3A_325, %lt3A_326 : vector<16xi32>
            %min3A_328 = arith.constant 32767 : i32
            %min3A_329 = vector.broadcast %min3A_328 : i32 to vector<16xi32>
            %min3A_330 = arith.minsi %add3A_325, %min3A_329 : vector<16xi32>
            %gather3A_331 = tpu.vector_load_idx %arg8[%min3A_330] : memref<32768xf32, #tpu.memory_space<vmem>>[vector<16xi32>], vector<16xf32>,
            %sub3A_332 = vector.broadcast %squeeze3A_77 : f32 to vector<16xf32>
            %sub3A_333 = arith.subf %sub3A_332, %gather3A_331 : vector<16xf32>
            %gather3A_334 = tpu.vector_load_idx %arg9[%min3A_330] : memref<32768xf32, #tpu.memory_space<vmem>>[vector<16xi32>], vector<16xf32>,
            %sub3A_335 = vector.broadcast %squeeze3A_79 : f32 to vector<16xf32>
            %sub3A_336 = arith.subf %sub3A_335, %gather3A_334 : vector<16xf32>
            %gather3A_337 = tpu.vector_load_idx %arg10[%min3A_330] : memref<32768xf32, #tpu.memory_space<vmem>>[vector<16xi32>], vector<16xf32>,
            %sub3A_338 = vector.broadcast %squeeze3A_81 : f32 to vector<16xf32>
            %sub3A_339 = arith.subf %sub3A_338, %gather3A_337 : vector<16xf32>
            %mul3A_340 = arith.mulf %sub3A_333, %sub3A_333 : vector<16xf32>
            %mul3A_341 = arith.mulf %sub3A_336, %sub3A_336 : vector<16xf32>
            %add3A_342 = arith.addf %mul3A_340, %mul3A_341 : vector<16xf32>
            %mul3A_343 = arith.mulf %sub3A_339, %sub3A_339 : vector<16xf32>
            %add3A_344 = arith.addf %add3A_342, %mul3A_343 : vector<16xf32>
            %le3A_345 = vector.broadcast %scan3A : f32 to vector<16xf32>
            %le3A_346 = arith.cmpf ole, %add3A_344, %le3A_345 : vector<16xf32>
            %and3A_347 = arith.andi %lt3A_327, %le3A_346 : vector<16xi1>
            %and3A_348 = vector.broadcast %lt3A_316 : i1 to vector<16xi1>
            %and3A_349 = arith.andi %and3A_347, %and3A_348 : vector<16xi1>
            %convert_element_type3A_350 = arith.extui %and3A_349 : vector<16xi1> to vector<16xi32>
            %broadcast_in_dim3A_351 = arith.constant true
            %broadcast_in_dim3A_352 = vector.broadcast %broadcast_in_dim3A_351 : i1 to vector<16xi1>
            %masked_cumsum3A = tpu.scan <sum>, %convert_element_type3A_350 masked %broadcast_in_dim3A_352 : vector<16xi32>, vector<16xi1> -> vector<16xi32>
            %mul3A_353 = arith.constant 2 : i32
            %mul3A_354 = arith.muli %mul3A_353, %while3A_313 : i32
            %add3A_355 = arith.constant 1 : i32
            %add3A_356 = arith.addi %mul3A_354, %add3A_355 : i32
            %mul3A_357 = arith.constant 16 : i32
            %mul3A_358 = arith.muli %add3A_356, %mul3A_357 : i32
            %add3A_359 = arith.addi %squeeze3A_241, %mul3A_358 : i32
            %add3A_360 = vector.broadcast %add3A_359 : i32 to vector<16xi32>
            %add3A_361 = arith.addi %add3A_360, %iota3A : vector<16xi32>
            %lt3A_362 = vector.broadcast %squeeze3A_248 : i32 to vector<16xi32>
            %lt3A_363 = arith.cmpi slt, %add3A_361, %lt3A_362 : vector<16xi32>
            %min3A_364 = arith.constant 32767 : i32
            %min3A_365 = vector.broadcast %min3A_364 : i32 to vector<16xi32>
            %min3A_366 = arith.minsi %add3A_361, %min3A_365 : vector<16xi32>
            %gather3A_367 = tpu.vector_load_idx %arg8[%min3A_366] : memref<32768xf32, #tpu.memory_space<vmem>>[vector<16xi32>], vector<16xf32>,
            %sub3A_368 = vector.broadcast %squeeze3A_77 : f32 to vector<16xf32>
            %sub3A_369 = arith.subf %sub3A_368, %gather3A_367 : vector<16xf32>
            %gather3A_370 = tpu.vector_load_idx %arg9[%min3A_366] : memref<32768xf32, #tpu.memory_space<vmem>>[vector<16xi32>], vector<16xf32>,
            %sub3A_371 = vector.broadcast %squeeze3A_79 : f32 to vector<16xf32>
            %sub3A_372 = arith.subf %sub3A_371, %gather3A_370 : vector<16xf32>
            %gather3A_373 = tpu.vector_load_idx %arg10[%min3A_366] : memref<32768xf32, #tpu.memory_space<vmem>>[vector<16xi32>], vector<16xf32>,
            %sub3A_374 = vector.broadcast %squeeze3A_81 : f32 to vector<16xf32>
            %sub3A_375 = arith.subf %sub3A_374, %gather3A_373 : vector<16xf32>
            %mul3A_376 = arith.mulf %sub3A_369, %sub3A_369 : vector<16xf32>
            %mul3A_377 = arith.mulf %sub3A_372, %sub3A_372 : vector<16xf32>
            %add3A_378 = arith.addf %mul3A_376, %mul3A_377 : vector<16xf32>
            %mul3A_379 = arith.mulf %sub3A_375, %sub3A_375 : vector<16xf32>
            %add3A_380 = arith.addf %add3A_378, %mul3A_379 : vector<16xf32>
            %le3A_381 = vector.broadcast %scan3A : f32 to vector<16xf32>
            %le3A_382 = arith.cmpf ole, %add3A_380, %le3A_381 : vector<16xf32>
            %and3A_383 = arith.andi %lt3A_363, %le3A_382 : vector<16xi1>
            %and3A_384 = vector.broadcast %lt3A_316 : i1 to vector<16xi1>
            %and3A_385 = arith.andi %and3A_383, %and3A_384 : vector<16xi1>
            %convert_element_type3A_386 = arith.extui %and3A_385 : vector<16xi1> to vector<16xi32>
            %broadcast_in_dim3A_387 = arith.constant true
            %broadcast_in_dim3A_388 = vector.broadcast %broadcast_in_dim3A_387 : i1 to vector<16xi1>
            %masked_cumsum3A_389 = tpu.scan <sum>, %convert_element_type3A_386 masked %broadcast_in_dim3A_388 : vector<16xi32>, vector<16xi1> -> vector<16xi32>
            %add3A_390 = vector.broadcast %while3A_314 : i32 to vector<16xi32>
            %add3A_391 = arith.addi %add3A_390, %masked_cumsum3A : vector<16xi32>
            %sub3A_392 = arith.subi %add3A_391, %convert_element_type3A_350 : vector<16xi32>
            tpu.vector_store_idx %arg13[%sub3A_392], %add3A_344 masked %and3A_349 : memref<1024xf32, #tpu.memory_space<vmem>>[vector<16xi32>], vector<16xf32>, vector<16xi1>
            tpu.vector_store_idx %arg14[%sub3A_392], %add3A_325 masked %and3A_349 : memref<1024xi32, #tpu.memory_space<vmem>>[vector<16xi32>], vector<16xi32>, vector<16xi1>
            %slice3A_393 = vector.extract_strided_slice %masked_cumsum3A {offsets = [15], sizes = [1], strides = [1]} : vector<16xi32> to vector<1xi32>
            %squeeze3A_394 = vector.extract %slice3A_393[0] : i32 from vector<1xi32>
            %add3A_395 = arith.addi %while3A_314, %squeeze3A_394 : i32
            %add3A_396 = vector.broadcast %add3A_395 : i32 to vector<16xi32>
            %add3A_397 = arith.addi %add3A_396, %masked_cumsum3A_389 : vector<16xi32>
            %sub3A_398 = arith.subi %add3A_397, %convert_element_type3A_386 : vector<16xi32>
            tpu.vector_store_idx %arg13[%sub3A_398], %add3A_380 masked %and3A_385 : memref<1024xf32, #tpu.memory_space<vmem>>[vector<16xi32>], vector<16xf32>, vector<16xi1>
            tpu.vector_store_idx %arg14[%sub3A_398], %add3A_361 masked %and3A_385 : memref<1024xi32, #tpu.memory_space<vmem>>[vector<16xi32>], vector<16xi32>, vector<16xi1>
            %slice3A_399 = vector.extract_strided_slice %masked_cumsum3A_389 {offsets = [15], sizes = [1], strides = [1]} : vector<16xi32> to vector<1xi32>
            %squeeze3A_400 = vector.extract %slice3A_399[0] : i32 from vector<1xi32>
            %add3A_401 = arith.addi %add3A_395, %squeeze3A_400 : i32
            scf.yield %add3A_401 : i32
          }
          %while3A_311 = arith.constant 1 : i32
          %while3A_312 = scf.for %while3A_313 = %while3A_308 to %while3A_304 step %while3A_311 iter_args(%while3A_314 = %while3A_310) -> (i32)  : i32 {
            %lt3A_315 = arith.constant 992 : i32
            %lt3A_316 = arith.cmpi slt, %while3A_314, %lt3A_315 : i32
            %mul3A_317 = arith.constant 2 : i32
            %mul3A_318 = arith.muli %mul3A_317, %while3A_313 : i32
            %add3A_319 = arith.constant 0 : i32
            %add3A_320 = arith.addi %mul3A_318, %add3A_319 : i32
            %mul3A_321 = arith.constant 16 : i32
            %mul3A_322 = arith.muli %add3A_320, %mul3A_321 : i32
            %add3A_323 = arith.addi %squeeze3A_241, %mul3A_322 : i32
            %add3A_324 = vector.broadcast %add3A_323 : i32 to vector<16xi32>
            %add3A_325 = arith.addi %add3A_324, %iota3A : vector<16xi32>
            %lt3A_326 = vector.broadcast %squeeze3A_248 : i32 to vector<16xi32>
            %lt3A_327 = arith.cmpi slt, %add3A_325, %lt3A_326 : vector<16xi32>
            %min3A_328 = arith.constant 32767 : i32
            %min3A_329 = vector.broadcast %min3A_328 : i32 to vector<16xi32>
            %min3A_330 = arith.minsi %add3A_325, %min3A_329 : vector<16xi32>
            %gather3A_331 = tpu.vector_load_idx %arg8[%min3A_330] : memref<32768xf32, #tpu.memory_space<vmem>>[vector<16xi32>], vector<16xf32>,
            %sub3A_332 = vector.broadcast %squeeze3A_77 : f32 to vector<16xf32>
            %sub3A_333 = arith.subf %sub3A_332, %gather3A_331 : vector<16xf32>
            %gather3A_334 = tpu.vector_load_idx %arg9[%min3A_330] : memref<32768xf32, #tpu.memory_space<vmem>>[vector<16xi32>], vector<16xf32>,
            %sub3A_335 = vector.broadcast %squeeze3A_79 : f32 to vector<16xf32>
            %sub3A_336 = arith.subf %sub3A_335, %gather3A_334 : vector<16xf32>
            %gather3A_337 = tpu.vector_load_idx %arg10[%min3A_330] : memref<32768xf32, #tpu.memory_space<vmem>>[vector<16xi32>], vector<16xf32>,
            %sub3A_338 = vector.broadcast %squeeze3A_81 : f32 to vector<16xf32>
            %sub3A_339 = arith.subf %sub3A_338, %gather3A_337 : vector<16xf32>
            %mul3A_340 = arith.mulf %sub3A_333, %sub3A_333 : vector<16xf32>
            %mul3A_341 = arith.mulf %sub3A_336, %sub3A_336 : vector<16xf32>
            %add3A_342 = arith.addf %mul3A_340, %mul3A_341 : vector<16xf32>
            %mul3A_343 = arith.mulf %sub3A_339, %sub3A_339 : vector<16xf32>
            %add3A_344 = arith.addf %add3A_342, %mul3A_343 : vector<16xf32>
            %le3A_345 = vector.broadcast %scan3A : f32 to vector<16xf32>
            %le3A_346 = arith.cmpf ole, %add3A_344, %le3A_345 : vector<16xf32>
            %and3A_347 = arith.andi %lt3A_327, %le3A_346 : vector<16xi1>
            %and3A_348 = vector.broadcast %lt3A_316 : i1 to vector<16xi1>
            %and3A_349 = arith.andi %and3A_347, %and3A_348 : vector<16xi1>
            %convert_element_type3A_350 = arith.extui %and3A_349 : vector<16xi1> to vector<16xi32>
            %broadcast_in_dim3A_351 = arith.constant true
            %broadcast_in_dim3A_352 = vector.broadcast %broadcast_in_dim3A_351 : i1 to vector<16xi1>
            %masked_cumsum3A = tpu.scan <sum>, %convert_element_type3A_350 masked %broadcast_in_dim3A_352 : vector<16xi32>, vector<16xi1> -> vector<16xi32>
            %mul3A_353 = arith.constant 2 : i32
            %mul3A_354 = arith.muli %mul3A_353, %while3A_313 : i32
            %add3A_355 = arith.constant 1 : i32
            %add3A_356 = arith.addi %mul3A_354, %add3A_355 : i32
            %mul3A_357 = arith.constant 16 : i32
            %mul3A_358 = arith.muli %add3A_356, %mul3A_357 : i32
            %add3A_359 = arith.addi %squeeze3A_241, %mul3A_358 : i32
            %add3A_360 = vector.broadcast %add3A_359 : i32 to vector<16xi32>
            %add3A_361 = arith.addi %add3A_360, %iota3A : vector<16xi32>
            %lt3A_362 = vector.broadcast %squeeze3A_248 : i32 to vector<16xi32>
            %lt3A_363 = arith.cmpi slt, %add3A_361, %lt3A_362 : vector<16xi32>
            %min3A_364 = arith.constant 32767 : i32
            %min3A_365 = vector.broadcast %min3A_364 : i32 to vector<16xi32>
            %min3A_366 = arith.minsi %add3A_361, %min3A_365 : vector<16xi32>
            %gather3A_367 = tpu.vector_load_idx %arg8[%min3A_366] : memref<32768xf32, #tpu.memory_space<vmem>>[vector<16xi32>], vector<16xf32>,
            %sub3A_368 = vector.broadcast %squeeze3A_77 : f32 to vector<16xf32>
            %sub3A_369 = arith.subf %sub3A_368, %gather3A_367 : vector<16xf32>
            %gather3A_370 = tpu.vector_load_idx %arg9[%min3A_366] : memref<32768xf32, #tpu.memory_space<vmem>>[vector<16xi32>], vector<16xf32>,
            %sub3A_371 = vector.broadcast %squeeze3A_79 : f32 to vector<16xf32>
            %sub3A_372 = arith.subf %sub3A_371, %gather3A_370 : vector<16xf32>
            %gather3A_373 = tpu.vector_load_idx %arg10[%min3A_366] : memref<32768xf32, #tpu.memory_space<vmem>>[vector<16xi32>], vector<16xf32>,
            %sub3A_374 = vector.broadcast %squeeze3A_81 : f32 to vector<16xf32>
            %sub3A_375 = arith.subf %sub3A_374, %gather3A_373 : vector<16xf32>
            %mul3A_376 = arith.mulf %sub3A_369, %sub3A_369 : vector<16xf32>
            %mul3A_377 = arith.mulf %sub3A_372, %sub3A_372 : vector<16xf32>
            %add3A_378 = arith.addf %mul3A_376, %mul3A_377 : vector<16xf32>
            %mul3A_379 = arith.mulf %sub3A_375, %sub3A_375 : vector<16xf32>
            %add3A_380 = arith.addf %add3A_378, %mul3A_379 : vector<16xf32>
            %le3A_381 = vector.broadcast %scan3A : f32 to vector<16xf32>
            %le3A_382 = arith.cmpf ole, %add3A_380, %le3A_381 : vector<16xf32>
            %and3A_383 = arith.andi %lt3A_363, %le3A_382 : vector<16xi1>
            %and3A_384 = vector.broadcast %lt3A_316 : i1 to vector<16xi1>
            %and3A_385 = arith.andi %and3A_383, %and3A_384 : vector<16xi1>
            %convert_element_type3A_386 = arith.extui %and3A_385 : vector<16xi1> to vector<16xi32>
            %broadcast_in_dim3A_387 = arith.constant true
            %broadcast_in_dim3A_388 = vector.broadcast %broadcast_in_dim3A_387 : i1 to vector<16xi1>
            %masked_cumsum3A_389 = tpu.scan <sum>, %convert_element_type3A_386 masked %broadcast_in_dim3A_388 : vector<16xi32>, vector<16xi1> -> vector<16xi32>
            %add3A_390 = vector.broadcast %while3A_314 : i32 to vector<16xi32>
            %add3A_391 = arith.addi %add3A_390, %masked_cumsum3A : vector<16xi32>
            %sub3A_392 = arith.subi %add3A_391, %convert_element_type3A_350 : vector<16xi32>
            tpu.vector_store_idx %arg13[%sub3A_392], %add3A_344 masked %and3A_349 : memref<1024xf32, #tpu.memory_space<vmem>>[vector<16xi32>], vector<16xf32>, vector<16xi1>
            tpu.vector_store_idx %arg14[%sub3A_392], %add3A_325 masked %and3A_349 : memref<1024xi32, #tpu.memory_space<vmem>>[vector<16xi32>], vector<16xi32>, vector<16xi1>
            %slice3A_393 = vector.extract_strided_slice %masked_cumsum3A {offsets = [15], sizes = [1], strides = [1]} : vector<16xi32> to vector<1xi32>
            %squeeze3A_394 = vector.extract %slice3A_393[0] : i32 from vector<1xi32>
            %add3A_395 = arith.addi %while3A_314, %squeeze3A_394 : i32
            %add3A_396 = vector.broadcast %add3A_395 : i32 to vector<16xi32>
            %add3A_397 = arith.addi %add3A_396, %masked_cumsum3A_389 : vector<16xi32>
            %sub3A_398 = arith.subi %add3A_397, %convert_element_type3A_386 : vector<16xi32>
            tpu.vector_store_idx %arg13[%sub3A_398], %add3A_380 masked %and3A_385 : memref<1024xf32, #tpu.memory_space<vmem>>[vector<16xi32>], vector<16xf32>, vector<16xi1>
            tpu.vector_store_idx %arg14[%sub3A_398], %add3A_361 masked %and3A_385 : memref<1024xi32, #tpu.memory_space<vmem>>[vector<16xi32>], vector<16xi32>, vector<16xi1>
            %slice3A_399 = vector.extract_strided_slice %masked_cumsum3A_389 {offsets = [15], sizes = [1], strides = [1]} : vector<16xi32> to vector<1xi32>
            %squeeze3A_400 = vector.extract %slice3A_399[0] : i32 from vector<1xi32>
            %add3A_401 = arith.addi %add3A_395, %squeeze3A_400 : i32
            scf.yield %add3A_401 : i32
          }
          scf.yield %while3A_312 : i32
        }
        scf.yield %while3A_229 : i32
      }
      %broadcast_in_dim3A_118 = arith.constant 0x7F800000 : f32
      %broadcast_in_dim3A_119 = vector.broadcast %broadcast_in_dim3A_118 : f32 to vector<16xf32>
      %broadcast_in_dim3A_120 = arith.constant -1 : i32
      %broadcast_in_dim3A_121 = vector.broadcast %broadcast_in_dim3A_120 : i32 to vector<16xi32>
      %add3A_122 = arith.constant 15 : i32
      %add3A_123 = arith.addi %while3A_117, %add3A_122 : i32
      %jit3A_124 = arith.constant 16 : i32
      %div3A = arith.divsi %add3A_123, %jit3A_124 : i32
      %sign3A = arith.constant 0 : i32
      %sign3A_125 = arith.cmpi sgt, %add3A_123, %sign3A : i32
      %sign3A_126 = arith.extui %sign3A_125 : i1 to i32
      %sign3A_127 = arith.constant 0 : i32
      %sign3A_128 = arith.cmpi slt, %add3A_123, %sign3A_127 : i32
      %sign3A_129 = arith.extui %sign3A_128 : i1 to i32
      %sign3A_130 = arith.subi %sign3A_126, %sign3A_129 : i32
      %sign3A_131 = arith.constant 0 : i32
      %sign3A_132 = arith.cmpi sgt, %jit3A_124, %sign3A_131 : i32
      %sign3A_133 = arith.extui %sign3A_132 : i1 to i32
      %sign3A_134 = arith.constant 0 : i32
      %sign3A_135 = arith.cmpi slt, %jit3A_124, %sign3A_134 : i32
      %sign3A_136 = arith.extui %sign3A_135 : i1 to i32
      %sign3A_137 = arith.subi %sign3A_133, %sign3A_136 : i32
      %ne3A = arith.cmpi ne, %sign3A_130, %sign3A_137 : i32
      %rem3A = arith.remsi %add3A_123, %jit3A_124 : i32
      %ne3A_138 = arith.constant 0 : i32
      %ne3A_139 = arith.cmpi ne, %rem3A, %ne3A_138 : i32
      %and3A_140 = arith.andi %ne3A, %ne3A_139 : i1
      %sub3A = arith.constant 1 : i32
      %sub3A_141 = arith.subi %div3A, %sub3A : i32
      %select_n3A_142 = arith.select %and3A_140, %sub3A_141, %div3A : i32
      %while3A_143 = arith.constant 0 : i32
      %while3A_144 = arith.subi %select_n3A_142, %while3A_143 : i32
      %while3A_145 = arith.addi %while3A_143, %while3A_144 : i32
      %while3A_146 = arith.constant 1 : i32
      %while3A_147 = arith.divsi %while3A_144, %while3A_146 : i32
      %while3A_148 = arith.muli %while3A_147, %while3A_146 : i32
      %while3A_149 = arith.addi %while3A_143, %while3A_148 : i32
      %while3A_150 = arith.constant 1 : i32
      %while3A_151:8 = scf.for %while3A_216 = %while3A_143 to %while3A_149 step %while3A_150 iter_args(%while3A_217 = %broadcast_in_dim3A_119, %while3A_218 = %broadcast_in_dim3A_121, %while3A_219 = %broadcast_in_dim3A_119, %while3A_220 = %broadcast_in_dim3A_121, %while3A_221 = %broadcast_in_dim3A_119, %while3A_222 = %broadcast_in_dim3A_121, %while3A_223 = %broadcast_in_dim3A_119, %while3A_224 = %broadcast_in_dim3A_121) -> (vector<16xf32>, vector<16xi32>, vector<16xf32>, vector<16xi32>, vector<16xf32>, vector<16xi32>, vector<16xf32>, vector<16xi32>)  : i32 {
        %mul3A_225 = arith.constant 16 : i32
        %mul3A_226 = arith.muli %mul3A_225, %while3A_216 : i32
        %add3A_227 = vector.broadcast %mul3A_226 : i32 to vector<16xi32>
        %add3A_228 = arith.addi %add3A_227, %iota3A : vector<16xi32>
        %lt3A_229 = vector.broadcast %while3A_117 : i32 to vector<16xi32>
        %lt3A_230 = arith.cmpi slt, %add3A_228, %lt3A_229 : vector<16xi32>
        %mul3A_231 = arith.constant 16 : i32
        %mul3A_232 = arith.muli %mul3A_231, %while3A_216 : i32
        %get3A = arith.index_cast %mul3A_232 : i32 to index
        %get3A_233 = tpu.vector_load %arg13[%get3A] {strides = array<i32>} : memref<1024xf32, #tpu.memory_space<vmem>>, vector<16xf32>,
        %jit3A_234 = arith.constant 0x7F800000 : f32
        %broadcast_in_dim3A_235 = vector.broadcast %jit3A_234 : f32 to vector<16xf32>
        %select_n3A_236 = arith.select %lt3A_230, %get3A_233, %broadcast_in_dim3A_235 : vector<16xi1>, vector<16xf32>
        %mul3A_237 = arith.constant 16 : i32
        %mul3A_238 = arith.muli %mul3A_237, %while3A_216 : i32
        %get3A_239 = arith.index_cast %mul3A_238 : i32 to index
        %get3A_240 = tpu.vector_load %arg14[%get3A_239] {strides = array<i32>} : memref<1024xi32, #tpu.memory_space<vmem>>, vector<16xi32>,
        %jit3A_241 = arith.constant -1 : i32
        %broadcast_in_dim3A_242 = vector.broadcast %jit3A_241 : i32 to vector<16xi32>
        %select_n3A_243 = arith.select %lt3A_230, %get3A_240, %broadcast_in_dim3A_242 : vector<16xi1>, vector<16xi32>
        %reduce_min3A = arith.constant true
        %reduce_min3A_244 = vector.broadcast %reduce_min3A : i1 to vector<16xi1>
        %reduce_min3A_245 = tpu.scan <min>, %select_n3A_236 masked %reduce_min3A_244 : vector<16xf32>, vector<16xi1> -> vector<16xf32>
        %reduce_min3A_246 = vector.extract %reduce_min3A_245[15] : f32 from vector<16xf32>
        %reduce_max3A = arith.constant true
        %reduce_max3A_247 = vector.broadcast %reduce_max3A : i1 to vector<16xi1>
        %reduce_max3A_248 = tpu.scan <max>, %while3A_223 masked %reduce_max3A_247 : vector<16xf32>, vector<16xi1> -> vector<16xf32>
        %reduce_max3A_249 = vector.extract %reduce_max3A_248[15] : f32 from vector<16xf32>
        %lt3A_250 = arith.cmpf olt, %reduce_min3A_246, %reduce_max3A_249 : f32
        %convert_element_type3A_251 = arith.extui %lt3A_250 : i1 to i32
        %cond3A_252 = arith.constant 0 : i32
        %cond3A_253 = arith.cmpi ne, %convert_element_type3A_251, %cond3A_252 : i32
        %cond3A_254:8 = scf.if %cond3A_253 -> (vector<16xf32>, vector<16xi32>, vector<16xf32>, vector<16xi32>, vector<16xf32>, vector<16xi32>, vector<16xf32>, vector<16xi32>) {
          %masked_sort3A = arith.constant dense<true> : vector<16xi1>
          %masked_sort3A_255, %masked_sort3A_256, %masked_sort3A_257 = tpu.sort %select_n3A_236, %select_n3A_243 masked %masked_sort3A : (vector<16xf32>, vector<16xi32>, vector<16xi1>) -> (vector<16xi1>, vector<16xf32>, vector<16xi32>)
          %rev3A = arith.constant 15 : i32
          %rev3A_258 = vector.broadcast %rev3A : i32 to vector<16xi32>
          %rev3A_259 = tpu.iota {dimensions = array<i32: 0>} : vector<16xi32>
          %rev3A_260 = arith.subi %rev3A_258, %rev3A_259 : vector<16xi32>
          %rev3A_261 = tpu.dynamic_gather %masked_sort3A_256[%rev3A_260] in [0] : vector<16xf32>, vector<16xi32> -> vector<16xf32>
          %rev3A_262 = arith.constant 15 : i32
          %rev3A_263 = vector.broadcast %rev3A_262 : i32 to vector<16xi32>
          %rev3A_264 = tpu.iota {dimensions = array<i32: 0>} : vector<16xi32>
          %rev3A_265 = arith.subi %rev3A_263, %rev3A_264 : vector<16xi32>
          %rev3A_266 = tpu.dynamic_gather %masked_sort3A_257[%rev3A_265] in [0] : vector<16xi32>, vector<16xi32> -> vector<16xi32>
          %le3A_267 = arith.cmpf ole, %while3A_217, %rev3A_261 : vector<16xf32>
          %select_n3A_268 = arith.select %le3A_267, %while3A_217, %rev3A_261 : vector<16xi1>, vector<16xf32>
          %select_n3A_269 = arith.select %le3A_267, %while3A_218, %rev3A_266 : vector<16xi1>, vector<16xi32>
          %masked_sort3A_270 = arith.constant dense<true> : vector<16xi1>
          %masked_sort3A_271, %masked_sort3A_272, %masked_sort3A_273 = tpu.sort %select_n3A_268, %select_n3A_269 masked %masked_sort3A_270 : (vector<16xf32>, vector<16xi32>, vector<16xi1>) -> (vector<16xi1>, vector<16xf32>, vector<16xi32>)
          %select_n3A_274 = arith.select %le3A_267, %rev3A_261, %while3A_217 : vector<16xi1>, vector<16xf32>
          %select_n3A_275 = arith.select %le3A_267, %rev3A_266, %while3A_218 : vector<16xi1>, vector<16xi32>
          %masked_sort3A_276 = arith.constant dense<true> : vector<16xi1>
          %masked_sort3A_277, %masked_sort3A_278, %masked_sort3A_279 = tpu.sort %select_n3A_274, %select_n3A_275 masked %masked_sort3A_276 : (vector<16xf32>, vector<16xi32>, vector<16xi1>) -> (vector<16xi1>, vector<16xf32>, vector<16xi32>)
          %rev3A_280 = arith.constant 15 : i32
          %rev3A_281 = vector.broadcast %rev3A_280 : i32 to vector<16xi32>
          %rev3A_282 = tpu.iota {dimensions = array<i32: 0>} : vector<16xi32>
          %rev3A_283 = arith.subi %rev3A_281, %rev3A_282 : vector<16xi32>
          %rev3A_284 = tpu.dynamic_gather %masked_sort3A_278[%rev3A_283] in [0] : vector<16xf32>, vector<16xi32> -> vector<16xf32>
          %rev3A_285 = arith.constant 15 : i32
          %rev3A_286 = vector.broadcast %rev3A_285 : i32 to vector<16xi32>
          %rev3A_287 = tpu.iota {dimensions = array<i32: 0>} : vector<16xi32>
          %rev3A_288 = arith.subi %rev3A_286, %rev3A_287 : vector<16xi32>
          %rev3A_289 = tpu.dynamic_gather %masked_sort3A_279[%rev3A_288] in [0] : vector<16xi32>, vector<16xi32> -> vector<16xi32>
          %le3A_290 = arith.cmpf ole, %while3A_219, %rev3A_284 : vector<16xf32>
          %select_n3A_291 = arith.select %le3A_290, %while3A_219, %rev3A_284 : vector<16xi1>, vector<16xf32>
          %select_n3A_292 = arith.select %le3A_290, %while3A_220, %rev3A_289 : vector<16xi1>, vector<16xi32>
          %masked_sort3A_293 = arith.constant dense<true> : vector<16xi1>
          %masked_sort3A_294, %masked_sort3A_295, %masked_sort3A_296 = tpu.sort %select_n3A_291, %select_n3A_292 masked %masked_sort3A_293 : (vector<16xf32>, vector<16xi32>, vector<16xi1>) -> (vector<16xi1>, vector<16xf32>, vector<16xi32>)
          %select_n3A_297 = arith.select %le3A_290, %rev3A_284, %while3A_219 : vector<16xi1>, vector<16xf32>
          %select_n3A_298 = arith.select %le3A_290, %rev3A_289, %while3A_220 : vector<16xi1>, vector<16xi32>
          %masked_sort3A_299 = arith.constant dense<true> : vector<16xi1>
          %masked_sort3A_300, %masked_sort3A_301, %masked_sort3A_302 = tpu.sort %select_n3A_297, %select_n3A_298 masked %masked_sort3A_299 : (vector<16xf32>, vector<16xi32>, vector<16xi1>) -> (vector<16xi1>, vector<16xf32>, vector<16xi32>)
          %rev3A_303 = arith.constant 15 : i32
          %rev3A_304 = vector.broadcast %rev3A_303 : i32 to vector<16xi32>
          %rev3A_305 = tpu.iota {dimensions = array<i32: 0>} : vector<16xi32>
          %rev3A_306 = arith.subi %rev3A_304, %rev3A_305 : vector<16xi32>
          %rev3A_307 = tpu.dynamic_gather %masked_sort3A_301[%rev3A_306] in [0] : vector<16xf32>, vector<16xi32> -> vector<16xf32>
          %rev3A_308 = arith.constant 15 : i32
          %rev3A_309 = vector.broadcast %rev3A_308 : i32 to vector<16xi32>
          %rev3A_310 = tpu.iota {dimensions = array<i32: 0>} : vector<16xi32>
          %rev3A_311 = arith.subi %rev3A_309, %rev3A_310 : vector<16xi32>
          %rev3A_312 = tpu.dynamic_gather %masked_sort3A_302[%rev3A_311] in [0] : vector<16xi32>, vector<16xi32> -> vector<16xi32>
          %le3A_313 = arith.cmpf ole, %while3A_221, %rev3A_307 : vector<16xf32>
          %select_n3A_314 = arith.select %le3A_313, %while3A_221, %rev3A_307 : vector<16xi1>, vector<16xf32>
          %select_n3A_315 = arith.select %le3A_313, %while3A_222, %rev3A_312 : vector<16xi1>, vector<16xi32>
          %masked_sort3A_316 = arith.constant dense<true> : vector<16xi1>
          %masked_sort3A_317, %masked_sort3A_318, %masked_sort3A_319 = tpu.sort %select_n3A_314, %select_n3A_315 masked %masked_sort3A_316 : (vector<16xf32>, vector<16xi32>, vector<16xi1>) -> (vector<16xi1>, vector<16xf32>, vector<16xi32>)
          %select_n3A_320 = arith.select %le3A_313, %rev3A_307, %while3A_221 : vector<16xi1>, vector<16xf32>
          %select_n3A_321 = arith.select %le3A_313, %rev3A_312, %while3A_222 : vector<16xi1>, vector<16xi32>
          %masked_sort3A_322 = arith.constant dense<true> : vector<16xi1>
          %masked_sort3A_323, %masked_sort3A_324, %masked_sort3A_325 = tpu.sort %select_n3A_320, %select_n3A_321 masked %masked_sort3A_322 : (vector<16xf32>, vector<16xi32>, vector<16xi1>) -> (vector<16xi1>, vector<16xf32>, vector<16xi32>)
          %rev3A_326 = arith.constant 15 : i32
          %rev3A_327 = vector.broadcast %rev3A_326 : i32 to vector<16xi32>
          %rev3A_328 = tpu.iota {dimensions = array<i32: 0>} : vector<16xi32>
          %rev3A_329 = arith.subi %rev3A_327, %rev3A_328 : vector<16xi32>
          %rev3A_330 = tpu.dynamic_gather %masked_sort3A_324[%rev3A_329] in [0] : vector<16xf32>, vector<16xi32> -> vector<16xf32>
          %rev3A_331 = arith.constant 15 : i32
          %rev3A_332 = vector.broadcast %rev3A_331 : i32 to vector<16xi32>
          %rev3A_333 = tpu.iota {dimensions = array<i32: 0>} : vector<16xi32>
          %rev3A_334 = arith.subi %rev3A_332, %rev3A_333 : vector<16xi32>
          %rev3A_335 = tpu.dynamic_gather %masked_sort3A_325[%rev3A_334] in [0] : vector<16xi32>, vector<16xi32> -> vector<16xi32>
          %le3A_336 = arith.cmpf ole, %while3A_223, %rev3A_330 : vector<16xf32>
          %select_n3A_337 = arith.select %le3A_336, %while3A_223, %rev3A_330 : vector<16xi1>, vector<16xf32>
          %select_n3A_338 = arith.select %le3A_336, %while3A_224, %rev3A_335 : vector<16xi1>, vector<16xi32>
          %masked_sort3A_339 = arith.constant dense<true> : vector<16xi1>
          %masked_sort3A_340, %masked_sort3A_341, %masked_sort3A_342 = tpu.sort %select_n3A_337, %select_n3A_338 masked %masked_sort3A_339 : (vector<16xf32>, vector<16xi32>, vector<16xi1>) -> (vector<16xi1>, vector<16xf32>, vector<16xi32>)
          scf.yield %masked_sort3A_272, %masked_sort3A_273, %masked_sort3A_295, %masked_sort3A_296, %masked_sort3A_318, %masked_sort3A_319, %masked_sort3A_341, %masked_sort3A_342 : vector<16xf32>, vector<16xi32>, vector<16xf32>, vector<16xi32>, vector<16xf32>, vector<16xi32>, vector<16xf32>, vector<16xi32>
        } else {
          scf.yield %while3A_217, %while3A_218, %while3A_219, %while3A_220, %while3A_221, %while3A_222, %while3A_223, %while3A_224 : vector<16xf32>, vector<16xi32>, vector<16xf32>, vector<16xi32>, vector<16xf32>, vector<16xi32>, vector<16xf32>, vector<16xi32>
        }
        scf.yield %cond3A_254#0, %cond3A_254#1, %cond3A_254#2, %cond3A_254#3, %cond3A_254#4, %cond3A_254#5, %cond3A_254#6, %cond3A_254#7 : vector<16xf32>, vector<16xi32>, vector<16xf32>, vector<16xi32>, vector<16xf32>, vector<16xi32>, vector<16xf32>, vector<16xi32>
      }
      %while3A_152 = arith.constant 1 : i32
      %while3A_153:8 = scf.for %while3A_216 = %while3A_149 to %while3A_145 step %while3A_152 iter_args(%while3A_217 = %while3A_151#0, %while3A_218 = %while3A_151#1, %while3A_219 = %while3A_151#2, %while3A_220 = %while3A_151#3, %while3A_221 = %while3A_151#4, %while3A_222 = %while3A_151#5, %while3A_223 = %while3A_151#6, %while3A_224 = %while3A_151#7) -> (vector<16xf32>, vector<16xi32>, vector<16xf32>, vector<16xi32>, vector<16xf32>, vector<16xi32>, vector<16xf32>, vector<16xi32>)  : i32 {
        %mul3A_225 = arith.constant 16 : i32
        %mul3A_226 = arith.muli %mul3A_225, %while3A_216 : i32
        %add3A_227 = vector.broadcast %mul3A_226 : i32 to vector<16xi32>
        %add3A_228 = arith.addi %add3A_227, %iota3A : vector<16xi32>
        %lt3A_229 = vector.broadcast %while3A_117 : i32 to vector<16xi32>
        %lt3A_230 = arith.cmpi slt, %add3A_228, %lt3A_229 : vector<16xi32>
        %mul3A_231 = arith.constant 16 : i32
        %mul3A_232 = arith.muli %mul3A_231, %while3A_216 : i32
        %get3A = arith.index_cast %mul3A_232 : i32 to index
        %get3A_233 = tpu.vector_load %arg13[%get3A] {strides = array<i32>} : memref<1024xf32, #tpu.memory_space<vmem>>, vector<16xf32>,
        %jit3A_234 = arith.constant 0x7F800000 : f32
        %broadcast_in_dim3A_235 = vector.broadcast %jit3A_234 : f32 to vector<16xf32>
        %select_n3A_236 = arith.select %lt3A_230, %get3A_233, %broadcast_in_dim3A_235 : vector<16xi1>, vector<16xf32>
        %mul3A_237 = arith.constant 16 : i32
        %mul3A_238 = arith.muli %mul3A_237, %while3A_216 : i32
        %get3A_239 = arith.index_cast %mul3A_238 : i32 to index
        %get3A_240 = tpu.vector_load %arg14[%get3A_239] {strides = array<i32>} : memref<1024xi32, #tpu.memory_space<vmem>>, vector<16xi32>,
        %jit3A_241 = arith.constant -1 : i32
        %broadcast_in_dim3A_242 = vector.broadcast %jit3A_241 : i32 to vector<16xi32>
        %select_n3A_243 = arith.select %lt3A_230, %get3A_240, %broadcast_in_dim3A_242 : vector<16xi1>, vector<16xi32>
        %reduce_min3A = arith.constant true
        %reduce_min3A_244 = vector.broadcast %reduce_min3A : i1 to vector<16xi1>
        %reduce_min3A_245 = tpu.scan <min>, %select_n3A_236 masked %reduce_min3A_244 : vector<16xf32>, vector<16xi1> -> vector<16xf32>
        %reduce_min3A_246 = vector.extract %reduce_min3A_245[15] : f32 from vector<16xf32>
        %reduce_max3A = arith.constant true
        %reduce_max3A_247 = vector.broadcast %reduce_max3A : i1 to vector<16xi1>
        %reduce_max3A_248 = tpu.scan <max>, %while3A_223 masked %reduce_max3A_247 : vector<16xf32>, vector<16xi1> -> vector<16xf32>
        %reduce_max3A_249 = vector.extract %reduce_max3A_248[15] : f32 from vector<16xf32>
        %lt3A_250 = arith.cmpf olt, %reduce_min3A_246, %reduce_max3A_249 : f32
        %convert_element_type3A_251 = arith.extui %lt3A_250 : i1 to i32
        %cond3A_252 = arith.constant 0 : i32
        %cond3A_253 = arith.cmpi ne, %convert_element_type3A_251, %cond3A_252 : i32
        %cond3A_254:8 = scf.if %cond3A_253 -> (vector<16xf32>, vector<16xi32>, vector<16xf32>, vector<16xi32>, vector<16xf32>, vector<16xi32>, vector<16xf32>, vector<16xi32>) {
          %masked_sort3A = arith.constant dense<true> : vector<16xi1>
          %masked_sort3A_255, %masked_sort3A_256, %masked_sort3A_257 = tpu.sort %select_n3A_236, %select_n3A_243 masked %masked_sort3A : (vector<16xf32>, vector<16xi32>, vector<16xi1>) -> (vector<16xi1>, vector<16xf32>, vector<16xi32>)
          %rev3A = arith.constant 15 : i32
          %rev3A_258 = vector.broadcast %rev3A : i32 to vector<16xi32>
          %rev3A_259 = tpu.iota {dimensions = array<i32: 0>} : vector<16xi32>
          %rev3A_260 = arith.subi %rev3A_258, %rev3A_259 : vector<16xi32>
          %rev3A_261 = tpu.dynamic_gather %masked_sort3A_256[%rev3A_260] in [0] : vector<16xf32>, vector<16xi32> -> vector<16xf32>
          %rev3A_262 = arith.constant 15 : i32
          %rev3A_263 = vector.broadcast %rev3A_262 : i32 to vector<16xi32>
          %rev3A_264 = tpu.iota {dimensions = array<i32: 0>} : vector<16xi32>
          %rev3A_265 = arith.subi %rev3A_263, %rev3A_264 : vector<16xi32>
          %rev3A_266 = tpu.dynamic_gather %masked_sort3A_257[%rev3A_265] in [0] : vector<16xi32>, vector<16xi32> -> vector<16xi32>
          %le3A_267 = arith.cmpf ole, %while3A_217, %rev3A_261 : vector<16xf32>
          %select_n3A_268 = arith.select %le3A_267, %while3A_217, %rev3A_261 : vector<16xi1>, vector<16xf32>
          %select_n3A_269 = arith.select %le3A_267, %while3A_218, %rev3A_266 : vector<16xi1>, vector<16xi32>
          %masked_sort3A_270 = arith.constant dense<true> : vector<16xi1>
          %masked_sort3A_271, %masked_sort3A_272, %masked_sort3A_273 = tpu.sort %select_n3A_268, %select_n3A_269 masked %masked_sort3A_270 : (vector<16xf32>, vector<16xi32>, vector<16xi1>) -> (vector<16xi1>, vector<16xf32>, vector<16xi32>)
          %select_n3A_274 = arith.select %le3A_267, %rev3A_261, %while3A_217 : vector<16xi1>, vector<16xf32>
          %select_n3A_275 = arith.select %le3A_267, %rev3A_266, %while3A_218 : vector<16xi1>, vector<16xi32>
          %masked_sort3A_276 = arith.constant dense<true> : vector<16xi1>
          %masked_sort3A_277, %masked_sort3A_278, %masked_sort3A_279 = tpu.sort %select_n3A_274, %select_n3A_275 masked %masked_sort3A_276 : (vector<16xf32>, vector<16xi32>, vector<16xi1>) -> (vector<16xi1>, vector<16xf32>, vector<16xi32>)
          %rev3A_280 = arith.constant 15 : i32
          %rev3A_281 = vector.broadcast %rev3A_280 : i32 to vector<16xi32>
          %rev3A_282 = tpu.iota {dimensions = array<i32: 0>} : vector<16xi32>
          %rev3A_283 = arith.subi %rev3A_281, %rev3A_282 : vector<16xi32>
          %rev3A_284 = tpu.dynamic_gather %masked_sort3A_278[%rev3A_283] in [0] : vector<16xf32>, vector<16xi32> -> vector<16xf32>
          %rev3A_285 = arith.constant 15 : i32
          %rev3A_286 = vector.broadcast %rev3A_285 : i32 to vector<16xi32>
          %rev3A_287 = tpu.iota {dimensions = array<i32: 0>} : vector<16xi32>
          %rev3A_288 = arith.subi %rev3A_286, %rev3A_287 : vector<16xi32>
          %rev3A_289 = tpu.dynamic_gather %masked_sort3A_279[%rev3A_288] in [0] : vector<16xi32>, vector<16xi32> -> vector<16xi32>
          %le3A_290 = arith.cmpf ole, %while3A_219, %rev3A_284 : vector<16xf32>
          %select_n3A_291 = arith.select %le3A_290, %while3A_219, %rev3A_284 : vector<16xi1>, vector<16xf32>
          %select_n3A_292 = arith.select %le3A_290, %while3A_220, %rev3A_289 : vector<16xi1>, vector<16xi32>
          %masked_sort3A_293 = arith.constant dense<true> : vector<16xi1>
          %masked_sort3A_294, %masked_sort3A_295, %masked_sort3A_296 = tpu.sort %select_n3A_291, %select_n3A_292 masked %masked_sort3A_293 : (vector<16xf32>, vector<16xi32>, vector<16xi1>) -> (vector<16xi1>, vector<16xf32>, vector<16xi32>)
          %select_n3A_297 = arith.select %le3A_290, %rev3A_284, %while3A_219 : vector<16xi1>, vector<16xf32>
          %select_n3A_298 = arith.select %le3A_290, %rev3A_289, %while3A_220 : vector<16xi1>, vector<16xi32>
          %masked_sort3A_299 = arith.constant dense<true> : vector<16xi1>
          %masked_sort3A_300, %masked_sort3A_301, %masked_sort3A_302 = tpu.sort %select_n3A_297, %select_n3A_298 masked %masked_sort3A_299 : (vector<16xf32>, vector<16xi32>, vector<16xi1>) -> (vector<16xi1>, vector<16xf32>, vector<16xi32>)
          %rev3A_303 = arith.constant 15 : i32
          %rev3A_304 = vector.broadcast %rev3A_303 : i32 to vector<16xi32>
          %rev3A_305 = tpu.iota {dimensions = array<i32: 0>} : vector<16xi32>
          %rev3A_306 = arith.subi %rev3A_304, %rev3A_305 : vector<16xi32>
          %rev3A_307 = tpu.dynamic_gather %masked_sort3A_301[%rev3A_306] in [0] : vector<16xf32>, vector<16xi32> -> vector<16xf32>
          %rev3A_308 = arith.constant 15 : i32
          %rev3A_309 = vector.broadcast %rev3A_308 : i32 to vector<16xi32>
          %rev3A_310 = tpu.iota {dimensions = array<i32: 0>} : vector<16xi32>
          %rev3A_311 = arith.subi %rev3A_309, %rev3A_310 : vector<16xi32>
          %rev3A_312 = tpu.dynamic_gather %masked_sort3A_302[%rev3A_311] in [0] : vector<16xi32>, vector<16xi32> -> vector<16xi32>
          %le3A_313 = arith.cmpf ole, %while3A_221, %rev3A_307 : vector<16xf32>
          %select_n3A_314 = arith.select %le3A_313, %while3A_221, %rev3A_307 : vector<16xi1>, vector<16xf32>
          %select_n3A_315 = arith.select %le3A_313, %while3A_222, %rev3A_312 : vector<16xi1>, vector<16xi32>
          %masked_sort3A_316 = arith.constant dense<true> : vector<16xi1>
          %masked_sort3A_317, %masked_sort3A_318, %masked_sort3A_319 = tpu.sort %select_n3A_314, %select_n3A_315 masked %masked_sort3A_316 : (vector<16xf32>, vector<16xi32>, vector<16xi1>) -> (vector<16xi1>, vector<16xf32>, vector<16xi32>)
          %select_n3A_320 = arith.select %le3A_313, %rev3A_307, %while3A_221 : vector<16xi1>, vector<16xf32>
          %select_n3A_321 = arith.select %le3A_313, %rev3A_312, %while3A_222 : vector<16xi1>, vector<16xi32>
          %masked_sort3A_322 = arith.constant dense<true> : vector<16xi1>
          %masked_sort3A_323, %masked_sort3A_324, %masked_sort3A_325 = tpu.sort %select_n3A_320, %select_n3A_321 masked %masked_sort3A_322 : (vector<16xf32>, vector<16xi32>, vector<16xi1>) -> (vector<16xi1>, vector<16xf32>, vector<16xi32>)
          %rev3A_326 = arith.constant 15 : i32
          %rev3A_327 = vector.broadcast %rev3A_326 : i32 to vector<16xi32>
          %rev3A_328 = tpu.iota {dimensions = array<i32: 0>} : vector<16xi32>
          %rev3A_329 = arith.subi %rev3A_327, %rev3A_328 : vector<16xi32>
          %rev3A_330 = tpu.dynamic_gather %masked_sort3A_324[%rev3A_329] in [0] : vector<16xf32>, vector<16xi32> -> vector<16xf32>
          %rev3A_331 = arith.constant 15 : i32
          %rev3A_332 = vector.broadcast %rev3A_331 : i32 to vector<16xi32>
          %rev3A_333 = tpu.iota {dimensions = array<i32: 0>} : vector<16xi32>
          %rev3A_334 = arith.subi %rev3A_332, %rev3A_333 : vector<16xi32>
          %rev3A_335 = tpu.dynamic_gather %masked_sort3A_325[%rev3A_334] in [0] : vector<16xi32>, vector<16xi32> -> vector<16xi32>
          %le3A_336 = arith.cmpf ole, %while3A_223, %rev3A_330 : vector<16xf32>
          %select_n3A_337 = arith.select %le3A_336, %while3A_223, %rev3A_330 : vector<16xi1>, vector<16xf32>
          %select_n3A_338 = arith.select %le3A_336, %while3A_224, %rev3A_335 : vector<16xi1>, vector<16xi32>
          %masked_sort3A_339 = arith.constant dense<true> : vector<16xi1>
          %masked_sort3A_340, %masked_sort3A_341, %masked_sort3A_342 = tpu.sort %select_n3A_337, %select_n3A_338 masked %masked_sort3A_339 : (vector<16xf32>, vector<16xi32>, vector<16xi1>) -> (vector<16xi1>, vector<16xf32>, vector<16xi32>)
          scf.yield %masked_sort3A_272, %masked_sort3A_273, %masked_sort3A_295, %masked_sort3A_296, %masked_sort3A_318, %masked_sort3A_319, %masked_sort3A_341, %masked_sort3A_342 : vector<16xf32>, vector<16xi32>, vector<16xf32>, vector<16xi32>, vector<16xf32>, vector<16xi32>, vector<16xf32>, vector<16xi32>
        } else {
          scf.yield %while3A_217, %while3A_218, %while3A_219, %while3A_220, %while3A_221, %while3A_222, %while3A_223, %while3A_224 : vector<16xf32>, vector<16xi32>, vector<16xf32>, vector<16xi32>, vector<16xf32>, vector<16xi32>, vector<16xf32>, vector<16xi32>
        }
        scf.yield %cond3A_254#0, %cond3A_254#1, %cond3A_254#2, %cond3A_254#3, %cond3A_254#4, %cond3A_254#5, %cond3A_254#6, %cond3A_254#7 : vector<16xf32>, vector<16xi32>, vector<16xf32>, vector<16xi32>, vector<16xf32>, vector<16xi32>, vector<16xf32>, vector<16xi32>
      }
      %and3A_154 = arith.constant 31 : i32
      %and3A_155 = arith.andi %scan3A_13, %and3A_154 : i32
      %mul3A_156 = arith.constant 64 : i32
      %mul3A_157 = arith.muli %and3A_155, %mul3A_156 : i32
      %eq3A_158 = vector.broadcast %squeeze3A : i32 to vector<16xi32>
      %eq3A_159 = arith.cmpi eq, %while3A_153#1, %eq3A_158 : vector<16xi32>
      %lt3A_160 = arith.constant 0 : i32
      %lt3A_161 = vector.broadcast %lt3A_160 : i32 to vector<16xi32>
      %lt3A_162 = arith.cmpi slt, %while3A_153#1, %lt3A_161 : vector<16xi32>
      %or3A_163 = arith.ori %eq3A_159, %lt3A_162 : vector<16xi1>
      %jit3A_164 = arith.constant 32768 : i32
      %broadcast_in_dim3A_165 = vector.broadcast %jit3A_164 : i32 to vector<16xi32>
      %select_n3A_166 = arith.select %or3A_163, %broadcast_in_dim3A_165, %while3A_153#1 : vector<16xi1>, vector<16xi32>
      %add3A_167 = arith.constant 0 : i32
      %add3A_168 = arith.addi %mul3A_157, %add3A_167 : i32
      %swap3A = arith.index_cast %add3A_168 : i32 to index
      %swap3A_169 = tpu.vector_load %arg15[%swap3A] {strides = array<i32>} : memref<2048xi32, #tpu.memory_space<vmem>>, vector<16xi32>,
      tpu.vector_store %arg15[%swap3A], %select_n3A_166 {strides = array<i32>} : memref<2048xi32, #tpu.memory_space<vmem>>, vector<16xi32>,
      %eq3A_170 = vector.broadcast %squeeze3A : i32 to vector<16xi32>
      %eq3A_171 = arith.cmpi eq, %while3A_153#3, %eq3A_170 : vector<16xi32>
      %lt3A_172 = arith.constant 0 : i32
      %lt3A_173 = vector.broadcast %lt3A_172 : i32 to vector<16xi32>
      %lt3A_174 = arith.cmpi slt, %while3A_153#3, %lt3A_173 : vector<16xi32>
      %or3A_175 = arith.ori %eq3A_171, %lt3A_174 : vector<16xi1>
      %jit3A_176 = arith.constant 32768 : i32
      %broadcast_in_dim3A_177 = vector.broadcast %jit3A_176 : i32 to vector<16xi32>
      %select_n3A_178 = arith.select %or3A_175, %broadcast_in_dim3A_177, %while3A_153#3 : vector<16xi1>, vector<16xi32>
      %add3A_179 = arith.constant 16 : i32
      %add3A_180 = arith.addi %mul3A_157, %add3A_179 : i32
      %swap3A_181 = arith.index_cast %add3A_180 : i32 to index
      %swap3A_182 = tpu.vector_load %arg15[%swap3A_181] {strides = array<i32>} : memref<2048xi32, #tpu.memory_space<vmem>>, vector<16xi32>,
      tpu.vector_store %arg15[%swap3A_181], %select_n3A_178 {strides = array<i32>} : memref<2048xi32, #tpu.memory_space<vmem>>, vector<16xi32>,
      %eq3A_183 = vector.broadcast %squeeze3A : i32 to vector<16xi32>
      %eq3A_184 = arith.cmpi eq, %while3A_153#5, %eq3A_183 : vector<16xi32>
      %lt3A_185 = arith.constant 0 : i32
      %lt3A_186 = vector.broadcast %lt3A_185 : i32 to vector<16xi32>
      %lt3A_187 = arith.cmpi slt, %while3A_153#5, %lt3A_186 : vector<16xi32>
      %or3A_188 = arith.ori %eq3A_184, %lt3A_187 : vector<16xi1>
      %jit3A_189 = arith.constant 32768 : i32
      %broadcast_in_dim3A_190 = vector.broadcast %jit3A_189 : i32 to vector<16xi32>
      %select_n3A_191 = arith.select %or3A_188, %broadcast_in_dim3A_190, %while3A_153#5 : vector<16xi1>, vector<16xi32>
      %add3A_192 = arith.constant 32 : i32
      %add3A_193 = arith.addi %mul3A_157, %add3A_192 : i32
      %swap3A_194 = arith.index_cast %add3A_193 : i32 to index
      %swap3A_195 = tpu.vector_load %arg15[%swap3A_194] {strides = array<i32>} : memref<2048xi32, #tpu.memory_space<vmem>>, vector<16xi32>,
      tpu.vector_store %arg15[%swap3A_194], %select_n3A_191 {strides = array<i32>} : memref<2048xi32, #tpu.memory_space<vmem>>, vector<16xi32>,
      %eq3A_196 = vector.broadcast %squeeze3A : i32 to vector<16xi32>
      %eq3A_197 = arith.cmpi eq, %while3A_153#7, %eq3A_196 : vector<16xi32>
      %lt3A_198 = arith.constant 0 : i32
      %lt3A_199 = vector.broadcast %lt3A_198 : i32 to vector<16xi32>
      %lt3A_200 = arith.cmpi slt, %while3A_153#7, %lt3A_199 : vector<16xi32>
      %or3A_201 = arith.ori %eq3A_197, %lt3A_200 : vector<16xi1>
      %jit3A_202 = arith.constant 32768 : i32
      %broadcast_in_dim3A_203 = vector.broadcast %jit3A_202 : i32 to vector<16xi32>
      %select_n3A_204 = arith.select %or3A_201, %broadcast_in_dim3A_203, %while3A_153#7 : vector<16xi1>, vector<16xi32>
      %add3A_205 = arith.constant 48 : i32
      %add3A_206 = arith.addi %mul3A_157, %add3A_205 : i32
      %swap3A_207 = arith.index_cast %add3A_206 : i32 to index
      %swap3A_208 = tpu.vector_load %arg15[%swap3A_207] {strides = array<i32>} : memref<2048xi32, #tpu.memory_space<vmem>>, vector<16xi32>,
      tpu.vector_store %arg15[%swap3A_207], %select_n3A_204 {strides = array<i32>} : memref<2048xi32, #tpu.memory_space<vmem>>, vector<16xi32>,
      %and3A_209 = arith.constant 31 : i32
      %and3A_210 = arith.andi %scan3A_13, %and3A_209 : i32
      %eq3A_211 = arith.constant 31 : i32
      %eq3A_212 = arith.cmpi eq, %and3A_210, %eq3A_211 : i32
      %convert_element_type3A_213 = arith.extui %eq3A_212 : i1 to i32
      %cond3A = arith.constant 0 : i32
      %cond3A_214 = arith.cmpi ne, %convert_element_type3A_213, %cond3A : i32
      scf.if %cond3A_214 {
        %mul3A_216 = arith.constant 32768 : i32
        %mul3A_217 = arith.muli %add3A, %mul3A_216 : i32
        %sub3A_218 = arith.constant 31 : i32
        %sub3A_219 = arith.subi %scan3A_13, %sub3A_218 : i32
        %mul3A_220 = arith.constant 64 : i32
        %mul3A_221 = arith.muli %sub3A_219, %mul3A_220 : i32
        %add3A_222 = arith.addi %mul3A_217, %mul3A_221 : i32
        "tpu.region"() ({
          %run_scoped3A = tpu.sem_alloc : memref<!tpu.dma_semaphore, #tpu.memory_space<semaphore_mem>>
          %dma_start3A = tpu.memref_slice %arg7[%add3A_222] : memref<1048576xi32, #tpu.memory_space<hbm>> -> memref<2048xi32, #tpu.memory_space<hbm>>
          %dma_start3A_223 = tpu.memref_slice %arg7[%add3A_222] : memref<1048576xi32, #tpu.memory_space<hbm>> -> memref<2048xi32, #tpu.memory_space<hbm>>
          tpu.enqueue_dma source(%arg15 : memref<2048xi32, #tpu.memory_space<vmem>>) target(%dma_start3A_223 : memref<2048xi32, #tpu.memory_space<hbm>>) target_semaphore(%run_scoped3A : memref<!tpu.dma_semaphore, #tpu.memory_space<semaphore_mem>>)
          %dma_wait3A = tpu.memref_slice %arg7[%add3A_222] : memref<1048576xi32, #tpu.memory_space<hbm>> -> memref<2048xi32, #tpu.memory_space<hbm>>
          %dma_wait3A_224 = tpu.memref_slice %arg7[%add3A_222] : memref<1048576xi32, #tpu.memory_space<hbm>> -> memref<2048xi32, #tpu.memory_space<hbm>>
          tpu.wait_dma2 semaphore(%run_scoped3A : memref<!tpu.dma_semaphore, #tpu.memory_space<semaphore_mem>>) src(%arg15 : memref<2048xi32, #tpu.memory_space<vmem>>) dst(%dma_wait3A_224 : memref<2048xi32, #tpu.memory_space<hbm>>)
          tpu.yield
        }) : () -> ()
      } else {
      }
      %scan3A_215 = arith.constant 0 : i32
      scf.yield %scan3A_215 : i32
    }
    %scan3A_12 = arith.constant 512 : i32
    return
  }
}

#map = affine_map<(d0, d1) -> (0, 0)>
#map1 = affine_map<(d0, d1) -> (0)>
module attributes {stable_mosaic.version = 14 : i64} {
  func.func @_gather_body(%arg0: i32, %arg1: i32, %arg2: memref<32776x8xf32, #tpu.memory_space<hbm>>, %arg3: memref<32768xi32, #tpu.memory_space<hbm>>, %arg4: memref<1048576xi32, #tpu.memory_space<hbm>>, %arg5: memref<1048576x8xf32, #tpu.memory_space<hbm>>, %arg6: memref<32768xi32, #tpu.memory_space<vmem>>, %arg7: memref<2048xi32, #tpu.memory_space<vmem>>, %arg8: memref<2048xi32, #tpu.memory_space<vmem>>, %arg9: memref<2048x8xf32, #tpu.memory_space<vmem>>, %arg10: memref<!tpu.dma_semaphore, #tpu.memory_space<semaphore_mem>>) attributes {dimension_semantics = [#tpu.dimension_semantics<core_parallel>, #tpu.dimension_semantics<subcore_parallel>], iteration_bounds = array<i64: 2, 16>, scalar_prefetch = 0 : i64, scratch_operands = 5 : i64, tpu.core_type = #tpu.core_type<sc_vector_subcore>, window_params = [{transform_indices = #map}, {transform_indices = #map1}, {transform_indices = #map1}, {transform_indices = #map}]} {
    %mul3A = arith.constant 2 : i32
    %mul3A_0 = arith.muli %arg1, %mul3A : i32
    %add3A = arith.addi %mul3A_0, %arg0 : i32
    %mul3A_1 = arith.constant 32768 : i32
    %mul3A_2 = arith.muli %add3A, %mul3A_1 : i32
    %iota3A = tpu.iota {dimensions = array<i32: 0>} : vector<16xi32>
    "tpu.region"() ({
      %run_scoped3A = tpu.sem_alloc : memref<!tpu.dma_semaphore, #tpu.memory_space<semaphore_mem>>
      tpu.enqueue_dma source(%arg3 : memref<32768xi32, #tpu.memory_space<hbm>>) target(%arg6 : memref<32768xi32, #tpu.memory_space<vmem>>) target_semaphore(%run_scoped3A : memref<!tpu.dma_semaphore, #tpu.memory_space<semaphore_mem>>)
      tpu.wait_dma2 semaphore(%run_scoped3A : memref<!tpu.dma_semaphore, #tpu.memory_space<semaphore_mem>>) src(%arg3 : memref<32768xi32, #tpu.memory_space<hbm>>) dst(%arg6 : memref<32768xi32, #tpu.memory_space<vmem>>)
      tpu.yield
    }) : () -> ()
    %scan3A = arith.constant 0 : i32
    %scan3A_3 = arith.constant 0 : i32
    %scan3A_4 = arith.constant 16 : i32
    %scan3A_5 = arith.addi %scan3A_3, %scan3A_4 : i32
    %scan3A_6 = arith.constant 1 : i32
    %scan3A_7 = scf.for %scan3A_9 = %scan3A_3 to %scan3A_5 step %scan3A_6 iter_args(%scan3A_10 = %scan3A) -> (i32)  : i32 {
      %mul3A_11 = arith.constant 2048 : i32
      %mul3A_12 = arith.muli %scan3A_9, %mul3A_11 : i32
      %add3A_13 = arith.addi %mul3A_2, %mul3A_12 : i32
      "tpu.region"() ({
        %run_scoped3A = tpu.sem_alloc : memref<!tpu.dma_semaphore, #tpu.memory_space<semaphore_mem>>
        %dma_start3A_276 = tpu.memref_slice %arg4[%add3A_13] : memref<1048576xi32, #tpu.memory_space<hbm>> -> memref<2048xi32, #tpu.memory_space<hbm>>
        %dma_start3A_277 = tpu.memref_slice %arg4[%add3A_13] : memref<1048576xi32, #tpu.memory_space<hbm>> -> memref<2048xi32, #tpu.memory_space<hbm>>
        tpu.enqueue_dma source(%dma_start3A_277 : memref<2048xi32, #tpu.memory_space<hbm>>) target(%arg7 : memref<2048xi32, #tpu.memory_space<vmem>>) target_semaphore(%run_scoped3A : memref<!tpu.dma_semaphore, #tpu.memory_space<semaphore_mem>>)
        %dma_wait3A_278 = tpu.memref_slice %arg4[%add3A_13] : memref<1048576xi32, #tpu.memory_space<hbm>> -> memref<2048xi32, #tpu.memory_space<hbm>>
        %dma_wait3A_279 = tpu.memref_slice %arg4[%add3A_13] : memref<1048576xi32, #tpu.memory_space<hbm>> -> memref<2048xi32, #tpu.memory_space<hbm>>
        tpu.wait_dma2 semaphore(%run_scoped3A : memref<!tpu.dma_semaphore, #tpu.memory_space<semaphore_mem>>) src(%dma_wait3A_279 : memref<2048xi32, #tpu.memory_space<hbm>>) dst(%arg7 : memref<2048xi32, #tpu.memory_space<vmem>>)
        tpu.yield
      }) : () -> ()
      %scan3A_14 = arith.constant 0 : i32
      %scan3A_15 = arith.constant 0 : i32
      %scan3A_16 = arith.constant 128 : i32
      %scan3A_17 = arith.addi %scan3A_15, %scan3A_16 : i32
      %scan3A_18 = arith.constant 1 : i32
      %scan3A_19 = scf.for %scan3A_276 = %scan3A_15 to %scan3A_17 step %scan3A_18 iter_args(%scan3A_277 = %scan3A_14) -> (i32)  : i32 {
        %mul3A_278 = arith.constant 16 : i32
        %mul3A_279 = arith.muli %mul3A_278, %scan3A_276 : i32
        %get3A = arith.index_cast %mul3A_279 : i32 to index
        %get3A_280 = tpu.vector_load %arg7[%get3A] {strides = array<i32>} : memref<2048xi32, #tpu.memory_space<vmem>>, vector<16xi32>,
        %min3A = arith.constant 32767 : i32
        %min3A_281 = vector.broadcast %min3A : i32 to vector<16xi32>
        %min3A_282 = arith.minsi %get3A_280, %min3A_281 : vector<16xi32>
        %gather3A = tpu.vector_load_idx %arg6[%min3A_282] : memref<32768xi32, #tpu.memory_space<vmem>>[vector<16xi32>], vector<16xi32>,
        %eq3A = arith.constant 32768 : i32
        %eq3A_283 = vector.broadcast %eq3A : i32 to vector<16xi32>
        %eq3A_284 = arith.cmpi eq, %get3A_280, %eq3A_283 : vector<16xi32>
        %jit3A = arith.constant 32768 : i32
        %broadcast_in_dim3A = vector.broadcast %jit3A : i32 to vector<16xi32>
        %select_n3A = arith.select %eq3A_284, %broadcast_in_dim3A, %gather3A : vector<16xi1>, vector<16xi32>
        %mul3A_285 = arith.constant 16 : i32
        %mul3A_286 = arith.muli %mul3A_285, %scan3A_276 : i32
        %swap3A = arith.index_cast %mul3A_286 : i32 to index
        %swap3A_287 = tpu.vector_load %arg8[%swap3A] {strides = array<i32>} : memref<2048xi32, #tpu.memory_space<vmem>>, vector<16xi32>,
        tpu.vector_store %arg8[%swap3A], %select_n3A {strides = array<i32>} : memref<2048xi32, #tpu.memory_space<vmem>>, vector<16xi32>,
        %scan3A_288 = arith.constant 0 : i32
        scf.yield %scan3A_288 : i32
      }
      %scan3A_20 = arith.constant 128 : i32
      %dma_start3A = arith.constant 0 : i32
      %dma_start3A_21 = arith.constant 0 : i32
      %dma_start3A_22 = tpu.memref_slice %arg9[%dma_start3A, %dma_start3A_21] : memref<2048x8xf32, #tpu.memory_space<vmem>> -> memref<128x8xf32, #tpu.memory_space<vmem>>
      %dma_start3A_23 = arith.constant 0 : i32
      %dma_start3A_24 = tpu.memref_slice %arg8[%dma_start3A_23] : memref<2048xi32, #tpu.memory_space<vmem>> -> memref<128xi32, #tpu.memory_space<vmem>>
      %dma_start3A_25 = arith.constant 0 : i32
      %dma_start3A_26 = arith.constant 0 : i32
      %dma_start3A_27 = tpu.memref_slice %arg2[%dma_start3A_25, %dma_start3A_26] : memref<32776x8xf32, #tpu.memory_space<hbm>> -> memref<32776x8xf32, #tpu.memory_space<hbm>>
      tpu.enqueue_indirect_dma source(%dma_start3A_27 : memref<32776x8xf32, #tpu.memory_space<hbm>>) target(%dma_start3A_22 : memref<128x8xf32, #tpu.memory_space<vmem>>) offsets(%dma_start3A_24 : memref<128xi32, #tpu.memory_space<vmem>>) semaphore(%arg10 : memref<!tpu.dma_semaphore, #tpu.memory_space<semaphore_mem>>)
      %dma_start3A_28 = arith.constant 128 : i32
      %dma_start3A_29 = arith.constant 0 : i32
      %dma_start3A_30 = tpu.memref_slice %arg9[%dma_start3A_28, %dma_start3A_29] : memref<2048x8xf32, #tpu.memory_space<vmem>> -> memref<128x8xf32, #tpu.memory_space<vmem>>
      %dma_start3A_31 = arith.constant 128 : i32
      %dma_start3A_32 = tpu.memref_slice %arg8[%dma_start3A_31] : memref<2048xi32, #tpu.memory_space<vmem>> -> memref<128xi32, #tpu.memory_space<vmem>>
      %dma_start3A_33 = arith.constant 0 : i32
      %dma_start3A_34 = arith.constant 0 : i32
      %dma_start3A_35 = tpu.memref_slice %arg2[%dma_start3A_33, %dma_start3A_34] : memref<32776x8xf32, #tpu.memory_space<hbm>> -> memref<32776x8xf32, #tpu.memory_space<hbm>>
      tpu.enqueue_indirect_dma source(%dma_start3A_35 : memref<32776x8xf32, #tpu.memory_space<hbm>>) target(%dma_start3A_30 : memref<128x8xf32, #tpu.memory_space<vmem>>) offsets(%dma_start3A_32 : memref<128xi32, #tpu.memory_space<vmem>>) semaphore(%arg10 : memref<!tpu.dma_semaphore, #tpu.memory_space<semaphore_mem>>)
      %dma_start3A_36 = arith.constant 256 : i32
      %dma_start3A_37 = arith.constant 0 : i32
      %dma_start3A_38 = tpu.memref_slice %arg9[%dma_start3A_36, %dma_start3A_37] : memref<2048x8xf32, #tpu.memory_space<vmem>> -> memref<128x8xf32, #tpu.memory_space<vmem>>
      %dma_start3A_39 = arith.constant 256 : i32
      %dma_start3A_40 = tpu.memref_slice %arg8[%dma_start3A_39] : memref<2048xi32, #tpu.memory_space<vmem>> -> memref<128xi32, #tpu.memory_space<vmem>>
      %dma_start3A_41 = arith.constant 0 : i32
      %dma_start3A_42 = arith.constant 0 : i32
      %dma_start3A_43 = tpu.memref_slice %arg2[%dma_start3A_41, %dma_start3A_42] : memref<32776x8xf32, #tpu.memory_space<hbm>> -> memref<32776x8xf32, #tpu.memory_space<hbm>>
      tpu.enqueue_indirect_dma source(%dma_start3A_43 : memref<32776x8xf32, #tpu.memory_space<hbm>>) target(%dma_start3A_38 : memref<128x8xf32, #tpu.memory_space<vmem>>) offsets(%dma_start3A_40 : memref<128xi32, #tpu.memory_space<vmem>>) semaphore(%arg10 : memref<!tpu.dma_semaphore, #tpu.memory_space<semaphore_mem>>)
      %dma_start3A_44 = arith.constant 384 : i32
      %dma_start3A_45 = arith.constant 0 : i32
      %dma_start3A_46 = tpu.memref_slice %arg9[%dma_start3A_44, %dma_start3A_45] : memref<2048x8xf32, #tpu.memory_space<vmem>> -> memref<128x8xf32, #tpu.memory_space<vmem>>
      %dma_start3A_47 = arith.constant 384 : i32
      %dma_start3A_48 = tpu.memref_slice %arg8[%dma_start3A_47] : memref<2048xi32, #tpu.memory_space<vmem>> -> memref<128xi32, #tpu.memory_space<vmem>>
      %dma_start3A_49 = arith.constant 0 : i32
      %dma_start3A_50 = arith.constant 0 : i32
      %dma_start3A_51 = tpu.memref_slice %arg2[%dma_start3A_49, %dma_start3A_50] : memref<32776x8xf32, #tpu.memory_space<hbm>> -> memref<32776x8xf32, #tpu.memory_space<hbm>>
      tpu.enqueue_indirect_dma source(%dma_start3A_51 : memref<32776x8xf32, #tpu.memory_space<hbm>>) target(%dma_start3A_46 : memref<128x8xf32, #tpu.memory_space<vmem>>) offsets(%dma_start3A_48 : memref<128xi32, #tpu.memory_space<vmem>>) semaphore(%arg10 : memref<!tpu.dma_semaphore, #tpu.memory_space<semaphore_mem>>)
      %dma_start3A_52 = arith.constant 512 : i32
      %dma_start3A_53 = arith.constant 0 : i32
      %dma_start3A_54 = tpu.memref_slice %arg9[%dma_start3A_52, %dma_start3A_53] : memref<2048x8xf32, #tpu.memory_space<vmem>> -> memref<128x8xf32, #tpu.memory_space<vmem>>
      %dma_start3A_55 = arith.constant 512 : i32
      %dma_start3A_56 = tpu.memref_slice %arg8[%dma_start3A_55] : memref<2048xi32, #tpu.memory_space<vmem>> -> memref<128xi32, #tpu.memory_space<vmem>>
      %dma_start3A_57 = arith.constant 0 : i32
      %dma_start3A_58 = arith.constant 0 : i32
      %dma_start3A_59 = tpu.memref_slice %arg2[%dma_start3A_57, %dma_start3A_58] : memref<32776x8xf32, #tpu.memory_space<hbm>> -> memref<32776x8xf32, #tpu.memory_space<hbm>>
      tpu.enqueue_indirect_dma source(%dma_start3A_59 : memref<32776x8xf32, #tpu.memory_space<hbm>>) target(%dma_start3A_54 : memref<128x8xf32, #tpu.memory_space<vmem>>) offsets(%dma_start3A_56 : memref<128xi32, #tpu.memory_space<vmem>>) semaphore(%arg10 : memref<!tpu.dma_semaphore, #tpu.memory_space<semaphore_mem>>)
      %dma_start3A_60 = arith.constant 640 : i32
      %dma_start3A_61 = arith.constant 0 : i32
      %dma_start3A_62 = tpu.memref_slice %arg9[%dma_start3A_60, %dma_start3A_61] : memref<2048x8xf32, #tpu.memory_space<vmem>> -> memref<128x8xf32, #tpu.memory_space<vmem>>
      %dma_start3A_63 = arith.constant 640 : i32
      %dma_start3A_64 = tpu.memref_slice %arg8[%dma_start3A_63] : memref<2048xi32, #tpu.memory_space<vmem>> -> memref<128xi32, #tpu.memory_space<vmem>>
      %dma_start3A_65 = arith.constant 0 : i32
      %dma_start3A_66 = arith.constant 0 : i32
      %dma_start3A_67 = tpu.memref_slice %arg2[%dma_start3A_65, %dma_start3A_66] : memref<32776x8xf32, #tpu.memory_space<hbm>> -> memref<32776x8xf32, #tpu.memory_space<hbm>>
      tpu.enqueue_indirect_dma source(%dma_start3A_67 : memref<32776x8xf32, #tpu.memory_space<hbm>>) target(%dma_start3A_62 : memref<128x8xf32, #tpu.memory_space<vmem>>) offsets(%dma_start3A_64 : memref<128xi32, #tpu.memory_space<vmem>>) semaphore(%arg10 : memref<!tpu.dma_semaphore, #tpu.memory_space<semaphore_mem>>)
      %dma_start3A_68 = arith.constant 768 : i32
      %dma_start3A_69 = arith.constant 0 : i32
      %dma_start3A_70 = tpu.memref_slice %arg9[%dma_start3A_68, %dma_start3A_69] : memref<2048x8xf32, #tpu.memory_space<vmem>> -> memref<128x8xf32, #tpu.memory_space<vmem>>
      %dma_start3A_71 = arith.constant 768 : i32
      %dma_start3A_72 = tpu.memref_slice %arg8[%dma_start3A_71] : memref<2048xi32, #tpu.memory_space<vmem>> -> memref<128xi32, #tpu.memory_space<vmem>>
      %dma_start3A_73 = arith.constant 0 : i32
      %dma_start3A_74 = arith.constant 0 : i32
      %dma_start3A_75 = tpu.memref_slice %arg2[%dma_start3A_73, %dma_start3A_74] : memref<32776x8xf32, #tpu.memory_space<hbm>> -> memref<32776x8xf32, #tpu.memory_space<hbm>>
      tpu.enqueue_indirect_dma source(%dma_start3A_75 : memref<32776x8xf32, #tpu.memory_space<hbm>>) target(%dma_start3A_70 : memref<128x8xf32, #tpu.memory_space<vmem>>) offsets(%dma_start3A_72 : memref<128xi32, #tpu.memory_space<vmem>>) semaphore(%arg10 : memref<!tpu.dma_semaphore, #tpu.memory_space<semaphore_mem>>)
      %dma_start3A_76 = arith.constant 896 : i32
      %dma_start3A_77 = arith.constant 0 : i32
      %dma_start3A_78 = tpu.memref_slice %arg9[%dma_start3A_76, %dma_start3A_77] : memref<2048x8xf32, #tpu.memory_space<vmem>> -> memref<128x8xf32, #tpu.memory_space<vmem>>
      %dma_start3A_79 = arith.constant 896 : i32
      %dma_start3A_80 = tpu.memref_slice %arg8[%dma_start3A_79] : memref<2048xi32, #tpu.memory_space<vmem>> -> memref<128xi32, #tpu.memory_space<vmem>>
      %dma_start3A_81 = arith.constant 0 : i32
      %dma_start3A_82 = arith.constant 0 : i32
      %dma_start3A_83 = tpu.memref_slice %arg2[%dma_start3A_81, %dma_start3A_82] : memref<32776x8xf32, #tpu.memory_space<hbm>> -> memref<32776x8xf32, #tpu.memory_space<hbm>>
      tpu.enqueue_indirect_dma source(%dma_start3A_83 : memref<32776x8xf32, #tpu.memory_space<hbm>>) target(%dma_start3A_78 : memref<128x8xf32, #tpu.memory_space<vmem>>) offsets(%dma_start3A_80 : memref<128xi32, #tpu.memory_space<vmem>>) semaphore(%arg10 : memref<!tpu.dma_semaphore, #tpu.memory_space<semaphore_mem>>)
      %dma_start3A_84 = arith.constant 1024 : i32
      %dma_start3A_85 = arith.constant 0 : i32
      %dma_start3A_86 = tpu.memref_slice %arg9[%dma_start3A_84, %dma_start3A_85] : memref<2048x8xf32, #tpu.memory_space<vmem>> -> memref<128x8xf32, #tpu.memory_space<vmem>>
      %dma_start3A_87 = arith.constant 1024 : i32
      %dma_start3A_88 = tpu.memref_slice %arg8[%dma_start3A_87] : memref<2048xi32, #tpu.memory_space<vmem>> -> memref<128xi32, #tpu.memory_space<vmem>>
      %dma_start3A_89 = arith.constant 0 : i32
      %dma_start3A_90 = arith.constant 0 : i32
      %dma_start3A_91 = tpu.memref_slice %arg2[%dma_start3A_89, %dma_start3A_90] : memref<32776x8xf32, #tpu.memory_space<hbm>> -> memref<32776x8xf32, #tpu.memory_space<hbm>>
      tpu.enqueue_indirect_dma source(%dma_start3A_91 : memref<32776x8xf32, #tpu.memory_space<hbm>>) target(%dma_start3A_86 : memref<128x8xf32, #tpu.memory_space<vmem>>) offsets(%dma_start3A_88 : memref<128xi32, #tpu.memory_space<vmem>>) semaphore(%arg10 : memref<!tpu.dma_semaphore, #tpu.memory_space<semaphore_mem>>)
      %dma_start3A_92 = arith.constant 1152 : i32
      %dma_start3A_93 = arith.constant 0 : i32
      %dma_start3A_94 = tpu.memref_slice %arg9[%dma_start3A_92, %dma_start3A_93] : memref<2048x8xf32, #tpu.memory_space<vmem>> -> memref<128x8xf32, #tpu.memory_space<vmem>>
      %dma_start3A_95 = arith.constant 1152 : i32
      %dma_start3A_96 = tpu.memref_slice %arg8[%dma_start3A_95] : memref<2048xi32, #tpu.memory_space<vmem>> -> memref<128xi32, #tpu.memory_space<vmem>>
      %dma_start3A_97 = arith.constant 0 : i32
      %dma_start3A_98 = arith.constant 0 : i32
      %dma_start3A_99 = tpu.memref_slice %arg2[%dma_start3A_97, %dma_start3A_98] : memref<32776x8xf32, #tpu.memory_space<hbm>> -> memref<32776x8xf32, #tpu.memory_space<hbm>>
      tpu.enqueue_indirect_dma source(%dma_start3A_99 : memref<32776x8xf32, #tpu.memory_space<hbm>>) target(%dma_start3A_94 : memref<128x8xf32, #tpu.memory_space<vmem>>) offsets(%dma_start3A_96 : memref<128xi32, #tpu.memory_space<vmem>>) semaphore(%arg10 : memref<!tpu.dma_semaphore, #tpu.memory_space<semaphore_mem>>)
      %dma_start3A_100 = arith.constant 1280 : i32
      %dma_start3A_101 = arith.constant 0 : i32
      %dma_start3A_102 = tpu.memref_slice %arg9[%dma_start3A_100, %dma_start3A_101] : memref<2048x8xf32, #tpu.memory_space<vmem>> -> memref<128x8xf32, #tpu.memory_space<vmem>>
      %dma_start3A_103 = arith.constant 1280 : i32
      %dma_start3A_104 = tpu.memref_slice %arg8[%dma_start3A_103] : memref<2048xi32, #tpu.memory_space<vmem>> -> memref<128xi32, #tpu.memory_space<vmem>>
      %dma_start3A_105 = arith.constant 0 : i32
      %dma_start3A_106 = arith.constant 0 : i32
      %dma_start3A_107 = tpu.memref_slice %arg2[%dma_start3A_105, %dma_start3A_106] : memref<32776x8xf32, #tpu.memory_space<hbm>> -> memref<32776x8xf32, #tpu.memory_space<hbm>>
      tpu.enqueue_indirect_dma source(%dma_start3A_107 : memref<32776x8xf32, #tpu.memory_space<hbm>>) target(%dma_start3A_102 : memref<128x8xf32, #tpu.memory_space<vmem>>) offsets(%dma_start3A_104 : memref<128xi32, #tpu.memory_space<vmem>>) semaphore(%arg10 : memref<!tpu.dma_semaphore, #tpu.memory_space<semaphore_mem>>)
      %dma_start3A_108 = arith.constant 1408 : i32
      %dma_start3A_109 = arith.constant 0 : i32
      %dma_start3A_110 = tpu.memref_slice %arg9[%dma_start3A_108, %dma_start3A_109] : memref<2048x8xf32, #tpu.memory_space<vmem>> -> memref<128x8xf32, #tpu.memory_space<vmem>>
      %dma_start3A_111 = arith.constant 1408 : i32
      %dma_start3A_112 = tpu.memref_slice %arg8[%dma_start3A_111] : memref<2048xi32, #tpu.memory_space<vmem>> -> memref<128xi32, #tpu.memory_space<vmem>>
      %dma_start3A_113 = arith.constant 0 : i32
      %dma_start3A_114 = arith.constant 0 : i32
      %dma_start3A_115 = tpu.memref_slice %arg2[%dma_start3A_113, %dma_start3A_114] : memref<32776x8xf32, #tpu.memory_space<hbm>> -> memref<32776x8xf32, #tpu.memory_space<hbm>>
      tpu.enqueue_indirect_dma source(%dma_start3A_115 : memref<32776x8xf32, #tpu.memory_space<hbm>>) target(%dma_start3A_110 : memref<128x8xf32, #tpu.memory_space<vmem>>) offsets(%dma_start3A_112 : memref<128xi32, #tpu.memory_space<vmem>>) semaphore(%arg10 : memref<!tpu.dma_semaphore, #tpu.memory_space<semaphore_mem>>)
      %dma_start3A_116 = arith.constant 1536 : i32
      %dma_start3A_117 = arith.constant 0 : i32
      %dma_start3A_118 = tpu.memref_slice %arg9[%dma_start3A_116, %dma_start3A_117] : memref<2048x8xf32, #tpu.memory_space<vmem>> -> memref<128x8xf32, #tpu.memory_space<vmem>>
      %dma_start3A_119 = arith.constant 1536 : i32
      %dma_start3A_120 = tpu.memref_slice %arg8[%dma_start3A_119] : memref<2048xi32, #tpu.memory_space<vmem>> -> memref<128xi32, #tpu.memory_space<vmem>>
      %dma_start3A_121 = arith.constant 0 : i32
      %dma_start3A_122 = arith.constant 0 : i32
      %dma_start3A_123 = tpu.memref_slice %arg2[%dma_start3A_121, %dma_start3A_122] : memref<32776x8xf32, #tpu.memory_space<hbm>> -> memref<32776x8xf32, #tpu.memory_space<hbm>>
      tpu.enqueue_indirect_dma source(%dma_start3A_123 : memref<32776x8xf32, #tpu.memory_space<hbm>>) target(%dma_start3A_118 : memref<128x8xf32, #tpu.memory_space<vmem>>) offsets(%dma_start3A_120 : memref<128xi32, #tpu.memory_space<vmem>>) semaphore(%arg10 : memref<!tpu.dma_semaphore, #tpu.memory_space<semaphore_mem>>)
      %dma_start3A_124 = arith.constant 1664 : i32
      %dma_start3A_125 = arith.constant 0 : i32
      %dma_start3A_126 = tpu.memref_slice %arg9[%dma_start3A_124, %dma_start3A_125] : memref<2048x8xf32, #tpu.memory_space<vmem>> -> memref<128x8xf32, #tpu.memory_space<vmem>>
      %dma_start3A_127 = arith.constant 1664 : i32
      %dma_start3A_128 = tpu.memref_slice %arg8[%dma_start3A_127] : memref<2048xi32, #tpu.memory_space<vmem>> -> memref<128xi32, #tpu.memory_space<vmem>>
      %dma_start3A_129 = arith.constant 0 : i32
      %dma_start3A_130 = arith.constant 0 : i32
      %dma_start3A_131 = tpu.memref_slice %arg2[%dma_start3A_129, %dma_start3A_130] : memref<32776x8xf32, #tpu.memory_space<hbm>> -> memref<32776x8xf32, #tpu.memory_space<hbm>>
      tpu.enqueue_indirect_dma source(%dma_start3A_131 : memref<32776x8xf32, #tpu.memory_space<hbm>>) target(%dma_start3A_126 : memref<128x8xf32, #tpu.memory_space<vmem>>) offsets(%dma_start3A_128 : memref<128xi32, #tpu.memory_space<vmem>>) semaphore(%arg10 : memref<!tpu.dma_semaphore, #tpu.memory_space<semaphore_mem>>)
      %dma_start3A_132 = arith.constant 1792 : i32
      %dma_start3A_133 = arith.constant 0 : i32
      %dma_start3A_134 = tpu.memref_slice %arg9[%dma_start3A_132, %dma_start3A_133] : memref<2048x8xf32, #tpu.memory_space<vmem>> -> memref<128x8xf32, #tpu.memory_space<vmem>>
      %dma_start3A_135 = arith.constant 1792 : i32
      %dma_start3A_136 = tpu.memref_slice %arg8[%dma_start3A_135] : memref<2048xi32, #tpu.memory_space<vmem>> -> memref<128xi32, #tpu.memory_space<vmem>>
      %dma_start3A_137 = arith.constant 0 : i32
      %dma_start3A_138 = arith.constant 0 : i32
      %dma_start3A_139 = tpu.memref_slice %arg2[%dma_start3A_137, %dma_start3A_138] : memref<32776x8xf32, #tpu.memory_space<hbm>> -> memref<32776x8xf32, #tpu.memory_space<hbm>>
      tpu.enqueue_indirect_dma source(%dma_start3A_139 : memref<32776x8xf32, #tpu.memory_space<hbm>>) target(%dma_start3A_134 : memref<128x8xf32, #tpu.memory_space<vmem>>) offsets(%dma_start3A_136 : memref<128xi32, #tpu.memory_space<vmem>>) semaphore(%arg10 : memref<!tpu.dma_semaphore, #tpu.memory_space<semaphore_mem>>)
      %dma_start3A_140 = arith.constant 1920 : i32
      %dma_start3A_141 = arith.constant 0 : i32
      %dma_start3A_142 = tpu.memref_slice %arg9[%dma_start3A_140, %dma_start3A_141] : memref<2048x8xf32, #tpu.memory_space<vmem>> -> memref<128x8xf32, #tpu.memory_space<vmem>>
      %dma_start3A_143 = arith.constant 1920 : i32
      %dma_start3A_144 = tpu.memref_slice %arg8[%dma_start3A_143] : memref<2048xi32, #tpu.memory_space<vmem>> -> memref<128xi32, #tpu.memory_space<vmem>>
      %dma_start3A_145 = arith.constant 0 : i32
      %dma_start3A_146 = arith.constant 0 : i32
      %dma_start3A_147 = tpu.memref_slice %arg2[%dma_start3A_145, %dma_start3A_146] : memref<32776x8xf32, #tpu.memory_space<hbm>> -> memref<32776x8xf32, #tpu.memory_space<hbm>>
      tpu.enqueue_indirect_dma source(%dma_start3A_147 : memref<32776x8xf32, #tpu.memory_space<hbm>>) target(%dma_start3A_142 : memref<128x8xf32, #tpu.memory_space<vmem>>) offsets(%dma_start3A_144 : memref<128xi32, #tpu.memory_space<vmem>>) semaphore(%arg10 : memref<!tpu.dma_semaphore, #tpu.memory_space<semaphore_mem>>)
      %dma_wait3A = arith.constant 0 : i32
      %dma_wait3A_148 = arith.constant 0 : i32
      %dma_wait3A_149 = tpu.memref_slice %arg9[%dma_wait3A, %dma_wait3A_148] : memref<2048x8xf32, #tpu.memory_space<vmem>> -> memref<128x8xf32, #tpu.memory_space<vmem>>
      %dma_wait3A_150 = arith.constant 0 : i32
      %dma_wait3A_151 = tpu.memref_slice %arg8[%dma_wait3A_150] : memref<2048xi32, #tpu.memory_space<vmem>> -> memref<128xi32, #tpu.memory_space<vmem>>
      %dma_wait3A_152 = arith.constant 0 : i32
      %dma_wait3A_153 = arith.constant 0 : i32
      %dma_wait3A_154 = tpu.memref_slice %arg2[%dma_wait3A_152, %dma_wait3A_153] : memref<32776x8xf32, #tpu.memory_space<hbm>> -> memref<32776x8xf32, #tpu.memory_space<hbm>>
      tpu.wait_indirect_dma semaphore(%arg10 : memref<!tpu.dma_semaphore, #tpu.memory_space<semaphore_mem>>) src(%dma_wait3A_154 : memref<32776x8xf32, #tpu.memory_space<hbm>>) dst(%dma_wait3A_149 : memref<128x8xf32, #tpu.memory_space<vmem>>)
      %dma_wait3A_155 = arith.constant 128 : i32
      %dma_wait3A_156 = arith.constant 0 : i32
      %dma_wait3A_157 = tpu.memref_slice %arg9[%dma_wait3A_155, %dma_wait3A_156] : memref<2048x8xf32, #tpu.memory_space<vmem>> -> memref<128x8xf32, #tpu.memory_space<vmem>>
      %dma_wait3A_158 = arith.constant 128 : i32
      %dma_wait3A_159 = tpu.memref_slice %arg8[%dma_wait3A_158] : memref<2048xi32, #tpu.memory_space<vmem>> -> memref<128xi32, #tpu.memory_space<vmem>>
      %dma_wait3A_160 = arith.constant 0 : i32
      %dma_wait3A_161 = arith.constant 0 : i32
      %dma_wait3A_162 = tpu.memref_slice %arg2[%dma_wait3A_160, %dma_wait3A_161] : memref<32776x8xf32, #tpu.memory_space<hbm>> -> memref<32776x8xf32, #tpu.memory_space<hbm>>
      tpu.wait_indirect_dma semaphore(%arg10 : memref<!tpu.dma_semaphore, #tpu.memory_space<semaphore_mem>>) src(%dma_wait3A_162 : memref<32776x8xf32, #tpu.memory_space<hbm>>) dst(%dma_wait3A_157 : memref<128x8xf32, #tpu.memory_space<vmem>>)
      %dma_wait3A_163 = arith.constant 256 : i32
      %dma_wait3A_164 = arith.constant 0 : i32
      %dma_wait3A_165 = tpu.memref_slice %arg9[%dma_wait3A_163, %dma_wait3A_164] : memref<2048x8xf32, #tpu.memory_space<vmem>> -> memref<128x8xf32, #tpu.memory_space<vmem>>
      %dma_wait3A_166 = arith.constant 256 : i32
      %dma_wait3A_167 = tpu.memref_slice %arg8[%dma_wait3A_166] : memref<2048xi32, #tpu.memory_space<vmem>> -> memref<128xi32, #tpu.memory_space<vmem>>
      %dma_wait3A_168 = arith.constant 0 : i32
      %dma_wait3A_169 = arith.constant 0 : i32
      %dma_wait3A_170 = tpu.memref_slice %arg2[%dma_wait3A_168, %dma_wait3A_169] : memref<32776x8xf32, #tpu.memory_space<hbm>> -> memref<32776x8xf32, #tpu.memory_space<hbm>>
      tpu.wait_indirect_dma semaphore(%arg10 : memref<!tpu.dma_semaphore, #tpu.memory_space<semaphore_mem>>) src(%dma_wait3A_170 : memref<32776x8xf32, #tpu.memory_space<hbm>>) dst(%dma_wait3A_165 : memref<128x8xf32, #tpu.memory_space<vmem>>)
      %dma_wait3A_171 = arith.constant 384 : i32
      %dma_wait3A_172 = arith.constant 0 : i32
      %dma_wait3A_173 = tpu.memref_slice %arg9[%dma_wait3A_171, %dma_wait3A_172] : memref<2048x8xf32, #tpu.memory_space<vmem>> -> memref<128x8xf32, #tpu.memory_space<vmem>>
      %dma_wait3A_174 = arith.constant 384 : i32
      %dma_wait3A_175 = tpu.memref_slice %arg8[%dma_wait3A_174] : memref<2048xi32, #tpu.memory_space<vmem>> -> memref<128xi32, #tpu.memory_space<vmem>>
      %dma_wait3A_176 = arith.constant 0 : i32
      %dma_wait3A_177 = arith.constant 0 : i32
      %dma_wait3A_178 = tpu.memref_slice %arg2[%dma_wait3A_176, %dma_wait3A_177] : memref<32776x8xf32, #tpu.memory_space<hbm>> -> memref<32776x8xf32, #tpu.memory_space<hbm>>
      tpu.wait_indirect_dma semaphore(%arg10 : memref<!tpu.dma_semaphore, #tpu.memory_space<semaphore_mem>>) src(%dma_wait3A_178 : memref<32776x8xf32, #tpu.memory_space<hbm>>) dst(%dma_wait3A_173 : memref<128x8xf32, #tpu.memory_space<vmem>>)
      %dma_wait3A_179 = arith.constant 512 : i32
      %dma_wait3A_180 = arith.constant 0 : i32
      %dma_wait3A_181 = tpu.memref_slice %arg9[%dma_wait3A_179, %dma_wait3A_180] : memref<2048x8xf32, #tpu.memory_space<vmem>> -> memref<128x8xf32, #tpu.memory_space<vmem>>
      %dma_wait3A_182 = arith.constant 512 : i32
      %dma_wait3A_183 = tpu.memref_slice %arg8[%dma_wait3A_182] : memref<2048xi32, #tpu.memory_space<vmem>> -> memref<128xi32, #tpu.memory_space<vmem>>
      %dma_wait3A_184 = arith.constant 0 : i32
      %dma_wait3A_185 = arith.constant 0 : i32
      %dma_wait3A_186 = tpu.memref_slice %arg2[%dma_wait3A_184, %dma_wait3A_185] : memref<32776x8xf32, #tpu.memory_space<hbm>> -> memref<32776x8xf32, #tpu.memory_space<hbm>>
      tpu.wait_indirect_dma semaphore(%arg10 : memref<!tpu.dma_semaphore, #tpu.memory_space<semaphore_mem>>) src(%dma_wait3A_186 : memref<32776x8xf32, #tpu.memory_space<hbm>>) dst(%dma_wait3A_181 : memref<128x8xf32, #tpu.memory_space<vmem>>)
      %dma_wait3A_187 = arith.constant 640 : i32
      %dma_wait3A_188 = arith.constant 0 : i32
      %dma_wait3A_189 = tpu.memref_slice %arg9[%dma_wait3A_187, %dma_wait3A_188] : memref<2048x8xf32, #tpu.memory_space<vmem>> -> memref<128x8xf32, #tpu.memory_space<vmem>>
      %dma_wait3A_190 = arith.constant 640 : i32
      %dma_wait3A_191 = tpu.memref_slice %arg8[%dma_wait3A_190] : memref<2048xi32, #tpu.memory_space<vmem>> -> memref<128xi32, #tpu.memory_space<vmem>>
      %dma_wait3A_192 = arith.constant 0 : i32
      %dma_wait3A_193 = arith.constant 0 : i32
      %dma_wait3A_194 = tpu.memref_slice %arg2[%dma_wait3A_192, %dma_wait3A_193] : memref<32776x8xf32, #tpu.memory_space<hbm>> -> memref<32776x8xf32, #tpu.memory_space<hbm>>
      tpu.wait_indirect_dma semaphore(%arg10 : memref<!tpu.dma_semaphore, #tpu.memory_space<semaphore_mem>>) src(%dma_wait3A_194 : memref<32776x8xf32, #tpu.memory_space<hbm>>) dst(%dma_wait3A_189 : memref<128x8xf32, #tpu.memory_space<vmem>>)
      %dma_wait3A_195 = arith.constant 768 : i32
      %dma_wait3A_196 = arith.constant 0 : i32
      %dma_wait3A_197 = tpu.memref_slice %arg9[%dma_wait3A_195, %dma_wait3A_196] : memref<2048x8xf32, #tpu.memory_space<vmem>> -> memref<128x8xf32, #tpu.memory_space<vmem>>
      %dma_wait3A_198 = arith.constant 768 : i32
      %dma_wait3A_199 = tpu.memref_slice %arg8[%dma_wait3A_198] : memref<2048xi32, #tpu.memory_space<vmem>> -> memref<128xi32, #tpu.memory_space<vmem>>
      %dma_wait3A_200 = arith.constant 0 : i32
      %dma_wait3A_201 = arith.constant 0 : i32
      %dma_wait3A_202 = tpu.memref_slice %arg2[%dma_wait3A_200, %dma_wait3A_201] : memref<32776x8xf32, #tpu.memory_space<hbm>> -> memref<32776x8xf32, #tpu.memory_space<hbm>>
      tpu.wait_indirect_dma semaphore(%arg10 : memref<!tpu.dma_semaphore, #tpu.memory_space<semaphore_mem>>) src(%dma_wait3A_202 : memref<32776x8xf32, #tpu.memory_space<hbm>>) dst(%dma_wait3A_197 : memref<128x8xf32, #tpu.memory_space<vmem>>)
      %dma_wait3A_203 = arith.constant 896 : i32
      %dma_wait3A_204 = arith.constant 0 : i32
      %dma_wait3A_205 = tpu.memref_slice %arg9[%dma_wait3A_203, %dma_wait3A_204] : memref<2048x8xf32, #tpu.memory_space<vmem>> -> memref<128x8xf32, #tpu.memory_space<vmem>>
      %dma_wait3A_206 = arith.constant 896 : i32
      %dma_wait3A_207 = tpu.memref_slice %arg8[%dma_wait3A_206] : memref<2048xi32, #tpu.memory_space<vmem>> -> memref<128xi32, #tpu.memory_space<vmem>>
      %dma_wait3A_208 = arith.constant 0 : i32
      %dma_wait3A_209 = arith.constant 0 : i32
      %dma_wait3A_210 = tpu.memref_slice %arg2[%dma_wait3A_208, %dma_wait3A_209] : memref<32776x8xf32, #tpu.memory_space<hbm>> -> memref<32776x8xf32, #tpu.memory_space<hbm>>
      tpu.wait_indirect_dma semaphore(%arg10 : memref<!tpu.dma_semaphore, #tpu.memory_space<semaphore_mem>>) src(%dma_wait3A_210 : memref<32776x8xf32, #tpu.memory_space<hbm>>) dst(%dma_wait3A_205 : memref<128x8xf32, #tpu.memory_space<vmem>>)
      %dma_wait3A_211 = arith.constant 1024 : i32
      %dma_wait3A_212 = arith.constant 0 : i32
      %dma_wait3A_213 = tpu.memref_slice %arg9[%dma_wait3A_211, %dma_wait3A_212] : memref<2048x8xf32, #tpu.memory_space<vmem>> -> memref<128x8xf32, #tpu.memory_space<vmem>>
      %dma_wait3A_214 = arith.constant 1024 : i32
      %dma_wait3A_215 = tpu.memref_slice %arg8[%dma_wait3A_214] : memref<2048xi32, #tpu.memory_space<vmem>> -> memref<128xi32, #tpu.memory_space<vmem>>
      %dma_wait3A_216 = arith.constant 0 : i32
      %dma_wait3A_217 = arith.constant 0 : i32
      %dma_wait3A_218 = tpu.memref_slice %arg2[%dma_wait3A_216, %dma_wait3A_217] : memref<32776x8xf32, #tpu.memory_space<hbm>> -> memref<32776x8xf32, #tpu.memory_space<hbm>>
      tpu.wait_indirect_dma semaphore(%arg10 : memref<!tpu.dma_semaphore, #tpu.memory_space<semaphore_mem>>) src(%dma_wait3A_218 : memref<32776x8xf32, #tpu.memory_space<hbm>>) dst(%dma_wait3A_213 : memref<128x8xf32, #tpu.memory_space<vmem>>)
      %dma_wait3A_219 = arith.constant 1152 : i32
      %dma_wait3A_220 = arith.constant 0 : i32
      %dma_wait3A_221 = tpu.memref_slice %arg9[%dma_wait3A_219, %dma_wait3A_220] : memref<2048x8xf32, #tpu.memory_space<vmem>> -> memref<128x8xf32, #tpu.memory_space<vmem>>
      %dma_wait3A_222 = arith.constant 1152 : i32
      %dma_wait3A_223 = tpu.memref_slice %arg8[%dma_wait3A_222] : memref<2048xi32, #tpu.memory_space<vmem>> -> memref<128xi32, #tpu.memory_space<vmem>>
      %dma_wait3A_224 = arith.constant 0 : i32
      %dma_wait3A_225 = arith.constant 0 : i32
      %dma_wait3A_226 = tpu.memref_slice %arg2[%dma_wait3A_224, %dma_wait3A_225] : memref<32776x8xf32, #tpu.memory_space<hbm>> -> memref<32776x8xf32, #tpu.memory_space<hbm>>
      tpu.wait_indirect_dma semaphore(%arg10 : memref<!tpu.dma_semaphore, #tpu.memory_space<semaphore_mem>>) src(%dma_wait3A_226 : memref<32776x8xf32, #tpu.memory_space<hbm>>) dst(%dma_wait3A_221 : memref<128x8xf32, #tpu.memory_space<vmem>>)
      %dma_wait3A_227 = arith.constant 1280 : i32
      %dma_wait3A_228 = arith.constant 0 : i32
      %dma_wait3A_229 = tpu.memref_slice %arg9[%dma_wait3A_227, %dma_wait3A_228] : memref<2048x8xf32, #tpu.memory_space<vmem>> -> memref<128x8xf32, #tpu.memory_space<vmem>>
      %dma_wait3A_230 = arith.constant 1280 : i32
      %dma_wait3A_231 = tpu.memref_slice %arg8[%dma_wait3A_230] : memref<2048xi32, #tpu.memory_space<vmem>> -> memref<128xi32, #tpu.memory_space<vmem>>
      %dma_wait3A_232 = arith.constant 0 : i32
      %dma_wait3A_233 = arith.constant 0 : i32
      %dma_wait3A_234 = tpu.memref_slice %arg2[%dma_wait3A_232, %dma_wait3A_233] : memref<32776x8xf32, #tpu.memory_space<hbm>> -> memref<32776x8xf32, #tpu.memory_space<hbm>>
      tpu.wait_indirect_dma semaphore(%arg10 : memref<!tpu.dma_semaphore, #tpu.memory_space<semaphore_mem>>) src(%dma_wait3A_234 : memref<32776x8xf32, #tpu.memory_space<hbm>>) dst(%dma_wait3A_229 : memref<128x8xf32, #tpu.memory_space<vmem>>)
      %dma_wait3A_235 = arith.constant 1408 : i32
      %dma_wait3A_236 = arith.constant 0 : i32
      %dma_wait3A_237 = tpu.memref_slice %arg9[%dma_wait3A_235, %dma_wait3A_236] : memref<2048x8xf32, #tpu.memory_space<vmem>> -> memref<128x8xf32, #tpu.memory_space<vmem>>
      %dma_wait3A_238 = arith.constant 1408 : i32
      %dma_wait3A_239 = tpu.memref_slice %arg8[%dma_wait3A_238] : memref<2048xi32, #tpu.memory_space<vmem>> -> memref<128xi32, #tpu.memory_space<vmem>>
      %dma_wait3A_240 = arith.constant 0 : i32
      %dma_wait3A_241 = arith.constant 0 : i32
      %dma_wait3A_242 = tpu.memref_slice %arg2[%dma_wait3A_240, %dma_wait3A_241] : memref<32776x8xf32, #tpu.memory_space<hbm>> -> memref<32776x8xf32, #tpu.memory_space<hbm>>
      tpu.wait_indirect_dma semaphore(%arg10 : memref<!tpu.dma_semaphore, #tpu.memory_space<semaphore_mem>>) src(%dma_wait3A_242 : memref<32776x8xf32, #tpu.memory_space<hbm>>) dst(%dma_wait3A_237 : memref<128x8xf32, #tpu.memory_space<vmem>>)
      %dma_wait3A_243 = arith.constant 1536 : i32
      %dma_wait3A_244 = arith.constant 0 : i32
      %dma_wait3A_245 = tpu.memref_slice %arg9[%dma_wait3A_243, %dma_wait3A_244] : memref<2048x8xf32, #tpu.memory_space<vmem>> -> memref<128x8xf32, #tpu.memory_space<vmem>>
      %dma_wait3A_246 = arith.constant 1536 : i32
      %dma_wait3A_247 = tpu.memref_slice %arg8[%dma_wait3A_246] : memref<2048xi32, #tpu.memory_space<vmem>> -> memref<128xi32, #tpu.memory_space<vmem>>
      %dma_wait3A_248 = arith.constant 0 : i32
      %dma_wait3A_249 = arith.constant 0 : i32
      %dma_wait3A_250 = tpu.memref_slice %arg2[%dma_wait3A_248, %dma_wait3A_249] : memref<32776x8xf32, #tpu.memory_space<hbm>> -> memref<32776x8xf32, #tpu.memory_space<hbm>>
      tpu.wait_indirect_dma semaphore(%arg10 : memref<!tpu.dma_semaphore, #tpu.memory_space<semaphore_mem>>) src(%dma_wait3A_250 : memref<32776x8xf32, #tpu.memory_space<hbm>>) dst(%dma_wait3A_245 : memref<128x8xf32, #tpu.memory_space<vmem>>)
      %dma_wait3A_251 = arith.constant 1664 : i32
      %dma_wait3A_252 = arith.constant 0 : i32
      %dma_wait3A_253 = tpu.memref_slice %arg9[%dma_wait3A_251, %dma_wait3A_252] : memref<2048x8xf32, #tpu.memory_space<vmem>> -> memref<128x8xf32, #tpu.memory_space<vmem>>
      %dma_wait3A_254 = arith.constant 1664 : i32
      %dma_wait3A_255 = tpu.memref_slice %arg8[%dma_wait3A_254] : memref<2048xi32, #tpu.memory_space<vmem>> -> memref<128xi32, #tpu.memory_space<vmem>>
      %dma_wait3A_256 = arith.constant 0 : i32
      %dma_wait3A_257 = arith.constant 0 : i32
      %dma_wait3A_258 = tpu.memref_slice %arg2[%dma_wait3A_256, %dma_wait3A_257] : memref<32776x8xf32, #tpu.memory_space<hbm>> -> memref<32776x8xf32, #tpu.memory_space<hbm>>
      tpu.wait_indirect_dma semaphore(%arg10 : memref<!tpu.dma_semaphore, #tpu.memory_space<semaphore_mem>>) src(%dma_wait3A_258 : memref<32776x8xf32, #tpu.memory_space<hbm>>) dst(%dma_wait3A_253 : memref<128x8xf32, #tpu.memory_space<vmem>>)
      %dma_wait3A_259 = arith.constant 1792 : i32
      %dma_wait3A_260 = arith.constant 0 : i32
      %dma_wait3A_261 = tpu.memref_slice %arg9[%dma_wait3A_259, %dma_wait3A_260] : memref<2048x8xf32, #tpu.memory_space<vmem>> -> memref<128x8xf32, #tpu.memory_space<vmem>>
      %dma_wait3A_262 = arith.constant 1792 : i32
      %dma_wait3A_263 = tpu.memref_slice %arg8[%dma_wait3A_262] : memref<2048xi32, #tpu.memory_space<vmem>> -> memref<128xi32, #tpu.memory_space<vmem>>
      %dma_wait3A_264 = arith.constant 0 : i32
      %dma_wait3A_265 = arith.constant 0 : i32
      %dma_wait3A_266 = tpu.memref_slice %arg2[%dma_wait3A_264, %dma_wait3A_265] : memref<32776x8xf32, #tpu.memory_space<hbm>> -> memref<32776x8xf32, #tpu.memory_space<hbm>>
      tpu.wait_indirect_dma semaphore(%arg10 : memref<!tpu.dma_semaphore, #tpu.memory_space<semaphore_mem>>) src(%dma_wait3A_266 : memref<32776x8xf32, #tpu.memory_space<hbm>>) dst(%dma_wait3A_261 : memref<128x8xf32, #tpu.memory_space<vmem>>)
      %dma_wait3A_267 = arith.constant 1920 : i32
      %dma_wait3A_268 = arith.constant 0 : i32
      %dma_wait3A_269 = tpu.memref_slice %arg9[%dma_wait3A_267, %dma_wait3A_268] : memref<2048x8xf32, #tpu.memory_space<vmem>> -> memref<128x8xf32, #tpu.memory_space<vmem>>
      %dma_wait3A_270 = arith.constant 1920 : i32
      %dma_wait3A_271 = tpu.memref_slice %arg8[%dma_wait3A_270] : memref<2048xi32, #tpu.memory_space<vmem>> -> memref<128xi32, #tpu.memory_space<vmem>>
      %dma_wait3A_272 = arith.constant 0 : i32
      %dma_wait3A_273 = arith.constant 0 : i32
      %dma_wait3A_274 = tpu.memref_slice %arg2[%dma_wait3A_272, %dma_wait3A_273] : memref<32776x8xf32, #tpu.memory_space<hbm>> -> memref<32776x8xf32, #tpu.memory_space<hbm>>
      tpu.wait_indirect_dma semaphore(%arg10 : memref<!tpu.dma_semaphore, #tpu.memory_space<semaphore_mem>>) src(%dma_wait3A_274 : memref<32776x8xf32, #tpu.memory_space<hbm>>) dst(%dma_wait3A_269 : memref<128x8xf32, #tpu.memory_space<vmem>>)
      "tpu.region"() ({
        %run_scoped3A = tpu.sem_alloc : memref<!tpu.dma_semaphore, #tpu.memory_space<semaphore_mem>>
        %dma_start3A_276 = arith.constant 0 : i32
        %dma_start3A_277 = tpu.memref_slice %arg5[%add3A_13, %dma_start3A_276] : memref<1048576x8xf32, #tpu.memory_space<hbm>> -> memref<2048x8xf32, #tpu.memory_space<hbm>>
        %dma_start3A_278 = arith.constant 0 : i32
        %dma_start3A_279 = tpu.memref_slice %arg5[%add3A_13, %dma_start3A_278] : memref<1048576x8xf32, #tpu.memory_space<hbm>> -> memref<2048x8xf32, #tpu.memory_space<hbm>>
        tpu.enqueue_dma source(%arg9 : memref<2048x8xf32, #tpu.memory_space<vmem>>) target(%dma_start3A_279 : memref<2048x8xf32, #tpu.memory_space<hbm>>) target_semaphore(%run_scoped3A : memref<!tpu.dma_semaphore, #tpu.memory_space<semaphore_mem>>)
        %dma_wait3A_280 = arith.constant 0 : i32
        %dma_wait3A_281 = tpu.memref_slice %arg5[%add3A_13, %dma_wait3A_280] : memref<1048576x8xf32, #tpu.memory_space<hbm>> -> memref<2048x8xf32, #tpu.memory_space<hbm>>
        %dma_wait3A_282 = arith.constant 0 : i32
        %dma_wait3A_283 = tpu.memref_slice %arg5[%add3A_13, %dma_wait3A_282] : memref<1048576x8xf32, #tpu.memory_space<hbm>> -> memref<2048x8xf32, #tpu.memory_space<hbm>>
        tpu.wait_dma2 semaphore(%run_scoped3A : memref<!tpu.dma_semaphore, #tpu.memory_space<semaphore_mem>>) src(%arg9 : memref<2048x8xf32, #tpu.memory_space<vmem>>) dst(%dma_wait3A_283 : memref<2048x8xf32, #tpu.memory_space<hbm>>)
        tpu.yield
      }) : () -> ()
      %scan3A_275 = arith.constant 0 : i32
      scf.yield %scan3A_275 : i32
    }
    %scan3A_8 = arith.constant 16 : i32
    return
  }
}

module attributes {stable_mosaic.version = 14 : i64} {
  func.func @_mlp_body(%arg0: i32, %arg1: memref<256x512xf32, #tpu.memory_space<vmem>>, %arg2: memref<512x512xf32, #tpu.memory_space<vmem>>, %arg3: memref<512xf32, #tpu.memory_space<vmem>>, %arg4: memref<512x64xf32, #tpu.memory_space<vmem>>, %arg5: memref<64xf32, #tpu.memory_space<vmem>>, %arg6: memref<256x64xf32, #tpu.memory_space<vmem>>) attributes {dimension_semantics = [#tpu.dimension_semantics<arbitrary>], iteration_bounds = array<i64: 64>, scalar_prefetch = 0 : i64, scratch_operands = 0 : i64, tpu.core_type = #tpu.core_type<tc>, window_params = [{transform_indices = @transform_0, window_bounds = array<i64: 256, 512>}, {pipeline_mode = #tpu.pipeline_mode<synchronous>, transform_indices = @transform_1, window_bounds = array<i64: 512, 512>}, {pipeline_mode = #tpu.pipeline_mode<synchronous>, transform_indices = @transform_2, window_bounds = array<i64: 512>}, {pipeline_mode = #tpu.pipeline_mode<synchronous>, transform_indices = @transform_3, window_bounds = array<i64: 512, 64>}, {pipeline_mode = #tpu.pipeline_mode<synchronous>, transform_indices = @transform_4, window_bounds = array<i64: 64>}, {transform_indices = @transform_5, window_bounds = array<i64: 256, 64>}]} {
    %get3A = arith.constant 0 : index
    %get3A_0 = arith.constant 0 : index
    %get3A_1 = vector.load %arg1[%get3A, %get3A_0] : memref<256x512xf32, #tpu.memory_space<vmem>>, vector<256x512xf32>
    %get3A_2 = arith.constant 0 : index
    %get3A_3 = arith.constant 0 : index
    %get3A_4 = vector.load %arg2[%get3A_2, %get3A_3] : memref<512x512xf32, #tpu.memory_space<vmem>>, vector<512x512xf32>
    %dot_general3A = arith.constant dense<0.000000e+00> : vector<256x512xf32>
    %dot_general3A_5 = tpu.matmul %get3A_1, %get3A_4, %dot_general3A {dimension_numbers = #tpu.dot_dimension_numbers<[1], [0], [0], [1], [0, 0, 1, 1], [], []>, transpose_lhs_hint = false} : vector<256x512xf32>, vector<512x512xf32>, vector<256x512xf32> -> vector<256x512xf32>
    %get3A_6 = arith.constant 0 : index
    %get3A_7 = vector.load %arg3[%get3A_6] : memref<512xf32, #tpu.memory_space<vmem>>, vector<512xf32>
    %broadcast_in_dim3A = vector.shape_cast %get3A_7 : vector<512xf32> to vector<1x512xf32>
    %add3A = vector.broadcast %broadcast_in_dim3A : vector<1x512xf32> to vector<256x512xf32>
    %add3A_8 = arith.addf %dot_general3A_5, %add3A : vector<256x512xf32>
    %max3A = arith.constant 0.000000e+00 : f32
    %max3A_9 = vector.broadcast %max3A : f32 to vector<256x512xf32>
    %max3A_10 = arith.maximumf %add3A_8, %max3A_9 : vector<256x512xf32>
    %get3A_11 = arith.constant 0 : index
    %get3A_12 = arith.constant 0 : index
    %get3A_13 = vector.load %arg4[%get3A_11, %get3A_12] : memref<512x64xf32, #tpu.memory_space<vmem>>, vector<512x64xf32>
    %dot_general3A_14 = arith.constant dense<0.000000e+00> : vector<256x64xf32>
    %dot_general3A_15 = tpu.matmul %max3A_10, %get3A_13, %dot_general3A_14 {dimension_numbers = #tpu.dot_dimension_numbers<[1], [0], [0], [1], [0, 0, 1, 1], [], []>, transpose_lhs_hint = false} : vector<256x512xf32>, vector<512x64xf32>, vector<256x64xf32> -> vector<256x64xf32>
    %get3A_16 = arith.constant 0 : index
    %get3A_17 = vector.load %arg5[%get3A_16] : memref<64xf32, #tpu.memory_space<vmem>>, vector<64xf32>
    %broadcast_in_dim3A_18 = vector.shape_cast %get3A_17 : vector<64xf32> to vector<1x64xf32>
    %add3A_19 = vector.broadcast %broadcast_in_dim3A_18 : vector<1x64xf32> to vector<256x64xf32>
    %add3A_20 = arith.addf %dot_general3A_15, %add3A_19 : vector<256x64xf32>
    %swap3A = arith.constant 0 : index
    %swap3A_21 = arith.constant 0 : index
    %swap3A_22 = vector.load %arg6[%swap3A, %swap3A_21] : memref<256x64xf32, #tpu.memory_space<vmem>>, vector<256x64xf32>
    tpu.vector_store %arg6[%swap3A, %swap3A_21], %add3A_20 {strides = array<i32>} : memref<256x64xf32, #tpu.memory_space<vmem>>, vector<256x64xf32>,
    return
  }
  func.func @transform_0(%arg0: i32) -> (i32, i32) {
    %c0_i32 = arith.constant 0 : i32
    %c0_i32_0 = arith.constant 0 : i32
    return %arg0, %c0_i32 : i32, i32
  }
  func.func @transform_1(%arg0: i32) -> (i32, i32) {
    %c0_i32 = arith.constant 0 : i32
    %c0_i32_0 = arith.constant 0 : i32
    %c0_i32_1 = arith.constant 0 : i32
    return %c0_i32, %c0_i32_0 : i32, i32
  }
  func.func @transform_2(%arg0: i32) -> i32 {
    %c0_i32 = arith.constant 0 : i32
    %c0_i32_0 = arith.constant 0 : i32
    return %c0_i32 : i32
  }
  func.func @transform_3(%arg0: i32) -> (i32, i32) {
    %c0_i32 = arith.constant 0 : i32
    %c0_i32_0 = arith.constant 0 : i32
    %c0_i32_1 = arith.constant 0 : i32
    return %c0_i32, %c0_i32_0 : i32, i32
  }
  func.func @transform_4(%arg0: i32) -> i32 {
    %c0_i32 = arith.constant 0 : i32
    %c0_i32_0 = arith.constant 0 : i32
    return %c0_i32 : i32
  }
  func.func @transform_5(%arg0: i32) -> (i32, i32) {
    %c0_i32 = arith.constant 0 : i32
    %c0_i32_0 = arith.constant 0 : i32
    return %arg0, %c0_i32 : i32, i32
  }
}

</mosaic_0001>

<sc_bundles>
// kernel: kernel.12.cloned.1.call-start
scs
__scs_entry_jumppad:
0x0: {  	(pc) =	sbr.rel $0x88, $3  }
0x1: {  	(tag) =	ssettag $0x0;
	lr =	simm.s32 $0x1  }
0x2: {  	[smem:$0x3F9A] =	sst lr;
	_ =	strace $0xD0000000  }
0x3: {  	_ = 	snop  }
0x4: {  	_ = 	snop  }
0x5: {  	_ = 	snop  }
0x6: {  	_ = 	snop  }
0x7: {  	_ = 	snop  }
__scs_overlays_trampoline_lowered:
0x8: {  	[smem:$0x3FA9] =	sst s0  }
0x9: {  	[smem:$0x3FAA] =	sst s1  }
0xa: {  	[smem:$0x3FAB] =	sst s2  }
0xb: {  	[smem:$0x3FAC] =	sst s3  }
0xc: {  	[smem:$0x3FAD] =	sst s4  }
0xd: {  	[smem:$0x3FAE] =	sst s5  }
0xe: {  	[smem:$0x3FAF] =	sst s6  }
0xf: {  	[smem:$0x3FB0] =	sst s7  }
0x10: {  	[smem:$0x3FB1] =	sst s8  }
0x11: {  	[smem:$0x3FB2] =	sst s9;
	s0 =	simm.s32 @!p0 $0x0  }
0x12: {  	s1 =	sld [smem:$0x3F98];
	s0 =	simm.s32 @p0 $0x1  }
0x13: {  	[smem:$0x3FB3] =	sst s0;
	s0 =	simm.s32 @!p1 $0x0  }
0x14: {  	s2 =	sld [smem:$0x3F97];
	s0 =	simm.s32 @p1 $0x1  }
0x15: {  	[smem:$0x3FB4] =	sst s0;
	s0 =	simm.s32 @!p2 $0x0  }
0x16: {  	s3 =	sld [smem:$0x3FDB];
	s0 =	simm.s32 @p2 $0x1  }
0x17: {  	s4 =	simm.s32 $0x1BF5;
	[smem:$0x3FB6] =	sst s0  }
0x18: {  	s0 =	sld [smem:$0x3F99];
	_ =	swait.ge [sflag:s4], $0x0  }
0x19: {  	s7 =	sld [smem:$0x3F9A]  }
0x1a: {  	s8 =	sadd.s32 $0xFFFFE003, lr  }
0x1b: {  	s9 =	sadd.s32 $0xFFFFFEF7, lr;
	s5 =	simm.s32 $0xFFFFFFFF;
	p2 =	slt.u32 s8, $0xFFFFF086  }
0x1c: {  	p1 =	slt.u32 s9, $0xF7A;
	s5 =	simm.s32 @!p2 $0x0  }
0x1d: {  	s5 =	simm.s32 @p1 $0x1;
	p0 =	seq.s32 s7, s2  }
0x1e: {  	s7 =	smul.u32 @!p0 $0xF7A, s2;
	p2 =	seq.s32 @!p0 s5, $0x0  }
0x1f: {  	s9 =	smul.u32 $0xF7A, s1;
	s8 =	simm.s32 @!p0 $0x1BF5;
	p2 =	por !p2, p0  }
0x20: {  	[sflag:s8] =	ssyncset.s32 @!p0 $0xFFFFF086;
	s6 =	sadd.s32 @!p0 s3, s7;
	s7 =	simm.s32 @!p0 $0x108  }
0x21: {  	s3 =	sadd.s32 s3, s9;
	s6 =	sadd.s32 @!p0 $0x88, s6;
	s7 =	simm.s32 @p2 $0x1082  }
0x22: {  	[simem:s7], [sflag:s8] =	dma.local @!p0 [hbm:s6], $0xF7A  }
0x23: {  	s9 =	sor.u32 $0xD0000000, s2;
	s6 =	simm.s32 $0x108;
	_ =	swait.ge @!p0 [sflag:s8], $0x0  }
0x24: {  	s3 =	sadd.s32 $0x88, s3;
	s6 =	simm.s32 @!p1 $0x1082;
	[sflag:s4] =	ssyncset.s32 $0xFFFFF086  }
0x25: {  	[simem:s6], [sflag:s4] =	dma.local [hbm:s3], $0xF7A  }
0x26: {  	[smem:$0x3F9A] =	sst s1;
	(tag) =	ssettag s2;
	_ =	strace s9  }
0x27: {  	s1 =	sld [smem:$0x3FAA]  }
0x28: {  	s2 =	sld [smem:$0x3FAB]  }
0x29: {  	s4 =	sld [smem:$0x3FAD]  }
0x2a: {  	p0 =	seq.s32 s5, $0x0;
	s5 =	sld [smem:$0x3FAE]  }
0x2b: {  	s6 =	sld [smem:$0x3FAF]  }
0x2c: {  	s7 =	sld [smem:$0x3FB0]  }
0x2d: {  	s3 =	simm.s32 $0x108;
	s8 =	sld [smem:$0x3FB1]  }
0x2e: {  	s3 =	simm.s32 @!p0 $0x1082;
	s9 =	sld [smem:$0x3FB2]  }
0x2f: {  	lr =	sadd.s32 s0, s3;
	s0 =	sld [smem:$0x3FA9]  }
0x30: {  	s3 =	sld [smem:$0x3FAC]  }
0x31: {  	[smem:$0x3FB5] =	sst s10  }
0x32: {  	s10 =	sld [smem:$0x3FB3];
	_ =	sdelay $0x3  }
0x33: {  	p0 =	seq.s32 s10, $0x1;
	s10 =	sld [smem:$0x3FB5];
	_ =	sdelay $0x3  }
0x34: {  	[smem:$0x3FB5] =	sst s10  }
0x35: {  	s10 =	sld [smem:$0x3FB4];
	_ =	sdelay $0x3  }
0x36: {  	p1 =	seq.s32 s10, $0x1;
	s10 =	sld [smem:$0x3FB5];
	_ =	sdelay $0x3  }
0x37: {  	[smem:$0x3FB5] =	sst s10  }
0x38: {  	s10 =	sld [smem:$0x3FB6]  }
0x39: {  	_ = 	snop;
	(pc) =	sbr.ind lr, $3  }
0x3a: {  	_ = 	snop  }
0x3b: {  	_ = 	snop  }
0x3c: {  	p2 =	seq.s32 s10, $0x1;
	s10 =	sld [smem:$0x3FB5]  }
0x3d: {  	_ =	shalt  }
0x3e: {  	_ =	shalt  }
0x3f: {  	_ =	shalt  }
0x40: {  	_ =	shalt  }
0x41: {  	_ =	shalt  }
0x42: {  	_ =	shalt  }
0x43: {  	_ =	shalt  }
0x44: {  	_ =	shalt  }
0x45: {  	_ =	shalt  }
0x46: {  	_ =	shalt  }
0x47: {  	_ =	shalt  }
0x48: {  	_ =	shalt  }
0x49: {  	_ =	shalt  }
0x4a: {  	_ =	shalt  }
0x4b: {  	_ =	shalt  }
0x4c: {  	_ =	shalt  }
0x4d: {  	_ =	shalt  }
0x4e: {  	_ =	shalt  }
0x4f: {  	_ =	shalt  }
0x50: {  	_ =	shalt  }
0x51: {  	_ =	shalt  }
0x52: {  	_ =	shalt  }
0x53: {  	_ =	shalt  }
0x54: {  	_ =	shalt  }
0x55: {  	_ =	shalt  }
0x56: {  	_ =	shalt  }
0x57: {  	_ =	shalt  }
0x58: {  	_ =	shalt  }
0x59: {  	_ =	shalt  }
0x5a: {  	_ =	shalt  }
0x5b: {  	_ =	shalt  }
0x5c: {  	_ =	shalt  }
0x5d: {  	_ =	shalt  }
0x5e: {  	_ =	shalt  }
0x5f: {  	_ =	shalt  }
0x60: {  	_ =	shalt  }
0x61: {  	_ =	shalt  }
0x62: {  	_ =	shalt  }
0x63: {  	_ =	shalt  }
0x64: {  	_ =	shalt  }
0x65: {  	_ =	shalt  }
0x66: {  	_ =	shalt  }
0x67: {  	_ =	shalt  }
0x68: {  	_ =	shalt  }
0x69: {  	_ =	shalt  }
0x6a: {  	_ =	shalt  }
0x6b: {  	_ =	shalt  }
0x6c: {  	_ =	shalt  }
0x6d: {  	_ =	shalt  }
0x6e: {  	_ =	shalt  }
0x6f: {  	_ =	shalt  }
0x70: {  	_ =	shalt  }
0x71: {  	_ =	shalt  }
0x72: {  	_ =	shalt  }
0x73: {  	_ =	shalt  }
0x74: {  	_ =	shalt  }
0x75: {  	_ =	shalt  }
0x76: {  	_ =	shalt  }
0x77: {  	_ =	shalt  }
0x78: {  	_ =	shalt  }
0x79: {  	_ =	shalt  }
0x7a: {  	_ =	shalt  }
0x7b: {  	_ =	shalt  }
0x7c: {  	_ =	shalt  }
0x7d: {  	_ =	shalt  }
0x7e: {  	_ =	shalt  }
0x7f: {  	_ =	shalt  }
0x80: {  	_ =	shalt  }
0x81: {  	_ =	shalt  }
0x82: {  	_ =	shalt  }
0x83: {  	_ =	shalt  }
0x84: {  	_ =	shalt  }
0x85: {  	_ =	shalt  }
0x86: {  	_ =	shalt  }
0x87: {  	_ =	shalt  }
.Lfunc_end0:
.L_simem_size_0:
called_computation.2_lowered:
.L_overlay_start_0:
0x88: {  	s2 =	sld [smem:$0x3FD9]  }
0x89: {  	s3 =	sld [smem:$0x3FFE];
	_ =	sdelay $0x1  }
0x8a: {  	s1 =	srdreg.scid  }
0x8b: {  	s0 =	sand.u32 $0x1, s1  }
0x8c: {  	s17 =	sshll.u32 s0, $0xA;
	s2 =	sadd.s32 s3, s2  }
0x8d: {  	s2 =	sadd.s32 s2, s17  }
0x8e: {  	[smem:$0x3FC1] =	sst s2  }
0x8f: {  	_ = 	snop  }
0x90: {  	s2 =	sld [smem:$0x3FD0];
	(tm) =	ssettm $0x1  }
0x91: {  	s18 =	sld [smem:$0x3FFB];
	_ =	sdelay $0x3  }
0x92: {  	_ =	strace s18  }
0x93: {  	s3 =	sld [smem:$0x3FFC];
	_ =	sdelay $0x3  }
0x94: {  	_ =	strace s3  }
0x95: {  	s3 =	sld [smem:$0x3FFD];
	_ =	sdelay $0x3  }
0x96: {  	_ =	strace s3  }
0x97: {  	_ =	strace $0x8FFFFFFF  }
0x98: {  	s19 =	sld [smem:$0x3FDB];
	_ =	sdelay $0x1  }
0x99: {  	s4 =	simm.s32 $_scs_section_size  }
0x9a: {  	s5 =	simm.s32 $_size__tile_overlayer_lowered;
	s6 =	simm.s32 $_tile_overlayer_lowered  }
0x9b: {  	s22 =	simm.s32 $0x1BFF;
	s21 =	sshll.u32 s6, $0x1;
	s3 =	sadd.s32 s4, s19  }
0x9c: {  	s7 =	simm.s32 $0x0;
	s20 =	sshll.u32 s5, $0x1;
	s5 =	sadd.s32 s21, s3  }
0x9d: {  	[timem:s7], [sflag:s22] =	dma.local [hbm:s5], s20  }
0x9e: {  	_ =	swait.ge [sflag:s22], s20  }
0x9f: {  	s4 =	ssub.s32 $0x0, s20;
	[sflag:s22] =	ssyncset.done $0x0  }
0xa0: {  	[sflag:s22] =	ssyncadd.s32 s4;
	_ =	sdelay $0x1  }
0xa1: {  	s23 =	simm.s32 $0x1B8B  }
0xa2: {  	_ =	swait.ge [sflag:s23], $0x1  }
0xa3: {  	[sflag:s23] =	ssyncset.done $0x0  }
0xa4: {  	s25 =	simm.s32 $0x1B8E;
	s24 =	sld [smem:$0x3FFE];
	[sflag:s23] =	ssyncadd.s32 $0xFFFFFFFF  }
0xa5: {  	s26 =	simm.s32 $execute0_lowered;
	[smem:$0x3FD2] =	sst s25  }
0xa6: {  	s5 =	sshll.u32 s26, $0x1;
	_ =	strace $0x8000004C;
	[dreg:$0x1] =	wrdreg $0xFFFFFFFF  }
0xa7: {  	s28 =	simm.s32 $_size_execute0_lowered;
	s3 =	sadd.s32 s3, s5;
	[dreg:$0x0] =	wrdreg $0x0  }
0xa8: {  	s5 =	sshll.u32 s28, $0x1;
	[dreg:$0x2] =	wrdreg s3  }
0xa9: {  	[dreg:$0x3] =	wrdreg s5  }
0xaa: {  	[dreg:$0x4] =	wrdreg $0xC0  }
0xab: {  	_ =	task [dreg:s7], $0x5FFFF  }
0xac: {  	[dreg:$0x1] =	wrdreg $0xFFFFFFFF  }
0xad: {  	[dreg:$0x0] =	wrdreg $0x60  }
0xae: {  	[dreg:$0x2] =	wrdreg s24  }
0xaf: {  	[dreg:$0x3] =	wrdreg s2  }
0xb0: {  	[dreg:$0x4] =	wrdreg $0x9  }
0xb1: {  	_ =	task.clear_ibuf [dreg:s7], $0x5FFFF;
	_ =	strace $0x9000004C  }
0xb2: {  	s29 =	simm.s32 $0x9;
	_ =	strace $0x8000004E  }
0xb3: {  	_ =	swait.ge [sflag:s29], $0x1  }
0xb4: {  	[sflag:s29] =	ssyncadd.s32 $0xFFFFFFFF  }
0xb5: {  	_ =	strace $0x9000004E  }
0xb6: {  	_ =	sfence  }
0xb7: {  	s30 =	sld [smem:$0x0];
	_ =	sdelay $0x2  }
0xb8: {  	s31 =	sshll.u32 s1, $0xD;
	s1 =	sshrl.u32 s1, $0x2  }
0xb9: {  	s3 =	sand.u32 $0x4000, s31;
	s1 =	sadd.s32 s1, s30  }
0xba: {  	s0 =	sor.u32 s3, s0;
	s1 =	sshll.u32 s1, $0x11  }
0xbb: {  	s0 =	sor.u32 s1, s0  }
0xbc: {  	s0 =	sadd.s32 $0x8F2B, s0  }
0xbd: {  	[sflag:s0] =	ssyncadd.remote.s32 $0x1  }
0xbe: {  	_ =	sfence.sel $0xFFFF  }
0xbf: {  	[dreg:$0x0] =	wrdreg $0xFFFFFFFF;
	(pc) =	sbr.abs _section_cstart, $3  }
0xc0: {  	[dreg:$0x1] =	wrdreg $0xFFFFFFFF  }
0xc1: {  	_ =	task.clear_ibuf [dreg:s7], $0x2FFFF;
	_ =	strace $0x9FFFFFFF  }
0xc2: {  	(tm) =	ssettm $0x7FFFFFFF  }
0xc3: {  	_ =	shalt  }
tec
execute0_lowered:
.L_overlay_start_1:
0x0: {  	(tag) =	ssettag $0x1  }
0x1: {  	s0 =	rddreg [dreg:$0x0];
	s2 =	simm.s32 $0x0  }
0x2: {  	s1 =	srdreg.scid;
	s5 =	stileid.u32;
	s9 =	simm.s32 $0x2  }
0x3: {  	s11 =	simm.s32 $0x80;
	s13 =	simm.s32 $0x9000;
	s28 =	simm.s32 $0xAC00  }
0x4: {  	s29 =	simm.s32 $0x8C00;
	s30 =	simm.s32 $0xB000;
	s31 =	simm.s32 $0x8C80  }
0x5: {  	s8 =	simm.s32 $0x8D80;
	s10 =	simm.s32 $0x8E00;
	s12 =	simm.s32 $0xC000  }
0x6: {  	s14 =	simm.s32 $0x8E80;
	s15 =	simm.s32 $0xC400;
	s16 =	simm.s32 $0x8F00  }
0x7: {  	s17 =	simm.s32 $0xC800;
	s18 =	simm.s32 $0x8F80;
	s19 =	simm.s32 $0xCC00  }
0x8: {  	s20 =	simm.s32 $0x1;
	s22 =	simm.s32 $0x0;
	[smem:$0x7FF] =	sst s2  }
0x9: {  	s1 =	sand.u32 $0x1, s1;
	s4 =	sadd.s32 $0x7600, s0;
	s3 =	sadd.s32 $0x4E00, s0  }
0xa: {  	s6 =	sadd.s32 $0xF800, s0;
	s26 =	sshll.u32 s5, $0x10;
	s24 =	ssub.s32 $0x2, s1  }
0xb: {  	s5 =	simm.s32 $0xB800;
	_ =	strace $0x8000004D;
	s25 =	sshrl.u32 s24, $0x1  }
0xc: {  	[dreg:$0x3] =	wrdreg s3;
	s1 =	sshll.u32 s1, $0xF;
	s0 =	ssub.s32 s24, s25  }
0xd: {  	s3 =	simm.s32 $0x8D00;
	s7 =	sor.u32 s1, s26;
	s0 =	smax.u32 s0, $0x1  }
0xe: {  	s1 =	simm.s32 $0xBC00;
	[dreg:$0x4] =	wrdreg s0;
	s0 =	simm.s32 $0xB400  }
.LBB2_1:
0xf: {  	[dreg:$0x5] =	wrdreg s22  }
0x10: {  	s21 =	rddreg [dreg:$0x3]  }
0x11: {  	[tilespmem:s2], [sflag:$0x2] =	stream.linear.gather [hbm4b:s21+s2], $0x8000, $0x38;
	[tilespmem:$0xD000] =	vst v63  }
0x12: {  	_ =	swait.ge [sflag:s9], $0x8000  }
0x13: {  	[sflag:s9] =	ssyncset.done $0x0  }
0x14: {  	s21 =	simm.s32 $0x0;
	[sflag:s9] =	ssyncadd.s32 $0xFFFF8000  }
.LBB2_2:
0x15: {  	s22 =	sshll.u32 s21, $0xB  }
0x16: {  	s22 =	sadd.s32 s7, s22  }
0x17: {  	s24 =	rddreg [dreg:$0x1];
	s23 =	sshrl.u32 s22, $0x3  }
0x18: {  	s26 =	simm.s32 $0x0;
	s25 =	simm.s32 $0x8000;
	s23 =	sadd.s32 s24, s23  }
0x19: {  	[tilespmem:s25], [sflag:$0x2] =	stream.linear.gather [hbm4b:s23+s26], $0x800, $0x38;
	[tilespmem:$0xD000] =	vst v63  }
0x1a: {  	_ =	swait.ge [sflag:s9], $0x800  }
0x1b: {  	[sflag:s9] =	ssyncset.done $0x0  }
0x1c: {  	s24 =	simm.s32 $0x0;
	[sflag:s9] =	ssyncadd.s32 $0xFFFFF800  }
0x1d: {  	v1 =	vld [tilespmem:s24+$0x8000];
	_ =	sdelay $0x4  }
0x1e: {  	vm0 =	vlt.s32 v1, $0x7FFF  }
0x1f: {  	s23 =	simm.s32 $0x10;
	v2 =	vnsel vm0, $0x7FFF, v1  }
0x20: {  	v0 =	vld [tilespmem:s23+$0x8000];
	_ =	sdelay $0x3  }
0x21: {  	v3 =	vld.idx.msk [tilespmem:v2+s2+$0x0], $0xffff  }
0x22: {  	vm15 =	vlt.s32 v0, $0x7FFF  }
0x23: {  	v2 =	vnsel vm15, $0x7FFF, v0  }
0x24: {  	s25 =	simm.s32 $0x20;
	s26 =	simm.s32 $0xC0  }
.LBB2_3:
0x25: {  	p0 =	sne.s32 s26, $0x1FC0;
	vm0 =	veq.s32 v1, $0x8000;
	v1 =	vmov v0;
	v0 =	vld [tilespmem:s25+$0x8000]  }
0x26: {  	v3 =	vsel vm0, $0x8000, v3  }
0x27: {  	[tilespmem:s24+$0x8800] =	vst v3;
	s24 =	smov.u32 s23;
	s23 =	smov.u32 s25  }
.Ltmp0:
0x28: {  	v3 =	vld.idx.msk [tilespmem:v2+s2+$0x0], $0xffff;
	(pc) =	sbr.rel @p0 .LBB2_3-.Ltmp0, $4  }
0x29: {  	_ = 	snop  }
0x2a: {  	vm0 =	vlt.s32 v0, $0x7FFF  }
0x2b: {  	v2 =	vnsel vm0, $0x7FFF, v0  }
0x2c: {  	s25 =	sshra.s32 s26, $0x2;
	s26 =	sadd.s32 $0x40, s26  }
0x2d: {  	v4 =	vld [tilespmem:s25+$0x8000]  }
0x2e: {  	vm0 =	veq.s32 v1, $0x8000  }
0x2f: {  	v1 =	vsel vm0, $0x8000, v3  }
0x30: {  	[tilespmem:s24+$0x8800] =	vst v1  }
0x31: {  	v1 =	vld.idx.msk [tilespmem:v2+s2+$0x0], $0xffff  }
0x32: {  	vm13 =	vlt.s32 v4, $0x7FFF  }
0x33: {  	v63 =	vnsel vm13, $0x7FFF, v4;
	_ =	sdelay $0x1  }
0x34: {  	vm14 =	veq.s32 v0, $0x8000  }
0x35: {  	v0 =	vsel vm14, $0x8000, v1  }
0x36: {  	[tilespmem:s23+$0x8800] =	vst v0  }
0x37: {  	v0 =	vld.idx.msk [tilespmem:v63+s2+$0x0], $0xffff;
	_ =	sdelay $0x3  }
0x38: {  	vm15 =	veq.s32 v4, $0x8000  }
0x39: {  	v0 =	vsel vm15, $0x8000, v0  }
0x3a: {  	s24 =	simm.s32 $0x8800;
	[tilespmem:s25+$0x8800] =	vst v0  }
0x3b: {  	[tilespmem:s13], [sflag:$0x1] =	stream.indirect.gather [hbm4b:s4+s11], $0x8, s24, s11, $0xb8;
	[tilespmem:$0xD000] =	vst v63  }
0x3c: {  	s26 =	simm.s32 $0x9400;
	s25 =	simm.s32 $0x8880  }
0x3d: {  	[tilespmem:s26], [sflag:$0x1] =	stream.indirect.gather [hbm4b:s4+s11], $0x8, s25, s11, $0xb8;
	[tilespmem:$0xD000] =	vst v63  }
0x3e: {  	s25 =	simm.s32 $0x8900;
	s26 =	simm.s32 $0x9800  }
0x3f: {  	[tilespmem:s26], [sflag:$0x1] =	stream.indirect.gather [hbm4b:s4+s11], $0x8, s25, s11, $0xb8;
	[tilespmem:$0xD000] =	vst v63  }
0x40: {  	s25 =	simm.s32 $0x8980;
	s26 =	simm.s32 $0x9C00  }
0x41: {  	[tilespmem:s26], [sflag:$0x1] =	stream.indirect.gather [hbm4b:s4+s11], $0x8, s25, s11, $0xb8;
	[tilespmem:$0xD000] =	vst v63  }
0x42: {  	s25 =	simm.s32 $0x8A00;
	s26 =	simm.s32 $0xA000  }
0x43: {  	[tilespmem:s26], [sflag:$0x1] =	stream.indirect.gather [hbm4b:s4+s11], $0x8, s25, s11, $0xb8;
	[tilespmem:$0xD000] =	vst v63  }
0x44: {  	s25 =	simm.s32 $0x8A80;
	s26 =	simm.s32 $0xA400  }
0x45: {  	[tilespmem:s26], [sflag:$0x1] =	stream.indirect.gather [hbm4b:s4+s11], $0x8, s25, s11, $0xb8;
	[tilespmem:$0xD000] =	vst v63  }
0x46: {  	s24 =	simm.s32 $0x8B00;
	s25 =	simm.s32 $0xA800  }
0x47: {  	[tilespmem:s25], [sflag:$0x1] =	stream.indirect.gather [hbm4b:s4+s11], $0x8, s24, s11, $0xb8;
	[tilespmem:$0xD000] =	vst v63  }
0x48: {  	s26 =	simm.s32 $0x8B80  }
0x49: {  	[tilespmem:s28], [sflag:$0x1] =	stream.indirect.gather [hbm4b:s4+s11], $0x8, s26, s11, $0xb8;
	[tilespmem:$0xD000] =	vst v63  }
0x4a: {  	_ = 	snop  }
0x4b: {  	[tilespmem:s30], [sflag:$0x1] =	stream.indirect.gather [hbm4b:s4+s11], $0x8, s29, s11, $0xb8;
	[tilespmem:$0xD000] =	vst v63  }
0x4c: {  	_ = 	snop  }
0x4d: {  	[tilespmem:s0], [sflag:$0x1] =	stream.indirect.gather [hbm4b:s4+s11], $0x8, s31, s11, $0xb8;
	[tilespmem:$0xD000] =	vst v63  }
0x4e: {  	_ = 	snop  }
0x4f: {  	[tilespmem:s5], [sflag:$0x1] =	stream.indirect.gather [hbm4b:s4+s11], $0x8, s3, s11, $0xb8;
	[tilespmem:$0xD000] =	vst v63  }
0x50: {  	_ = 	snop  }
0x51: {  	[tilespmem:s1], [sflag:$0x1] =	stream.indirect.gather [hbm4b:s4+s11], $0x8, s8, s11, $0xb8;
	[tilespmem:$0xD000] =	vst v63  }
0x52: {  	_ = 	snop  }
0x53: {  	[tilespmem:s12], [sflag:$0x1] =	stream.indirect.gather [hbm4b:s4+s11], $0x8, s10, s11, $0xb8;
	[tilespmem:$0xD000] =	vst v63  }
0x54: {  	_ = 	snop  }
0x55: {  	[tilespmem:s15], [sflag:$0x1] =	stream.indirect.gather [hbm4b:s4+s11], $0x8, s14, s11, $0xb8;
	[tilespmem:$0xD000] =	vst v63  }
0x56: {  	_ = 	snop  }
0x57: {  	[tilespmem:s17], [sflag:$0x1] =	stream.indirect.gather [hbm4b:s4+s11], $0x8, s16, s11, $0xb8;
	[tilespmem:$0xD000] =	vst v63  }
0x58: {  	_ = 	snop  }
0x59: {  	[tilespmem:s19], [sflag:$0x1] =	stream.indirect.gather [hbm4b:s4+s11], $0x8, s18, s11, $0xb8;
	[tilespmem:$0xD000] =	vst v63  }
0x5a: {  	_ =	swait.ge [sflag:s20], $0x400  }
0x5b: {  	[sflag:s20] =	ssyncset.done $0x0  }
0x5c: {  	[sflag:s20] =	ssyncadd.s32 $0xFFFFFC00  }
0x5d: {  	_ =	swait.ge [sflag:s20], $0x400  }
0x5e: {  	[sflag:s20] =	ssyncset.done $0x0  }
0x5f: {  	[sflag:s20] =	ssyncadd.s32 $0xFFFFFC00  }
0x60: {  	_ =	swait.ge [sflag:s20], $0x400  }
0x61: {  	[sflag:s20] =	ssyncset.done $0x0  }
0x62: {  	[sflag:s20] =	ssyncadd.s32 $0xFFFFFC00  }
0x63: {  	_ =	swait.ge [sflag:s20], $0x400  }
0x64: {  	[sflag:s20] =	ssyncset.done $0x0  }
0x65: {  	[sflag:s20] =	ssyncadd.s32 $0xFFFFFC00  }
0x66: {  	_ =	swait.ge [sflag:s20], $0x400  }
0x67: {  	[sflag:s20] =	ssyncset.done $0x0  }
0x68: {  	[sflag:s20] =	ssyncadd.s32 $0xFFFFFC00  }
0x69: {  	_ =	swait.ge [sflag:s20], $0x400  }
0x6a: {  	[sflag:s20] =	ssyncset.done $0x0  }
0x6b: {  	[sflag:s20] =	ssyncadd.s32 $0xFFFFFC00  }
0x6c: {  	_ =	swait.ge [sflag:s20], $0x400  }
0x6d: {  	[sflag:s20] =	ssyncset.done $0x0  }
0x6e: {  	[sflag:s20] =	ssyncadd.s32 $0xFFFFFC00  }
0x6f: {  	_ =	swait.ge [sflag:s20], $0x400  }
0x70: {  	[sflag:s20] =	ssyncset.done $0x0  }
0x71: {  	[sflag:s20] =	ssyncadd.s32 $0xFFFFFC00  }
0x72: {  	_ =	swait.ge [sflag:s20], $0x400  }
0x73: {  	[sflag:s20] =	ssyncset.done $0x0  }
0x74: {  	[sflag:s20] =	ssyncadd.s32 $0xFFFFFC00  }
0x75: {  	_ =	swait.ge [sflag:s20], $0x400  }
0x76: {  	[sflag:s20] =	ssyncset.done $0x0  }
0x77: {  	[sflag:s20] =	ssyncadd.s32 $0xFFFFFC00  }
0x78: {  	_ =	swait.ge [sflag:s20], $0x400  }
0x79: {  	[sflag:s20] =	ssyncset.done $0x0  }
0x7a: {  	[sflag:s20] =	ssyncadd.s32 $0xFFFFFC00  }
0x7b: {  	_ =	swait.ge [sflag:s20], $0x400  }
0x7c: {  	[sflag:s20] =	ssyncset.done $0x0  }
0x7d: {  	[sflag:s20] =	ssyncadd.s32 $0xFFFFFC00  }
0x7e: {  	_ =	swait.ge [sflag:s20], $0x400  }
0x7f: {  	[sflag:s20] =	ssyncset.done $0x0  }
0x80: {  	[sflag:s20] =	ssyncadd.s32 $0xFFFFFC00  }
0x81: {  	_ =	swait.ge [sflag:s20], $0x400  }
0x82: {  	[sflag:s20] =	ssyncset.done $0x0  }
0x83: {  	[sflag:s20] =	ssyncadd.s32 $0xFFFFFC00  }
0x84: {  	_ =	swait.ge [sflag:s20], $0x400  }
0x85: {  	[sflag:s20] =	ssyncset.done $0x0  }
0x86: {  	[sflag:s20] =	ssyncadd.s32 $0xFFFFFC00  }
0x87: {  	s21 =	sadd.s32 $0x1, s21;
	_ =	swait.ge [sflag:s20], $0x400  }
0x88: {  	p0 =	sne.s32 s21, $0x10;
	[sflag:s20] =	ssyncset.done $0x0  }
.Ltmp1:
0x89: {  	s22 =	sadd.s32 s6, s22;
	[sflag:s20] =	ssyncadd.s32 $0xFFFFFC00;
	(pc) =	sbr.rel @p0 .LBB2_2-.Ltmp1, $4  }
0x8a: {  	[hbm4b:s22+s2] =	stream.linear.scatter [tilespmem:s13], [sflag:$0x2], $0x4000, $0x38;
	[tilespmem:$0xD000] =	vst v63  }
0x8b: {  	_ =	swait.ge [sflag:s9], $0x4000  }
0x8c: {  	[sflag:s9] =	ssyncset.done $0x0  }
0x8d: {  	[sflag:s9] =	ssyncadd.s32 $0xFFFFC000  }
0x8e: {  	s22 =	rddreg [dreg:$0x5]  }
0x8f: {  	s21 =	rddreg [dreg:$0x4];
	s22 =	sadd.s32 $0x1, s22  }
0x90: {  	p0 =	sne.s32 s22, s21  }
.Ltmp2:
0x91: {  	_ = 	snop;
	(pc) =	sbr.rel @p0 .LBB2_1-.Ltmp2, $1  }
0x92: {  	_ =	sdelay $0x3  }
0x93: {  	_ =	sfence.sel $0x180000  }
0x94: {  	[bflag:$0x0] =	sbarrier.arrive $0xFFFF  }
0x95: {  	_ =	strace $0x9000004D  }
0x96: {  	s0 =	stileid.u32;
	[bflag:$0x2] =	sbarrier.arrive $0xFFFF  }
0x97: {  	p0 =	sne.s32 s0, $0x0;
	s0 =	rddreg [dreg:$0x2]  }
0x98: {  	s0 =	sadd.s32 @!p0 $0x100000, s0  }
0x99: {  	[sflag:s0] =	ssyncadd.tile.s32 @!p0 $0x1;
	_ =	shalt  }
.Lfunc_end2:
_tile_overlayer_lowered:
.L_overlay_start_2:
0x9a: {  	(tag) =	ssettag $0x2  }
0x9b: {  	s0 =	rddreg [dreg:$0x0];
	s2 =	stileid.u32  }
0x9c: {  	s1 =	rddreg [dreg:$0x1];
	p0 =	sne.s32 s2, $0x0  }
0x9d: {  	s3 =	rddreg [dreg:$0x2];
	[bflag:$0x3] =	sbarrier.arrive $0xFFFF;
	s2 =	simm.s32 @!p0 $0x1C02  }
0x9e: {  	[timem:s3], [sflag:s2] =	dma.local @!p0 [hbm:s0], s1  }
0x9f: {  	s0 =	simm.s32 @!p0 $0x2  }
0xa0: {  	_ =	swait.ge @!p0 [sflag:s0], s1  }
0xa1: {  	s1 =	ssub.s32 @!p0 $0x0, s1;
	[sflag:s0] =	ssyncset.done @!p0 $0x0  }
0xa2: {  	[sflag:s0] =	ssyncadd.s32 @!p0 s1  }
0xa3: {  	[bflag:$0x3] =	sbarrier.arrive $0xFFFF  }
0xa4: {  	_ =	shalt  }

// kernel: kernel.6.cloned.1.call-start
scs
__scs_entry_jumppad:
0x0: {  	(pc) =	sbr.rel $0x88, $3  }
0x1: {  	(tag) =	ssettag $0x0;
	lr =	simm.s32 $0x1  }
0x2: {  	[smem:$0x3F9A] =	sst lr;
	_ =	strace $0xD0000000  }
0x3: {  	_ = 	snop  }
0x4: {  	_ = 	snop  }
0x5: {  	_ = 	snop  }
0x6: {  	_ = 	snop  }
0x7: {  	_ = 	snop  }
__scs_overlays_trampoline_lowered:
0x8: {  	[smem:$0x3FA9] =	sst s0  }
0x9: {  	[smem:$0x3FAA] =	sst s1  }
0xa: {  	[smem:$0x3FAB] =	sst s2  }
0xb: {  	[smem:$0x3FAC] =	sst s3  }
0xc: {  	[smem:$0x3FAD] =	sst s4  }
0xd: {  	[smem:$0x3FAE] =	sst s5  }
0xe: {  	[smem:$0x3FAF] =	sst s6  }
0xf: {  	[smem:$0x3FB0] =	sst s7  }
0x10: {  	[smem:$0x3FB1] =	sst s8  }
0x11: {  	[smem:$0x3FB2] =	sst s9;
	s0 =	simm.s32 @!p0 $0x0  }
0x12: {  	s1 =	sld [smem:$0x3F98];
	s0 =	simm.s32 @p0 $0x1  }
0x13: {  	[smem:$0x3FB3] =	sst s0;
	s0 =	simm.s32 @!p1 $0x0  }
0x14: {  	s2 =	sld [smem:$0x3F97];
	s0 =	simm.s32 @p1 $0x1  }
0x15: {  	[smem:$0x3FB4] =	sst s0;
	s0 =	simm.s32 @!p2 $0x0  }
0x16: {  	s3 =	sld [smem:$0x3FDB];
	s0 =	simm.s32 @p2 $0x1  }
0x17: {  	s4 =	simm.s32 $0x1BF5;
	[smem:$0x3FB6] =	sst s0  }
0x18: {  	s0 =	sld [smem:$0x3F99];
	_ =	swait.ge [sflag:s4], $0x0  }
0x19: {  	s7 =	sld [smem:$0x3F9A]  }
0x1a: {  	s8 =	sadd.s32 $0xFFFFE003, lr  }
0x1b: {  	s9 =	sadd.s32 $0xFFFFFEF7, lr;
	s5 =	simm.s32 $0xFFFFFFFF;
	p2 =	slt.u32 s8, $0xFFFFF086  }
0x1c: {  	p1 =	slt.u32 s9, $0xF7A;
	s5 =	simm.s32 @!p2 $0x0  }
0x1d: {  	s5 =	simm.s32 @p1 $0x1;
	p0 =	seq.s32 s7, s2  }
0x1e: {  	s7 =	smul.u32 @!p0 $0xF7A, s2;
	p2 =	seq.s32 @!p0 s5, $0x0  }
0x1f: {  	s9 =	smul.u32 $0xF7A, s1;
	s8 =	simm.s32 @!p0 $0x1BF5;
	p2 =	por !p2, p0  }
0x20: {  	[sflag:s8] =	ssyncset.s32 @!p0 $0xFFFFF086;
	s6 =	sadd.s32 @!p0 s3, s7;
	s7 =	simm.s32 @!p0 $0x108  }
0x21: {  	s3 =	sadd.s32 s3, s9;
	s6 =	sadd.s32 @!p0 $0x88, s6;
	s7 =	simm.s32 @p2 $0x1082  }
0x22: {  	[simem:s7], [sflag:s8] =	dma.local @!p0 [hbm:s6], $0xF7A  }
0x23: {  	s9 =	sor.u32 $0xD0000000, s2;
	s6 =	simm.s32 $0x108;
	_ =	swait.ge @!p0 [sflag:s8], $0x0  }
0x24: {  	s3 =	sadd.s32 $0x88, s3;
	s6 =	simm.s32 @!p1 $0x1082;
	[sflag:s4] =	ssyncset.s32 $0xFFFFF086  }
0x25: {  	[simem:s6], [sflag:s4] =	dma.local [hbm:s3], $0xF7A  }
0x26: {  	[smem:$0x3F9A] =	sst s1;
	(tag) =	ssettag s2;
	_ =	strace s9  }
0x27: {  	s1 =	sld [smem:$0x3FAA]  }
0x28: {  	s2 =	sld [smem:$0x3FAB]  }
0x29: {  	s4 =	sld [smem:$0x3FAD]  }
0x2a: {  	p0 =	seq.s32 s5, $0x0;
	s5 =	sld [smem:$0x3FAE]  }
0x2b: {  	s6 =	sld [smem:$0x3FAF]  }
0x2c: {  	s7 =	sld [smem:$0x3FB0]  }
0x2d: {  	s3 =	simm.s32 $0x108;
	s8 =	sld [smem:$0x3FB1]  }
0x2e: {  	s3 =	simm.s32 @!p0 $0x1082;
	s9 =	sld [smem:$0x3FB2]  }
0x2f: {  	lr =	sadd.s32 s0, s3;
	s0 =	sld [smem:$0x3FA9]  }
0x30: {  	s3 =	sld [smem:$0x3FAC]  }
0x31: {  	[smem:$0x3FB5] =	sst s10  }
0x32: {  	s10 =	sld [smem:$0x3FB3];
	_ =	sdelay $0x3  }
0x33: {  	p0 =	seq.s32 s10, $0x1;
	s10 =	sld [smem:$0x3FB5];
	_ =	sdelay $0x3  }
0x34: {  	[smem:$0x3FB5] =	sst s10  }
0x35: {  	s10 =	sld [smem:$0x3FB4];
	_ =	sdelay $0x3  }
0x36: {  	p1 =	seq.s32 s10, $0x1;
	s10 =	sld [smem:$0x3FB5];
	_ =	sdelay $0x3  }
0x37: {  	[smem:$0x3FB5] =	sst s10  }
0x38: {  	s10 =	sld [smem:$0x3FB6]  }
0x39: {  	_ = 	snop;
	(pc) =	sbr.ind lr, $3  }
0x3a: {  	_ = 	snop  }
0x3b: {  	_ = 	snop  }
0x3c: {  	p2 =	seq.s32 s10, $0x1;
	s10 =	sld [smem:$0x3FB5]  }
0x3d: {  	_ =	shalt  }
0x3e: {  	_ =	shalt  }
0x3f: {  	_ =	shalt  }
0x40: {  	_ =	shalt  }
0x41: {  	_ =	shalt  }
0x42: {  	_ =	shalt  }
0x43: {  	_ =	shalt  }
0x44: {  	_ =	shalt  }
0x45: {  	_ =	shalt  }
0x46: {  	_ =	shalt  }
0x47: {  	_ =	shalt  }
0x48: {  	_ =	shalt  }
0x49: {  	_ =	shalt  }
0x4a: {  	_ =	shalt  }
0x4b: {  	_ =	shalt  }
0x4c: {  	_ =	shalt  }
0x4d: {  	_ =	shalt  }
0x4e: {  	_ =	shalt  }
0x4f: {  	_ =	shalt  }
0x50: {  	_ =	shalt  }
0x51: {  	_ =	shalt  }
0x52: {  	_ =	shalt  }
0x53: {  	_ =	shalt  }
0x54: {  	_ =	shalt  }
0x55: {  	_ =	shalt  }
0x56: {  	_ =	shalt  }
0x57: {  	_ =	shalt  }
0x58: {  	_ =	shalt  }
0x59: {  	_ =	shalt  }
0x5a: {  	_ =	shalt  }
0x5b: {  	_ =	shalt  }
0x5c: {  	_ =	shalt  }
0x5d: {  	_ =	shalt  }
0x5e: {  	_ =	shalt  }
0x5f: {  	_ =	shalt  }
0x60: {  	_ =	shalt  }
0x61: {  	_ =	shalt  }
0x62: {  	_ =	shalt  }
0x63: {  	_ =	shalt  }
0x64: {  	_ =	shalt  }
0x65: {  	_ =	shalt  }
0x66: {  	_ =	shalt  }
0x67: {  	_ =	shalt  }
0x68: {  	_ =	shalt  }
0x69: {  	_ =	shalt  }
0x6a: {  	_ =	shalt  }
0x6b: {  	_ =	shalt  }
0x6c: {  	_ =	shalt  }
0x6d: {  	_ =	shalt  }
0x6e: {  	_ =	shalt  }
0x6f: {  	_ =	shalt  }
0x70: {  	_ =	shalt  }
0x71: {  	_ =	shalt  }
0x72: {  	_ =	shalt  }
0x73: {  	_ =	shalt  }
0x74: {  	_ =	shalt  }
0x75: {  	_ =	shalt  }
0x76: {  	_ =	shalt  }
0x77: {  	_ =	shalt  }
0x78: {  	_ =	shalt  }
0x79: {  	_ =	shalt  }
0x7a: {  	_ =	shalt  }
0x7b: {  	_ =	shalt  }
0x7c: {  	_ =	shalt  }
0x7d: {  	_ =	shalt  }
0x7e: {  	_ =	shalt  }
0x7f: {  	_ =	shalt  }
0x80: {  	_ =	shalt  }
0x81: {  	_ =	shalt  }
0x82: {  	_ =	shalt  }
0x83: {  	_ =	shalt  }
0x84: {  	_ =	shalt  }
0x85: {  	_ =	shalt  }
0x86: {  	_ =	shalt  }
0x87: {  	_ =	shalt  }
.Lfunc_end0:
.L_simem_size_0:
called_computation_lowered:
.L_overlay_start_0:
0x88: {  	s0 =	sld [smem:$0x3FD9]  }
0x89: {  	s1 =	sld [smem:$0x3FFE];
	_ =	sdelay $0x3  }
0x8a: {  	s0 =	sadd.s32 s1, s0  }
0x8b: {  	[smem:$0x3FC1] =	sst s0  }
0x8c: {  	_ = 	snop  }
0x8d: {  	s0 =	sld [smem:$0x3FD0];
	(tm) =	ssettm $0x1  }
0x8e: {  	s16 =	sld [smem:$0x3FFB];
	_ =	sdelay $0x3  }
0x8f: {  	_ =	strace s16  }
0x90: {  	s1 =	sld [smem:$0x3FFC];
	_ =	sdelay $0x3  }
0x91: {  	_ =	strace s1  }
0x92: {  	s1 =	sld [smem:$0x3FFD];
	_ =	sdelay $0x3  }
0x93: {  	_ =	strace s1  }
0x94: {  	_ =	strace $0x8FFFFFFF  }
0x95: {  	s17 =	sld [smem:$0x3FDB];
	_ =	sdelay $0x1  }
0x96: {  	s2 =	simm.s32 $_scs_section_size  }
0x97: {  	s3 =	simm.s32 $_size__tile_overlayer_lowered;
	s4 =	simm.s32 $_tile_overlayer_lowered  }
0x98: {  	s20 =	simm.s32 $0x1BFF;
	s19 =	sshll.u32 s4, $0x1;
	s1 =	sadd.s32 s2, s17  }
0x99: {  	s5 =	simm.s32 $0x0;
	s18 =	sshll.u32 s3, $0x1;
	s3 =	sadd.s32 s19, s1  }
0x9a: {  	[timem:s5], [sflag:s20] =	dma.local [hbm:s3], s18  }
0x9b: {  	_ =	swait.ge [sflag:s20], s18  }
0x9c: {  	s2 =	ssub.s32 $0x0, s18;
	[sflag:s20] =	ssyncset.done $0x0  }
0x9d: {  	[sflag:s20] =	ssyncadd.s32 s2;
	_ =	sdelay $0x1  }
0x9e: {  	s21 =	simm.s32 $0x1B8B  }
0x9f: {  	_ =	swait.ge [sflag:s21], $0x1  }
0xa0: {  	[sflag:s21] =	ssyncset.done $0x0  }
0xa1: {  	s23 =	simm.s32 $0x1B8E;
	s22 =	sld [smem:$0x3FFE];
	[sflag:s21] =	ssyncadd.s32 $0xFFFFFFFF  }
0xa2: {  	s24 =	simm.s32 $execute0_lowered;
	[smem:$0x3FD2] =	sst s23  }
0xa3: {  	s3 =	sshll.u32 s24, $0x1;
	_ =	strace $0x80000046;
	[dreg:$0x1] =	wrdreg $0xFFFFFFFF  }
0xa4: {  	s25 =	simm.s32 $_size_execute0_lowered;
	s1 =	sadd.s32 s1, s3;
	[dreg:$0x0] =	wrdreg $0x0  }
0xa5: {  	s3 =	sshll.u32 s25, $0x1;
	[dreg:$0x2] =	wrdreg s1  }
0xa6: {  	[dreg:$0x3] =	wrdreg s3  }
0xa7: {  	[dreg:$0x4] =	wrdreg $0xC0  }
0xa8: {  	_ =	task [dreg:s5], $0x5FFFF  }
0xa9: {  	[dreg:$0x1] =	wrdreg $0xFFFFFFFF  }
0xaa: {  	[dreg:$0x0] =	wrdreg $0x60  }
0xab: {  	[dreg:$0x2] =	wrdreg s0  }
0xac: {  	[dreg:$0x3] =	wrdreg s22  }
0xad: {  	[dreg:$0x4] =	wrdreg $0x2C000  }
0xae: {  	[dreg:$0x5] =	wrdreg $0x9  }
0xaf: {  	_ =	task.clear_ibuf [dreg:s5], $0x6FFFF;
	_ =	strace $0x90000046  }
0xb0: {  	s26 =	simm.s32 $0x9;
	_ =	strace $0x80000048  }
0xb1: {  	_ =	swait.ge [sflag:s26], $0x1  }
0xb2: {  	[sflag:s26] =	ssyncadd.s32 $0xFFFFFFFF  }
0xb3: {  	_ =	strace $0x90000048  }
0xb4: {  	_ =	sfence  }
0xb5: {  	s28 =	sld [smem:$0x0];
	_ =	sdelay $0x1  }
0xb6: {  	s29 =	srdreg.scid  }
0xb7: {  	s30 =	sshll.u32 s29, $0xD;
	s31 =	sshrl.u32 s29, $0x2  }
0xb8: {  	s2 =	sand.u32 $0x4000, s30;
	s1 =	sand.u32 $0x1, s29;
	s0 =	sadd.s32 s31, s28  }
0xb9: {  	s1 =	sor.u32 s2, s1;
	s0 =	sshll.u32 s0, $0x11  }
0xba: {  	s0 =	sor.u32 s0, s1  }
0xbb: {  	s0 =	sadd.s32 $0x8F2B, s0  }
0xbc: {  	[sflag:s0] =	ssyncadd.remote.s32 $0x1  }
0xbd: {  	_ =	sfence.sel $0xFFFF  }
0xbe: {  	[dreg:$0x0] =	wrdreg $0xFFFFFFFF;
	(pc) =	sbr.abs _section_cstart, $3  }
0xbf: {  	[dreg:$0x1] =	wrdreg $0xFFFFFFFF  }
0xc0: {  	_ =	task.clear_ibuf [dreg:s5], $0x2FFFF;
	_ =	strace $0x9FFFFFFF  }
0xc1: {  	(tm) =	ssettm $0x7FFFFFFF  }
tec
execute0_lowered:
.L_overlay_start_1:
0x0: {  	(tag) =	ssettag $0x1  }
0x1: {  	s2 =	rddreg [dreg:$0x0]  }
0x2: {  	s6 =	rddreg [dreg:$0x1]  }
0x3: {  	s7 =	rddreg [dreg:$0x2];
	s1 =	stileid.u32  }
0x4: {  	s0 =	rddreg [dreg:$0x3];
	s8 =	simm.s32 $0x0;
	s3 =	smul.u32 $0x300, s1  }
0x5: {  	[smem:$0x7FF] =	sst s8  }
0x6: {  	s30 =	simm.s32 $0x1;
	_ =	strace $0x80000047;
	s2 =	sadd.s32 s2, s3  }
0x7: {  	[tilespmem:s8], [sflag:$0x1] =	stream.linear.gather [hbm4b:s2+s8], $0x1800, $0x38;
	[tilespmem:$0x11280] =	vst v63  }
0x8: {  	_ =	swait.ge [sflag:s30], $0x1800  }
0x9: {  	[sflag:s30] =	ssyncset.done $0x0  }
0xa: {  	v0 =	vimm.s32 $0x0;
	[sflag:s30] =	ssyncadd.s32 $0xFFFFE800  }
0xb: {  	[tilespmem:$0x2000] =	vst v0  }
0xc: {  	[tilespmem:$0x2010] =	vst v0  }
0xd: {  	[tilespmem:$0x2020] =	vst v0  }
0xe: {  	[tilespmem:$0x2030] =	vst v0  }
0xf: {  	[tilespmem:$0x2040] =	vst v0  }
0x10: {  	[tilespmem:$0x2050] =	vst v0  }
0x11: {  	[tilespmem:$0x2060] =	vst v0  }
0x12: {  	[tilespmem:$0x2070] =	vst v0  }
0x13: {  	[tilespmem:$0x2080] =	vst v0  }
0x14: {  	[tilespmem:$0x2090] =	vst v0  }
0x15: {  	[tilespmem:$0x20A0] =	vst v0  }
0x16: {  	[tilespmem:$0x20B0] =	vst v0  }
0x17: {  	[tilespmem:$0x20C0] =	vst v0  }
0x18: {  	[tilespmem:$0x20D0] =	vst v0  }
0x19: {  	[tilespmem:$0x20E0] =	vst v0  }
0x1a: {  	[tilespmem:$0x20F0] =	vst v0  }
0x1b: {  	[tilespmem:$0x2100] =	vst v0  }
0x1c: {  	[tilespmem:$0x2110] =	vst v0  }
0x1d: {  	[tilespmem:$0x2120] =	vst v0  }
0x1e: {  	[tilespmem:$0x2130] =	vst v0  }
0x1f: {  	[tilespmem:$0x2140] =	vst v0  }
0x20: {  	[tilespmem:$0x2150] =	vst v0  }
0x21: {  	[tilespmem:$0x2160] =	vst v0  }
0x22: {  	[tilespmem:$0x2170] =	vst v0  }
0x23: {  	[tilespmem:$0x2180] =	vst v0  }
0x24: {  	[tilespmem:$0x2190] =	vst v0  }
0x25: {  	[tilespmem:$0x21A0] =	vst v0  }
0x26: {  	[tilespmem:$0x21B0] =	vst v0  }
0x27: {  	[tilespmem:$0x21C0] =	vst v0  }
0x28: {  	[tilespmem:$0x21D0] =	vst v0  }
0x29: {  	[tilespmem:$0x21E0] =	vst v0  }
0x2a: {  	[tilespmem:$0x21F0] =	vst v0  }
0x2b: {  	[tilespmem:$0x2200] =	vst v0  }
0x2c: {  	[tilespmem:$0x2210] =	vst v0  }
0x2d: {  	[tilespmem:$0x2220] =	vst v0  }
0x2e: {  	[tilespmem:$0x2230] =	vst v0  }
0x2f: {  	[tilespmem:$0x2240] =	vst v0  }
0x30: {  	[tilespmem:$0x2250] =	vst v0  }
0x31: {  	[tilespmem:$0x2260] =	vst v0  }
0x32: {  	[tilespmem:$0x2270] =	vst v0  }
0x33: {  	[tilespmem:$0x2280] =	vst v0  }
0x34: {  	[tilespmem:$0x2290] =	vst v0  }
0x35: {  	[tilespmem:$0x22A0] =	vst v0  }
0x36: {  	[tilespmem:$0x22B0] =	vst v0  }
0x37: {  	[tilespmem:$0x22C0] =	vst v0  }
0x38: {  	[tilespmem:$0x22D0] =	vst v0  }
0x39: {  	[tilespmem:$0x22E0] =	vst v0  }
0x3a: {  	[tilespmem:$0x22F0] =	vst v0  }
0x3b: {  	[tilespmem:$0x2300] =	vst v0  }
0x3c: {  	[tilespmem:$0x2310] =	vst v0  }
0x3d: {  	[tilespmem:$0x2320] =	vst v0  }
0x3e: {  	[tilespmem:$0x2330] =	vst v0  }
0x3f: {  	[tilespmem:$0x2340] =	vst v0  }
0x40: {  	[tilespmem:$0x2350] =	vst v0  }
0x41: {  	[tilespmem:$0x2360] =	vst v0  }
0x42: {  	[tilespmem:$0x2370] =	vst v0  }
0x43: {  	[tilespmem:$0x2380] =	vst v0  }
0x44: {  	[tilespmem:$0x2390] =	vst v0  }
0x45: {  	[tilespmem:$0x23A0] =	vst v0  }
0x46: {  	[tilespmem:$0x23B0] =	vst v0  }
0x47: {  	[tilespmem:$0x23C0] =	vst v0  }
0x48: {  	[tilespmem:$0x23D0] =	vst v0  }
0x49: {  	[tilespmem:$0x23E0] =	vst v0  }
0x4a: {  	[tilespmem:$0x23F0] =	vst v0  }
0x4b: {  	[tilespmem:$0x2400] =	vst v0  }
0x4c: {  	[tilespmem:$0x2410] =	vst v0  }
0x4d: {  	[tilespmem:$0x2420] =	vst v0  }
0x4e: {  	[tilespmem:$0x2430] =	vst v0  }
0x4f: {  	[tilespmem:$0x2440] =	vst v0  }
0x50: {  	[tilespmem:$0x2450] =	vst v0  }
0x51: {  	[tilespmem:$0x2460] =	vst v0  }
0x52: {  	[tilespmem:$0x2470] =	vst v0  }
0x53: {  	[tilespmem:$0x2480] =	vst v0  }
0x54: {  	[tilespmem:$0x2490] =	vst v0  }
0x55: {  	[tilespmem:$0x24A0] =	vst v0  }
0x56: {  	[tilespmem:$0x24B0] =	vst v0  }
0x57: {  	[tilespmem:$0x24C0] =	vst v0  }
0x58: {  	[tilespmem:$0x24D0] =	vst v0  }
0x59: {  	[tilespmem:$0x24E0] =	vst v0  }
0x5a: {  	[tilespmem:$0x24F0] =	vst v0  }
0x5b: {  	[tilespmem:$0x2500] =	vst v0  }
0x5c: {  	[tilespmem:$0x2510] =	vst v0  }
0x5d: {  	[tilespmem:$0x2520] =	vst v0  }
0x5e: {  	[tilespmem:$0x2530] =	vst v0  }
0x5f: {  	[tilespmem:$0x2540] =	vst v0  }
0x60: {  	[tilespmem:$0x2550] =	vst v0  }
0x61: {  	[tilespmem:$0x2560] =	vst v0  }
0x62: {  	[tilespmem:$0x2570] =	vst v0  }
0x63: {  	[tilespmem:$0x2580] =	vst v0  }
0x64: {  	[tilespmem:$0x2590] =	vst v0  }
0x65: {  	[tilespmem:$0x25A0] =	vst v0  }
0x66: {  	[tilespmem:$0x25B0] =	vst v0  }
0x67: {  	[tilespmem:$0x25C0] =	vst v0  }
0x68: {  	[tilespmem:$0x25D0] =	vst v0  }
0x69: {  	[tilespmem:$0x25E0] =	vst v0  }
0x6a: {  	[tilespmem:$0x25F0] =	vst v0  }
0x6b: {  	[tilespmem:$0x2600] =	vst v0  }
0x6c: {  	[tilespmem:$0x2610] =	vst v0  }
0x6d: {  	[tilespmem:$0x2620] =	vst v0  }
0x6e: {  	[tilespmem:$0x2630] =	vst v0  }
0x6f: {  	[tilespmem:$0x2640] =	vst v0  }
0x70: {  	[tilespmem:$0x2650] =	vst v0  }
0x71: {  	[tilespmem:$0x2660] =	vst v0  }
0x72: {  	[tilespmem:$0x2670] =	vst v0  }
0x73: {  	[tilespmem:$0x2680] =	vst v0  }
0x74: {  	[tilespmem:$0x2690] =	vst v0  }
0x75: {  	[tilespmem:$0x26A0] =	vst v0  }
0x76: {  	[tilespmem:$0x26B0] =	vst v0  }
0x77: {  	[tilespmem:$0x26C0] =	vst v0  }
0x78: {  	[tilespmem:$0x26D0] =	vst v0  }
0x79: {  	[tilespmem:$0x26E0] =	vst v0  }
0x7a: {  	[tilespmem:$0x26F0] =	vst v0  }
0x7b: {  	[tilespmem:$0x2700] =	vst v0  }
0x7c: {  	[tilespmem:$0x2710] =	vst v0  }
0x7d: {  	[tilespmem:$0x2720] =	vst v0  }
0x7e: {  	[tilespmem:$0x2730] =	vst v0  }
0x7f: {  	[tilespmem:$0x2740] =	vst v0  }
0x80: {  	[tilespmem:$0x2750] =	vst v0  }
0x81: {  	[tilespmem:$0x2760] =	vst v0  }
0x82: {  	[tilespmem:$0x2770] =	vst v0  }
0x83: {  	[tilespmem:$0x2780] =	vst v0  }
0x84: {  	[tilespmem:$0x2790] =	vst v0  }
0x85: {  	[tilespmem:$0x27A0] =	vst v0  }
0x86: {  	[tilespmem:$0x27B0] =	vst v0  }
0x87: {  	[tilespmem:$0x27C0] =	vst v0  }
0x88: {  	[tilespmem:$0x27D0] =	vst v0  }
0x89: {  	[tilespmem:$0x27E0] =	vst v0  }
0x8a: {  	[tilespmem:$0x27F0] =	vst v0  }
0x8b: {  	[tilespmem:$0x2800] =	vst v0  }
0x8c: {  	[tilespmem:$0x2810] =	vst v0  }
0x8d: {  	[tilespmem:$0x2820] =	vst v0  }
0x8e: {  	[tilespmem:$0x2830] =	vst v0  }
0x8f: {  	[tilespmem:$0x2840] =	vst v0  }
0x90: {  	[tilespmem:$0x2850] =	vst v0  }
0x91: {  	[tilespmem:$0x2860] =	vst v0  }
0x92: {  	[tilespmem:$0x2870] =	vst v0  }
0x93: {  	[tilespmem:$0x2880] =	vst v0  }
0x94: {  	[tilespmem:$0x2890] =	vst v0  }
0x95: {  	[tilespmem:$0x28A0] =	vst v0  }
0x96: {  	[tilespmem:$0x28B0] =	vst v0  }
0x97: {  	[tilespmem:$0x28C0] =	vst v0  }
0x98: {  	[tilespmem:$0x28D0] =	vst v0  }
0x99: {  	[tilespmem:$0x28E0] =	vst v0  }
0x9a: {  	[tilespmem:$0x28F0] =	vst v0  }
0x9b: {  	[tilespmem:$0x2900] =	vst v0  }
0x9c: {  	[tilespmem:$0x2910] =	vst v0  }
0x9d: {  	[tilespmem:$0x2920] =	vst v0  }
0x9e: {  	[tilespmem:$0x2930] =	vst v0  }
0x9f: {  	[tilespmem:$0x2940] =	vst v0  }
0xa0: {  	[tilespmem:$0x2950] =	vst v0  }
0xa1: {  	[tilespmem:$0x2960] =	vst v0  }
0xa2: {  	[tilespmem:$0x2970] =	vst v0  }
0xa3: {  	[tilespmem:$0x2980] =	vst v0  }
0xa4: {  	[tilespmem:$0x2990] =	vst v0  }
0xa5: {  	[tilespmem:$0x29A0] =	vst v0  }
0xa6: {  	[tilespmem:$0x29B0] =	vst v0  }
0xa7: {  	[tilespmem:$0x29C0] =	vst v0  }
0xa8: {  	[tilespmem:$0x29D0] =	vst v0  }
0xa9: {  	[tilespmem:$0x29E0] =	vst v0  }
0xaa: {  	[tilespmem:$0x29F0] =	vst v0  }
0xab: {  	[tilespmem:$0x2A00] =	vst v0  }
0xac: {  	[tilespmem:$0x2A10] =	vst v0  }
0xad: {  	[tilespmem:$0x2A20] =	vst v0  }
0xae: {  	[tilespmem:$0x2A30] =	vst v0  }
0xaf: {  	[tilespmem:$0x2A40] =	vst v0  }
0xb0: {  	[tilespmem:$0x2A50] =	vst v0  }
0xb1: {  	[tilespmem:$0x2A60] =	vst v0  }
0xb2: {  	[tilespmem:$0x2A70] =	vst v0  }
0xb3: {  	[tilespmem:$0x2A80] =	vst v0  }
0xb4: {  	[tilespmem:$0x2A90] =	vst v0  }
0xb5: {  	[tilespmem:$0x2AA0] =	vst v0  }
0xb6: {  	[tilespmem:$0x2AB0] =	vst v0  }
0xb7: {  	[tilespmem:$0x2AC0] =	vst v0  }
0xb8: {  	[tilespmem:$0x2AD0] =	vst v0  }
0xb9: {  	[tilespmem:$0x2AE0] =	vst v0  }
0xba: {  	[tilespmem:$0x2AF0] =	vst v0  }
0xbb: {  	[tilespmem:$0x2B00] =	vst v0  }
0xbc: {  	[tilespmem:$0x2B10] =	vst v0  }
0xbd: {  	[tilespmem:$0x2B20] =	vst v0  }
0xbe: {  	[tilespmem:$0x2B30] =	vst v0  }
0xbf: {  	v1 =	vmov s8;
	[tilespmem:$0x2B40] =	vst v0  }
0xc0: {  	v2 =	vlaneseq.u32;
	v3 =	vmul.u32 $0x3, v1;
	[tilespmem:$0x2B50] =	vst v0  }
0xc1: {  	v1 =	vmul.u32 $0x3, v2;
	v2 =	vimm.s32 $0x52741630;
	[tilespmem:$0x2B60] =	vst v0  }
0xc2: {  	v2 =	vunpack.c.l.s4.s8 v2;
	v7 =	vbroadcast v3, $0x0;
	[tilespmem:$0x2B70] =	vst v0  }
0xc3: {  	v4 =	vimm.s32 $0x63052741;
	[tilespmem:$0x2B80] =	vst v0  }
0xc4: {  	v4 =	vunpack.c.l.s4.s8 v4;
	v2 =	vunpack.c.0.s8.s32 v2;
	v5 =	vadd.s32 v1, v7;
	[tilespmem:$0x2B90] =	vst v0  }
0xc5: {  	v6 =	vimm.s32 $0x74163052;
	v3 =	vadd.s32 $0x1, v1;
	v5 =	vand.u32 $0xFFFFFFF8, v5;
	[tilespmem:$0x2BA0] =	vst v0  }
0xc6: {  	v4 =	vunpack.c.0.s8.s32 v4;
	v8 =	vadd.s32 v3, v7;
	[tilespmem:$0x2BB0] =	vst v0;
	v9 =	vor.u32 v2, v5  }
0xc7: {  	v6 =	vunpack.c.l.s4.s8 v6;
	v8 =	vand.u32 $0xFFFFFFF8, v8;
	[tilespmem:$0x2BC0] =	vst v0  }
0xc8: {  	[tilespmem:$0x2BD0] =	vst v0;
	v5 =	vadd.s32 $0x2, v1;
	v8 =	vor.u32 v4, v8  }
0xc9: {  	v6 =	vunpack.c.0.s8.s32 v6;
	[tilespmem:$0x2BE0] =	vst v0;
	v7 =	vadd.s32 v5, v7  }
0xca: {  	[tilespmem:$0x2BF0] =	vst v0;
	v0 =	vand.u32 $0xFFFFFFF8, v7  }
0xcb: {  	v0 =	vor.u32 v6, v0;
	v7 =	vld.idx.msk [tilespmem:v9+s8+$0x0], $0xffff;
	_ =	sdelay $0x1  }
0xcc: {  	v8 =	vld.idx.msk [tilespmem:v8+s8+$0x0], $0xffff;
	_ =	sdelay $0x2  }
0xcd: {  	v0 =	vld.idx.msk [tilespmem:v0+s8+$0x0], $0xffff;
	v7 =	vmul.f32 $1.000000000e+01, v7;
	_ =	sdelay $0x1  }
0xce: {  	v8 =	vmul.f32 $1.000000000e+01, v8;
	v7 =	vtrunc.f32 v7  }
0xcf: {  	v7 =	vcvt.f32.s32 v7  }
0xd0: {  	v8 =	vtrunc.f32 v8  }
0xd1: {  	v8 =	vcvt.f32.s32 v8;
	v0 =	vmul.f32 $3.000000000e+01, v0;
	vm0 =	vlt.s32 v7, $0x9  }
0xd2: {  	v7 =	vnsel vm0, $0x9, v7  }
0xd3: {  	v0 =	vtrunc.f32 v0;
	vm0 =	vlt.s32 v8, $0x9;
	v7 =	vmul.u32 $0xA, v7  }
0xd4: {  	v0 =	vcvt.f32.s32 v0;
	v8 =	vnsel vm0, $0x9, v8  }
0xd5: {  	v7 =	vadd.s32 v8, v7  }
0xd6: {  	vm0 =	vlt.s32 v0, $0x1D;
	v7 =	vmul.u32 $0x1E, v7  }
0xd7: {  	v0 =	vnsel vm0, $0x1D, v0  }
0xd8: {  	v0 =	vadd.s32 v0, v7  }
0xd9: {  	(xrf1) =	vunique.msk.u32 $0xffff, v0;
	_ =	sdelay $0x7  }
0xda: {  	s31 =	simm.s32 $0x10  }
0xdb: {  	v7 =	vmov s31  }
0xdc: {  	v7 =	vmul.u32 $0x3, v7  }
0xdd: {  	s10 =	simm.s32 $0x1800  }
0xde: {  	s9 =	simm.s32 $0x2000;
	[tilespmem:s10+$0x0] =	vst v0;
	v7 =	vbroadcast v7, $0x0  }
0xdf: {  	v10 =	vld.idx.msk [tilespmem:v0+s9+$0x0], $0xffff  }
0xe0: {  	v8 =	vadd.s32 v1, v7;
	_, v11, vm0 =	vpop (xrf1)  }
0xe1: {  	v8 =	vand.u32 $0xFFFFFFF8, v8  }
0xe2: {  	v9 =	vadd.s32 v3, v7;
	v7 =	vadd.s32 v5, v7;
	v8 =	vor.u32 v2, v8  }
0xe3: {  	s11 =	simm.s32 $0x20;
	s4 =	sadd.s32 $0x3C00, s6;
	s5 =	sadd.s32 $0x4E00, s6;
	v9 =	vand.u32 $0xFFFFFFF8, v9;
	v7 =	vand.u32 $0xFFFFFFF8, v7  }
0xe4: {  	s3 =	sadd.s32 $0x2C00, s6;
	s2 =	sadd.s32 $0x1C00, s6;
	s6 =	sadd.s32 $0x4C00, s6;
	v9 =	vor.u32 v4, v9;
	v7 =	vor.u32 v6, v7;
	v10 =	vadd.s32 v10, v11  }
.LBB2_1:
0xe5: {  	p0 =	sne.s32 s11, $0x7F0  }
0xe6: {  	[tilespmem:v0+s9+$0x0] =	vst.idx.msk vm0, v10;
	s10 =	sadd.s32 $0x10, s10;
	s12 =	smov.u32 s11;
	s11 =	sadd.s32 $0x10, s11  }
0xe7: {  	v0 =	vld.idx.msk [tilespmem:v8+s8+$0x0], $0xffff;
	_ =	sdelay $0x1  }
0xe8: {  	v8 =	vld.idx.msk [tilespmem:v9+s8+$0x0], $0xffff;
	_ =	sdelay $0x2  }
0xe9: {  	v7 =	vld.idx.msk [tilespmem:v7+s8+$0x0], $0xffff  }
0xea: {  	v0 =	vmul.f32 $1.000000000e+01, v0;
	_ =	sdelay $0x1  }
0xeb: {  	v0 =	vtrunc.f32 v0;
	v8 =	vmul.f32 $1.000000000e+01, v8  }
0xec: {  	v0 =	vcvt.f32.s32 v0  }
0xed: {  	v8 =	vtrunc.f32 v8  }
0xee: {  	vm0 =	vlt.s32 v0, $0x9;
	v8 =	vcvt.f32.s32 v8;
	v7 =	vmul.f32 $3.000000000e+01, v7  }
0xef: {  	v0 =	vnsel vm0, $0x9, v0  }
0xf0: {  	v0 =	vmul.u32 $0xA, v0;
	vm0 =	vlt.s32 v8, $0x9;
	v7 =	vtrunc.f32 v7  }
0xf1: {  	v8 =	vnsel vm0, $0x9, v8;
	v7 =	vcvt.f32.s32 v7  }
0xf2: {  	v0 =	vadd.s32 v8, v0  }
0xf3: {  	v0 =	vmul.u32 $0x1E, v0;
	vm0 =	vlt.s32 v7, $0x1D  }
0xf4: {  	v7 =	vnsel vm0, $0x1D, v7  }
0xf5: {  	v0 =	vadd.s32 v7, v0  }
0xf6: {  	[tilespmem:s10+$0x0] =	vst v0;
	(xrf1) =	vunique.msk.u32 $0xffff, v0;
	_ =	sdelay $0x8  }
0xf7: {  	v7 =	vmov s12  }
0xf8: {  	v7 =	vmul.u32 $0x3, v7;
	_ =	sdelay $0x1  }
0xf9: {  	v7 =	vbroadcast v7, $0x0  }
0xfa: {  	v10 =	vld.idx.msk [tilespmem:v0+s9+$0x0], $0xffff  }
0xfb: {  	v8 =	vadd.s32 v1, v7;
	v9 =	vadd.s32 v3, v7;
	v7 =	vadd.s32 v5, v7;
	_, v11, vm0 =	vpop (xrf1)  }
.Ltmp0:
0xfc: {  	v8 =	vand.u32 $0xFFFFFFF8, v8;
	v9 =	vand.u32 $0xFFFFFFF8, v9;
	v7 =	vand.u32 $0xFFFFFFF8, v7;
	(pc) =	sbr.rel @p0 .LBB2_1-.Ltmp0, $2  }
0xfd: {  	v8 =	vor.u32 v2, v8;
	v9 =	vor.u32 v4, v9;
	v7 =	vor.u32 v6, v7;
	_ =	sdelay $0x2  }
0xfe: {  	v10 =	vadd.s32 v10, v11  }
0xff: {  	_ =	sdelay $0x4  }
0x100: {  	[tilespmem:v0+s9+$0x0] =	vst.idx.msk vm0, v10  }
0x101: {  	v0 =	vld.idx.msk [tilespmem:v8+s8+$0x0], $0xffff;
	_ =	sdelay $0x1  }
0x102: {  	v1 =	vld.idx.msk [tilespmem:v9+s8+$0x0], $0xffff;
	_ =	sdelay $0x2  }
0x103: {  	v2 =	vld.idx.msk [tilespmem:v7+s8+$0x0], $0xffff;
	v0 =	vmul.f32 $1.000000000e+01, v0;
	_ =	sdelay $0x1  }
0x104: {  	v1 =	vmul.f32 $1.000000000e+01, v1;
	v0 =	vtrunc.f32 v0  }
0x105: {  	v0 =	vcvt.f32.s32 v0  }
0x106: {  	v1 =	vtrunc.f32 v1  }
0x107: {  	v2 =	vmul.f32 $3.000000000e+01, v2;
	v1 =	vcvt.f32.s32 v1;
	vm13 =	vlt.s32 v0, $0x9  }
0x108: {  	v0 =	vnsel vm13, $0x9, v0  }
0x109: {  	v2 =	vtrunc.f32 v2;
	vm14 =	vlt.s32 v1, $0x9;
	v0 =	vmul.u32 $0xA, v0  }
0x10a: {  	v2 =	vcvt.f32.s32 v2;
	v1 =	vnsel vm14, $0x9, v1  }
0x10b: {  	v0 =	vadd.s32 v1, v0  }
0x10c: {  	vm15 =	vlt.s32 v2, $0x1D;
	v0 =	vmul.u32 $0x1E, v0  }
0x10d: {  	v1 =	vnsel vm15, $0x1D, v2  }
0x10e: {  	v0 =	vadd.s32 v1, v0  }
0x10f: {  	(xrf1) =	vunique.msk.u32 $0xffff, v0;
	_ =	sdelay $0xb  }
0x110: {  	s13 =	sadd.s32 $0x10, s10  }
0x111: {  	[tilespmem:s13+$0x0] =	vst v0  }
0x112: {  	v1 =	vld.idx.msk [tilespmem:v0+s9+$0x0], $0xffff;
	_, v2, vm0 =	vpop (xrf1);
	_ =	sdelay $0x2  }
0x113: {  	s14 =	smul.u32 $0x3000, s1;
	_ =	sdelay $0x1  }
0x114: {  	s8 =	sshrl.u32 s14, $0x2;
	v1 =	vadd.s32 v1, v2  }
0x115: {  	s15 =	simm.s32 $0x2000;
	s16 =	simm.s32 $0x1;
	s8 =	sadd.s32 s8, s7;
	[tilespmem:v0+s9+$0x0] =	vst.idx.msk vm0, v1  }
0x116: {  	[spmem:s8] =	stream.linear.scatter [tilespmem:s15], [sflag:$0x1], $0xC00, $0x38;
	[tilespmem:$0x11280] =	vst v63  }
0x117: {  	_ =	swait.ge [sflag:s16], $0xC00  }
0x118: {  	[sflag:s16] =	ssyncset.done $0x0  }
0x119: {  	[sflag:s16] =	ssyncadd.s32 $0xFFFFF400  }
0x11a: {  	s17 =	simm.s32 $0x3800;
	[bflag:$0x0] =	sbarrier.arrive $0xFFFF  }
0x11b: {  	[tilespmem:s17], [sflag:$0x1] =	stream.linear.gather [spmem:s7], $0xC000, $0x38;
	[tilespmem:$0x11280] =	vst v63  }
0x11c: {  	_ =	swait.ge [sflag:s16], $0xC000  }
0x11d: {  	[sflag:s16] =	ssyncset.done $0x0  }
0x11e: {  	s18 =	simm.s32 $0x0;
	[sflag:s16] =	ssyncadd.s32 $0xFFFF4000  }
0x11f: {  	v0 =	vld [tilespmem:s18+$0x3800]  }
0x120: {  	v1 =	vld [tilespmem:s18+$0x4400]  }
0x121: {  	v2 =	vld [tilespmem:s18+$0x5000]  }
0x122: {  	v3 =	vld [tilespmem:s18+$0x5C00]  }
0x123: {  	v4 =	vld [tilespmem:s18+$0x6800]  }
0x124: {  	v5 =	vld [tilespmem:s18+$0x7400]  }
0x125: {  	v6 =	vld [tilespmem:s18+$0x8000]  }
0x126: {  	v7 =	vld [tilespmem:s18+$0x8C00]  }
0x127: {  	v8 =	vld [tilespmem:s18+$0x9800]  }
0x128: {  	v9 =	vld [tilespmem:s18+$0xA400]  }
0x129: {  	p3 =	seq.s32 s1, $0x1;
	v10 =	vld [tilespmem:s18+$0xB000]  }
0x12a: {  	s8 =	simm.s32 @!p3 $0x0;
	v11 =	vld [tilespmem:s18+$0xBC00]  }
0x12b: {  	p2 =	seq.s32 s1, $0x2;
	s8 =	simm.s32 @p3 $0x1;
	v12 =	vld [tilespmem:s18+$0xC800]  }
0x12c: {  	[smem:$0x7F0] =	sst s8;
	s8 =	simm.s32 @!p2 $0x0;
	v13 =	vld [tilespmem:s18+$0xD400];
	v1 =	vadd.s32 v0, v1  }
0x12d: {  	p4 =	seq.s32 s1, $0x3;
	s8 =	simm.s32 @p2 $0x1;
	v14 =	vld [tilespmem:s18+$0xE000];
	v2 =	vadd.s32 v2, v1  }
0x12e: {  	s7 =	simm.s32 $0x10;
	v15 =	vld [tilespmem:s18+$0xEC00];
	[smem:$0x7F1] =	sst s8;
	s8 =	simm.s32 @!p4 $0x0;
	v3 =	vadd.s32 v3, v2  }
0x12f: {  	p6 =	seq.s32 s1, $0x4;
	v16 =	vld [tilespmem:s7+$0x3800];
	s8 =	simm.s32 @p4 $0x1;
	v4 =	vadd.s32 v4, v3  }
0x130: {  	v17 =	vld [tilespmem:s7+$0x4400];
	[smem:$0x7F2] =	sst s8;
	s8 =	simm.s32 @!p6 $0x0;
	v5 =	vadd.s32 v5, v4  }
0x131: {  	p0 =	seq.s32 s1, $0x6;
	v18 =	vld [tilespmem:s7+$0x5000];
	s8 =	simm.s32 @p6 $0x1;
	v0 =	vpsel !p3, $0x0, v0;
	v6 =	vadd.s32 v6, v5  }
0x132: {  	v19 =	vld [tilespmem:s7+$0x5C00];
	[smem:$0x7F4] =	sst s8;
	s8 =	simm.s32 @!p0 $0x0;
	v0 =	vpsel p2, v1, v0;
	v1 =	vadd.s32 v7, v6  }
0x133: {  	p5 =	seq.s32 s1, $0x5;
	v20 =	vld [tilespmem:s7+$0x6800];
	s8 =	simm.s32 @p0 $0x1;
	v0 =	vpsel p4, v2, v0;
	v2 =	vadd.s32 v8, v1  }
0x134: {  	v21 =	vld [tilespmem:s7+$0x7400];
	[smem:$0x7F8] =	sst s8;
	s8 =	simm.s32 @!p5 $0x0;
	v0 =	vpsel p6, v3, v0;
	v3 =	vadd.s32 v9, v2  }
0x135: {  	p1 =	seq.s32 s1, $0x7;
	v49 =	vld [tilespmem:s7+$0xB000];
	s8 =	simm.s32 @p5 $0x1;
	v0 =	vpsel p5, v4, v0;
	v4 =	vadd.s32 v10, v3  }
0x136: {  	v51 =	vld [tilespmem:s7+$0xBC00];
	[smem:$0x7F6] =	sst s8;
	s8 =	simm.s32 @!p1 $0x0;
	v0 =	vpsel p0, v5, v0;
	v5 =	vadd.s32 v11, v4  }
0x137: {  	v53 =	vld [tilespmem:s7+$0xC800];
	s19 =	sld [smem:$0x7F8];
	s8 =	simm.s32 @p1 $0x1;
	p0 =	seq.s32 s1, $0x8;
	v0 =	vpsel p1, v6, v0;
	v6 =	vadd.s32 v12, v5  }
0x138: {  	[smem:$0x7FA] =	sst s8;
	v7 =	vld [tilespmem:s7+$0x8000];
	s8 =	simm.s32 @!p0 $0x0;
	p1 =	seq.s32 s1, $0xA;
	v0 =	vpsel p0, v1, v0;
	v11 =	vadd.s32 v16, v17;
	v1 =	vadd.s32 v13, v6  }
0x139: {  	s20 =	sld [smem:$0x7FA];
	v8 =	vld [tilespmem:s7+$0x8C00];
	s8 =	simm.s32 @p0 $0x1;
	v16 =	vpsel !p3, $0x0, v16;
	p3 =	seq.s32 s1, $0x9;
	v50 =	vadd.s32 v18, v11;
	v14 =	vadd.s32 v14, v1  }
0x13a: {  	p0 =	seq.s32 s1, $0xB;
	v9 =	vld [tilespmem:s7+$0x9800];
	[smem:$0x7FC] =	sst s8;
	v11 =	vpsel p2, v11, v16;
	s8 =	simm.s32 @!p3 $0x0;
	v52 =	vadd.s32 v19, v50;
	v15 =	vadd.s32 v15, v14  }
0x13b: {  	s10 =	simm.s32 @!p0 $0x0;
	v10 =	vld [tilespmem:s7+$0xA400];
	s21 =	sld [smem:$0x7FC];
	v0 =	vpsel p3, v2, v0;
	s8 =	simm.s32 @p3 $0x1;
	v2 =	vpsel p4, v50, v11;
	v20 =	vadd.s32 v20, v52;
	(xrf0) =	vadd.scan.msk.s32 $0xffff, v15  }
0x13c: {  	v22 =	vld [tilespmem:s7+$0xD400];
	s10 =	simm.s32 @p0 $0x1;
	v0 =	vpsel p1, v3, v0;
	[smem:$0x7FD] =	sst s8;
	v2 =	vpsel p6, v52, v2;
	v54 =	vadd.s32 v21, v20  }
0x13d: {  	v55 =	vld [tilespmem:s7+$0xE000];
	s8 =	simm.s32 $0x20;
	v0 =	vpsel p0, v4, v0;
	p0 =	seq.s32 s1, $0xC;
	p6 =	seq.s32 s19, $0x1;
	v2 =	vpsel p5, v20, v2;
	v7 =	vadd.s32 v7, v54  }
0x13e: {  	p4 =	seq.s32 s20, $0x1;
	v0 =	vpsel p0, v5, v0;
	v2 =	vpsel p6, v54, v2;
	p6 =	seq.s32 s1, $0xD;
	v3 =	vadd.s32 v8, v7;
	v8 =	vld [tilespmem:s8+$0x3800]  }
0x13f: {  	s11 =	sld [smem:$0x7F0];
	p2 =	seq.s32 s1, $0xE;
	p5 =	seq.s32 s21, $0x1;
	v0 =	vpsel p6, v6, v0;
	v2 =	vpsel p4, v7, v2;
	v4 =	vadd.s32 v9, v3;
	v9 =	vld [tilespmem:s8+$0x4400]  }
0x140: {  	s22 =	sld [smem:$0x7F1];
	p4 =	seq.s32 s1, $0xF;
	v0 =	vpsel p2, v1, v0;
	v1 =	vpsel p5, v3, v2;
	v5 =	vadd.s32 v10, v4;
	v10 =	vld [tilespmem:s8+$0x5000]  }
0x141: {  	s23 =	sld [smem:$0x7F2];
	v11 =	vld [tilespmem:s7+$0xEC00];
	v0 =	vpsel p4, v14, v0;
	v1 =	vpsel p3, v4, v1;
	v6 =	vadd.s32 v49, v5;
	v56, _, _ =	vpop (xrf0)  }
0x142: {  	[smem:$0x7F3] =	sst s10;
	v57 =	vld [tilespmem:s8+$0x7400];
	p5 =	seq.s32 s11, $0x1;
	v1 =	vpsel p1, v5, v1;
	v2 =	vadd.s32 v51, v6;
	v12 =	vxor.u32 $0x80000000, v56  }
0x143: {  	s10 =	simm.s32 $0x0;
	s24 =	sld [smem:$0x7F3];
	v59 =	vld [tilespmem:s8+$0x8000];
	v4 =	vadd.s32 v53, v2;
	v60 =	vpsel !p5, $0x0, v8;
	v58 =	vsub.s32 v56, v15;
	(xrf0) =	vmax.scan.msk.u32 $0xffff, v12  }
0x144: {  	v61 =	vld [tilespmem:s8+$0x8C00];
	p5 =	seq.s32 s22, $0x1;
	v5 =	vadd.s32 v22, v4;
	v8 =	vadd.s32 v8, v9;
	v9 =	vadd.s32 s10, v58  }
0x145: {  	v7 =	vld [tilespmem:s8+$0x5C00];
	p3 =	seq.s32 s23, $0x1;
	v62 =	vadd.s32 v55, v5;
	v16 =	vpsel p5, v8, v60;
	v8 =	vadd.s32 v10, v8  }
0x146: {  	s25 =	sld [smem:$0x7F4];
	v3 =	vld [tilespmem:s8+$0x6800];
	[tilespmem:s18+$0xF800] =	vst v9;
	v10 =	vadd.s32 v11, v62;
	v0 =	vadd.s32 v0, v9;
	v11 =	vpsel p3, v8, v16;
	p3 =	seq.s32 s24, $0x1  }
0x147: {  	s28 =	sld [smem:$0x7F8];
	v9 =	vld [tilespmem:s8+$0x9800];
	[tilespmem:s18+$0x10400] =	vst v0;
	v0 =	vpsel p3, v6, v1  }
0x148: {  	s26 =	sld [smem:$0x7F6];
	v0 =	vpsel p0, v2, v0  }
0x149: {  	s29 =	sld [smem:$0x7FA];
	s9 =	simm.s32 @!p0 $0x0;
	v0 =	vpsel p6, v4, v0;
	v4, _, _ =	vpop (xrf0)  }
0x14a: {  	s30 =	sld [smem:$0x7FC];
	s9 =	simm.s32 @p0 $0x1;
	(v2sf) =	vpush v4, $0xF  }
0x14b: {  	[smem:$0x7F5] =	sst s9;
	s9 =	simm.s32 @!p6 $0x0;
	p5 =	seq.s32 s25, $0x1;
	v7 =	vadd.s32 v7, v8;
	(xrf0) =	vadd.scan.msk.s32 $0xffff, v10  }
0x14c: {  	s31 =	sld [smem:$0x7FD];
	s9 =	simm.s32 @p6 $0x1;
	v1 =	vpsel p5, v7, v11;
	v3 =	vadd.s32 v3, v7;
	p5 =	seq.s32 s26, $0x1;
	v7 =	vld [tilespmem:s8+$0xA400]  }
0x14d: {  	[smem:$0x7F7] =	sst s9;
	s9 =	simm.s32 @!p2 $0x0;
	v1 =	vpsel p5, v3, v1;
	v2 =	vadd.s32 v57, v3;
	v3 =	vld [tilespmem:s8+$0xB000];
	p5 =	seq.s32 s28, $0x1  }
0x14e: {  	s9 =	simm.s32 @p2 $0x1;
	v11 =	vld [tilespmem:s8+$0xBC00];
	v1 =	vpsel p5, v2, v1;
	v2 =	vadd.s32 v59, v2;
	p6 =	seq.s32 s29, $0x1  }
0x14f: {  	[smem:$0x7F9] =	sst s9;
	v6 =	vld [tilespmem:s8+$0xD400];
	p5 =	seq.s32 s30, $0x1;
	v1 =	vpsel p6, v2, v1;
	v2 =	vadd.s32 v61, v2  }
0x150: {  	s9 =	simm.s32 @!p4 $0x0;
	v8 =	vld [tilespmem:s8+$0xEC00];
	v0 =	vpsel p2, v5, v0;
	p2 =	por p6, p6;
	p6 =	seq.s32 s31, $0x1;
	v1 =	vpsel p5, v2, v1;
	v2 =	vadd.s32 v9, v2  }
0x151: {  	s11 =	simm.s32 $0x100;
	s9 =	simm.s32 @p4 $0x1;
	v5 =	vld [tilespmem:s8+$0xC800];
	v0 =	vpsel p4, v62, v0;
	v4, _, _ =	vpop (xrf0);
	v1 =	vpsel p6, v2, v1;
	v2 =	vadd.s32 v7, v2  }
0x152: {  	[smem:$0x7FB] =	sst s9;
	s9 =	simm.s32 $0x30;
	p0 =	por p3, p3;
	v7 =	vld [tilespmem:s8+$0xE000];
	v9 =	vxor.u32 $0x80000000, v4;
	v63 =	vpsel p1, v2, v1;
	v3 =	vadd.s32 v3, v2  }
0x153: {  	p4 =	por p5, p5;
	p5 =	por p6, p6;
	p6 =	por p1, p1;
	v4 =	vsub.s32 v4, v10;
	v1 =	vld [tilespmem:s9+$0x3800];
	(xrf0) =	vmax.scan.msk.u32 $0xffff, v9;
	v2 =	vpsel p3, v3, v63;
	v3 =	vadd.s32 v11, v3  }
.LBB2_3:
0x154: {  	s12 =	sld [smem:$0x7F5]  }
0x155: {  	s22 =	sld [smem:$0x7F7]  }
0x156: {  	s23 =	sld [smem:$0x7F9]  }
0x157: {  	v9 =	vld [tilespmem:s9+$0x4400];
	s13 =	sld [smem:$0x7FB];
	p3 =	seq.s32 s12, $0x1  }
0x158: {  	s25 =	sld [smem:$0x7F0];
	v2 =	vpsel p3, v3, v2;
	v3 =	vadd.s32 v5, v3;
	v5 =	vld [tilespmem:s9+$0x5000];
	p3 =	seq.s32 s22, $0x1  }
0x159: {  	s26 =	sld [smem:$0x7F1];
	s24 =	spop (v2sf);
	v2 =	vpsel p3, v3, v2;
	v3 =	vadd.s32 v6, v3;
	v6 =	vld [tilespmem:s9+$0x5C00];
	p3 =	seq.s32 s23, $0x1  }
0x15a: {  	v10 =	vld [tilespmem:s9+$0x6800];
	s28 =	sld [smem:$0x7F2];
	s10 =	sadd.s32 s24, s10;
	v2 =	vpsel p3, v3, v2;
	v3 =	vadd.s32 v7, v3;
	v7, _, _ =	vpop (xrf0);
	p3 =	seq.s32 s13, $0x1  }
0x15b: {  	s29 =	sld [smem:$0x7F4];
	s10 =	sadd.s32 $0x80000000, s10;
	v2 =	vpsel p3, v3, v2;
	v3 =	vadd.s32 v8, v3;
	(v2sf) =	vpush v7, $0xF;
	p3 =	seq.s32 s25, $0x1;
	v8 =	vld [tilespmem:s9+$0x7400]  }
0x15c: {  	s30 =	sld [smem:$0x7F6];
	v4 =	vadd.s32 s10, v4;
	v7 =	vpsel !p3, $0x0, v1;
	(xrf0) =	vadd.scan.msk.s32 $0xffff, v3;
	v1 =	vadd.s32 v1, v9;
	v9 =	vld [tilespmem:s9+$0x8000];
	p3 =	seq.s32 s26, $0x1  }
0x15d: {  	s31 =	sld [smem:$0x7F8];
	v11 =	vadd.s32 v0, v4;
	v7 =	vpsel p3, v1, v7;
	v1 =	vadd.s32 v5, v1;
	v5 =	vld [tilespmem:s9+$0x8C00];
	[tilespmem:s7+$0xF800] =	vst v4;
	p3 =	seq.s32 s28, $0x1  }
0x15e: {  	v4 =	vpsel p3, v1, v7;
	v1 =	vadd.s32 v6, v1;
	v6 =	vld [tilespmem:s9+$0x9800];
	[tilespmem:s7+$0x10400] =	vst v11;
	s7 =	smov.u32 s8;
	s8 =	smov.u32 s9;
	p3 =	seq.s32 s29, $0x1  }
0x15f: {  	v0 =	vmov v2;
	v2 =	vpsel p3, v1, v4;
	v1 =	vadd.s32 v10, v1;
	v7 =	vld [tilespmem:s8+$0xA400];
	p3 =	seq.s32 s30, $0x1  }
0x160: {  	v2 =	vpsel p3, v1, v2;
	v1 =	vadd.s32 v8, v1;
	v8 =	vld [tilespmem:s8+$0xB000];
	p3 =	seq.s32 s31, $0x1  }
0x161: {  	p1 =	sne.s32 s11, $0x2FC0;
	v2 =	vpsel p3, v1, v2;
	v1 =	vadd.s32 v9, v1;
	v9 =	vld [tilespmem:s8+$0xBC00]  }
.Ltmp1:
0x162: {  	v2 =	vpsel p2, v1, v2;
	v1 =	vadd.s32 v5, v1;
	v5 =	vld [tilespmem:s8+$0xC800];
	(pc) =	sbr.rel @p1 .LBB2_3-.Ltmp1, $4  }
0x163: {  	v4, _, _ =	vpop (xrf0);
	v2 =	vpsel p4, v1, v2;
	v1 =	vadd.s32 v6, v1;
	v6 =	vld [tilespmem:s8+$0xD400]  }
0x164: {  	v10 =	vxor.u32 $0x80000000, v4;
	v2 =	vpsel p5, v1, v2;
	v1 =	vadd.s32 v7, v1;
	v7 =	vld [tilespmem:s8+$0xE000]  }
0x165: {  	s9 =	sshra.s32 s11, $0x2;
	v4 =	vsub.s32 v4, v3;
	v2 =	vpsel p6, v1, v2;
	v3 =	vadd.s32 v8, v1;
	v8 =	vld [tilespmem:s8+$0xEC00]  }
0x166: {  	s11 =	sadd.s32 $0x40, s11;
	(xrf0) =	vmax.scan.msk.u32 $0xffff, v10;
	v1 =	vld [tilespmem:s9+$0x3800];
	v2 =	vpsel p0, v3, v2;
	v3 =	vadd.s32 v9, v3  }
0x167: {  	v5 =	vadd.s32 v5, v3  }
0x168: {  	v6 =	vadd.s32 v6, v5  }
0x169: {  	v7 =	vadd.s32 v7, v6  }
0x16a: {  	v8 =	vadd.s32 v8, v7  }
0x16b: {  	(xrf0) =	vadd.scan.msk.s32 $0xffff, v8;
	_ =	sdelay $0x2  }
0x16c: {  	v9 =	vld [tilespmem:s9+$0x4400]  }
0x16d: {  	v10 =	vld [tilespmem:s9+$0x5000]  }
0x16e: {  	v11 =	vld [tilespmem:s9+$0x5C00];
	s11 =	spop (v2sf);
	v13, _, _ =	vpop (xrf0)  }
0x16f: {  	v12 =	vld [tilespmem:s9+$0x6800];
	s10 =	sadd.s32 s11, s10;
	v16, _, _ =	vpop (xrf0)  }
0x170: {  	v14 =	vld [tilespmem:s9+$0x7400];
	s10 =	sadd.s32 $0x80000000, s10;
	v18 =	vxor.u32 $0x80000000, v16  }
0x171: {  	v15 =	vld [tilespmem:s9+$0x8000];
	v9 =	vadd.s32 v1, v9;
	v4 =	vadd.s32 s10, v4;
	(xrf0) =	vmax.scan.msk.u32 $0xffff, v18  }
0x172: {  	v17 =	vld [tilespmem:s9+$0x8C00];
	v10 =	vadd.s32 v10, v9;
	[tilespmem:s7+$0xF800] =	vst v4;
	v0 =	vadd.s32 v0, v4  }
0x173: {  	v11 =	vadd.s32 v11, v10;
	v4 =	vld [tilespmem:s9+$0x9800];
	[tilespmem:s7+$0x10400] =	vst v0  }
0x174: {  	v0 =	vadd.s32 v12, v11;
	v56 =	vld [tilespmem:s9+$0xA400]  }
0x175: {  	v14 =	vadd.s32 v14, v0;
	v57 =	vld [tilespmem:s9+$0xB000]  }
0x176: {  	(v2sf) =	vpush v13, $0xF;
	v59 =	vld [tilespmem:s9+$0xBC00];
	v58 =	vadd.s32 v15, v14  }
0x177: {  	s18 =	sld [smem:$0x7F0];
	v19 =	vld [tilespmem:s9+$0xC800];
	v17 =	vadd.s32 v17, v58;
	v20, _, _ =	vpop (xrf0)  }
0x178: {  	s19 =	sld [smem:$0x7F1];
	v21 =	vld [tilespmem:s9+$0xD400];
	v4 =	vadd.s32 v4, v17;
	(v2sf) =	vpush v20, $0xF  }
0x179: {  	s20 =	sld [smem:$0x7F2];
	v60 =	vld [tilespmem:s9+$0xE000];
	v12 =	vadd.s32 v56, v4  }
0x17a: {  	s21 =	sld [smem:$0x7F4];
	p1 =	seq.s32 s18, $0x1;
	v22 =	vld [tilespmem:s9+$0xEC00];
	v18 =	vadd.s32 v57, v12  }
0x17b: {  	s22 =	sld [smem:$0x7F6];
	p3 =	seq.s32 s19, $0x1;
	v1 =	vpsel !p1, $0x0, v1;
	v15 =	vadd.s32 v59, v18  }
0x17c: {  	v1 =	vpsel p3, v9, v1;
	p3 =	seq.s32 s20, $0x1;
	v61 =	vadd.s32 v19, v15  }
0x17d: {  	s23 =	sld [smem:$0x7F8];
	v1 =	vpsel p3, v10, v1;
	p3 =	seq.s32 s21, $0x1;
	v62 =	vadd.s32 v21, v61  }
0x17e: {  	v1 =	vpsel p3, v11, v1;
	p3 =	seq.s32 s22, $0x1;
	v63 =	vadd.s32 v60, v62  }
0x17f: {  	v0 =	vpsel p3, v0, v1;
	v1 =	vadd.s32 v22, v63  }
0x180: {  	p3 =	seq.s32 s23, $0x1;
	(xrf0) =	vadd.scan.msk.s32 $0xffff, v1  }
0x181: {  	s24 =	sld [smem:$0x7F5];
	v0 =	vpsel p3, v14, v0  }
0x182: {  	s26 =	sld [smem:$0x7F7];
	v0 =	vpsel p2, v58, v0  }
0x183: {  	s28 =	sld [smem:$0x7F9];
	v0 =	vpsel p4, v17, v0  }
0x184: {  	s30 =	sld [smem:$0x7FB];
	p3 =	seq.s32 s24, $0x1;
	v0 =	vpsel p5, v4, v0  }
0x185: {  	v2 =	vpsel p3, v3, v2;
	p4 =	seq.s32 s26, $0x1;
	v0 =	vpsel p6, v12, v0;
	s25 =	spop (v2sf)  }
0x186: {  	v2 =	vpsel p4, v5, v2;
	p5 =	seq.s32 s28, $0x1;
	v4 =	vsub.s32 v16, v8;
	v0 =	vpsel p0, v18, v0;
	s7 =	sadd.s32 s25, s10;
	v3, _, _ =	vpop (xrf0)  }
0x187: {  	v2 =	vpsel p5, v6, v2;
	p6 =	seq.s32 s30, $0x1;
	v0 =	vpsel p3, v15, v0;
	s7 =	sadd.s32 $0x80000000, s7;
	v5 =	vxor.u32 $0x80000000, v3;
	s29 =	spop (v2sf)  }
0x188: {  	v2 =	vpsel p6, v7, v2;
	v0 =	vpsel p4, v61, v0;
	v4 =	vadd.s32 s7, v4;
	(xrf0) =	vmax.scan.msk.u32 $0xffff, v5;
	s7 =	sadd.s32 s29, s7  }
0x189: {  	v0 =	vpsel p5, v62, v0;
	[tilespmem:s8+$0xF800] =	vst v4;
	v2 =	vadd.s32 v2, v4;
	v1 =	vsub.s32 v3, v1;
	s7 =	sadd.s32 $0x80000000, s7  }
0x18a: {  	v0 =	vpsel p6, v63, v0;
	[tilespmem:s8+$0x10400] =	vst v2;
	v1 =	vadd.s32 s7, v1  }
0x18b: {  	[tilespmem:s9+$0xF800] =	vst v1;
	v0 =	vadd.s32 v0, v1  }
0x18c: {  	p0 =	sne.s32 s1, $0x0;
	[tilespmem:s9+$0x10400] =	vst v0  }
0x18d: {  	v0 =	vld.msk @!p0 [tilespmem:$0x1800 ss:$0x0], $0xffff  }
0x18e: {  	v1, _, _ =	vpop (xrf0)  }
0x18f: {  	(v2sf) =	vpush v1, $0xF;
	_ =	sdelay $0x4  }
0x190: {  	s7 =	simm.s32 @!p0 $0xF800  }
0x191: {  	v0 =	vld.idx.msk @!p0 [tilespmem:v0+s7+$0x0], $0xffff;
	_ =	sdelay $0x1  }
0x192: {  	v1 =	vimm.s32 @!p0 $0xBF8;
	_ =	sdelay $0x2  }
0x193: {  	s12 =	simm.s32 $0x1;
	v0 =	vbroadcast @!p0 v0, $0x0  }
0x194: {  	s13 =	simm.s32 $0x11180;
	s14 =	simm.s32 $0x11200;
	s15 =	simm.s32 $0x11080  }
0x195: {  	s16 =	simm.s32 $0x0;
	s17 =	simm.s32 $0x0;
	s8 =	simm.s32 @!p0 $0x0;
	[tilespmem:v1+s7+$0x0] =	vst.idx.msk @!p0 $0x1, v0  }
0x196: {  	[hbm4b:s6+s8] =	stream.linear.scatter @!p0 [tilespmem:s7], [sflag:$0x1], $0xC00, $0x38;
	[tilespmem:$0x11280] =	vst v63  }
0x197: {  	s11 =	simm.s32 $0x11100;
	v0 =	vlaneseq.u32;
	s31 =	spop (v2sf);
	s6 =	simm.s32 @!p0 $0x1  }
0x198: {  	s1 =	sshll.u32 s1, $0xB;
	s10 =	simm.s32 $0x11000;
	v1 =	vmul.u32 $0x3, v0;
	_ =	swait.ge @!p0 [sflag:s6], $0xC00  }
0x199: {  	s9 =	simm.s32 $0x80;
	s7 =	simm.s32 $0x1800;
	[sflag:s6] =	ssyncset.done @!p0 $0x0  }
0x19a: {  	s8 =	simm.s32 $0x10400;
	v2 =	vadd.s32 $0x1, v1;
	v3 =	vadd.s32 $0x2, v1;
	[sflag:s6] =	ssyncadd.s32 @!p0 $0xFFFFF400;
	s6 =	simm.s32 $0x0  }
.LBB2_5:
0x19b: {  	v4 =	vmov s16  }
0x19c: {  	v4 =	vmul.u32 $0x3, v4;
	_ =	sdelay $0x1  }
0x19d: {  	v4 =	vbroadcast v4, $0x0;
	_ =	sdelay $0x1  }
0x19e: {  	v5 =	vadd.s32 v1, v4;
	_ =	sdelay $0x4  }
0x19f: {  	v5 =	vld.idx.msk [tilespmem:v5+s6+$0x0], $0xffff  }
0x1a0: {  	v6 =	vadd.s32 v2, v4;
	_ =	sdelay $0x2  }
0x1a1: {  	s21 =	simm.s32 $0x0  }
0x1a2: {  	[tilespmem:s21+$0x11100] =	vst v5  }
0x1a3: {  	v5 =	vld.idx.msk [tilespmem:v6+s6+$0x0], $0xffff  }
0x1a4: {  	v4 =	vadd.s32 v3, v4;
	_ =	sdelay $0x3  }
0x1a5: {  	[tilespmem:s21+$0x11180] =	vst v5  }
0x1a6: {  	v5 =	vld.idx.msk [tilespmem:v4+s6+$0x0], $0xffff  }
0x1a7: {  	v4 =	vmov s7  }
0x1a8: {  	s18 =	sadd.s32 s16, s1  }
0x1a9: {  	v6 =	vor.u32 s18, v0  }
0x1aa: {  	[tilespmem:s21+$0x11080] =	vst v6  }
0x1ab: {  	[tilespmem:s21+$0x11200] =	vst v5  }
0x1ac: {  	v5 =	vld.idx.msk [tilespmem:v4+s21+$0x0 ss:$0x1], $0xffff;
	_ =	sdelay $0x4  }
0x1ad: {  	(xrf1) =	vunique.msk.u32 $0xffff, v5;
	_ =	sdelay $0x9  }
0x1ae: {  	s18 =	sadd.s32 $0x10, s16  }
0x1af: {  	v6 =	vmov s18;
	v7 =	vld.idx.msk [tilespmem:v5+s8+$0x0], $0xffff  }
0x1b0: {  	v6 =	vmul.u32 $0x3, v6;
	_ =	sdelay $0x1  }
0x1b1: {  	v6 =	vbroadcast v6, $0x0;
	_, v8, vm0 =	vpop (xrf1);
	_ =	sdelay $0x1  }
0x1b2: {  	v8 =	vadd.s32 v7, v8;
	v7 =	vadd.s32 v1, v6;
	_ =	sdelay $0x1  }
0x1b3: {  	v9 =	vadd.s32 $0xFFFFFFFF, v8  }
0x1b4: {  	s19 =	simm.s32 $0x40;
	s20 =	simm.s32 $0x80;
	[tilespmem:s21+$0x11000] =	vst v9  }
.LBB2_6:
0x1b5: {  	p1 =	sne.s32 s20, $0x1C0;
	[tilespmem:v5+s8+$0x0] =	vst.idx.msk vm0, v8;
	s22 =	smov.u32 s20;
	s20 =	sadd.s32 $0x40, s20  }
0x1b6: {  	v5 =	vld.idx.msk [tilespmem:v7+s6+$0x0], $0xffff;
	_ =	sdelay $0x1  }
0x1b7: {  	v7 =	vadd.s32 v2, v6;
	_ =	sdelay $0x2  }
0x1b8: {  	s21 =	sshra.s32 s19, $0x2;
	s19 =	smov.u32 s22  }
0x1b9: {  	[tilespmem:s21+$0x11100] =	vst v5  }
0x1ba: {  	v5 =	vld.idx.msk [tilespmem:v7+s6+$0x0], $0xffff;
	_ =	sdelay $0x1  }
0x1bb: {  	v6 =	vadd.s32 v3, v6;
	_ =	sdelay $0x3  }
0x1bc: {  	s22 =	sadd.s32 s18, s1;
	[tilespmem:s21+$0x11180] =	vst v5  }
0x1bd: {  	v5 =	vld.idx.msk [tilespmem:v6+s6+$0x0], $0xffff;
	v6 =	vor.u32 s22, v0  }
0x1be: {  	[tilespmem:s21+$0x11080] =	vst v6;
	_ =	sdelay $0x4  }
0x1bf: {  	[tilespmem:s21+$0x11200] =	vst v5  }
0x1c0: {  	v5 =	vld.idx.msk [tilespmem:v4+s21+$0x0 ss:$0x1], $0xffff;
	_ =	sdelay $0x5  }
0x1c1: {  	(xrf1) =	vunique.msk.u32 $0xffff, v5;
	_ =	sdelay $0x1  }
0x1c2: {  	v8 =	vld.idx.msk [tilespmem:v5+s8+$0x0], $0xffff;
	_ =	sdelay $0x7  }
0x1c3: {  	s18 =	sadd.s32 $0x10, s18  }
0x1c4: {  	v6 =	vmov s18  }
0x1c5: {  	v6 =	vmul.u32 $0x3, v6;
	_ =	sdelay $0x1  }
0x1c6: {  	v6 =	vbroadcast v6, $0x0;
	_, v9, vm0 =	vpop (xrf1)  }
.Ltmp2:
0x1c7: {  	(pc) =	sbr.rel @p1 .LBB2_6-.Ltmp2, $4  }
0x1c8: {  	v7 =	vadd.s32 v1, v6  }
0x1c9: {  	v8 =	vadd.s32 v8, v9  }
0x1ca: {  	v9 =	vadd.s32 $0xFFFFFFFF, v8  }
0x1cb: {  	[tilespmem:s21+$0x11000] =	vst v9  }
0x1cc: {  	_ =	sdelay $0x4  }
0x1cd: {  	[tilespmem:v5+s8+$0x0] =	vst.idx.msk vm0, v8  }
0x1ce: {  	v5 =	vld.idx.msk [tilespmem:v7+s6+$0x0], $0xffff  }
0x1cf: {  	v60 =	vadd.s32 v2, v6;
	_ =	sdelay $0x2  }
0x1d0: {  	s19 =	sshra.s32 s19, $0x2  }
0x1d1: {  	[tilespmem:s19+$0x11100] =	vst v5  }
0x1d2: {  	v5 =	vld.idx.msk [tilespmem:v60+s6+$0x0], $0xffff  }
0x1d3: {  	v61 =	vadd.s32 v3, v6;
	_ =	sdelay $0x3  }
0x1d4: {  	[tilespmem:s19+$0x11180] =	vst v5  }
0x1d5: {  	v5 =	vld.idx.msk [tilespmem:v61+s6+$0x0], $0xffff;
	_ =	sdelay $0x1  }
0x1d6: {  	s18 =	sadd.s32 s18, s1  }
0x1d7: {  	v62 =	vor.u32 s18, v0  }
0x1d8: {  	[tilespmem:s19+$0x11080] =	vst v62  }
0x1d9: {  	[tilespmem:s19+$0x11200] =	vst v5  }
0x1da: {  	v4 =	vld.idx.msk [tilespmem:v4+s19+$0x0 ss:$0x1], $0xffff;
	_ =	sdelay $0x4  }
0x1db: {  	(xrf1) =	vunique.msk.u32 $0xffff, v4;
	_ =	sdelay $0xb  }
0x1dc: {  	v5 =	vld.idx.msk [tilespmem:v4+s8+$0x0], $0xffff;
	_ =	sdelay $0x1  }
0x1dd: {  	_, v63, vm15 =	vpop (xrf1);
	_ =	sdelay $0x2  }
0x1de: {  	v5 =	vadd.s32 v5, v63  }
0x1df: {  	v6 =	vadd.s32 $0xFFFFFFFF, v5  }
0x1e0: {  	[tilespmem:s19+$0x11000] =	vst v6  }
0x1e1: {  	[tilespmem:v4+s8+$0x0] =	vst.idx.msk vm15, v5  }
0x1e2: {  	[hbm4b:s2+s9] =	stream.indirect.scatter [tilespmem:s11], [sflag:$0x1], $0x1, s10, s9, $0xb8;
	[tilespmem:$0x11280] =	vst v63  }
0x1e3: {  	_ =	swait.ge [sflag:s12], $0x80  }
0x1e4: {  	[sflag:s12] =	ssyncset.done $0x0  }
0x1e5: {  	[sflag:s12] =	ssyncadd.s32 $0xFFFFFF80  }
0x1e6: {  	[hbm4b:s3+s9] =	stream.indirect.scatter [tilespmem:s13], [sflag:$0x1], $0x1, s10, s9, $0xb8;
	[tilespmem:$0x11280] =	vst v63  }
0x1e7: {  	_ =	swait.ge [sflag:s12], $0x80  }
0x1e8: {  	[sflag:s12] =	ssyncset.done $0x0  }
0x1e9: {  	[sflag:s12] =	ssyncadd.s32 $0xFFFFFF80  }
0x1ea: {  	[hbm4b:s4+s9] =	stream.indirect.scatter [tilespmem:s14], [sflag:$0x1], $0x1, s10, s9, $0xb8;
	[tilespmem:$0x11280] =	vst v63  }
0x1eb: {  	s17 =	sadd.s32 $0x1, s17;
	_ =	swait.ge [sflag:s12], $0x80  }
0x1ec: {  	p1 =	sne.s32 s17, $0x10;
	[sflag:s12] =	ssyncset.done $0x0  }
.Ltmp3:
0x1ed: {  	[sflag:s12] =	ssyncadd.s32 $0xFFFFFF80;
	(pc) =	sbr.rel @p1 .LBB2_5-.Ltmp3, $4  }
0x1ee: {  	[hbm4b:s5+s9] =	stream.indirect.scatter [tilespmem:s15], [sflag:$0x1], $0x1, s10, s9, $0xb8;
	[tilespmem:$0x11280] =	vst v63  }
0x1ef: {  	_ =	swait.ge [sflag:s12], $0x80  }
0x1f0: {  	[sflag:s12] =	ssyncset.done $0x0  }
0x1f1: {  	s16 =	sadd.s32 $0x80, s16;
	s7 =	sadd.s32 $0x80, s7;
	[sflag:s12] =	ssyncadd.s32 $0xFFFFFF80  }
0x1f2: {  	_ =	sfence.sel $0x180000  }
0x1f3: {  	[bflag:$0x0] =	sbarrier.arrive $0xFFFF  }
0x1f4: {  	_ =	strace $0x90000047  }
0x1f5: {  	s0 =	sadd.s32 @!p0 $0x100000, s0;
	[bflag:$0x2] =	sbarrier.arrive $0xFFFF  }
0x1f6: {  	[sflag:s0] =	ssyncadd.tile.s32 @!p0 $0x1;
	_ =	shalt  }
.Lfunc_end2:
_tile_overlayer_lowered:
.L_overlay_start_2:
0x1f7: {  	(tag) =	ssettag $0x2  }
0x1f8: {  	s0 =	rddreg [dreg:$0x0];
	s2 =	stileid.u32  }
0x1f9: {  	s1 =	rddreg [dreg:$0x1];
	p0 =	sne.s32 s2, $0x0  }
0x1fa: {  	s3 =	rddreg [dreg:$0x2];
	[bflag:$0x3] =	sbarrier.arrive $0xFFFF;
	s2 =	simm.s32 @!p0 $0x1C01  }
0x1fb: {  	[timem:s3], [sflag:s2] =	dma.local @!p0 [hbm:s0], s1  }
0x1fc: {  	s0 =	simm.s32 @!p0 $0x1  }
0x1fd: {  	_ =	swait.ge @!p0 [sflag:s0], s1  }
0x1fe: {  	s1 =	ssub.s32 @!p0 $0x0, s1;
	[sflag:s0] =	ssyncset.done @!p0 $0x0  }
0x1ff: {  	[sflag:s0] =	ssyncadd.s32 @!p0 s1  }
0x200: {  	[bflag:$0x3] =	sbarrier.arrive $0xFFFF  }
0x201: {  	_ =	shalt  }

// kernel: kernel.9.cloned.1.call-start
scs
__scs_entry_jumppad:
0x0: {  	(pc) =	sbr.rel $0x88, $3  }
0x1: {  	(tag) =	ssettag $0x0;
	lr =	simm.s32 $0x1  }
0x2: {  	[smem:$0x3F9A] =	sst lr;
	_ =	strace $0xD0000000  }
0x3: {  	_ = 	snop  }
0x4: {  	_ = 	snop  }
0x5: {  	_ = 	snop  }
0x6: {  	_ = 	snop  }
0x7: {  	_ = 	snop  }
__scs_overlays_trampoline_lowered:
0x8: {  	[smem:$0x3FA9] =	sst s0  }
0x9: {  	[smem:$0x3FAA] =	sst s1  }
0xa: {  	[smem:$0x3FAB] =	sst s2  }
0xb: {  	[smem:$0x3FAC] =	sst s3  }
0xc: {  	[smem:$0x3FAD] =	sst s4  }
0xd: {  	[smem:$0x3FAE] =	sst s5  }
0xe: {  	[smem:$0x3FAF] =	sst s6  }
0xf: {  	[smem:$0x3FB0] =	sst s7  }
0x10: {  	[smem:$0x3FB1] =	sst s8  }
0x11: {  	[smem:$0x3FB2] =	sst s9;
	s0 =	simm.s32 @!p0 $0x0  }
0x12: {  	s1 =	sld [smem:$0x3F98];
	s0 =	simm.s32 @p0 $0x1  }
0x13: {  	[smem:$0x3FB3] =	sst s0;
	s0 =	simm.s32 @!p1 $0x0  }
0x14: {  	s2 =	sld [smem:$0x3F97];
	s0 =	simm.s32 @p1 $0x1  }
0x15: {  	[smem:$0x3FB4] =	sst s0;
	s0 =	simm.s32 @!p2 $0x0  }
0x16: {  	s3 =	sld [smem:$0x3FDB];
	s0 =	simm.s32 @p2 $0x1  }
0x17: {  	s4 =	simm.s32 $0x1BF5;
	[smem:$0x3FB6] =	sst s0  }
0x18: {  	s0 =	sld [smem:$0x3F99];
	_ =	swait.ge [sflag:s4], $0x0  }
0x19: {  	s7 =	sld [smem:$0x3F9A]  }
0x1a: {  	s8 =	sadd.s32 $0xFFFFE003, lr  }
0x1b: {  	s9 =	sadd.s32 $0xFFFFFEF7, lr;
	s5 =	simm.s32 $0xFFFFFFFF;
	p2 =	slt.u32 s8, $0xFFFFF086  }
0x1c: {  	p1 =	slt.u32 s9, $0xF7A;
	s5 =	simm.s32 @!p2 $0x0  }
0x1d: {  	s5 =	simm.s32 @p1 $0x1;
	p0 =	seq.s32 s7, s2  }
0x1e: {  	s7 =	smul.u32 @!p0 $0xF7A, s2;
	p2 =	seq.s32 @!p0 s5, $0x0  }
0x1f: {  	s9 =	smul.u32 $0xF7A, s1;
	s8 =	simm.s32 @!p0 $0x1BF5;
	p2 =	por !p2, p0  }
0x20: {  	[sflag:s8] =	ssyncset.s32 @!p0 $0xFFFFF086;
	s6 =	sadd.s32 @!p0 s3, s7;
	s7 =	simm.s32 @!p0 $0x108  }
0x21: {  	s3 =	sadd.s32 s3, s9;
	s6 =	sadd.s32 @!p0 $0x88, s6;
	s7 =	simm.s32 @p2 $0x1082  }
0x22: {  	[simem:s7], [sflag:s8] =	dma.local @!p0 [hbm:s6], $0xF7A  }
0x23: {  	s9 =	sor.u32 $0xD0000000, s2;
	s6 =	simm.s32 $0x108;
	_ =	swait.ge @!p0 [sflag:s8], $0x0  }
0x24: {  	s3 =	sadd.s32 $0x88, s3;
	s6 =	simm.s32 @!p1 $0x1082;
	[sflag:s4] =	ssyncset.s32 $0xFFFFF086  }
0x25: {  	[simem:s6], [sflag:s4] =	dma.local [hbm:s3], $0xF7A  }
0x26: {  	[smem:$0x3F9A] =	sst s1;
	(tag) =	ssettag s2;
	_ =	strace s9  }
0x27: {  	s1 =	sld [smem:$0x3FAA]  }
0x28: {  	s2 =	sld [smem:$0x3FAB]  }
0x29: {  	s4 =	sld [smem:$0x3FAD]  }
0x2a: {  	p0 =	seq.s32 s5, $0x0;
	s5 =	sld [smem:$0x3FAE]  }
0x2b: {  	s6 =	sld [smem:$0x3FAF]  }
0x2c: {  	s7 =	sld [smem:$0x3FB0]  }
0x2d: {  	s3 =	simm.s32 $0x108;
	s8 =	sld [smem:$0x3FB1]  }
0x2e: {  	s3 =	simm.s32 @!p0 $0x1082;
	s9 =	sld [smem:$0x3FB2]  }
0x2f: {  	lr =	sadd.s32 s0, s3;
	s0 =	sld [smem:$0x3FA9]  }
0x30: {  	s3 =	sld [smem:$0x3FAC]  }
0x31: {  	[smem:$0x3FB5] =	sst s10  }
0x32: {  	s10 =	sld [smem:$0x3FB3];
	_ =	sdelay $0x3  }
0x33: {  	p0 =	seq.s32 s10, $0x1;
	s10 =	sld [smem:$0x3FB5];
	_ =	sdelay $0x3  }
0x34: {  	[smem:$0x3FB5] =	sst s10  }
0x35: {  	s10 =	sld [smem:$0x3FB4];
	_ =	sdelay $0x3  }
0x36: {  	p1 =	seq.s32 s10, $0x1;
	s10 =	sld [smem:$0x3FB5];
	_ =	sdelay $0x3  }
0x37: {  	[smem:$0x3FB5] =	sst s10  }
0x38: {  	s10 =	sld [smem:$0x3FB6]  }
0x39: {  	_ = 	snop;
	(pc) =	sbr.ind lr, $3  }
0x3a: {  	_ = 	snop  }
0x3b: {  	_ = 	snop  }
0x3c: {  	p2 =	seq.s32 s10, $0x1;
	s10 =	sld [smem:$0x3FB5]  }
0x3d: {  	_ =	shalt  }
0x3e: {  	_ =	shalt  }
0x3f: {  	_ =	shalt  }
0x40: {  	_ =	shalt  }
0x41: {  	_ =	shalt  }
0x42: {  	_ =	shalt  }
0x43: {  	_ =	shalt  }
0x44: {  	_ =	shalt  }
0x45: {  	_ =	shalt  }
0x46: {  	_ =	shalt  }
0x47: {  	_ =	shalt  }
0x48: {  	_ =	shalt  }
0x49: {  	_ =	shalt  }
0x4a: {  	_ =	shalt  }
0x4b: {  	_ =	shalt  }
0x4c: {  	_ =	shalt  }
0x4d: {  	_ =	shalt  }
0x4e: {  	_ =	shalt  }
0x4f: {  	_ =	shalt  }
0x50: {  	_ =	shalt  }
0x51: {  	_ =	shalt  }
0x52: {  	_ =	shalt  }
0x53: {  	_ =	shalt  }
0x54: {  	_ =	shalt  }
0x55: {  	_ =	shalt  }
0x56: {  	_ =	shalt  }
0x57: {  	_ =	shalt  }
0x58: {  	_ =	shalt  }
0x59: {  	_ =	shalt  }
0x5a: {  	_ =	shalt  }
0x5b: {  	_ =	shalt  }
0x5c: {  	_ =	shalt  }
0x5d: {  	_ =	shalt  }
0x5e: {  	_ =	shalt  }
0x5f: {  	_ =	shalt  }
0x60: {  	_ =	shalt  }
0x61: {  	_ =	shalt  }
0x62: {  	_ =	shalt  }
0x63: {  	_ =	shalt  }
0x64: {  	_ =	shalt  }
0x65: {  	_ =	shalt  }
0x66: {  	_ =	shalt  }
0x67: {  	_ =	shalt  }
0x68: {  	_ =	shalt  }
0x69: {  	_ =	shalt  }
0x6a: {  	_ =	shalt  }
0x6b: {  	_ =	shalt  }
0x6c: {  	_ =	shalt  }
0x6d: {  	_ =	shalt  }
0x6e: {  	_ =	shalt  }
0x6f: {  	_ =	shalt  }
0x70: {  	_ =	shalt  }
0x71: {  	_ =	shalt  }
0x72: {  	_ =	shalt  }
0x73: {  	_ =	shalt  }
0x74: {  	_ =	shalt  }
0x75: {  	_ =	shalt  }
0x76: {  	_ =	shalt  }
0x77: {  	_ =	shalt  }
0x78: {  	_ =	shalt  }
0x79: {  	_ =	shalt  }
0x7a: {  	_ =	shalt  }
0x7b: {  	_ =	shalt  }
0x7c: {  	_ =	shalt  }
0x7d: {  	_ =	shalt  }
0x7e: {  	_ =	shalt  }
0x7f: {  	_ =	shalt  }
0x80: {  	_ =	shalt  }
0x81: {  	_ =	shalt  }
0x82: {  	_ =	shalt  }
0x83: {  	_ =	shalt  }
0x84: {  	_ =	shalt  }
0x85: {  	_ =	shalt  }
0x86: {  	_ =	shalt  }
0x87: {  	_ =	shalt  }
.Lfunc_end0:
.L_simem_size_0:
called_computation.1_lowered:
.L_overlay_start_0:
0x88: {  	s2 =	sld [smem:$0x3FD9]  }
0x89: {  	s3 =	sld [smem:$0x3FFE];
	_ =	sdelay $0x1  }
0x8a: {  	s1 =	srdreg.scid  }
0x8b: {  	s0 =	sand.u32 $0x1, s1  }
0x8c: {  	s17 =	sshll.u32 s0, $0xA;
	s2 =	sadd.s32 s3, s2  }
0x8d: {  	s2 =	sadd.s32 s2, s17  }
0x8e: {  	[smem:$0x3FC1] =	sst s2  }
0x8f: {  	_ = 	snop  }
0x90: {  	s2 =	sld [smem:$0x3FD0];
	(tm) =	ssettm $0x1  }
0x91: {  	s18 =	sld [smem:$0x3FFB];
	_ =	sdelay $0x3  }
0x92: {  	_ =	strace s18  }
0x93: {  	s3 =	sld [smem:$0x3FFC];
	_ =	sdelay $0x3  }
0x94: {  	_ =	strace s3  }
0x95: {  	s3 =	sld [smem:$0x3FFD];
	_ =	sdelay $0x3  }
0x96: {  	_ =	strace s3  }
0x97: {  	_ =	strace $0x8FFFFFFF  }
0x98: {  	s19 =	sld [smem:$0x3FDB];
	_ =	sdelay $0x1  }
0x99: {  	s4 =	simm.s32 $_scs_section_size  }
0x9a: {  	s5 =	simm.s32 $_size__tile_overlayer_lowered;
	s6 =	simm.s32 $_tile_overlayer_lowered  }
0x9b: {  	s22 =	simm.s32 $0x1BFF;
	s21 =	sshll.u32 s6, $0x1;
	s3 =	sadd.s32 s4, s19  }
0x9c: {  	s7 =	simm.s32 $0x0;
	s20 =	sshll.u32 s5, $0x1;
	s5 =	sadd.s32 s21, s3  }
0x9d: {  	[timem:s7], [sflag:s22] =	dma.local [hbm:s5], s20  }
0x9e: {  	_ =	swait.ge [sflag:s22], s20  }
0x9f: {  	s4 =	ssub.s32 $0x0, s20;
	[sflag:s22] =	ssyncset.done $0x0  }
0xa0: {  	[sflag:s22] =	ssyncadd.s32 s4;
	_ =	sdelay $0x1  }
0xa1: {  	s23 =	simm.s32 $0x1B8B  }
0xa2: {  	_ =	swait.ge [sflag:s23], $0x1  }
0xa3: {  	[sflag:s23] =	ssyncset.done $0x0  }
0xa4: {  	s25 =	simm.s32 $0x1B8E;
	s24 =	sld [smem:$0x3FFE];
	[sflag:s23] =	ssyncadd.s32 $0xFFFFFFFF  }
0xa5: {  	s26 =	simm.s32 $execute0_lowered;
	[smem:$0x3FD2] =	sst s25  }
0xa6: {  	s5 =	sshll.u32 s26, $0x1;
	_ =	strace $0x80000049;
	[dreg:$0x1] =	wrdreg $0xFFFFFFFF  }
0xa7: {  	s28 =	simm.s32 $_size_execute0_lowered;
	s3 =	sadd.s32 s3, s5;
	[dreg:$0x0] =	wrdreg $0x0  }
0xa8: {  	s5 =	sshll.u32 s28, $0x1;
	[dreg:$0x2] =	wrdreg s3  }
0xa9: {  	[dreg:$0x3] =	wrdreg s5  }
0xaa: {  	[dreg:$0x4] =	wrdreg $0xC0  }
0xab: {  	_ =	task [dreg:s7], $0x5FFFF  }
0xac: {  	[dreg:$0x1] =	wrdreg $0xFFFFFFFF  }
0xad: {  	[dreg:$0x0] =	wrdreg $0x60  }
0xae: {  	[dreg:$0x2] =	wrdreg s24  }
0xaf: {  	[dreg:$0x3] =	wrdreg s2  }
0xb0: {  	[dreg:$0x4] =	wrdreg $0x9  }
0xb1: {  	_ =	task.clear_ibuf [dreg:s7], $0x5FFFF;
	_ =	strace $0x90000049  }
0xb2: {  	s29 =	simm.s32 $0x9;
	_ =	strace $0x8000004B  }
0xb3: {  	_ =	swait.ge [sflag:s29], $0x1  }
0xb4: {  	[sflag:s29] =	ssyncadd.s32 $0xFFFFFFFF  }
0xb5: {  	_ =	strace $0x9000004B  }
0xb6: {  	_ =	sfence  }
0xb7: {  	s30 =	sld [smem:$0x0];
	_ =	sdelay $0x2  }
0xb8: {  	s31 =	sshll.u32 s1, $0xD;
	s1 =	sshrl.u32 s1, $0x2  }
0xb9: {  	s3 =	sand.u32 $0x4000, s31;
	s1 =	sadd.s32 s1, s30  }
0xba: {  	s0 =	sor.u32 s3, s0;
	s1 =	sshll.u32 s1, $0x11  }
0xbb: {  	s0 =	sor.u32 s1, s0  }
0xbc: {  	s0 =	sadd.s32 $0x8F2B, s0  }
0xbd: {  	[sflag:s0] =	ssyncadd.remote.s32 $0x1  }
0xbe: {  	_ =	sfence.sel $0xFFFF  }
0xbf: {  	[dreg:$0x0] =	wrdreg $0xFFFFFFFF;
	(pc) =	sbr.abs _section_cstart, $3  }
0xc0: {  	[dreg:$0x1] =	wrdreg $0xFFFFFFFF  }
0xc1: {  	_ =	task.clear_ibuf [dreg:s7], $0x2FFFF;
	_ =	strace $0x9FFFFFFF  }
0xc2: {  	(tm) =	ssettm $0x7FFFFFFF  }
0xc3: {  	_ =	shalt  }
tec
execute0_lowered:
.L_overlay_start_1:
0x0: {  	(tag) =	ssettag $0x1  }
0x1: {  	s0 =	rddreg [dreg:$0x0]  }
0x2: {  	s1 =	rddreg [dreg:$0x1]  }
0x3: {  	s3 =	simm.s32 $0x0;
	s5 =	srdreg.scid;
	s12 =	simm.s32 $0x8000  }
0x4: {  	v0 =	vimm.f32 $0.0e+00;
	vm0 =	vcmask $0xF0C;
	v1 =	vimm.s32 $0x21100212;
	s13 =	simm.s32 $0x10000;
	s14 =	simm.s32 $0x18000;
	s15 =	simm.s32 $0x18C00  }
0x5: {  	s2 =	stileid.u32;
	v2 =	vimm.f32 $1.000000000e+01;
	s16 =	simm.s32 $0x19200;
	s17 =	simm.s32 $0x19600;
	v0 =	vsel vm0, $0xBDCED917, v0;
	vm0 =	vcmask $0x1310  }
0x6: {  	s11 =	simm.s32 $0x1;
	vm1 =	vcmask $0x2304;
	[smem:$0x7FF] =	sst s3;
	s4 =	sadd.s32 $0x1C00, s0;
	v0 =	vsel vm0, $0x3DCED917, v0;
	vm0 =	vcmask $0x1714  }
0x7: {  	s8 =	sand.u32 $0x1, s5;
	s30 =	sshll.u32 s2, $0x1;
	s5 =	sadd.s32 $0x2C00, s0;
	v1 =	vunpack.c.l.s4.s8 v1;
	v0 =	vsel vm0, $0xBDCED917, v0;
	vm0 =	vcmask $0x1B18  }
.Ltmp0:
0x8: {  	v4 =	vlaneseq.u32;
	s6 =	sadd.s32 $0x3C00, s0;
	s9 =	sor.u32 s8, s30;
	v0 =	vsel vm0, $0x3DCED917, v0;
	vm0 =	vcmask $0x1F1C;
	(pc) =	sbr.rel .LBB2_1-.Ltmp0, $4  }
0x9: {  	s7 =	sadd.s32 $0x4C00, s0;
	s8 =	ssub.s32 $0x2, s8;
	s10 =	smul.u32 $0xC0, s9;
	v1 =	vunpack.c.0.s8.s32 v1;
	v0 =	vsel vm0, $0xBDCED917, v0;
	vm0 =	vcmask $0x2320  }
0xa: {  	v5 =	vimm.s32 $0x0;
	s18 =	simm.s32 $0x0;
	_ =	strace $0x8000004A;
	s31 =	sshrl.u32 s8, $0x1;
	v0 =	vsel vm0, $0x3DCED917, v0;
	vm0 =	vcmask $0xB08  }
0xb: {  	s9 =	sshll.u32 s9, $0xF;
	s0 =	sadd.s32 s10, s0;
	s10 =	ssub.s32 s8, s31;
	v1 =	vnsel vm1, $0x0, v1;
	v3 =	vsel vm0, $0x41F00000, v2;
	vm0 =	vcmask $0x231C  }
0xc: {  	s9 =	sadd.s32 $0xFFFFF840, s9;
	s8 =	sadd.s32 $0x5E00, s0;
	s10 =	smax.u32 s10, $0x1;
	v2 =	vimm.s32 $0xBF8;
	v3 =	vsel vm0, $0x41F00000, v3;
	vm0 =	vmxor vm0, vm0  }
.LBB2_23:
0xd: {  	s18 =	sadd.s32 $0x1, s18  }
0xe: {  	p0 =	sne.s32 s18, s10  }
.Ltmp1:
0xf: {  	_ = 	snop;
	(pc) =	sbr.rel @!p0 .LBB2_24-.Ltmp1, $1  }
0x10: {  	_ =	sdelay $0x3  }
.LBB2_1:
0x11: {  	[tilespmem:s3], [sflag:$0x1] =	stream.linear.gather [hbm4b:s4+s3], $0x8000, $0x38;
	[tilespmem:$0x1A200] =	vst v63  }
0x12: {  	_ =	swait.ge [sflag:s11], $0x8000  }
0x13: {  	[sflag:s11] =	ssyncset.done $0x0  }
0x14: {  	[sflag:s11] =	ssyncadd.s32 $0xFFFF8000  }
0x15: {  	[tilespmem:s12], [sflag:$0x1] =	stream.linear.gather [hbm4b:s5+s3], $0x8000, $0x38;
	[tilespmem:$0x1A200] =	vst v63  }
0x16: {  	_ =	swait.ge [sflag:s11], $0x8000  }
0x17: {  	[sflag:s11] =	ssyncset.done $0x0  }
0x18: {  	[sflag:s11] =	ssyncadd.s32 $0xFFFF8000  }
0x19: {  	[tilespmem:s13], [sflag:$0x1] =	stream.linear.gather [hbm4b:s6+s3], $0x8000, $0x38;
	[tilespmem:$0x1A200] =	vst v63  }
0x1a: {  	_ =	swait.ge [sflag:s11], $0x8000  }
0x1b: {  	[sflag:s11] =	ssyncset.done $0x0  }
0x1c: {  	[sflag:s11] =	ssyncadd.s32 $0xFFFF8000  }
0x1d: {  	[tilespmem:s14], [sflag:$0x1] =	stream.linear.gather [hbm4b:s7+s3], $0xC00, $0x38;
	[tilespmem:$0x1A200] =	vst v63  }
0x1e: {  	_ =	swait.ge [sflag:s11], $0xC00  }
0x1f: {  	[sflag:s11] =	ssyncset.done $0x0  }
0x20: {  	[sflag:s11] =	ssyncadd.s32 $0xFFFFF400  }
0x21: {  	[tilespmem:s15], [sflag:$0x1] =	stream.linear.gather [hbm4b:s8+s3], $0x600, $0x38;
	[tilespmem:$0x1A200] =	vst v63  }
0x22: {  	_ =	swait.ge [sflag:s11], $0x600  }
0x23: {  	[sflag:s11] =	ssyncset.done $0x0  }
0x24: {  	[sflag:s11] =	ssyncadd.s32 $0xFFFFFA00  }
0x25: {  	v6 =	vld.idx.msk [tilespmem:v2+s14+$0x0], $0xffff  }
.Ltmp2:
0x26: {  	_ = 	snop;
	(pc) =	sbr.rel .LBB2_2-.Ltmp2, $2  }
0x27: {  	_ =	sdelay $0x2  }
0x28: {  	s19 =	simm.s32 $0x0;
	v6 =	vbroadcast v6, $0x0  }
.LBB2_15:
0x29: {  	v10 =	vimm.s32 $0xFFFFFFFF  }
0x2a: {  	v9 =	vimm.s32 $0xFFFFFFFF;
	v8 =	vimm.s32 $0xFFFFFFFF;
	v7 =	vimm.s32 $0xFFFFFFFF  }
.LBB2_22:
0x2b: {  	vm1 =	veq.s32 v10, v6;
	vm2 =	vlt.s32 v10, $0x0  }
0x2c: {  	vm3 =	vlt.s32 v9, $0x0;
	vm1 =	vmor vm1, vm2;
	vm2 =	veq.s32 v9, v6  }
0x2d: {  	s0 =	sand.u32 $0x1F, s19;
	v62 =	vsel vm1, $0x8000, v10;
	vm1 =	vmor vm2, vm3  }
0x2e: {  	s2 =	sshll.u32 s0, $0x6;
	p0 =	sne.s32 s0, $0x1F;
	vm2 =	vlt.s32 v8, $0x0;
	v63 =	vsel vm1, $0x8000, v9;
	vm1 =	veq.s32 v8, v6  }
0x2f: {  	vm3 =	vlt.s32 v7, $0x0;
	s0 =	sshll.u32 @!p0 s19, $0x6;
	[tilespmem:s2+$0x19A00] =	vst v62;
	vm1 =	vmor vm1, vm2;
	vm2 =	veq.s32 v7, v6  }
0x30: {  	s0 =	sadd.s32 @!p0 s9, s0;
	[tilespmem:s2+$0x19A10] =	vst v63;
	v8 =	vsel vm1, $0x8000, v8;
	vm1 =	vmor vm2, vm3  }
0x31: {  	s20 =	simm.s32 @!p0 $0x19A00;
	s19 =	sadd.s32 $0x1, s19;
	s0 =	sshrl.u32 @!p0 s0, $0x3;
	[tilespmem:s2+$0x19A20] =	vst v8;
	v7 =	vsel vm1, $0x8000, v7  }
0x32: {  	p1 =	sne.s32 s19, $0x200;
	s0 =	sadd.s32 @!p0 s1, s0;
	[tilespmem:s2+$0x19A30] =	vst v7;
	s2 =	simm.s32 @!p0 $0x0  }
0x33: {  	[hbm4b:s0+s2] =	stream.linear.scatter @!p0 [tilespmem:s20], [sflag:$0x1], $0x800, $0x38;
	[tilespmem:$0x1A200] =	vst v63  }
.Ltmp3:
0x34: {  	_ = 	snop;
	(pc) =	sbr.rel @!p1 .LBB2_23-.Ltmp3, $4  }
0x35: {  	s0 =	simm.s32 @!p0 $0x1  }
0x36: {  	_ =	swait.ge @!p0 [sflag:s0], $0x800  }
0x37: {  	[sflag:s0] =	ssyncset.done @!p0 $0x0  }
0x38: {  	[sflag:s0] =	ssyncadd.s32 @!p0 $0xFFFFF800  }
.LBB2_2:
0x39: {  	s0 =	smul.u32 $0x3, s19;
	_ =	sdelay $0x1  }
0x3a: {  	v7 =	vadd.s32 s0, v1;
	_ =	sdelay $0x4  }
0x3b: {  	v9 =	vld.idx.msk [tilespmem:v7+s15+$0x0], $0xffff;
	_ =	sdelay $0x4  }
0x3c: {  	v7 =	vadd.f32 v0, v9;
	_ =	sdelay $0x1  }
0x3d: {  	v7 =	vmul.f32 v3, v7;
	_ =	sdelay $0x1  }
0x3e: {  	v7 =	vtrunc.f32 v7  }
0x3f: {  	v7 =	vcvt.f32.s32 v7;
	_ =	sdelay $0x1  }
0x40: {  	(v2sf) =	vpush v7, $0x3  }
0x41: {  	(v2sf) =	vpush v7, $0x4;
	_ =	sdelay $0x5  }
0x42: {  	(v2sf) =	vpush v7, $0x5  }
0x43: {  	(v2sf) =	vpush v7, $0x6  }
0x44: {  	(v2sf) =	vpush v7, $0x7;
	_ =	sdelay $0x5  }
0x45: {  	s21 =	spop (v2sf)  }
0x46: {  	s20 =	spop (v2sf);
	p0 =	sgt.s32 s21, $0x0  }
0x47: {  	s21 =	simm.s32 @!p0 $0x0;
	p0 =	slt.s32 s20, $0x9  }
0x48: {  	s20 =	simm.s32 @!p0 $0x9  }
0x49: {  	p0 =	sgt.s32 s21, s20  }
.Ltmp4:
0x4a: {  	_ = 	snop;
	(pc) =	sbr.rel @!p0 .LBB2_3-.Ltmp4, $4  }
0x4b: {  	_ = 	snop  }
0x4c: {  	s22 =	spop (v2sf)  }
0x4d: {  	s23 =	spop (v2sf)  }
0x4e: {  	s25 =	simm.s32 $0x0;
	s24 =	spop (v2sf)  }
.LBB2_14:
0x4f: {  	s0 =	sadd.s32 $0xF, s25  }
0x50: {  	s2 =	sand.u32 $0xF, s0  }
0x51: {  	s20 =	sshra.s32 s0, $0x1F;
	p0 =	slt.s32 s0, $0x1;
	p1 =	sne.s32 s2, $0x0  }
0x52: {  	s31 =	sshrl.u32 s20, $0x1C;
	p0 =	por !p0, !p1  }
0x53: {  	s2 =	simm.s32 $0x1;
	s0 =	sadd.s32 s31, s0;
	p0 =	por !p0, !p0  }
0x54: {  	s0 =	sshra.s32 s0, $0x4;
	s2 =	simm.s32 @!p0 $0x0  }
0x55: {  	s0 =	ssub.s32 s0, s2  }
0x56: {  	p0 =	slt.s32 s0, $0x1  }
.Ltmp5:
0x57: {  	_ = 	snop;
	(pc) =	sbr.rel @p0 .LBB2_15-.Ltmp5, $1  }
0x58: {  	_ =	sdelay $0x3  }
0x59: {  	s0 =	sadd.s32 $0xFFFFFFFF, s0  }
0x5a: {  	p1 =	sne.s32 s0, $0x0  }
.Ltmp6:
0x5b: {  	_ = 	snop;
	(pc) =	sbr.rel @!p1 .LBB2_17-.Ltmp6, $4  }
0x5c: {  	_ = 	snop  }
0x5d: {  	s2 =	simm.s32 $0x0  }
0x5e: {  	v8 =	vmov s25;
	s21 =	simm.s32 $0x19200;
	v18 =	vor.u32 s2, v4  }
0x5f: {  	v9 =	vimm.f32 $+Inf;
	v7 =	vimm.s32 $0xFFFFFFFF;
	s20 =	simm.s32 $0x19600;
	p0 =	por $0x0, $0x0;
	v19 =	vld [tilespmem:s21+$0x0];
	vm1 =	vlt.s32 v18, v8  }
0x60: {  	_ =	sdelay $0x3  }
0x61: {  	v10 =	vnsel vm1, $0x7F800000, v19  }
0x62: {  	(xrf0) =	vmin.scan.msk.f32 $0xffff, v10  }
0x63: {  	(xrf0) =	vmax.scan.msk.f32 $0xffff, v9;
	_ =	sdelay $0x4  }
0x64: {  	v11, _, _ =	vpop (xrf0)  }
0x65: {  	(v2sf) =	vpush v11, $0xF;
	v11, _, _ =	vpop (xrf0)  }
0x66: {  	(v2sf) =	vpush v11, $0xF;
	_ =	sdelay $0xd  }
0x67: {  	s2 =	spop (v2sf)  }
0x68: {  	s21 =	spop (v2sf)  }
0x69: {  	p1 =	slt.f32 s2, s21;
	_ =	sdelay $0x1  }
0x6a: {  	v11 =	vld @p1 [tilespmem:s20+$0x0];
	_ =	sdelay $0x3  }
0x6b: {  	vm1 =	vlt.s32 @p1 v18, v8  }
0x6c: {  	v11 =	vnsel @p1 vm1, $0xFFFFFFFF, v11  }
0x6d: {  	(xrf1) =	vsort.ascd.msk.f32 @p1 $0xffff, v10, v11;
	_ =	sdelay $0x8  }
0x6e: {  	v10 =	vlaneseq.u32 @p1  }
0x6f: {  	v10 =	vmul.u32 @p1 $0xFFFFFFFF, v10;
	_ =	sdelay $0x3  }
0x70: {  	v12 =	vadd.s32 @p1 $0xF, v10;
	v10, v11, _ =	vpop @p1 (xrf1)  }
0x71: {  	v10 =	vperm.xlane @p1 v10, v12  }
0x72: {  	v11 =	vperm.xlane @p1 v11, v12  }
0x73: {  	vm1 =	vle.f32 @p1 v9, v10  }
0x74: {  	v13 =	vsel @p1 vm1, v10, v9;
	v14 =	vsel @p1 vm1, v11, v7  }
0x75: {  	(xrf1) =	vsort.ascd.msk.f32 @p1 $0xffff, v13, v14;
	_ =	sdelay $0xd  }
0x76: {  	v13, v14, _ =	vpop @p1 (xrf1)  }
0x77: {  	v13 =	vperm.xlane @p1 v13, v12  }
0x78: {  	v14 =	vperm.xlane @p1 v14, v12  }
0x79: {  	v10 =	vsel @p1 vm1, v9, v10;
	v11 =	vsel @p1 vm1, v7, v11;
	vm1 =	vle.f32 @p1 v9, v13  }
0x7a: {  	(xrf1) =	vsort.ascd.msk.f32 @p1 $0xffff, v10, v11;
	v10 =	vsel @p1 vm1, v13, v9;
	v11 =	vsel @p1 vm1, v14, v7  }
0x7b: {  	(xrf1) =	vsort.ascd.msk.f32 @p1 $0xffff, v10, v11;
	_ =	sdelay $0xc  }
0x7c: {  	v10, v11, _ =	vpop @p1 (xrf1)  }
0x7d: {  	v15, v16, _ =	vpop @p1 (xrf1)  }
0x7e: {  	v15 =	vperm.xlane @p1 v15, v12  }
0x7f: {  	v16 =	vperm.xlane @p1 v16, v12  }
0x80: {  	v13 =	vsel @p1 vm1, v9, v13;
	v14 =	vsel @p1 vm1, v7, v14;
	vm1 =	vle.f32 @p1 v9, v15  }
0x81: {  	(xrf1) =	vsort.ascd.msk.f32 @p1 $0xffff, v13, v14;
	v13 =	vsel @p1 vm1, v15, v9;
	v14 =	vsel @p1 vm1, v16, v7  }
0x82: {  	(xrf1) =	vsort.ascd.msk.f32 @p1 $0xffff, v13, v14  }
0x83: {  	v13 =	vsel @p1 vm1, v9, v15;
	v14 =	vsel @p1 vm1, v7, v16  }
0x84: {  	(xrf1) =	vsort.ascd.msk.f32 @p1 $0xffff, v13, v14;
	_ =	sdelay $0xa  }
0x85: {  	v13, v16, _ =	vpop @p1 (xrf1)  }
0x86: {  	v14, v17, _ =	vpop @p1 (xrf1)  }
0x87: {  	v15 =	vpsel p1, v10, v9;
	v18 =	vperm.xlane @p1 v14, v12  }
0x88: {  	v10 =	vpsel p1, v11, v7;
	v11 =	vpsel p1, v16, v7;
	v16 =	vperm.xlane @p1 v17, v12;
	v12, v17, _ =	vpop @p1 (xrf1)  }
0x89: {  	v14 =	vpsel p1, v13, v9;
	v13 =	vpsel p1, v12, v9;
	vm1 =	vle.f32 @p1 v9, v18  }
0x8a: {  	v12 =	vpsel p1, v17, v7;
	v17 =	vsel @p1 vm1, v9, v18;
	v16 =	vsel @p1 vm1, v7, v16  }
0x8b: {  	(xrf1) =	vsort.ascd.msk.f32 @p1 $0xffff, v17, v16;
	_ =	sdelay $0x6  }
0x8c: {  	s22 =	sadd.s32 $0xFFFFFFFF, s0  }
0x8d: {  	s24 =	simm.s32 $0x19210;
	p2 =	sne.s32 s22, $0x0  }
.Ltmp7:
0x8e: {  	v19 =	vld [tilespmem:s24+$0x0];
	(pc) =	sbr.rel @!p2 .LBB2_19-.Ltmp7, $4  }
0x8f: {  	_ = 	snop  }
0x90: {  	s23 =	simm.s32 $0x10  }
0x91: {  	v18 =	vor.u32 s23, v4  }
0x92: {  	p0 =	por $0x1, $0x1;
	s21 =	simm.s32 $0x19600;
	vm1 =	vlt.s32 v18, v8;
	v17 =	vimm.f32 $+Inf;
	v16 =	vimm.s32 $0xFFFFFFFF  }
.LBB2_20:
0x93: {  	s22 =	sadd.s32 $0xFFFFFFFF, s22;
	v19 =	vnsel vm1, $0x7F800000, v19;
	s21 =	sadd.s32 $0x10, s21;
	v20, v21, _ =	vpop @p1 (xrf1)  }
0x94: {  	p2 =	sne.s32 s22, $0x0;
	(xrf0) =	vmin.scan.msk.f32 $0xffff, v19;
	v17 =	vpsel p1, v20, v17;
	v16 =	vpsel p1, v21, v16  }
0x95: {  	(xrf0) =	vmax.scan.msk.f32 $0xffff, v17;
	_ =	sdelay $0x4  }
0x96: {  	v20, _, _ =	vpop (xrf0)  }
0x97: {  	(v2sf) =	vpush v20, $0xF;
	v20, _, _ =	vpop (xrf0)  }
0x98: {  	(v2sf) =	vpush v20, $0xF;
	_ =	sdelay $0xd  }
0x99: {  	s0 =	spop (v2sf)  }
0x9a: {  	s2 =	spop (v2sf)  }
0x9b: {  	p1 =	slt.f32 s0, s2;
	_ =	sdelay $0x1  }
0x9c: {  	v20 =	vld @p1 [tilespmem:s21+$0x0];
	v21 =	vlaneseq.u32 @p1  }
0x9d: {  	v21 =	vmul.u32 @p1 $0xFFFFFFFF, v21;
	_ =	sdelay $0x1  }
0x9e: {  	vm1 =	vlt.s32 @p1 v18, v8;
	_ =	sdelay $0x1  }
0x9f: {  	v18 =	vnsel @p1 vm1, $0xFFFFFFFF, v20  }
0xa0: {  	(xrf1) =	vsort.ascd.msk.f32 @p1 $0xffff, v19, v18;
	_ =	sdelay $0xc  }
0xa1: {  	v18 =	vadd.s32 @p1 $0xF, v21  }
0xa2: {  	v19, v20, _ =	vpop @p1 (xrf1)  }
0xa3: {  	v19 =	vperm.xlane @p1 v19, v18;
	v20 =	vperm.xlane @p1 v20, v18;
	_ =	sdelay $0x1  }
0xa4: {  	vm1 =	vle.f32 @p1 v15, v19  }
0xa5: {  	v21 =	vsel @p1 vm1, v15, v19;
	v19 =	vsel @p1 vm1, v19, v15;
	v22 =	vsel @p1 vm1, v20, v10  }
0xa6: {  	v20 =	vsel @p1 vm1, v10, v20;
	(xrf1) =	vsort.ascd.msk.f32 @p1 $0xffff, v19, v22  }
0xa7: {  	(xrf1) =	vsort.ascd.msk.f32 @p1 $0xffff, v21, v20;
	_ =	sdelay $0xc  }
0xa8: {  	v19, v20, _ =	vpop @p1 (xrf1)  }
0xa9: {  	v19 =	vperm.xlane @p1 v19, v18;
	v20 =	vperm.xlane @p1 v20, v18;
	v21, v22, _ =	vpop @p1 (xrf1)  }
0xaa: {  	v15 =	vpsel p1, v21, v15;
	v10 =	vpsel p1, v22, v10  }
0xab: {  	vm1 =	vle.f32 @p1 v14, v19  }
0xac: {  	v21 =	vsel @p1 vm1, v14, v19;
	v19 =	vsel @p1 vm1, v19, v14;
	v22 =	vsel @p1 vm1, v20, v11  }
0xad: {  	v20 =	vsel @p1 vm1, v11, v20;
	(xrf1) =	vsort.ascd.msk.f32 @p1 $0xffff, v19, v22  }
0xae: {  	(xrf1) =	vsort.ascd.msk.f32 @p1 $0xffff, v21, v20;
	_ =	sdelay $0xc  }
0xaf: {  	v19, v20, _ =	vpop @p1 (xrf1)  }
0xb0: {  	v19 =	vperm.xlane @p1 v19, v18;
	v20 =	vperm.xlane @p1 v20, v18;
	v21, v22, _ =	vpop @p1 (xrf1)  }
0xb1: {  	v14 =	vpsel p1, v21, v14;
	v11 =	vpsel p1, v22, v11  }
0xb2: {  	vm1 =	vle.f32 @p1 v13, v19  }
0xb3: {  	v21 =	vsel @p1 vm1, v13, v19;
	v19 =	vsel @p1 vm1, v19, v13;
	v22 =	vsel @p1 vm1, v20, v12  }
0xb4: {  	v20 =	vsel @p1 vm1, v12, v20;
	(xrf1) =	vsort.ascd.msk.f32 @p1 $0xffff, v19, v22  }
0xb5: {  	(xrf1) =	vsort.ascd.msk.f32 @p1 $0xffff, v21, v20;
	_ =	sdelay $0xc  }
0xb6: {  	v19, v20, _ =	vpop @p1 (xrf1)  }
0xb7: {  	v19 =	vperm.xlane @p1 v19, v18;
	v18 =	vperm.xlane @p1 v20, v18;
	v20, v21, _ =	vpop @p1 (xrf1)  }
0xb8: {  	v13 =	vpsel p1, v20, v13;
	v12 =	vpsel p1, v21, v12  }
0xb9: {  	vm1 =	vle.f32 @p1 v17, v19  }
0xba: {  	v19 =	vsel @p1 vm1, v17, v19;
	v18 =	vsel @p1 vm1, v16, v18  }
0xbb: {  	(xrf1) =	vsort.ascd.msk.f32 @p1 $0xffff, v19, v18;
	_ =	sdelay $0x7  }
0xbc: {  	s24 =	sadd.s32 $0x10, s24  }
.Ltmp8:
0xbd: {  	v19 =	vld [tilespmem:s24+$0x0];
	(pc) =	sbr.rel @p2 .LBB2_20-.Ltmp8, $4  }
0xbe: {  	_ = 	snop  }
0xbf: {  	s23 =	sadd.s32 $0x10, s23  }
0xc0: {  	v18 =	vor.u32 s23, v4  }
0xc1: {  	vm1 =	vlt.s32 v18, v8  }
.LBB2_21:
0xc2: {  	p2 =	por !p1, !p0  }
0xc3: {  	v20, v21, _ =	vpop @!p2 (xrf1)  }
0xc4: {  	v19 =	vnsel vm1, $0x7F800000, v19;
	v17 =	vpsel p2, v17, v20  }
0xc5: {  	(xrf0) =	vmin.scan.msk.f32 $0xffff, v19;
	v9 =	vpsel p0, v17, v9  }
0xc6: {  	(xrf0) =	vmax.scan.msk.f32 $0xffff, v9;
	_ =	sdelay $0x4  }
0xc7: {  	v62, _, _ =	vpop (xrf0)  }
0xc8: {  	(v2sf) =	vpush v62, $0xF;
	v63, _, _ =	vpop (xrf0)  }
0xc9: {  	(v2sf) =	vpush v63, $0xF;
	_ =	sdelay $0xd  }
0xca: {  	s0 =	spop (v2sf)  }
0xcb: {  	s2 =	spop (v2sf)  }
0xcc: {  	s21 =	sadd.s32 @p0 $0x10, s21;
	p1 =	slt.f32 s0, s2  }
0xcd: {  	s20 =	smov.u32 @p0 s21  }
0xce: {  	v17 =	vld @p1 [tilespmem:s20+$0x0];
	_ =	sdelay $0x3  }
0xcf: {  	vm1 =	vlt.s32 @p1 v18, v8  }
0xd0: {  	v8 =	vnsel @p1 vm1, $0xFFFFFFFF, v17  }
0xd1: {  	(xrf1) =	vsort.ascd.msk.f32 @p1 $0xffff, v19, v8;
	_ =	sdelay $0xa  }
0xd2: {  	v8 =	vlaneseq.u32 @p1  }
0xd3: {  	v8 =	vmul.u32 @p1 $0xFFFFFFFF, v8;
	_ =	sdelay $0x1  }
0xd4: {  	v8 =	vadd.s32 @p1 $0xF, v8;
	v17, v18, _ =	vpop @p1 (xrf1)  }
0xd5: {  	v17 =	vperm.xlane @p1 v17, v8  }
0xd6: {  	v18 =	vperm.xlane @p1 v18, v8  }
0xd7: {  	vm1 =	vle.f32 @p1 v15, v17  }
0xd8: {  	v19 =	vsel @p1 vm1, v17, v15;
	v20 =	vsel @p1 vm1, v18, v10  }
0xd9: {  	(xrf1) =	vsort.ascd.msk.f32 @p1 $0xffff, v19, v20;
	_ =	sdelay $0xd  }
0xda: {  	v19, v20, _ =	vpop @p1 (xrf1)  }
0xdb: {  	v19 =	vperm.xlane @p1 v19, v8  }
0xdc: {  	v20 =	vperm.xlane @p1 v20, v8  }
0xdd: {  	v15 =	vsel @p1 vm1, v15, v17;
	v17 =	vsel @p1 vm1, v10, v18;
	vm1 =	vle.f32 @p1 v14, v19  }
0xde: {  	(xrf1) =	vsort.ascd.msk.f32 @p1 $0xffff, v15, v17;
	v15 =	vsel @p1 vm1, v19, v14;
	v17 =	vsel @p1 vm1, v20, v11  }
0xdf: {  	(xrf1) =	vsort.ascd.msk.f32 @p1 $0xffff, v15, v17;
	_ =	sdelay $0xc  }
0xe0: {  	v15, v17, _ =	vpop @p1 (xrf1)  }
0xe1: {  	v15, v18, _ =	vpop @p1 (xrf1)  }
0xe2: {  	v15 =	vperm.xlane @p1 v15, v8  }
0xe3: {  	v18 =	vperm.xlane @p1 v18, v8  }
0xe4: {  	v14 =	vsel @p1 vm1, v14, v19;
	v19 =	vsel @p1 vm1, v11, v20;
	vm1 =	vle.f32 @p1 v13, v15  }
0xe5: {  	(xrf1) =	vsort.ascd.msk.f32 @p1 $0xffff, v14, v19;
	v14 =	vsel @p1 vm1, v15, v13;
	v19 =	vsel @p1 vm1, v18, v12  }
0xe6: {  	(xrf1) =	vsort.ascd.msk.f32 @p1 $0xffff, v14, v19;
	_ =	sdelay $0xc  }
0xe7: {  	v14, v19, _ =	vpop @p1 (xrf1)  }
0xe8: {  	v14, v20, _ =	vpop @p1 (xrf1)  }
0xe9: {  	v16 =	vpsel p2, v16, v21;
	v14 =	vperm.xlane @p1 v14, v8  }
0xea: {  	v7 =	vpsel p0, v16, v7;
	v8 =	vperm.xlane @p1 v20, v8  }
0xeb: {  	v13 =	vsel @p1 vm1, v13, v15;
	v15 =	vsel @p1 vm1, v12, v18;
	vm1 =	vle.f32 @p1 v9, v14  }
0xec: {  	(xrf1) =	vsort.ascd.msk.f32 @p1 $0xffff, v13, v15;
	v9 =	vsel @p1 vm1, v9, v14;
	v8 =	vsel @p1 vm1, v7, v8  }
0xed: {  	(xrf1) =	vsort.ascd.msk.f32 @p1 $0xffff, v9, v8;
	_ =	sdelay $0xa  }
.Ltmp9:
0xee: {  	_ = 	snop;
	(pc) =	sbr.rel .LBB2_22-.Ltmp9, $4  }
0xef: {  	_ = 	snop  }
0xf0: {  	v8, v13, _ =	vpop @p1 (xrf1)  }
0xf1: {  	v10 =	vpsel p1, v17, v10;
	v8, v14, _ =	vpop @p1 (xrf1)  }
0xf2: {  	v9 =	vpsel p1, v19, v11;
	v8 =	vpsel p1, v13, v12;
	v7 =	vpsel p1, v14, v7  }
.LBB2_3:
0xf3: {  	(v2sf) =	vpush v7, $0x8;
	_ =	sdelay $0xd  }
.Ltmp10:
0xf4: {  	_ = 	snop;
	(pc) =	sbr.rel .LBB2_4-.Ltmp10, $4  }
0xf5: {  	p0 =	sgt.s32 s22, $0x0;
	s25 =	simm.s32 $0x0;
	s0 =	spop (v2sf)  }
0xf6: {  	s22 =	simm.s32 @!p0 $0x0;
	p0 =	slt.s32 s23, $0x9;
	p1 =	slt.s32 s0, $0x1D  }
0xf7: {  	v7 =	vbroadcast v9, $0x0;
	s23 =	simm.s32 @!p0 $0x9;
	p0 =	sgt.s32 s24, $0x0;
	s0 =	simm.s32 @!p1 $0x1D  }
0xf8: {  	v8 =	vbroadcast v9, $0x1;
	v9 =	vbroadcast v9, $0x2;
	s24 =	simm.s32 @!p0 $0x0;
	p0 =	sgt.s32 s22, s23;
	s26 =	sadd.s32 $0x1, s0  }
.LBB2_13:
0xf9: {  	p1 =	slt.s32 s21, s20  }
.Ltmp11:
0xfa: {  	_ = 	snop;
	(pc) =	sbr.rel @!p1 .LBB2_14-.Ltmp11, $3  }
0xfb: {  	_ =	sdelay $0x1  }
0xfc: {  	s0 =	sadd.s32 $0x1, s21  }
0xfd: {  	s21 =	smov.u32 s0  }
.LBB2_4:
.Ltmp12:
0xfe: {  	(pc) =	sbr.rel @p0 .LBB2_13-.Ltmp12, $1  }
0xff: {  	_ =	sdelay $0x3  }
.Ltmp13:
0x100: {  	(pc) =	sbr.rel .LBB2_6-.Ltmp13, $2  }
0x101: {  	_ =	sdelay $0x2  }
0x102: {  	s28 =	smul.u32 $0xA, s21;
	s29 =	smov.u32 s22  }
.LBB2_8:
0x103: {  	_ = 	snop  }
.LBB2_11:
0x104: {  	v15 =	vadd.s32 @p1 s0, v15;
	_ =	sdelay $0x4  }
0x105: {  	[tilespmem:v15+s16+$0x0] =	vst.idx.msk @p1 vm1, v13  }
0x106: {  	[tilespmem:v15+s17+$0x0] =	vst.idx.msk @p1 vm1, v12  }
0x107: {  	v55 =	vadd.s32 s30, v4;
	v13 =	vld.idx.msk [tilespmem:v14+s3+$0x0], $0xffff  }
0x108: {  	vm1 =	vlt.s32 v55, $0x7FFF;
	v15 =	vld.idx.msk [tilespmem:v14+s12+$0x0], $0xffff  }
0x109: {  	v16 =	vnsel vm1, $0x7FFF, v55  }
0x10a: {  	v56 =	vld.idx.msk [tilespmem:v14+s13+$0x0], $0xffff;
	_ =	sdelay $0x2  }
0x10b: {  	v13 =	vsub.f32 v7, v13;
	v15 =	vsub.f32 v8, v15  }
0x10c: {  	v17 =	vld.idx.msk [tilespmem:v16+s3+$0x0], $0xffff  }
0x10d: {  	v18 =	vld.idx.msk [tilespmem:v16+s12+$0x0], $0xffff;
	v14 =	vsub.f32 v9, v56;
	v13 =	vmul.f32 v13, v13;
	v15 =	vmul.f32 v15, v15  }
0x10e: {  	v16 =	vld.idx.msk [tilespmem:v16+s13+$0x0], $0xffff  }
0x10f: {  	s2 =	spop @p1 (v2sf);
	v14 =	vmul.f32 v14, v14;
	v13 =	vadd.f32 v15, v13  }
0x110: {  	s0 =	sadd.s32 @p1 s0, s2  }
0x111: {  	vm2 =	vmmov vm0;
	s25 =	smov.u32 @p1 s0;
	v13 =	vadd.f32 v14, v13  }
0x112: {  	p1 =	slt.s32 s25, $0x3E0;
	vm1 =	vlt.s32 v10, v11;
	v57 =	vsub.f32 v7, v17;
	v58 =	vsub.f32 v8, v18  }
0x113: {  	vm2 =	vmneg @p1 vm2;
	v16 =	vsub.f32 v9, v16;
	vm3 =	vle.f32 v13, $9.999999770e-03  }
0x114: {  	v15 =	vmul.f32 v57, v57;
	v14 =	vmul.f32 v58, v58;
	vm1 =	vmand vm1, vm3  }
0x115: {  	vm1 =	vmand vm2, vm1  }
0x116: {  	v59 =	vmul.f32 v16, v16;
	v14 =	vadd.f32 v14, v15;
	v60 =	vsel vm1, $0x1, v5  }
0x117: {  	(xrf0) =	vadd.scan.msk.s32 $0xffff, v60  }
0x118: {  	v14 =	vadd.f32 v59, v14;
	_ =	sdelay $0x1  }
0x119: {  	vm3 =	vlt.s32 v55, v11;
	vm4 =	vle.f32 v14, $9.999999770e-03  }
0x11a: {  	vm3 =	vmand vm3, vm4  }
0x11b: {  	vm2 =	vmand vm2, vm3  }
0x11c: {  	v11 =	vsel vm2, $0x1, v5;
	v61, _, _ =	vpop (xrf0)  }
0x11d: {  	(xrf0) =	vadd.scan.msk.s32 $0xffff, v11;
	(v2sf) =	vpush v61, $0xF;
	_ =	sdelay $0x5  }
0x11e: {  	v11, _, _ =	vpop (xrf0)  }
0x11f: {  	(v2sf) =	vpush v11, $0xF;
	_ =	sdelay $0x5  }
0x120: {  	v62 =	vsel vm1, $0xFFFFFFFF, v5  }
0x121: {  	v16 =	vadd.s32 s25, v62  }
0x122: {  	v63 =	vsel vm2, $0xFFFFFFFF, v5;
	v15 =	vadd.s32 v61, v16;
	s30 =	spop (v2sf)  }
0x123: {  	v11 =	vadd.s32 v63, v11;
	s0 =	sadd.s32 s25, s30  }
0x124: {  	v11 =	vadd.s32 s0, v11;
	_ =	sdelay $0x2  }
0x125: {  	[tilespmem:v15+s16+$0x0] =	vst.idx.msk vm1, v13  }
0x126: {  	[tilespmem:v15+s17+$0x0] =	vst.idx.msk vm1, v10  }
0x127: {  	s31 =	spop (v2sf);
	[tilespmem:v11+s16+$0x0] =	vst.idx.msk vm2, v14  }
0x128: {  	s25 =	sadd.s32 s0, s31;
	[tilespmem:v11+s17+$0x0] =	vst.idx.msk vm2, v55  }
.LBB2_12:
0x129: {  	p1 =	slt.s32 s29, s23  }
.Ltmp14:
0x12a: {  	_ = 	snop;
	(pc) =	sbr.rel @!p1 .LBB2_13-.Ltmp14, $3  }
0x12b: {  	_ =	sdelay $0x1  }
0x12c: {  	s0 =	sadd.s32 $0x1, s29  }
0x12d: {  	s29 =	smov.u32 s0  }
.LBB2_6:
0x12e: {  	_ = 	snop  }
0x12f: {  	s0 =	sadd.s32 s28, s29  }
0x130: {  	s0 =	smul.u32 $0x1E, s0;
	_ =	sdelay $0x1  }
0x131: {  	s30 =	sadd.s32 s24, s0  }
0x132: {  	s0 =	sadd.s32 s0, s26;
	v10 =	vmov s30  }
0x133: {  	v11 =	vmov s0;
	_ =	sdelay $0x3  }
0x134: {  	v10 =	vld.idx.msk [tilespmem:v10+s14+$0x0], $0xffff  }
0x135: {  	v11 =	vld.idx.msk [tilespmem:v11+s14+$0x0], $0xffff;
	_ =	sdelay $0x3  }
0x136: {  	(v2sf) =	vpush v10, $0x0  }
0x137: {  	(v2sf) =	vpush v11, $0x0;
	_ =	sdelay $0xd  }
0x138: {  	s0 =	spop (v2sf)  }
0x139: {  	s2 =	spop (v2sf)  }
0x13a: {  	s30 =	ssub.s32 s2, s0  }
0x13b: {  	s30 =	sadd.s32 $0xF, s30  }
0x13c: {  	s31 =	sand.u32 $0xF, s30  }
0x13d: {  	s2 =	sshra.s32 s30, $0x1F;
	p1 =	slt.s32 s30, $0x1;
	p2 =	sne.s32 s31, $0x0  }
0x13e: {  	s2 =	sshrl.u32 s2, $0x1C;
	p1 =	por !p1, !p2  }
0x13f: {  	s2 =	sadd.s32 s2, s30;
	s30 =	simm.s32 $0x1;
	p1 =	por !p1, !p1  }
0x140: {  	s2 =	sshra.s32 s2, $0x4;
	s30 =	simm.s32 @!p1 $0x0  }
0x141: {  	s2 =	ssub.s32 s2, s30  }
0x142: {  	s30 =	sadd.s32 $0x1, s2  }
0x143: {  	s31 =	sand.u32 $0x1, s30  }
0x144: {  	p5 =	slt.s32 s2, $0x0;
	p6 =	seq.s32 s31, $0x1  }
0x145: {  	s2 =	sshrl.u32 s30, $0x1F;
	p1 =	por !p5, !p6  }
0x146: {  	s2 =	sadd.s32 s2, s30;
	s30 =	simm.s32 $0x1;
	p1 =	por !p1, !p1  }
0x147: {  	s2 =	sshra.s32 s2, $0x1;
	s30 =	simm.s32 @!p1 $0x0  }
0x148: {  	s31 =	ssub.s32 s2, s30  }
0x149: {  	p1 =	slt.s32 s31, $0x1  }
.Ltmp15:
0x14a: {  	_ = 	snop;
	(pc) =	sbr.rel @p1 .LBB2_12-.Ltmp15, $1  }
0x14b: {  	_ =	sdelay $0x3  }
0x14c: {  	p2 =	sne.s32 s31, $0x1  }
.Ltmp16:
0x14d: {  	s30 =	sadd.s32 $0x10, s0;
	(pc) =	sbr.rel @!p2 .LBB2_8-.Ltmp16, $4  }
0x14e: {  	s0 =	sadd.s32 $0xFFFFFFF0, s30  }
0x14f: {  	v10 =	vadd.s32 s0, v4  }
0x150: {  	vm1 =	vlt.s32 v10, $0x7FFF  }
0x151: {  	v11 =	vbroadcast v11, $0x0;
	p1 =	por $0x0, $0x0;
	s0 =	sadd.s32 $0xFFFFFFFF, s31;
	v14 =	vnsel vm1, $0x7FFF, v10  }
0x152: {  	_ =	sdelay $0x3  }
0x153: {  	v12 =	vld.idx.msk [tilespmem:v14+s3+$0x0], $0xffff  }
0x154: {  	v13 =	vld.idx.msk [tilespmem:v14+s12+$0x0], $0xffff  }
0x155: {  	v14 =	vld.idx.msk [tilespmem:v14+s13+$0x0], $0xffff;
	_ =	sdelay $0x3  }
0x156: {  	v12 =	vsub.f32 v7, v12;
	v13 =	vsub.f32 v8, v13  }
0x157: {  	v14 =	vsub.f32 v9, v14  }
0x158: {  	v15 =	vmul.f32 v12, v12;
	v13 =	vmul.f32 v13, v13;
	v12 =	vadd.s32 s30, v4  }
0x159: {  	vm1 =	vlt.s32 v12, $0x7FFF  }
0x15a: {  	v14 =	vmul.f32 v14, v14;
	v13 =	vadd.f32 v13, v15;
	v15 =	vnsel vm1, $0x7FFF, v12;
	_ =	sdelay $0x1  }
0x15b: {  	v14 =	vadd.f32 v14, v13;
	_ =	sdelay $0x1  }
0x15c: {  	p1 =	slt.s32 s25, $0x3E0;
	vm2 =	vmmov vm0;
	vm1 =	vlt.s32 v10, v11;
	vm3 =	vle.f32 v14, $9.999999770e-03  }
0x15d: {  	vm2 =	vmneg @p1 vm2;
	vm1 =	vmand vm1, vm3;
	v13 =	vld.idx.msk [tilespmem:v15+s3+$0x0], $0xffff  }
0x15e: {  	v16 =	vld.idx.msk [tilespmem:v15+s12+$0x0], $0xffff;
	vm3 =	vmand vm2, vm1  }
0x15f: {  	v17 =	vsel vm3, $0x1, v5  }
0x160: {  	v15 =	vld.idx.msk [tilespmem:v15+s13+$0x0], $0xffff;
	(xrf0) =	vadd.scan.msk.s32 $0xffff, v17;
	_ =	sdelay $0x2  }
0x161: {  	v13 =	vsub.f32 v7, v13;
	v16 =	vsub.f32 v8, v16;
	_ =	sdelay $0x1  }
0x162: {  	v15 =	vsub.f32 v9, v15;
	v13 =	vmul.f32 v13, v13;
	v16 =	vmul.f32 v16, v16  }
0x163: {  	v17, _, _ =	vpop (xrf0)  }
0x164: {  	v15 =	vmul.f32 v15, v15;
	v13 =	vadd.f32 v16, v13;
	(v2sf) =	vpush v17, $0xF;
	_ =	sdelay $0x1  }
0x165: {  	v13 =	vadd.f32 v15, v13;
	_ =	sdelay $0x1  }
0x166: {  	vm1 =	vlt.s32 v12, v11;
	vm4 =	vle.f32 v13, $9.999999770e-03  }
0x167: {  	vm1 =	vmand vm1, vm4  }
0x168: {  	v15 =	vsel vm3, $0xFFFFFFFF, v5;
	vm1 =	vmand vm2, vm1  }
0x169: {  	v15 =	vadd.s32 s25, v15;
	v16 =	vsel vm1, $0x1, v5  }
0x16a: {  	v15 =	vadd.s32 v17, v15;
	(xrf0) =	vadd.scan.msk.s32 $0xffff, v16;
	_ =	sdelay $0x4  }
0x16b: {  	s30 =	sadd.s32 $0x20, s30;
	[tilespmem:v15+s16+$0x0] =	vst.idx.msk vm3, v14  }
0x16c: {  	s2 =	sadd.s32 $0xFFFFFFF0, s30;
	[tilespmem:v15+s17+$0x0] =	vst.idx.msk vm3, v10;
	v15, _, _ =	vpop (xrf0)  }
0x16d: {  	v10 =	vadd.s32 s2, v4;
	s2 =	spop (v2sf);
	(v2sf) =	vpush v15, $0xF;
	_ =	sdelay $0x4  }
0x16e: {  	p2 =	sne.s32 s0, $0x1  }
.Ltmp17:
0x16f: {  	_ = 	snop;
	(pc) =	sbr.rel @!p2 .LBB2_11-.Ltmp17, $3  }
0x170: {  	_ =	sdelay $0x1  }
0x171: {  	v16 =	vsel vm1, $0xFFFFFFFF, v5;
	vm2 =	vlt.s32 v10, $0x7FFF  }
0x172: {  	s31 =	sadd.s32 $0xFFFFFFFF, s0;
	p1 =	por $0x1, $0x1;
	v14 =	vnsel vm2, $0x7FFF, v10;
	v15 =	vadd.s32 v16, v15;
	s0 =	sadd.s32 s25, s2  }
.LBB2_10:
0x173: {  	p2 =	sne.s32 s31, $0x1;
	s31 =	sadd.s32 $0xFFFFFFFF, s31;
	v15 =	vadd.s32 s0, v15;
	_ =	sdelay $0x3  }
0x174: {  	s2 =	spop (v2sf)  }
0x175: {  	[tilespmem:v15+s16+$0x0] =	vst.idx.msk vm1, v13;
	s0 =	sadd.s32 s0, s2  }
0x176: {  	p3 =	slt.s32 s0, $0x3E0;
	[tilespmem:v15+s17+$0x0] =	vst.idx.msk vm1, v12;
	v12 =	vadd.s32 s30, v4  }
0x177: {  	v13 =	vld.idx.msk [tilespmem:v14+s3+$0x0], $0xffff;
	vm1 =	vlt.s32 v12, $0x7FFF  }
0x178: {  	v15 =	vld.idx.msk [tilespmem:v14+s12+$0x0], $0xffff;
	v16 =	vnsel vm1, $0x7FFF, v12  }
0x179: {  	v14 =	vld.idx.msk [tilespmem:v14+s13+$0x0], $0xffff;
	_ =	sdelay $0x3  }
0x17a: {  	v13 =	vsub.f32 v7, v13;
	v17 =	vld.idx.msk [tilespmem:v16+s3+$0x0], $0xffff  }
0x17b: {  	v15 =	vsub.f32 v8, v15;
	v18 =	vld.idx.msk [tilespmem:v16+s12+$0x0], $0xffff  }
0x17c: {  	v14 =	vsub.f32 v9, v14;
	v13 =	vmul.f32 v13, v13  }
0x17d: {  	v15 =	vmul.f32 v15, v15;
	v16 =	vld.idx.msk [tilespmem:v16+s13+$0x0], $0xffff  }
0x17e: {  	v14 =	vmul.f32 v14, v14  }
0x17f: {  	v13 =	vadd.f32 v15, v13  }
0x180: {  	v15 =	vsub.f32 v7, v17  }
0x181: {  	vm3 =	vmmov vm0;
	v14 =	vadd.f32 v14, v13;
	v13 =	vsub.f32 v8, v18  }
0x182: {  	vm3 =	vmneg @p3 vm3;
	vm1 =	vlt.s32 v10, v11;
	v15 =	vmul.f32 v15, v15  }
0x183: {  	vm2 =	vle.f32 v14, $9.999999770e-03;
	v16 =	vsub.f32 v9, v16;
	v13 =	vmul.f32 v13, v13  }
0x184: {  	vm1 =	vmand vm1, vm2  }
0x185: {  	vm2 =	vmand vm3, vm1;
	v13 =	vadd.f32 v13, v15;
	v15 =	vmul.f32 v16, v16  }
0x186: {  	v16 =	vsel vm2, $0x1, v5  }
0x187: {  	v13 =	vadd.f32 v15, v13;
	(xrf0) =	vadd.scan.msk.s32 $0xffff, v16;
	_ =	sdelay $0x1  }
0x188: {  	vm1 =	vlt.s32 v12, v11;
	vm4 =	vle.f32 v13, $9.999999770e-03  }
0x189: {  	vm1 =	vmand vm1, vm4  }
0x18a: {  	vm1 =	vmand vm3, vm1  }
0x18b: {  	v15 =	vsel vm2, $0xFFFFFFFF, v5;
	v16 =	vsel vm1, $0x1, v5  }
0x18c: {  	v15 =	vadd.s32 s0, v15;
	v17, _, _ =	vpop (xrf0);
	(xrf0) =	vadd.scan.msk.s32 $0xffff, v16  }
0x18d: {  	v15 =	vadd.s32 v17, v15;
	(v2sf) =	vpush v17, $0xF;
	_ =	sdelay $0x4  }
0x18e: {  	[tilespmem:v15+s16+$0x0] =	vst.idx.msk vm2, v14;
	v16, _, _ =	vpop (xrf0)  }
0x18f: {  	[tilespmem:v15+s17+$0x0] =	vst.idx.msk vm2, v10;
	(v2sf) =	vpush v16, $0xF;
	_ =	sdelay $0x3  }
0x190: {  	s30 =	sadd.s32 $0x20, s30  }
0x191: {  	s2 =	sadd.s32 $0xFFFFFFF0, s30  }
.Ltmp18:
0x192: {  	v10 =	vadd.s32 s2, v4;
	(pc) =	sbr.rel @p2 .LBB2_10-.Ltmp18, $4  }
0x193: {  	vm2 =	vlt.s32 v10, $0x7FFF  }
0x194: {  	v15 =	vsel vm1, $0xFFFFFFFF, v5;
	v14 =	vnsel vm2, $0x7FFF, v10  }
0x195: {  	v15 =	vadd.s32 v15, v16;
	s2 =	spop (v2sf)  }
0x196: {  	s0 =	sadd.s32 s0, s2  }
.Ltmp19:
0x197: {  	_ = 	snop;
	(pc) =	sbr.rel .LBB2_11-.Ltmp19, $1  }
0x198: {  	_ =	sdelay $0x3  }
.LBB2_17:
.Ltmp20:
0x199: {  	(pc) =	sbr.rel .LBB2_21-.Ltmp20, $4  }
0x19a: {  	_ = 	snop  }
0x19b: {  	v17 =	vimm.f32 $+Inf;
	v16 =	vimm.s32 $0xFFFFFFFF  }
0x19c: {  	v15 =	vimm.f32 $+Inf;
	v10 =	vimm.s32 $0xFFFFFFFF;
	v14 =	vimm.f32 $+Inf  }
0x19d: {  	s21 =	simm.s32 $0x19600;
	v11 =	vimm.s32 $0xFFFFFFFF;
	v13 =	vimm.f32 $+Inf;
	v12 =	vimm.s32 $0xFFFFFFFF  }
.LBB2_19:
.Ltmp21:
0x19e: {  	(pc) =	sbr.rel .LBB2_21-.Ltmp21, $2  }
0x19f: {  	_ =	sdelay $0x2  }
0x1a0: {  	s21 =	simm.s32 $0x19600;
	v17 =	vimm.f32 $+Inf;
	v16 =	vimm.s32 $0xFFFFFFFF  }
.LBB2_24:
0x1a1: {  	_ =	sfence.sel $0x180000  }
0x1a2: {  	[bflag:$0x0] =	sbarrier.arrive $0xFFFF  }
0x1a3: {  	_ =	strace $0x9000004A  }
0x1a4: {  	s0 =	stileid.u32;
	[bflag:$0x2] =	sbarrier.arrive $0xFFFF  }
0x1a5: {  	p0 =	sne.s32 s0, $0x0;
	s0 =	rddreg [dreg:$0x2]  }
0x1a6: {  	s0 =	sadd.s32 @!p0 $0x100000, s0  }
0x1a7: {  	[sflag:s0] =	ssyncadd.tile.s32 @!p0 $0x1;
	_ =	shalt  }
.Lfunc_end2:
_tile_overlayer_lowered:
.L_overlay_start_2:
0x1a8: {  	(tag) =	ssettag $0x2  }
0x1a9: {  	s0 =	rddreg [dreg:$0x0];
	s2 =	stileid.u32  }
0x1aa: {  	s1 =	rddreg [dreg:$0x1];
	p0 =	sne.s32 s2, $0x0  }
0x1ab: {  	s3 =	rddreg [dreg:$0x2];
	[bflag:$0x3] =	sbarrier.arrive $0xFFFF;
	s2 =	simm.s32 @!p0 $0x1C01  }
0x1ac: {  	[timem:s3], [sflag:s2] =	dma.local @!p0 [hbm:s0], s1  }
0x1ad: {  	s0 =	simm.s32 @!p0 $0x1  }
0x1ae: {  	_ =	swait.ge @!p0 [sflag:s0], s1  }
0x1af: {  	s1 =	ssub.s32 @!p0 $0x0, s1;
	[sflag:s0] =	ssyncset.done @!p0 $0x0  }
0x1b0: {  	[sflag:s0] =	ssyncadd.s32 @!p0 s1  }
0x1b1: {  	[bflag:$0x3] =	sbarrier.arrive $0xFFFF  }
0x1b2: {  	_ =	shalt  }

</sc_bundles>
